<compile_context>
chip_gen: v7x
topology: tpu7x:2x2x1
jax: 0.10.2.dev20260603
libtpu: 0.0.44.dev20260713+nightly
codegen_flags: <defaults>
</compile_context>

<pallas_src>
import jax
import jax.numpy as jnp
from jax import lax
from jax.experimental import pallas as pl
from jax.experimental.pallas import tpu as pltpu
from jax.experimental.pallas import tpu_sc as plsc

_N = 10000
_E = 320000
_D = 128
_EDIM = 16
_H = 8
_HID = 16
_C1 = _H * _HID
_OUT = 64

_NC = 2
_NS = 16
_NW = _NC * _NS
_EPW = _E // _NW
_NP = 10240
_RPS = _NP // _NS
_NPH = _NP // 2
_RPSH = _NPH // _NS
_ND1 = _NP // 8
_RD1 = _ND1 // _NS
_ND2 = _NP // 128

_CH1 = 40
_NCHUNK1 = _EPW // _CH1
_CH2 = 80
_NCHUNK2 = _EPW // _CH2

_NBLK = 25
_BR = _N // _NBLK
_EBLK = 160
_EBR = _E // _EBLK


def _node_mm_body(x_ref, w_ref, b_ref, xl_ref, xr_ref, s_ref):
    h = jnp.dot(x_ref[...], w_ref[...], preferred_element_type=jnp.float32)
    h = h + b_ref[...]
    xl_ref[...] = h[:, :_C1]
    xr_ref[...] = h[:, _C1:2 * _C1]
    s_ref[...] = h[:, 2 * _C1:]


def _node_mm(x, wcat, bcat, dcat):
    return pl.pallas_call(
        _node_mm_body,
        grid=(_NBLK,),
        in_specs=[
            pl.BlockSpec((_BR, _D), lambda i: (i, 0)),
            pl.BlockSpec((_D, 3 * dcat), lambda i: (0, 0)),
            pl.BlockSpec((1, 3 * dcat), lambda i: (0, 0)),
        ],
        out_specs=[
            pl.BlockSpec((_BR, dcat), lambda i: (i, 0)),
            pl.BlockSpec((_BR, dcat), lambda i: (i, 0)),
            pl.BlockSpec((_BR, dcat), lambda i: (i, 0)),
        ],
        out_shape=[jax.ShapeDtypeStruct((_N, dcat), jnp.float32)] * 3,
    )(x, wcat, bcat)


def _edge_mm_body(ea_ref, w1_ref, w2_ref, ee1_ref, ee2_ref, cs_ref):
    i = pl.program_id(0)
    ea = ea_ref[...]
    ee1_ref[...] = jnp.dot(ea, w1_ref[...], preferred_element_type=jnp.float32)
    ee2_ref[...] = jnp.dot(ea, w2_ref[...], preferred_element_type=jnp.float32)

    @pl.when(i == 0)
    def _():
        cs_ref[...] = jnp.zeros_like(cs_ref)

    cs_ref[...] += jnp.sum(ea, axis=0, keepdims=True)


def _edge_mm(ea, we1, we2):
    return pl.pallas_call(
        _edge_mm_body,
        grid=(_EBLK,),
        in_specs=[
            pl.BlockSpec((_EBR, _EDIM), lambda i: (i, 0)),
            pl.BlockSpec((_EDIM, _C1), lambda i: (0, 0)),
            pl.BlockSpec((_EDIM, _OUT), lambda i: (0, 0)),
        ],
        out_specs=[
            pl.BlockSpec((_EBR, _C1), lambda i: (i, 0)),
            pl.BlockSpec((_EBR, _OUT), lambda i: (i, 0)),
            pl.BlockSpec((1, _EDIM), lambda i: (0, 0)),
        ],
        out_shape=[
            jax.ShapeDtypeStruct((_E, _C1), jnp.float32),
            jax.ShapeDtypeStruct((_E, _OUT), jnp.float32),
            jax.ShapeDtypeStruct((1, _EDIM), jnp.float32),
        ],
    )(ea, we1, we2)


def _sc_edge1_body(xl_hbm, xr_hbm, ee_hbm, src_hbm, dst_hbm, att_hbm,
                   num_hbm, den_hbm, accum, dacc, src_a, dst_a, dstq_a,
                   src_b, dst_b, dstq_b, xl_a, xr_a, xl_b, xr_b, eeb,
                   cbn, cbd, attb, sxla, sxra, sxlb, sxrb, see, ssn, ssd):
    c = lax.axis_index("c")
    s = lax.axis_index("s")
    wid = s * _NC + c
    zv = jnp.zeros((16,), jnp.float32)

    def zrow_body(r, carry0):
        for q in range(_C1 // 16):
            cbn[r, pl.ds(q * 16, 16)] = zv
            cbd[r, pl.ds(q * 16, 16)] = zv
        return carry0

    lax.fori_loop(0, _CH1, zrow_body, 0, unroll=False)

    def zcp_body(j, carry0):
        pltpu.sync_copy(cbn, accum.at[pl.ds(s * _RPS + j * _CH1, _CH1)])
        return carry0

    lax.fori_loop(0, _RPS // _CH1, zcp_body, 0, unroll=False)

    def zcd_body(j, carry0):
        pltpu.sync_copy(cbd, dacc.at[pl.ds(s * _RD1 + j * _CH1, _CH1)])
        return carry0

    lax.fori_loop(0, _RD1 // _CH1, zcd_body, 0, unroll=False)
    pltpu.sync_copy(att_hbm, attb)
    plsc.subcore_barrier()

    attv = [attb[hh, :] for hh in range(_H)]
    ohv = [attb[_H + hh, :] for hh in range(_H)]

    def issue(k, src_x, dst_x, xl_x, xr_x, sxl, sxr):
        base = wid * _EPW + k * _CH1
        pltpu.sync_copy(src_hbm.at[pl.ds(base, _CH1)], src_x)
        pltpu.sync_copy(dst_hbm.at[pl.ds(base, _CH1)], dst_x)
        pltpu.async_copy(xl_hbm.at[src_x], xl_x, sxl)
        pltpu.async_copy(xr_hbm.at[dst_x], xr_x, sxr)

    def compute(xl_x, xr_x, dst_x, dstq_x):
        for st in (0, 16, _CH1 - 16):
            w = dst_x[pl.ds(st, 16)]
            dstq_x[pl.ds(st, 16)] = w >> 3

        def edge_body(e, carry2):
            denv = zv
            for hh in range(_H):
                sl = pl.ds(hh * 16, 16)
                xlv = xl_x[e, sl]
                v = xlv + xr_x[e, sl] + eeb[e, sl]
                v = jnp.where(v >= 0.0, v, v * 0.2)
                a = jnp.sum(v * attv[hh])
                pv = jnp.exp(jnp.broadcast_to(a, (16,)))
                cbn[e, sl] = xlv * pv
                denv = denv + pv * ohv[hh]
            dv = plsc.load_gather(dst_x, [jnp.broadcast_to(e, (16,))])
            b0 = dv & 7
            for b in range(8):
                mb = b0 == b
                cbd[e, pl.ds(b * 16, 16)] = jnp.where(mb, denv, zv)
            return carry2

        lax.fori_loop(0, _CH1, edge_body, 0, unroll=False)

    issue(0, src_a, dst_a, xl_a, xr_a, sxla, sxra)

    def outer(K, carry):
        k0 = 2 * K

        @pl.when(K > 0)
        def _():
            pltpu.make_async_copy(cbn, accum.at[dst_b], ssn).wait()
            pltpu.make_async_copy(cbd, dacc.at[dstq_b], ssd).wait()

        issue(k0 + 1, src_b, dst_b, xl_b, xr_b, sxlb, sxrb)
        ce = pltpu.async_copy(
            ee_hbm.at[pl.ds(wid * _EPW + k0 * _CH1, _CH1)], eeb, see)
        pltpu.make_async_copy(xl_hbm.at[src_a], xl_a, sxla).wait()
        pltpu.make_async_copy(xr_hbm.at[dst_a], xr_a, sxra).wait()
        ce.wait()
        compute(xl_a, xr_a, dst_a, dstq_a)
        pltpu.async_copy(cbn, accum.at[dst_a], ssn, add=True)
        pltpu.async_copy(cbd, dacc.at[dstq_a], ssd, add=True)

        ce2 = pltpu.async_copy(
            ee_hbm.at[pl.ds(wid * _EPW + (k0 + 1) * _CH1, _CH1)], eeb, see)
        pltpu.make_async_copy(xl_hbm.at[src_b], xl_b, sxlb).wait()
        pltpu.make_async_copy(xr_hbm.at[dst_b], xr_b, sxrb).wait()
        ce2.wait()
        pltpu.make_async_copy(cbn, accum.at[dst_a], ssn).wait()
        pltpu.make_async_copy(cbd, dacc.at[dstq_a], ssd).wait()

        @pl.when(k0 + 2 < _NCHUNK1)
        def _():
            issue(k0 + 2, src_a, dst_a, xl_a, xr_a, sxla, sxra)

        compute(xl_b, xr_b, dst_b, dstq_b)
        pltpu.async_copy(cbn, accum.at[dst_b], ssn, add=True)
        pltpu.async_copy(cbd, dacc.at[dstq_b], ssd, add=True)
        return carry

    lax.fori_loop(0, _NCHUNK1 // 2, outer, 0, unroll=False)
    pltpu.make_async_copy(cbn, accum.at[dst_b], ssn).wait()
    pltpu.make_async_copy(cbd, dacc.at[dstq_b], ssd).wait()
    plsc.subcore_barrier()

    def wb_body(j, carry0):
        pltpu.sync_copy(accum.at[pl.ds(s * _RPS + j * _CH1, _CH1)], cbn)
        pltpu.sync_copy(cbn, num_hbm.at[pl.ds(c * _NP + s * _RPS + j * _CH1, _CH1)])
        return carry0

    lax.fori_loop(0, _RPS // _CH1, wb_body, 0, unroll=False)

    def wd_body(j, carry0):
        pltpu.sync_copy(dacc.at[pl.ds(s * _RD1 + j * _CH1, _CH1)], cbd)
        pltpu.sync_copy(cbd, den_hbm.at[pl.ds(c * _ND1 + s * _RD1 + j * _CH1, _CH1)])
        return carry0

    lax.fori_loop(0, _RD1 // _CH1, wd_body, 0, unroll=False)


def _sc_edge1(xl, xr, ee, src, dst, att):
    kfn = pl.kernel(
        _sc_edge1_body,
        out_type=[
            jax.ShapeDtypeStruct((_NC * _NP, _C1), jnp.float32),
            jax.ShapeDtypeStruct((_NC * _ND1, _C1), jnp.float32),
        ],
        mesh=plsc.VectorSubcoreMesh(core_axis_name="c", subcore_axis_name="s"),
        compiler_params=pltpu.CompilerParams(needs_layout_passes=False),
        scratch_types=[
            pltpu.VMEM_SHARED((_NP, _C1), jnp.float32),
            pltpu.VMEM_SHARED((_ND1, _C1), jnp.float32),
            pltpu.VMEM((_CH1,), jnp.int32),
            pltpu.VMEM((_CH1,), jnp.int32),
            pltpu.VMEM((_CH1,), jnp.int32),
            pltpu.VMEM((_CH1,), jnp.int32),
            pltpu.VMEM((_CH1,), jnp.int32),
            pltpu.VMEM((_CH1,), jnp.int32),
            pltpu.VMEM((_CH1, _C1), jnp.float32),
            pltpu.VMEM((_CH1, _C1), jnp.float32),
            pltpu.VMEM((_CH1, _C1), jnp.float32),
            pltpu.VMEM((_CH1, _C1), jnp.float32),
            pltpu.VMEM((_CH1, _C1), jnp.float32),
            pltpu.VMEM((_CH1, _C1), jnp.float32),
            pltpu.VMEM((_CH1, _C1), jnp.float32),
            pltpu.VMEM((16, 16), jnp.float32),
            pltpu.SemaphoreType.DMA,
            pltpu.SemaphoreType.DMA,
            pltpu.SemaphoreType.DMA,
            pltpu.SemaphoreType.DMA,
            pltpu.SemaphoreType.DMA,
            pltpu.SemaphoreType.DMA,
            pltpu.SemaphoreType.DMA,
        ],
    )
    return kfn(xl, xr, ee, src, dst, att)


def _sc_edge2_body(xl_hbm, xr_hbm, ee_hbm, src_hbm, dst_hbm, att_hbm,
                   num_hbm, den_hbm, accum, dacc, src_a, dst_a, dsth_a, dstq_a,
                   src_b, dst_b, dsth_b, dstq_b, xl_a, xr_a, xl_b, xr_b, eeb,
                   cbn, cbd, attb, sxla, sxra, sxlb, sxrb, see, ssn, ssd):
    c = lax.axis_index("c")
    s = lax.axis_index("s")
    wid = s * _NC + c
    zv = jnp.zeros((16,), jnp.float32)

    def zrow_body(r, carry0):
        for q in range(_C1 // 16):
            cbn[r, pl.ds(q * 16, 16)] = zv
            cbd[r, pl.ds(q * 16, 16)] = zv
        return carry0

    lax.fori_loop(0, _CH2, zrow_body, 0, unroll=False)

    def zcp_body(j, carry0):
        pltpu.sync_copy(cbn, accum.at[pl.ds(s * _RPSH + j * _CH2, _CH2)])
        return carry0

    lax.fori_loop(0, _RPSH // _CH2, zcp_body, 0, unroll=False)

    @pl.when(s == 0)
    def _():
        pltpu.sync_copy(cbd.at[pl.ds(0, _ND2)], dacc)

    pltpu.sync_copy(att_hbm, attb)
    plsc.subcore_barrier()

    attv = [attb[q, :] for q in range(4)]

    def issue(k, src_x, dst_x, xl_x, xr_x, sxl, sxr):
        base = wid * _EPW + k * _CH2
        pltpu.sync_copy(src_hbm.at[pl.ds(base, _CH2)], src_x)
        pltpu.sync_copy(dst_hbm.at[pl.ds(base, _CH2)], dst_x)
        pltpu.async_copy(xl_hbm.at[src_x], xl_x, sxl)
        pltpu.async_copy(xr_hbm.at[dst_x], xr_x, sxr)

    def compute(xl_x, xr_x, dst_x, dsth_x, dstq_x):
        def q_body(i, carry1):
            w = dst_x[pl.ds(i * 16, 16)]
            dsth_x[pl.ds(i * 16, 16)] = w >> 1
            dstq_x[pl.ds(i * 16, 16)] = w >> 7
            return carry1

        lax.fori_loop(0, _CH2 // 16, q_body, 0, unroll=False)

        def edge_body(e, carry2):
            a = jnp.float32(0.0)
            for q in range(4):
                sl = pl.ds(q * 16, 16)
                sr = pl.ds(_OUT + q * 16, 16)
                v = xl_x[e, sl] + xr_x[e, sr] + eeb[e, sl]
                v = jnp.where(v >= 0.0, v, v * 0.2)
                a = a + jnp.sum(v * attv[q])
            pv = jnp.exp(jnp.broadcast_to(a, (16,)))
            dv = plsc.load_gather(dst_x, [jnp.broadcast_to(e, (16,))])
            hmask = (dv & 1) == 1
            for q in range(4):
                sl = pl.ds(q * 16, 16)
                sr = pl.ds(_OUT + q * 16, 16)
                val = xl_x[e, sl] * pv
                cbn[e, sl] = jnp.where(hmask, zv, val)
                cbn[e, sr] = jnp.where(hmask, val, zv)
            lanes = lax.iota(jnp.int32, 16)
            c0 = dv & 127
            for q in range(8):
                mq = lanes == (c0 - q * 16)
                cbd[e, pl.ds(q * 16, 16)] = jnp.where(mq, pv, zv)
            return carry2

        lax.fori_loop(0, _CH2, edge_body, 0, unroll=False)

    issue(0, src_a, dst_a, xl_a, xr_a, sxla, sxra)

    def outer(K, carry):
        k0 = 2 * K

        @pl.when(K > 0)
        def _():
            pltpu.make_async_copy(cbn, accum.at[dsth_b], ssn).wait()
            pltpu.make_async_copy(cbd, dacc.at[dstq_b], ssd).wait()

        issue(k0 + 1, src_b, dst_b, xl_b, xr_b, sxlb, sxrb)
        ce = pltpu.async_copy(
            ee_hbm.at[pl.ds(wid * _EPW + k0 * _CH2, _CH2)], eeb, see)
        pltpu.make_async_copy(xl_hbm.at[src_a], xl_a, sxla).wait()
        pltpu.make_async_copy(xr_hbm.at[dst_a], xr_a, sxra).wait()
        ce.wait()
        compute(xl_a, xr_a, dst_a, dsth_a, dstq_a)
        pltpu.async_copy(cbn, accum.at[dsth_a], ssn, add=True)
        pltpu.async_copy(cbd, dacc.at[dstq_a], ssd, add=True)

        ce2 = pltpu.async_copy(
            ee_hbm.at[pl.ds(wid * _EPW + (k0 + 1) * _CH2, _CH2)], eeb, see)
        pltpu.make_async_copy(xl_hbm.at[src_b], xl_b, sxlb).wait()
        pltpu.make_async_copy(xr_hbm.at[dst_b], xr_b, sxrb).wait()
        ce2.wait()
        pltpu.make_async_copy(cbn, accum.at[dsth_a], ssn).wait()
        pltpu.make_async_copy(cbd, dacc.at[dstq_a], ssd).wait()

        @pl.when(k0 + 2 < _NCHUNK2)
        def _():
            issue(k0 + 2, src_a, dst_a, xl_a, xr_a, sxla, sxra)

        compute(xl_b, xr_b, dst_b, dsth_b, dstq_b)
        pltpu.async_copy(cbn, accum.at[dsth_b], ssn, add=True)
        pltpu.async_copy(cbd, dacc.at[dstq_b], ssd, add=True)
        return carry

    lax.fori_loop(0, _NCHUNK2 // 2, outer, 0, unroll=False)
    pltpu.make_async_copy(cbn, accum.at[dsth_b], ssn).wait()
    pltpu.make_async_copy(cbd, dacc.at[dstq_b], ssd).wait()
    ce3 = pltpu.async_copy(
        ee_hbm.at[pl.ds(wid * _EPW + (_NCHUNK2 - 1) * _CH2, _CH2)], eeb, see)
    pltpu.make_async_copy(xl_hbm.at[src_a], xl_a, sxla).wait()
    pltpu.make_async_copy(xr_hbm.at[dst_a], xr_a, sxra).wait()
    ce3.wait()
    compute(xl_a, xr_a, dst_a, dsth_a, dstq_a)
    pltpu.sync_copy(cbn, accum.at[dsth_a], add=True)
    pltpu.sync_copy(cbd, dacc.at[dstq_a], add=True)
    plsc.subcore_barrier()

    def wb_body(j, carry0):
        pltpu.sync_copy(accum.at[pl.ds(s * _RPSH + j * _CH2, _CH2)], cbn)
        pltpu.sync_copy(cbn, num_hbm.at[pl.ds(c * _NPH + s * _RPSH + j * _CH2, _CH2)])
        return carry0

    lax.fori_loop(0, _RPSH // _CH2, wb_body, 0, unroll=False)

    @pl.when(s == 0)
    def _():
        pltpu.sync_copy(dacc, cbd.at[pl.ds(0, _ND2)])
        pltpu.sync_copy(cbd.at[pl.ds(0, _ND2)], den_hbm.at[pl.ds(c * _ND2, _ND2)])


def _sc_edge2(xl, xr, ee, src, dst, att):
    kfn = pl.kernel(
        _sc_edge2_body,
        out_type=[
            jax.ShapeDtypeStruct((_NC * _NPH, _C1), jnp.float32),
            jax.ShapeDtypeStruct((_NC * _ND2, _C1), jnp.float32),
        ],
        mesh=plsc.VectorSubcoreMesh(core_axis_name="c", subcore_axis_name="s"),
        compiler_params=pltpu.CompilerParams(needs_layout_passes=False),
        scratch_types=[
            pltpu.VMEM_SHARED((_NPH, _C1), jnp.float32),
            pltpu.VMEM_SHARED((_ND2, _C1), jnp.float32),
            pltpu.VMEM((_CH2,), jnp.int32),
            pltpu.VMEM((_CH2,), jnp.int32),
            pltpu.VMEM((_CH2,), jnp.int32),
            pltpu.VMEM((_CH2,), jnp.int32),
            pltpu.VMEM((_CH2,), jnp.int32),
            pltpu.VMEM((_CH2,), jnp.int32),
            pltpu.VMEM((_CH2,), jnp.int32),
            pltpu.VMEM((_CH2,), jnp.int32),
            pltpu.VMEM((_CH2, _C1), jnp.float32),
            pltpu.VMEM((_CH2, _C1), jnp.float32),
            pltpu.VMEM((_CH2, _C1), jnp.float32),
            pltpu.VMEM((_CH2, _C1), jnp.float32),
            pltpu.VMEM((_CH2, _OUT), jnp.float32),
            pltpu.VMEM((_CH2, _C1), jnp.float32),
            pltpu.VMEM((_CH2, _C1), jnp.float32),
            pltpu.VMEM((8, 16), jnp.float32),
            pltpu.SemaphoreType.DMA,
            pltpu.SemaphoreType.DMA,
            pltpu.SemaphoreType.DMA,
            pltpu.SemaphoreType.DMA,
            pltpu.SemaphoreType.DMA,
            pltpu.SemaphoreType.DMA,
            pltpu.SemaphoreType.DMA,
        ],
    )
    return kfn(xl, xr, ee, src, dst, att)


def _combine1_body(p0_ref, p1_ref, dn_ref, xl_ref, xr_ref, s1_ref, cs_ref,
                   we1_ref, a1_ref, r_ref, b1_ref, lng_ref, lnb_ref, w2_ref,
                   b2_ref, out_ref):
    num = p0_ref[...] + p1_ref[...]
    den = jnp.sum(dn_ref[...], axis=0)
    xl = xl_ref[...]
    eefill = jnp.dot(cs_ref[...], we1_ref[...],
                     preferred_element_type=jnp.float32) * (1.0 / _E)
    v = xl + xr_ref[...] + eefill
    v = jnp.where(v >= 0.0, v, v * 0.2)
    alpha = jnp.dot(v, a1_ref[...], preferred_element_type=jnp.float32)
    pve = jnp.exp(alpha)
    num = num + xl * jnp.dot(pve, r_ref[...], preferred_element_type=jnp.float32)
    den = den + pve
    inv = 1.0 / (den + 1e-16)
    o = num * jnp.dot(inv, r_ref[...], preferred_element_type=jnp.float32)
    o = o + b1_ref[...] + s1_ref[...]
    mu = jnp.mean(o, axis=1, keepdims=True)
    var = jnp.mean((o - mu) ** 2, axis=1, keepdims=True)
    o = (o - mu) * lax.rsqrt(var + 1e-5) * lng_ref[...] + lnb_ref[...]
    h = jnp.where(o > 0.0, o, jnp.exp(jnp.minimum(o, 0.0)) - 1.0)
    out_ref[...] = jnp.dot(h, w2_ref[...],
                           preferred_element_type=jnp.float32) + b2_ref[...]


def _combine1(p0, p1, dn, xl, xr, s1, cs, we1, a1, r, b1, lng, lnb,
              wcat2, bcat2):
    f = pl.pallas_call(
        _combine1_body,
        grid=(_NBLK,),
        in_specs=[
            pl.BlockSpec((_BR, _C1), lambda i: (i, 0)),
            pl.BlockSpec((_BR, _C1), lambda i: (i, 0)),
            pl.BlockSpec((_NC, _BR, _H), lambda i: (0, i, 0)),
            pl.BlockSpec((_BR, _C1), lambda i: (i, 0)),
            pl.BlockSpec((_BR, _C1), lambda i: (i, 0)),
            pl.BlockSpec((_BR, _C1), lambda i: (i, 0)),
            pl.BlockSpec((1, _EDIM), lambda i: (0, 0)),
            pl.BlockSpec((_EDIM, _C1), lambda i: (0, 0)),
            pl.BlockSpec((_C1, _H), lambda i: (0, 0)),
            pl.BlockSpec((_H, _C1), lambda i: (0, 0)),
            pl.BlockSpec((1, _C1), lambda i: (0, 0)),
            pl.BlockSpec((1, _C1), lambda i: (0, 0)),
            pl.BlockSpec((1, _C1), lambda i: (0, 0)),
            pl.BlockSpec((_C1, 3 * _OUT), lambda i: (0, 0)),
            pl.BlockSpec((1, 3 * _OUT), lambda i: (0, 0)),
        ],
        out_specs=pl.BlockSpec((_BR, 3 * _OUT), lambda i: (i, 0)),
        out_shape=jax.ShapeDtypeStruct((_N, 3 * _OUT), jnp.float32),
    )
    return f(p0, p1, dn, xl, xr, s1, cs, we1, a1, r, b1, lng, lnb, wcat2, bcat2)


def _combine2_body(q0_ref, q1_ref, dn_ref, c2_ref, cs_ref, we2_ref, a2_ref,
                   b2_ref, out_ref):
    num = q0_ref[...] + q1_ref[...]
    den = jnp.sum(dn_ref[...], axis=0)
    xl = c2_ref[:, :_OUT]
    xr = c2_ref[:, _OUT:2 * _OUT]
    s2 = c2_ref[:, 2 * _OUT:]
    eefill = jnp.dot(cs_ref[...], we2_ref[...],
                     preferred_element_type=jnp.float32) * (1.0 / _E)
    v = xl + xr + eefill
    v = jnp.where(v >= 0.0, v, v * 0.2)
    alpha = jnp.dot(v, a2_ref[...], preferred_element_type=jnp.float32)
    p = jnp.exp(alpha)
    num = num + xl * p
    den = den + p
    out_ref[...] = num / (den + 1e-16) + b2_ref[...] + s2


def _combine2(q0, q1, dn, c2, cs, we2, a2t, b2):
    f = pl.pallas_call(
        _combine2_body,
        grid=(_NBLK,),
        in_specs=[
            pl.BlockSpec((_BR, _OUT), lambda i: (i, 0)),
            pl.BlockSpec((_BR, _OUT), lambda i: (i, 0)),
            pl.BlockSpec((_NC, _BR, 1), lambda i: (0, i, 0)),
            pl.BlockSpec((_BR, 3 * _OUT), lambda i: (i, 0)),
            pl.BlockSpec((1, _EDIM), lambda i: (0, 0)),
            pl.BlockSpec((_EDIM, _OUT), lambda i: (0, 0)),
            pl.BlockSpec((_OUT, 1), lambda i: (0, 0)),
            pl.BlockSpec((1, _OUT), lambda i: (0, 0)),
        ],
        out_specs=pl.BlockSpec((_BR, _OUT), lambda i: (i, 0)),
        out_shape=jax.ShapeDtypeStruct((_N, _OUT), jnp.float32),
    )
    return f(q0, q1, dn, c2, cs, we2, a2t, b2)


def kernel(x, edge_index, edge_attr, Wl1, Wr1, att1, We1, b1, Ws1, bs1,
           ln_g, ln_b, Wl2, Wr2, att2, We2, b2, Ws2, bs2):
    src = edge_index[0]
    dst = edge_index[1]

    wcat1 = jnp.concatenate([Wl1, Wr1, Ws1], axis=1)
    bcat1 = jnp.concatenate(
        [jnp.zeros((2 * _C1,), jnp.float32), bs1])[None, :]
    xl1, xr1, s1 = _node_mm(x, wcat1, bcat1, _C1)

    ee1, ee2, colsum = _edge_mm(edge_attr, We1, We2)

    attoh1 = jnp.concatenate([att1, jnp.eye(_H, 16, dtype=jnp.float32)], axis=0)
    num1, den1 = _sc_edge1(xl1, xr1, ee1, src, dst, attoh1)

    a1 = (att1[:, :, None] * jnp.eye(_H, dtype=jnp.float32)[:, None, :])
    a1 = a1.reshape(_C1, _H)
    r = jnp.repeat(jnp.eye(_H, dtype=jnp.float32), _HID, axis=1).reshape(_H, _C1)
    wcat2 = jnp.concatenate([Wl2, Wr2, Ws2], axis=1)
    bcat2 = jnp.concatenate(
        [jnp.zeros((2 * _OUT,), jnp.float32), bs2])[None, :]
    dn1 = den1.reshape(_NC, _NP, 16)[:, :_N, :_H]
    c2 = _combine1(num1[:_N], num1[_NP:_NP + _N], dn1,
                   xl1, xr1, s1, colsum, We1, a1, r,
                   b1[None, :], ln_g[None, :], ln_b[None, :], wcat2, bcat2)

    xx2 = c2[:, :2 * _OUT]
    attoh2 = jnp.concatenate(
        [att2.reshape(4, 16), jnp.eye(4, 16, dtype=jnp.float32)], axis=0)
    num2, den2 = _sc_edge2(xx2, xx2, ee2, src, dst, attoh2)

    num2r = num2.reshape(_NC * _NP, _OUT)
    dn2 = den2.reshape(_NC, _NP)[:, :_N, None]
    out = _combine2(num2r[:_N], num2r[_NP:_NP + _N], dn2,
                    c2, colsum, We2,
                    att2.reshape(_OUT, 1), b2[None, :])
    return out

# --- scband reference (transcript-rebuilt; emitter-appended) ---
"""Pipeline reference for scband-gat-16844861735392 (READ-ONLY COPY).

The authoritative reference and input builder live on the scoring server;
editing this copy changes nothing except your own understanding.
"""

import jax, jax.numpy as jnp
import numpy as np

N = 10000
E = 320000
D = 128
EDIM = 16
HEADS = 8
HID = 16
OUT = 64

def setup_inputs(seed: int = 0):
    key = jax.random.key(seed)
    ks = jax.random.split(key, 20)
    s = 0.05
    inp = {}
    inp["x"] = jax.random.normal(ks[0], (N, D), dtype=jnp.float32)
    inp["edge_index"] = jax.random.randint(ks[1], (2, E), 0, N, dtype=jnp.int32)
    inp["edge_attr"] = jax.random.normal(ks[2], (E, EDIM), dtype=jnp.float32)
    inp["Wl1"] = jax.random.normal(ks[3], (D, HEADS * HID), dtype=jnp.float32) * s
    inp["Wr1"] = jax.random.normal(ks[4], (D, HEADS * HID), dtype=jnp.float32) * s
    inp["att1"] = jax.random.normal(ks[5], (HEADS, HID), dtype=jnp.float32) * s
    inp["We1"] = jax.random.normal(ks[6], (EDIM, HEADS * HID), dtype=jnp.float32) * s
    inp["b1"] = jnp.zeros((HEADS * HID,), dtype=jnp.float32)
    inp["Ws1"] = jax.random.normal(ks[7], (D, HEADS * HID), dtype=jnp.float32) * s
    inp["bs1"] = jnp.zeros((HEADS * HID,), dtype=jnp.float32)
    inp["ln_g"] = jnp.ones((HEADS * HID,), dtype=jnp.float32)
    inp["ln_b"] = jnp.zeros((HEADS * HID,), dtype=jnp.float32)
    inp["Wl2"] = jax.random.normal(ks[8], (HEADS * HID, OUT), dtype=jnp.float32) * s
    inp["Wr2"] = jax.random.normal(ks[9], (HEADS * HID, OUT), dtype=jnp.float32) * s
    inp["att2"] = jax.random.normal(ks[10], (1, OUT), dtype=jnp.float32) * s
    inp["We2"] = jax.random.normal(ks[11], (EDIM, OUT), dtype=jnp.float32) * s
    inp["b2"] = jnp.zeros((OUT,), dtype=jnp.float32)
    inp["Ws2"] = jax.random.normal(ks[12], (HEADS * HID, OUT), dtype=jnp.float32) * s
    inp["bs2"] = jnp.zeros((OUT,), dtype=jnp.float32)
    return inp

def _segment_softmax(scores, seg, num_segments):
    m = jax.ops.segment_max(scores, seg, num_segments=num_segments)
    m = jnp.where(jnp.isfinite(m), m, 0.0)
    ex = jnp.exp(scores - m[seg])
    den = jax.ops.segment_sum(ex, seg, num_segments=num_segments)
    return ex / (den[seg] + 1e-16)

def _gatv2(x, src, dst, ea, Wl, Wr, att, We, b, heads, ch, concat):
    n = x.shape[0]
    xl = (x @ Wl).reshape(n, heads, ch)
    xr = (x @ Wr).reshape(n, heads, ch)
    ee = (ea @ We).reshape(-1, heads, ch)
    h = xl[src] + xr[dst] + ee
    h = jax.nn.leaky_relu(h, 0.2)
    alpha = jnp.sum(h * att[None, :, :], axis=-1)
    alpha = _segment_softmax(alpha, dst, n)
    out = jax.ops.segment_sum(xl[src] * alpha[:, :, None], dst, num_segments=n)
    if concat:
        out = out.reshape(n, heads * ch)
    else:
        out = jnp.mean(out, axis=1)
    return out + b

def _layer_norm(x, g, b):
    mu = jnp.mean(x, axis=-1, keepdims=True)
    var = jnp.var(x, axis=-1, keepdims=True)
    return (x - mu) / jnp.sqrt(var + 1e-5) * g + b

def reference(x, edge_index, edge_attr, Wl1, Wr1, att1, We1, b1, Ws1, bs1, ln_g, ln_b, Wl2, Wr2, att2, We2, b2, Ws2, bs2):
    n = x.shape[0]
    loop = jnp.arange(n, dtype=edge_index.dtype)
    src = jnp.concatenate([edge_index[0], loop])
    dst = jnp.concatenate([edge_index[1], loop])
    fill = jnp.mean(edge_attr, axis=0, keepdims=True)
    ea = jnp.concatenate([edge_attr, jnp.tile(fill, (n, 1))], axis=0)
    h = _gatv2(x, src, dst, ea, Wl1, Wr1, att1, We1, b1, HEADS, HID, True) + (x @ Ws1 + bs1)
    h = _layer_norm(h, ln_g, ln_b)
    h = jax.nn.elu(h)
    out = _gatv2(h, src, dst, ea, Wl2, Wr2, att2, We2, b2, 1, OUT, False) + (h @ Ws2 + bs2)
    return out

if __name__ == "__main__":
    import jax
    _d = setup_inputs()
    print(jax.jit(kernel)(*tuple(_d.values())))

</pallas_src>

<mosaic_0001>
#map = affine_map<(d0, d1) -> (0, 0)>
#map1 = affine_map<(d0, d1) -> (0)>
module attributes {stable_mosaic.version = 14 : i64} {
  func.func @_sc_edge2_body(%arg0: i32, %arg1: i32, %arg2: memref<10000x128xf32, #tpu.memory_space<hbm>>, %arg3: memref<10000x128xf32, #tpu.memory_space<hbm>>, %arg4: memref<320000x64xf32, #tpu.memory_space<hbm>>, %arg5: memref<320000xi32, #tpu.memory_space<hbm>>, %arg6: memref<320000xi32, #tpu.memory_space<hbm>>, %arg7: memref<8x16xf32, #tpu.memory_space<hbm>>, %arg8: memref<10240x128xf32, #tpu.memory_space<hbm>>, %arg9: memref<160x128xf32, #tpu.memory_space<hbm>>, %arg10: memref<5120x128xf32, #tpu.memory_space<vmem_shared>>, %arg11: memref<80x128xf32, #tpu.memory_space<vmem_shared>>, %arg12: memref<80xi32, #tpu.memory_space<vmem>>, %arg13: memref<80xi32, #tpu.memory_space<vmem>>, %arg14: memref<80xi32, #tpu.memory_space<vmem>>, %arg15: memref<80xi32, #tpu.memory_space<vmem>>, %arg16: memref<80xi32, #tpu.memory_space<vmem>>, %arg17: memref<80xi32, #tpu.memory_space<vmem>>, %arg18: memref<80xi32, #tpu.memory_space<vmem>>, %arg19: memref<80xi32, #tpu.memory_space<vmem>>, %arg20: memref<80x128xf32, #tpu.memory_space<vmem>>, %arg21: memref<80x128xf32, #tpu.memory_space<vmem>>, %arg22: memref<80x128xf32, #tpu.memory_space<vmem>>, %arg23: memref<80x128xf32, #tpu.memory_space<vmem>>, %arg24: memref<80x64xf32, #tpu.memory_space<vmem>>, %arg25: memref<80x128xf32, #tpu.memory_space<vmem>>, %arg26: memref<80x128xf32, #tpu.memory_space<vmem>>, %arg27: memref<8x16xf32, #tpu.memory_space<vmem>>, %arg28: memref<!tpu.dma_semaphore, #tpu.memory_space<semaphore_mem>>, %arg29: memref<!tpu.dma_semaphore, #tpu.memory_space<semaphore_mem>>, %arg30: memref<!tpu.dma_semaphore, #tpu.memory_space<semaphore_mem>>, %arg31: memref<!tpu.dma_semaphore, #tpu.memory_space<semaphore_mem>>, %arg32: memref<!tpu.dma_semaphore, #tpu.memory_space<semaphore_mem>>, %arg33: memref<!tpu.dma_semaphore, #tpu.memory_space<semaphore_mem>>, %arg34: memref<!tpu.dma_semaphore, #tpu.memory_space<semaphore_mem>>) attributes {dimension_semantics = [#tpu.dimension_semantics<core_parallel>, #tpu.dimension_semantics<subcore_parallel>], iteration_bounds = array<i64: 2, 16>, scalar_prefetch = 0 : i64, scratch_operands = 25 : i64, tpu.core_type = #tpu.core_type<sc_vector_subcore>, window_params = [{transform_indices = #map}, {transform_indices = #map}, {transform_indices = #map}, {transform_indices = #map1}, {transform_indices = #map1}, {transform_indices = #map}, {transform_indices = #map}, {transform_indices = #map}]} {
    %mul3A = arith.constant 2 : i32
    %mul3A_0 = arith.muli %arg1, %mul3A : i32
    %add3A = arith.addi %mul3A_0, %arg0 : i32
    %broadcast_in_dim3A = arith.constant 0.000000e+00 : f32
    %broadcast_in_dim3A_1 = vector.broadcast %broadcast_in_dim3A : f32 to vector<16xf32>
    %scan3A = arith.constant 0 : i32
    %scan3A_2 = arith.constant 0 : i32
    %scan3A_3 = arith.constant 80 : i32
    %scan3A_4 = arith.addi %scan3A_2, %scan3A_3 : i32
    %scan3A_5 = arith.constant 1 : i32
    scf.for %scan3A_92 = %scan3A_2 to %scan3A_4 step %scan3A_5  : i32 {
      %swap3A = arith.index_cast %scan3A_92 : i32 to index
      %swap3A_93 = arith.constant 0 : index
      %swap3A_94 = tpu.vector_load %arg25[%swap3A, %swap3A_93] {strides = array<i32>} : memref<80x128xf32, #tpu.memory_space<vmem>>, vector<16xf32>,
      tpu.vector_store %arg25[%swap3A, %swap3A_93], %broadcast_in_dim3A_1 {strides = array<i32>} : memref<80x128xf32, #tpu.memory_space<vmem>>, vector<16xf32>,
      %swap3A_95 = arith.index_cast %scan3A_92 : i32 to index
      %swap3A_96 = arith.constant 0 : index
      %swap3A_97 = tpu.vector_load %arg26[%swap3A_95, %swap3A_96] {strides = array<i32>} : memref<80x128xf32, #tpu.memory_space<vmem>>, vector<16xf32>,
      tpu.vector_store %arg26[%swap3A_95, %swap3A_96], %broadcast_in_dim3A_1 {strides = array<i32>} : memref<80x128xf32, #tpu.memory_space<vmem>>, vector<16xf32>,
      %swap3A_98 = arith.index_cast %scan3A_92 : i32 to index
      %swap3A_99 = arith.constant 16 : index
      %swap3A_100 = tpu.vector_load %arg25[%swap3A_98, %swap3A_99] {strides = array<i32>} : memref<80x128xf32, #tpu.memory_space<vmem>>, vector<16xf32>,
      tpu.vector_store %arg25[%swap3A_98, %swap3A_99], %broadcast_in_dim3A_1 {strides = array<i32>} : memref<80x128xf32, #tpu.memory_space<vmem>>, vector<16xf32>,
      %swap3A_101 = arith.index_cast %scan3A_92 : i32 to index
      %swap3A_102 = arith.constant 16 : index
      %swap3A_103 = tpu.vector_load %arg26[%swap3A_101, %swap3A_102] {strides = array<i32>} : memref<80x128xf32, #tpu.memory_space<vmem>>, vector<16xf32>,
      tpu.vector_store %arg26[%swap3A_101, %swap3A_102], %broadcast_in_dim3A_1 {strides = array<i32>} : memref<80x128xf32, #tpu.memory_space<vmem>>, vector<16xf32>,
      %swap3A_104 = arith.index_cast %scan3A_92 : i32 to index
      %swap3A_105 = arith.constant 32 : index
      %swap3A_106 = tpu.vector_load %arg25[%swap3A_104, %swap3A_105] {strides = array<i32>} : memref<80x128xf32, #tpu.memory_space<vmem>>, vector<16xf32>,
      tpu.vector_store %arg25[%swap3A_104, %swap3A_105], %broadcast_in_dim3A_1 {strides = array<i32>} : memref<80x128xf32, #tpu.memory_space<vmem>>, vector<16xf32>,
      %swap3A_107 = arith.index_cast %scan3A_92 : i32 to index
      %swap3A_108 = arith.constant 32 : index
      %swap3A_109 = tpu.vector_load %arg26[%swap3A_107, %swap3A_108] {strides = array<i32>} : memref<80x128xf32, #tpu.memory_space<vmem>>, vector<16xf32>,
      tpu.vector_store %arg26[%swap3A_107, %swap3A_108], %broadcast_in_dim3A_1 {strides = array<i32>} : memref<80x128xf32, #tpu.memory_space<vmem>>, vector<16xf32>,
      %swap3A_110 = arith.index_cast %scan3A_92 : i32 to index
      %swap3A_111 = arith.constant 48 : index
      %swap3A_112 = tpu.vector_load %arg25[%swap3A_110, %swap3A_111] {strides = array<i32>} : memref<80x128xf32, #tpu.memory_space<vmem>>, vector<16xf32>,
      tpu.vector_store %arg25[%swap3A_110, %swap3A_111], %broadcast_in_dim3A_1 {strides = array<i32>} : memref<80x128xf32, #tpu.memory_space<vmem>>, vector<16xf32>,
      %swap3A_113 = arith.index_cast %scan3A_92 : i32 to index
      %swap3A_114 = arith.constant 48 : index
      %swap3A_115 = tpu.vector_load %arg26[%swap3A_113, %swap3A_114] {strides = array<i32>} : memref<80x128xf32, #tpu.memory_space<vmem>>, vector<16xf32>,
      tpu.vector_store %arg26[%swap3A_113, %swap3A_114], %broadcast_in_dim3A_1 {strides = array<i32>} : memref<80x128xf32, #tpu.memory_space<vmem>>, vector<16xf32>,
      %swap3A_116 = arith.index_cast %scan3A_92 : i32 to index
      %swap3A_117 = arith.constant 64 : index
      %swap3A_118 = tpu.vector_load %arg25[%swap3A_116, %swap3A_117] {strides = array<i32>} : memref<80x128xf32, #tpu.memory_space<vmem>>, vector<16xf32>,
      tpu.vector_store %arg25[%swap3A_116, %swap3A_117], %broadcast_in_dim3A_1 {strides = array<i32>} : memref<80x128xf32, #tpu.memory_space<vmem>>, vector<16xf32>,
      %swap3A_119 = arith.index_cast %scan3A_92 : i32 to index
      %swap3A_120 = arith.constant 64 : index
      %swap3A_121 = tpu.vector_load %arg26[%swap3A_119, %swap3A_120] {strides = array<i32>} : memref<80x128xf32, #tpu.memory_space<vmem>>, vector<16xf32>,
      tpu.vector_store %arg26[%swap3A_119, %swap3A_120], %broadcast_in_dim3A_1 {strides = array<i32>} : memref<80x128xf32, #tpu.memory_space<vmem>>, vector<16xf32>,
      %swap3A_122 = arith.index_cast %scan3A_92 : i32 to index
      %swap3A_123 = arith.constant 80 : index
      %swap3A_124 = tpu.vector_load %arg25[%swap3A_122, %swap3A_123] {strides = array<i32>} : memref<80x128xf32, #tpu.memory_space<vmem>>, vector<16xf32>,
      tpu.vector_store %arg25[%swap3A_122, %swap3A_123], %broadcast_in_dim3A_1 {strides = array<i32>} : memref<80x128xf32, #tpu.memory_space<vmem>>, vector<16xf32>,
      %swap3A_125 = arith.index_cast %scan3A_92 : i32 to index
      %swap3A_126 = arith.constant 80 : index
      %swap3A_127 = tpu.vector_load %arg26[%swap3A_125, %swap3A_126] {strides = array<i32>} : memref<80x128xf32, #tpu.memory_space<vmem>>, vector<16xf32>,
      tpu.vector_store %arg26[%swap3A_125, %swap3A_126], %broadcast_in_dim3A_1 {strides = array<i32>} : memref<80x128xf32, #tpu.memory_space<vmem>>, vector<16xf32>,
      %swap3A_128 = arith.index_cast %scan3A_92 : i32 to index
      %swap3A_129 = arith.constant 96 : index
      %swap3A_130 = tpu.vector_load %arg25[%swap3A_128, %swap3A_129] {strides = array<i32>} : memref<80x128xf32, #tpu.memory_space<vmem>>, vector<16xf32>,
      tpu.vector_store %arg25[%swap3A_128, %swap3A_129], %broadcast_in_dim3A_1 {strides = array<i32>} : memref<80x128xf32, #tpu.memory_space<vmem>>, vector<16xf32>,
      %swap3A_131 = arith.index_cast %scan3A_92 : i32 to index
      %swap3A_132 = arith.constant 96 : index
      %swap3A_133 = tpu.vector_load %arg26[%swap3A_131, %swap3A_132] {strides = array<i32>} : memref<80x128xf32, #tpu.memory_space<vmem>>, vector<16xf32>,
      tpu.vector_store %arg26[%swap3A_131, %swap3A_132], %broadcast_in_dim3A_1 {strides = array<i32>} : memref<80x128xf32, #tpu.memory_space<vmem>>, vector<16xf32>,
      %swap3A_134 = arith.index_cast %scan3A_92 : i32 to index
      %swap3A_135 = arith.constant 112 : index
      %swap3A_136 = tpu.vector_load %arg25[%swap3A_134, %swap3A_135] {strides = array<i32>} : memref<80x128xf32, #tpu.memory_space<vmem>>, vector<16xf32>,
      tpu.vector_store %arg25[%swap3A_134, %swap3A_135], %broadcast_in_dim3A_1 {strides = array<i32>} : memref<80x128xf32, #tpu.memory_space<vmem>>, vector<16xf32>,
      %swap3A_137 = arith.index_cast %scan3A_92 : i32 to index
      %swap3A_138 = arith.constant 112 : index
      %swap3A_139 = tpu.vector_load %arg26[%swap3A_137, %swap3A_138] {strides = array<i32>} : memref<80x128xf32, #tpu.memory_space<vmem>>, vector<16xf32>,
      tpu.vector_store %arg26[%swap3A_137, %swap3A_138], %broadcast_in_dim3A_1 {strides = array<i32>} : memref<80x128xf32, #tpu.memory_space<vmem>>, vector<16xf32>,
    }
    %scan3A_6 = arith.constant 80 : i32
    %scan3A_7 = arith.constant 0 : i32
    %scan3A_8 = arith.constant 0 : i32
    %scan3A_9 = arith.constant 4 : i32
    %scan3A_10 = arith.addi %scan3A_8, %scan3A_9 : i32
    %scan3A_11 = arith.constant 1 : i32
    scf.for %scan3A_92 = %scan3A_8 to %scan3A_10 step %scan3A_11  : i32 {
      %mul3A_93 = arith.constant 320 : i32
      %mul3A_94 = arith.muli %arg1, %mul3A_93 : i32
      %mul3A_95 = arith.constant 80 : i32
      %mul3A_96 = arith.muli %scan3A_92, %mul3A_95 : i32
      %add3A_97 = arith.addi %mul3A_94, %mul3A_96 : i32
      "tpu.region"() ({
        %run_scoped3A = tpu.sem_alloc : memref<!tpu.dma_semaphore, #tpu.memory_space<semaphore_mem>>
        %dma_start3A_98 = arith.constant 0 : i32
        %dma_start3A_99 = tpu.memref_slice %arg10[%add3A_97, %dma_start3A_98] : memref<5120x128xf32, #tpu.memory_space<vmem_shared>> -> memref<80x128xf32, #tpu.memory_space<vmem_shared>>
        %dma_start3A_100 = arith.constant 0 : i32
        %dma_start3A_101 = tpu.memref_slice %arg10[%add3A_97, %dma_start3A_100] : memref<5120x128xf32, #tpu.memory_space<vmem_shared>> -> memref<80x128xf32, #tpu.memory_space<vmem_shared>>
        tpu.enqueue_dma source(%arg25 : memref<80x128xf32, #tpu.memory_space<vmem>>) target(%dma_start3A_101 : memref<80x128xf32, #tpu.memory_space<vmem_shared>>) target_semaphore(%run_scoped3A : memref<!tpu.dma_semaphore, #tpu.memory_space<semaphore_mem>>)
        %dma_wait3A_102 = arith.constant 0 : i32
        %dma_wait3A_103 = tpu.memref_slice %arg10[%add3A_97, %dma_wait3A_102] : memref<5120x128xf32, #tpu.memory_space<vmem_shared>> -> memref<80x128xf32, #tpu.memory_space<vmem_shared>>
        %dma_wait3A_104 = arith.constant 0 : i32
        %dma_wait3A_105 = tpu.memref_slice %arg10[%add3A_97, %dma_wait3A_104] : memref<5120x128xf32, #tpu.memory_space<vmem_shared>> -> memref<80x128xf32, #tpu.memory_space<vmem_shared>>
        tpu.wait_dma2 semaphore(%run_scoped3A : memref<!tpu.dma_semaphore, #tpu.memory_space<semaphore_mem>>) src(%arg25 : memref<80x128xf32, #tpu.memory_space<vmem>>) dst(%dma_wait3A_105 : memref<80x128xf32, #tpu.memory_space<vmem_shared>>)
        tpu.yield
      }) : () -> ()
    }
    %scan3A_12 = arith.constant 4 : i32
    %eq3A = arith.constant 0 : i32
    %eq3A_13 = arith.cmpi eq, %arg1, %eq3A : i32
    %convert_element_type3A = arith.extui %eq3A_13 : i1 to i32
    %cond3A = arith.constant 0 : i32
    %cond3A_14 = arith.cmpi ne, %convert_element_type3A, %cond3A : i32
    scf.if %cond3A_14 {
      "tpu.region"() ({
        %run_scoped3A = tpu.sem_alloc : memref<!tpu.dma_semaphore, #tpu.memory_space<semaphore_mem>>
        %dma_start3A_92 = arith.constant 0 : i32
        %dma_start3A_93 = arith.constant 0 : i32
        %dma_start3A_94 = tpu.memref_slice %arg26[%dma_start3A_92, %dma_start3A_93] : memref<80x128xf32, #tpu.memory_space<vmem>> -> memref<80x128xf32, #tpu.memory_space<vmem>>
        %dma_start3A_95 = arith.constant 0 : i32
        %dma_start3A_96 = arith.constant 0 : i32
        %dma_start3A_97 = tpu.memref_slice %arg26[%dma_start3A_95, %dma_start3A_96] : memref<80x128xf32, #tpu.memory_space<vmem>> -> memref<80x128xf32, #tpu.memory_space<vmem>>
        tpu.enqueue_dma source(%dma_start3A_97 : memref<80x128xf32, #tpu.memory_space<vmem>>) target(%arg11 : memref<80x128xf32, #tpu.memory_space<vmem_shared>>) target_semaphore(%run_scoped3A : memref<!tpu.dma_semaphore, #tpu.memory_space<semaphore_mem>>)
        %dma_wait3A_98 = arith.constant 0 : i32
        %dma_wait3A_99 = arith.constant 0 : i32
        %dma_wait3A_100 = tpu.memref_slice %arg26[%dma_wait3A_98, %dma_wait3A_99] : memref<80x128xf32, #tpu.memory_space<vmem>> -> memref<80x128xf32, #tpu.memory_space<vmem>>
        %dma_wait3A_101 = arith.constant 0 : i32
        %dma_wait3A_102 = arith.constant 0 : i32
        %dma_wait3A_103 = tpu.memref_slice %arg26[%dma_wait3A_101, %dma_wait3A_102] : memref<80x128xf32, #tpu.memory_space<vmem>> -> memref<80x128xf32, #tpu.memory_space<vmem>>
        tpu.wait_dma2 semaphore(%run_scoped3A : memref<!tpu.dma_semaphore, #tpu.memory_space<semaphore_mem>>) src(%dma_wait3A_103 : memref<80x128xf32, #tpu.memory_space<vmem>>) dst(%arg11 : memref<80x128xf32, #tpu.memory_space<vmem_shared>>)
        tpu.yield
      }) : () -> ()
    } else {
    }
    "tpu.region"() ({
      %run_scoped3A = tpu.sem_alloc : memref<!tpu.dma_semaphore, #tpu.memory_space<semaphore_mem>>
      tpu.enqueue_dma source(%arg7 : memref<8x16xf32, #tpu.memory_space<hbm>>) target(%arg27 : memref<8x16xf32, #tpu.memory_space<vmem>>) target_semaphore(%run_scoped3A : memref<!tpu.dma_semaphore, #tpu.memory_space<semaphore_mem>>)
      tpu.wait_dma2 semaphore(%run_scoped3A : memref<!tpu.dma_semaphore, #tpu.memory_space<semaphore_mem>>) src(%arg7 : memref<8x16xf32, #tpu.memory_space<hbm>>) dst(%arg27 : memref<8x16xf32, #tpu.memory_space<vmem>>)
      tpu.yield
    }) : () -> ()
    %barrier3A = arith.constant 0 : index
    tpu.barrier barrier_id(%barrier3A)
    %get3A = arith.constant 0 : i32
    %get3A_15 = arith.index_cast %get3A : i32 to index
    %get3A_16 = arith.constant 0 : index
    %get3A_17 = tpu.vector_load %arg27[%get3A_15, %get3A_16] {strides = array<i32>} : memref<8x16xf32, #tpu.memory_space<vmem>>, vector<16xf32>,
    %get3A_18 = arith.constant 1 : i32
    %get3A_19 = arith.index_cast %get3A_18 : i32 to index
    %get3A_20 = arith.constant 0 : index
    %get3A_21 = tpu.vector_load %arg27[%get3A_19, %get3A_20] {strides = array<i32>} : memref<8x16xf32, #tpu.memory_space<vmem>>, vector<16xf32>,
    %get3A_22 = arith.constant 2 : i32
    %get3A_23 = arith.index_cast %get3A_22 : i32 to index
    %get3A_24 = arith.constant 0 : index
    %get3A_25 = tpu.vector_load %arg27[%get3A_23, %get3A_24] {strides = array<i32>} : memref<8x16xf32, #tpu.memory_space<vmem>>, vector<16xf32>,
    %get3A_26 = arith.constant 3 : i32
    %get3A_27 = arith.index_cast %get3A_26 : i32 to index
    %get3A_28 = arith.constant 0 : index
    %get3A_29 = tpu.vector_load %arg27[%get3A_27, %get3A_28] {strides = array<i32>} : memref<8x16xf32, #tpu.memory_space<vmem>>, vector<16xf32>,
    %mul3A_30 = arith.constant 10000 : i32
    %mul3A_31 = arith.muli %add3A, %mul3A_30 : i32
    %add3A_32 = arith.constant 0 : i32
    %add3A_33 = arith.addi %mul3A_31, %add3A_32 : i32
    "tpu.region"() ({
      %run_scoped3A = tpu.sem_alloc : memref<!tpu.dma_semaphore, #tpu.memory_space<semaphore_mem>>
      %dma_start3A_92 = tpu.memref_slice %arg5[%add3A_33] : memref<320000xi32, #tpu.memory_space<hbm>> -> memref<80xi32, #tpu.memory_space<hbm>>
      %dma_start3A_93 = tpu.memref_slice %arg5[%add3A_33] : memref<320000xi32, #tpu.memory_space<hbm>> -> memref<80xi32, #tpu.memory_space<hbm>>
      tpu.enqueue_dma source(%dma_start3A_93 : memref<80xi32, #tpu.memory_space<hbm>>) target(%arg12 : memref<80xi32, #tpu.memory_space<vmem>>) target_semaphore(%run_scoped3A : memref<!tpu.dma_semaphore, #tpu.memory_space<semaphore_mem>>)
      %dma_wait3A_94 = tpu.memref_slice %arg5[%add3A_33] : memref<320000xi32, #tpu.memory_space<hbm>> -> memref<80xi32, #tpu.memory_space<hbm>>
      %dma_wait3A_95 = tpu.memref_slice %arg5[%add3A_33] : memref<320000xi32, #tpu.memory_space<hbm>> -> memref<80xi32, #tpu.memory_space<hbm>>
      tpu.wait_dma2 semaphore(%run_scoped3A : memref<!tpu.dma_semaphore, #tpu.memory_space<semaphore_mem>>) src(%dma_wait3A_95 : memref<80xi32, #tpu.memory_space<hbm>>) dst(%arg12 : memref<80xi32, #tpu.memory_space<vmem>>)
      tpu.yield
    }) : () -> ()
    "tpu.region"() ({
      %run_scoped3A = tpu.sem_alloc : memref<!tpu.dma_semaphore, #tpu.memory_space<semaphore_mem>>
      %dma_start3A_92 = tpu.memref_slice %arg6[%add3A_33] : memref<320000xi32, #tpu.memory_space<hbm>> -> memref<80xi32, #tpu.memory_space<hbm>>
      %dma_start3A_93 = tpu.memref_slice %arg6[%add3A_33] : memref<320000xi32, #tpu.memory_space<hbm>> -> memref<80xi32, #tpu.memory_space<hbm>>
      tpu.enqueue_dma source(%dma_start3A_93 : memref<80xi32, #tpu.memory_space<hbm>>) target(%arg13 : memref<80xi32, #tpu.memory_space<vmem>>) target_semaphore(%run_scoped3A : memref<!tpu.dma_semaphore, #tpu.memory_space<semaphore_mem>>)
      %dma_wait3A_94 = tpu.memref_slice %arg6[%add3A_33] : memref<320000xi32, #tpu.memory_space<hbm>> -> memref<80xi32, #tpu.memory_space<hbm>>
      %dma_wait3A_95 = tpu.memref_slice %arg6[%add3A_33] : memref<320000xi32, #tpu.memory_space<hbm>> -> memref<80xi32, #tpu.memory_space<hbm>>
      tpu.wait_dma2 semaphore(%run_scoped3A : memref<!tpu.dma_semaphore, #tpu.memory_space<semaphore_mem>>) src(%dma_wait3A_95 : memref<80xi32, #tpu.memory_space<hbm>>) dst(%arg13 : memref<80xi32, #tpu.memory_space<vmem>>)
      tpu.yield
    }) : () -> ()
    %dma_start3A = arith.constant 0 : i32
    %dma_start3A_34 = arith.constant 0 : i32
    %dma_start3A_35 = tpu.memref_slice %arg2[%dma_start3A, %dma_start3A_34] : memref<10000x128xf32, #tpu.memory_space<hbm>> -> memref<10000x128xf32, #tpu.memory_space<hbm>>
    tpu.enqueue_indirect_dma source(%dma_start3A_35 : memref<10000x128xf32, #tpu.memory_space<hbm>>) target(%arg20 : memref<80x128xf32, #tpu.memory_space<vmem>>) offsets(%arg12 : memref<80xi32, #tpu.memory_space<vmem>>) semaphore(%arg28 : memref<!tpu.dma_semaphore, #tpu.memory_space<semaphore_mem>>)
    %dma_start3A_36 = arith.constant 0 : i32
    %dma_start3A_37 = arith.constant 0 : i32
    %dma_start3A_38 = tpu.memref_slice %arg3[%dma_start3A_36, %dma_start3A_37] : memref<10000x128xf32, #tpu.memory_space<hbm>> -> memref<10000x128xf32, #tpu.memory_space<hbm>>
    tpu.enqueue_indirect_dma source(%dma_start3A_38 : memref<10000x128xf32, #tpu.memory_space<hbm>>) target(%arg21 : memref<80x128xf32, #tpu.memory_space<vmem>>) offsets(%arg13 : memref<80xi32, #tpu.memory_space<vmem>>) semaphore(%arg29 : memref<!tpu.dma_semaphore, #tpu.memory_space<semaphore_mem>>)
    %scan3A_39 = arith.constant 0 : i32
    %scan3A_40 = arith.constant 0 : i32
    %scan3A_41 = arith.constant 62 : i32
    %scan3A_42 = arith.addi %scan3A_40, %scan3A_41 : i32
    %scan3A_43 = arith.constant 1 : i32
    scf.for %scan3A_92 = %scan3A_40 to %scan3A_42 step %scan3A_43  : i32 {
      %mul3A_93 = arith.constant 2 : i32
      %mul3A_94 = arith.muli %mul3A_93, %scan3A_92 : i32
      %gt3A = arith.constant 0 : i32
      %gt3A_95 = arith.cmpi sgt, %scan3A_92, %gt3A : i32
      %convert_element_type3A_96 = arith.extui %gt3A_95 : i1 to i32
      %cond3A_97 = arith.constant 0 : i32
      %cond3A_98 = arith.cmpi ne, %convert_element_type3A_96, %cond3A_97 : i32
      scf.if %cond3A_98 {
        %dma_wait3A_200 = arith.constant 0 : i32
        %dma_wait3A_201 = arith.constant 0 : i32
        %dma_wait3A_202 = tpu.memref_slice %arg10[%dma_wait3A_200, %dma_wait3A_201] : memref<5120x128xf32, #tpu.memory_space<vmem_shared>> -> memref<5120x128xf32, #tpu.memory_space<vmem_shared>>
        tpu.wait_indirect_dma semaphore(%arg33 : memref<!tpu.dma_semaphore, #tpu.memory_space<semaphore_mem>>) src(%arg25 : memref<80x128xf32, #tpu.memory_space<vmem>>) dst(%dma_wait3A_202 : memref<5120x128xf32, #tpu.memory_space<vmem_shared>>)
        %dma_wait3A_203 = arith.constant 0 : i32
        %dma_wait3A_204 = arith.constant 0 : i32
        %dma_wait3A_205 = tpu.memref_slice %arg11[%dma_wait3A_203, %dma_wait3A_204] : memref<80x128xf32, #tpu.memory_space<vmem_shared>> -> memref<80x128xf32, #tpu.memory_space<vmem_shared>>
        tpu.wait_indirect_dma semaphore(%arg34 : memref<!tpu.dma_semaphore, #tpu.memory_space<semaphore_mem>>) src(%arg26 : memref<80x128xf32, #tpu.memory_space<vmem>>) dst(%dma_wait3A_205 : memref<80x128xf32, #tpu.memory_space<vmem_shared>>)
      } else {
      }
      %add3A_99 = arith.constant 1 : i32
      %add3A_100 = arith.addi %mul3A_94, %add3A_99 : i32
      %mul3A_101 = arith.constant 10000 : i32
      %mul3A_102 = arith.muli %add3A, %mul3A_101 : i32
      %mul3A_103 = arith.constant 80 : i32
      %mul3A_104 = arith.muli %add3A_100, %mul3A_103 : i32
      %add3A_105 = arith.addi %mul3A_102, %mul3A_104 : i32
      "tpu.region"() ({
        %run_scoped3A = tpu.sem_alloc : memref<!tpu.dma_semaphore, #tpu.memory_space<semaphore_mem>>
        %dma_start3A_200 = tpu.memref_slice %arg5[%add3A_105] : memref<320000xi32, #tpu.memory_space<hbm>> -> memref<80xi32, #tpu.memory_space<hbm>>
        %dma_start3A_201 = tpu.memref_slice %arg5[%add3A_105] : memref<320000xi32, #tpu.memory_space<hbm>> -> memref<80xi32, #tpu.memory_space<hbm>>
        tpu.enqueue_dma source(%dma_start3A_201 : memref<80xi32, #tpu.memory_space<hbm>>) target(%arg16 : memref<80xi32, #tpu.memory_space<vmem>>) target_semaphore(%run_scoped3A : memref<!tpu.dma_semaphore, #tpu.memory_space<semaphore_mem>>)
        %dma_wait3A_202 = tpu.memref_slice %arg5[%add3A_105] : memref<320000xi32, #tpu.memory_space<hbm>> -> memref<80xi32, #tpu.memory_space<hbm>>
        %dma_wait3A_203 = tpu.memref_slice %arg5[%add3A_105] : memref<320000xi32, #tpu.memory_space<hbm>> -> memref<80xi32, #tpu.memory_space<hbm>>
        tpu.wait_dma2 semaphore(%run_scoped3A : memref<!tpu.dma_semaphore, #tpu.memory_space<semaphore_mem>>) src(%dma_wait3A_203 : memref<80xi32, #tpu.memory_space<hbm>>) dst(%arg16 : memref<80xi32, #tpu.memory_space<vmem>>)
        tpu.yield
      }) : () -> ()
      "tpu.region"() ({
        %run_scoped3A = tpu.sem_alloc : memref<!tpu.dma_semaphore, #tpu.memory_space<semaphore_mem>>
        %dma_start3A_200 = tpu.memref_slice %arg6[%add3A_105] : memref<320000xi32, #tpu.memory_space<hbm>> -> memref<80xi32, #tpu.memory_space<hbm>>
        %dma_start3A_201 = tpu.memref_slice %arg6[%add3A_105] : memref<320000xi32, #tpu.memory_space<hbm>> -> memref<80xi32, #tpu.memory_space<hbm>>
        tpu.enqueue_dma source(%dma_start3A_201 : memref<80xi32, #tpu.memory_space<hbm>>) target(%arg17 : memref<80xi32, #tpu.memory_space<vmem>>) target_semaphore(%run_scoped3A : memref<!tpu.dma_semaphore, #tpu.memory_space<semaphore_mem>>)
        %dma_wait3A_202 = tpu.memref_slice %arg6[%add3A_105] : memref<320000xi32, #tpu.memory_space<hbm>> -> memref<80xi32, #tpu.memory_space<hbm>>
        %dma_wait3A_203 = tpu.memref_slice %arg6[%add3A_105] : memref<320000xi32, #tpu.memory_space<hbm>> -> memref<80xi32, #tpu.memory_space<hbm>>
        tpu.wait_dma2 semaphore(%run_scoped3A : memref<!tpu.dma_semaphore, #tpu.memory_space<semaphore_mem>>) src(%dma_wait3A_203 : memref<80xi32, #tpu.memory_space<hbm>>) dst(%arg17 : memref<80xi32, #tpu.memory_space<vmem>>)
        tpu.yield
      }) : () -> ()
      %dma_start3A_106 = arith.constant 0 : i32
      %dma_start3A_107 = arith.constant 0 : i32
      %dma_start3A_108 = tpu.memref_slice %arg2[%dma_start3A_106, %dma_start3A_107] : memref<10000x128xf32, #tpu.memory_space<hbm>> -> memref<10000x128xf32, #tpu.memory_space<hbm>>
      tpu.enqueue_indirect_dma source(%dma_start3A_108 : memref<10000x128xf32, #tpu.memory_space<hbm>>) target(%arg22 : memref<80x128xf32, #tpu.memory_space<vmem>>) offsets(%arg16 : memref<80xi32, #tpu.memory_space<vmem>>) semaphore(%arg30 : memref<!tpu.dma_semaphore, #tpu.memory_space<semaphore_mem>>)
      %dma_start3A_109 = arith.constant 0 : i32
      %dma_start3A_110 = arith.constant 0 : i32
      %dma_start3A_111 = tpu.memref_slice %arg3[%dma_start3A_109, %dma_start3A_110] : memref<10000x128xf32, #tpu.memory_space<hbm>> -> memref<10000x128xf32, #tpu.memory_space<hbm>>
      tpu.enqueue_indirect_dma source(%dma_start3A_111 : memref<10000x128xf32, #tpu.memory_space<hbm>>) target(%arg23 : memref<80x128xf32, #tpu.memory_space<vmem>>) offsets(%arg17 : memref<80xi32, #tpu.memory_space<vmem>>) semaphore(%arg31 : memref<!tpu.dma_semaphore, #tpu.memory_space<semaphore_mem>>)
      %mul3A_112 = arith.constant 10000 : i32
      %mul3A_113 = arith.muli %add3A, %mul3A_112 : i32
      %mul3A_114 = arith.constant 80 : i32
      %mul3A_115 = arith.muli %mul3A_94, %mul3A_114 : i32
      %add3A_116 = arith.addi %mul3A_113, %mul3A_115 : i32
      %dma_start3A_117 = arith.constant 0 : i32
      %dma_start3A_118 = tpu.memref_slice %arg4[%add3A_116, %dma_start3A_117] : memref<320000x64xf32, #tpu.memory_space<hbm>> -> memref<80x64xf32, #tpu.memory_space<hbm>>
      %dma_start3A_119 = arith.constant 0 : i32
      %dma_start3A_120 = tpu.memref_slice %arg4[%add3A_116, %dma_start3A_119] : memref<320000x64xf32, #tpu.memory_space<hbm>> -> memref<80x64xf32, #tpu.memory_space<hbm>>
      tpu.enqueue_dma source(%dma_start3A_120 : memref<80x64xf32, #tpu.memory_space<hbm>>) target(%arg24 : memref<80x64xf32, #tpu.memory_space<vmem>>) target_semaphore(%arg32 : memref<!tpu.dma_semaphore, #tpu.memory_space<semaphore_mem>>)
      %dma_wait3A_121 = arith.constant 0 : i32
      %dma_wait3A_122 = arith.constant 0 : i32
      %dma_wait3A_123 = tpu.memref_slice %arg2[%dma_wait3A_121, %dma_wait3A_122] : memref<10000x128xf32, #tpu.memory_space<hbm>> -> memref<10000x128xf32, #tpu.memory_space<hbm>>
      tpu.wait_indirect_dma semaphore(%arg28 : memref<!tpu.dma_semaphore, #tpu.memory_space<semaphore_mem>>) src(%dma_wait3A_123 : memref<10000x128xf32, #tpu.memory_space<hbm>>) dst(%arg20 : memref<80x128xf32, #tpu.memory_space<vmem>>)
      %dma_wait3A_124 = arith.constant 0 : i32
      %dma_wait3A_125 = arith.constant 0 : i32
      %dma_wait3A_126 = tpu.memref_slice %arg3[%dma_wait3A_124, %dma_wait3A_125] : memref<10000x128xf32, #tpu.memory_space<hbm>> -> memref<10000x128xf32, #tpu.memory_space<hbm>>
      tpu.wait_indirect_dma semaphore(%arg29 : memref<!tpu.dma_semaphore, #tpu.memory_space<semaphore_mem>>) src(%dma_wait3A_126 : memref<10000x128xf32, #tpu.memory_space<hbm>>) dst(%arg21 : memref<80x128xf32, #tpu.memory_space<vmem>>)
      %dma_wait3A_127 = arith.constant 0 : i32
      %dma_wait3A_128 = tpu.memref_slice %arg4[%add3A_116, %dma_wait3A_127] : memref<320000x64xf32, #tpu.memory_space<hbm>> -> memref<80x64xf32, #tpu.memory_space<hbm>>
      %dma_wait3A_129 = arith.constant 0 : i32
      %dma_wait3A_130 = tpu.memref_slice %arg4[%add3A_116, %dma_wait3A_129] : memref<320000x64xf32, #tpu.memory_space<hbm>> -> memref<80x64xf32, #tpu.memory_space<hbm>>
      tpu.wait_dma2 semaphore(%arg32 : memref<!tpu.dma_semaphore, #tpu.memory_space<semaphore_mem>>) src(%dma_wait3A_130 : memref<80x64xf32, #tpu.memory_space<hbm>>) dst(%arg24 : memref<80x64xf32, #tpu.memory_space<vmem>>)
      %scan3A_131 = arith.constant 0 : i32
      %scan3A_132 = arith.constant 0 : i32
      %scan3A_133 = arith.constant 5 : i32
      %scan3A_134 = arith.addi %scan3A_132, %scan3A_133 : i32
      %scan3A_135 = arith.constant 1 : i32
      scf.for %scan3A_200 = %scan3A_132 to %scan3A_134 step %scan3A_135  : i32 {
        %mul3A_201 = arith.constant 16 : i32
        %mul3A_202 = arith.muli %scan3A_200, %mul3A_201 : i32
        %get3A_203 = arith.index_cast %mul3A_202 : i32 to index
        %get3A_204 = tpu.vector_load %arg13[%get3A_203] {strides = array<i32>} : memref<80xi32, #tpu.memory_space<vmem>>, vector<16xi32>,
        %shift_right_arithmetic3A = arith.constant 1 : i32
        %shift_right_arithmetic3A_205 = vector.broadcast %shift_right_arithmetic3A : i32 to vector<16xi32>
        %shift_right_arithmetic3A_206 = arith.shrsi %get3A_204, %shift_right_arithmetic3A_205 : vector<16xi32>
        %mul3A_207 = arith.constant 16 : i32
        %mul3A_208 = arith.muli %scan3A_200, %mul3A_207 : i32
        %swap3A = arith.index_cast %mul3A_208 : i32 to index
        %swap3A_209 = tpu.vector_load %arg14[%swap3A] {strides = array<i32>} : memref<80xi32, #tpu.memory_space<vmem>>, vector<16xi32>,
        tpu.vector_store %arg14[%swap3A], %shift_right_arithmetic3A_206 {strides = array<i32>} : memref<80xi32, #tpu.memory_space<vmem>>, vector<16xi32>,
        %shift_right_arithmetic3A_210 = arith.constant 7 : i32
        %shift_right_arithmetic3A_211 = vector.broadcast %shift_right_arithmetic3A_210 : i32 to vector<16xi32>
        %shift_right_arithmetic3A_212 = arith.shrsi %get3A_204, %shift_right_arithmetic3A_211 : vector<16xi32>
        %mul3A_213 = arith.constant 16 : i32
        %mul3A_214 = arith.muli %scan3A_200, %mul3A_213 : i32
        %swap3A_215 = arith.index_cast %mul3A_214 : i32 to index
        %swap3A_216 = tpu.vector_load %arg15[%swap3A_215] {strides = array<i32>} : memref<80xi32, #tpu.memory_space<vmem>>, vector<16xi32>,
        tpu.vector_store %arg15[%swap3A_215], %shift_right_arithmetic3A_212 {strides = array<i32>} : memref<80xi32, #tpu.memory_space<vmem>>, vector<16xi32>,
      }
      %scan3A_136 = arith.constant 5 : i32
      %scan3A_137 = arith.constant 0 : i32
      %scan3A_138 = arith.constant 0 : i32
      %scan3A_139 = arith.constant 80 : i32
      %scan3A_140 = arith.addi %scan3A_138, %scan3A_139 : i32
      %scan3A_141 = arith.constant 1 : i32
      scf.for %scan3A_200 = %scan3A_138 to %scan3A_140 step %scan3A_141  : i32 {
        %get3A_201 = arith.index_cast %scan3A_200 : i32 to index
        %get3A_202 = arith.constant 0 : index
        %get3A_203 = tpu.vector_load %arg20[%get3A_201, %get3A_202] {strides = array<i32>} : memref<80x128xf32, #tpu.memory_space<vmem>>, vector<16xf32>,
        %get3A_204 = arith.index_cast %scan3A_200 : i32 to index
        %get3A_205 = arith.constant 64 : index
        %get3A_206 = tpu.vector_load %arg21[%get3A_204, %get3A_205] {strides = array<i32>} : memref<80x128xf32, #tpu.memory_space<vmem>>, vector<16xf32>,
        %add3A_207 = arith.addf %get3A_203, %get3A_206 : vector<16xf32>
        %get3A_208 = arith.index_cast %scan3A_200 : i32 to index
        %get3A_209 = arith.constant 0 : index
        %get3A_210 = tpu.vector_load %arg24[%get3A_208, %get3A_209] {strides = array<i32>} : memref<80x64xf32, #tpu.memory_space<vmem>>, vector<16xf32>,
        %add3A_211 = arith.addf %add3A_207, %get3A_210 : vector<16xf32>
        %ge3A = arith.constant 0.000000e+00 : f32
        %ge3A_212 = vector.broadcast %ge3A : f32 to vector<16xf32>
        %ge3A_213 = arith.cmpf oge, %add3A_211, %ge3A_212 : vector<16xf32>
        %mul3A_214 = arith.constant 2.000000e-01 : f32
        %mul3A_215 = vector.broadcast %mul3A_214 : f32 to vector<16xf32>
        %mul3A_216 = arith.mulf %add3A_211, %mul3A_215 : vector<16xf32>
        %select_n3A = arith.select %ge3A_213, %add3A_211, %mul3A_216 : vector<16xi1>, vector<16xf32>
        %mul3A_217 = arith.mulf %select_n3A, %get3A_17 : vector<16xf32>
        %reduce_sum3A = arith.constant true
        %reduce_sum3A_218 = vector.broadcast %reduce_sum3A : i1 to vector<16xi1>
        %reduce_sum3A_219 = tpu.scan <sum>, %mul3A_217 masked %reduce_sum3A_218 : vector<16xf32>, vector<16xi1> -> vector<16xf32>
        %reduce_sum3A_220 = vector.extract %reduce_sum3A_219[15] : f32 from vector<16xf32>
        %add3A_221 = arith.constant 0.000000e+00 : f32
        %add3A_222 = arith.addf %add3A_221, %reduce_sum3A_220 : f32
        %get3A_223 = arith.index_cast %scan3A_200 : i32 to index
        %get3A_224 = arith.constant 16 : index
        %get3A_225 = tpu.vector_load %arg20[%get3A_223, %get3A_224] {strides = array<i32>} : memref<80x128xf32, #tpu.memory_space<vmem>>, vector<16xf32>,
        %get3A_226 = arith.index_cast %scan3A_200 : i32 to index
        %get3A_227 = arith.constant 80 : index
        %get3A_228 = tpu.vector_load %arg21[%get3A_226, %get3A_227] {strides = array<i32>} : memref<80x128xf32, #tpu.memory_space<vmem>>, vector<16xf32>,
        %add3A_229 = arith.addf %get3A_225, %get3A_228 : vector<16xf32>
        %get3A_230 = arith.index_cast %scan3A_200 : i32 to index
        %get3A_231 = arith.constant 16 : index
        %get3A_232 = tpu.vector_load %arg24[%get3A_230, %get3A_231] {strides = array<i32>} : memref<80x64xf32, #tpu.memory_space<vmem>>, vector<16xf32>,
        %add3A_233 = arith.addf %add3A_229, %get3A_232 : vector<16xf32>
        %ge3A_234 = arith.constant 0.000000e+00 : f32
        %ge3A_235 = vector.broadcast %ge3A_234 : f32 to vector<16xf32>
        %ge3A_236 = arith.cmpf oge, %add3A_233, %ge3A_235 : vector<16xf32>
        %mul3A_237 = arith.constant 2.000000e-01 : f32
        %mul3A_238 = vector.broadcast %mul3A_237 : f32 to vector<16xf32>
        %mul3A_239 = arith.mulf %add3A_233, %mul3A_238 : vector<16xf32>
        %select_n3A_240 = arith.select %ge3A_236, %add3A_233, %mul3A_239 : vector<16xi1>, vector<16xf32>
        %mul3A_241 = arith.mulf %select_n3A_240, %get3A_21 : vector<16xf32>
        %reduce_sum3A_242 = arith.constant true
        %reduce_sum3A_243 = vector.broadcast %reduce_sum3A_242 : i1 to vector<16xi1>
        %reduce_sum3A_244 = tpu.scan <sum>, %mul3A_241 masked %reduce_sum3A_243 : vector<16xf32>, vector<16xi1> -> vector<16xf32>
        %reduce_sum3A_245 = vector.extract %reduce_sum3A_244[15] : f32 from vector<16xf32>
        %add3A_246 = arith.addf %add3A_222, %reduce_sum3A_245 : f32
        %get3A_247 = arith.index_cast %scan3A_200 : i32 to index
        %get3A_248 = arith.constant 32 : index
        %get3A_249 = tpu.vector_load %arg20[%get3A_247, %get3A_248] {strides = array<i32>} : memref<80x128xf32, #tpu.memory_space<vmem>>, vector<16xf32>,
        %get3A_250 = arith.index_cast %scan3A_200 : i32 to index
        %get3A_251 = arith.constant 96 : index
        %get3A_252 = tpu.vector_load %arg21[%get3A_250, %get3A_251] {strides = array<i32>} : memref<80x128xf32, #tpu.memory_space<vmem>>, vector<16xf32>,
        %add3A_253 = arith.addf %get3A_249, %get3A_252 : vector<16xf32>
        %get3A_254 = arith.index_cast %scan3A_200 : i32 to index
        %get3A_255 = arith.constant 32 : index
        %get3A_256 = tpu.vector_load %arg24[%get3A_254, %get3A_255] {strides = array<i32>} : memref<80x64xf32, #tpu.memory_space<vmem>>, vector<16xf32>,
        %add3A_257 = arith.addf %add3A_253, %get3A_256 : vector<16xf32>
        %ge3A_258 = arith.constant 0.000000e+00 : f32
        %ge3A_259 = vector.broadcast %ge3A_258 : f32 to vector<16xf32>
        %ge3A_260 = arith.cmpf oge, %add3A_257, %ge3A_259 : vector<16xf32>
        %mul3A_261 = arith.constant 2.000000e-01 : f32
        %mul3A_262 = vector.broadcast %mul3A_261 : f32 to vector<16xf32>
        %mul3A_263 = arith.mulf %add3A_257, %mul3A_262 : vector<16xf32>
        %select_n3A_264 = arith.select %ge3A_260, %add3A_257, %mul3A_263 : vector<16xi1>, vector<16xf32>
        %mul3A_265 = arith.mulf %select_n3A_264, %get3A_25 : vector<16xf32>
        %reduce_sum3A_266 = arith.constant true
        %reduce_sum3A_267 = vector.broadcast %reduce_sum3A_266 : i1 to vector<16xi1>
        %reduce_sum3A_268 = tpu.scan <sum>, %mul3A_265 masked %reduce_sum3A_267 : vector<16xf32>, vector<16xi1> -> vector<16xf32>
        %reduce_sum3A_269 = vector.extract %reduce_sum3A_268[15] : f32 from vector<16xf32>
        %add3A_270 = arith.addf %add3A_246, %reduce_sum3A_269 : f32
        %get3A_271 = arith.index_cast %scan3A_200 : i32 to index
        %get3A_272 = arith.constant 48 : index
        %get3A_273 = tpu.vector_load %arg20[%get3A_271, %get3A_272] {strides = array<i32>} : memref<80x128xf32, #tpu.memory_space<vmem>>, vector<16xf32>,
        %get3A_274 = arith.index_cast %scan3A_200 : i32 to index
        %get3A_275 = arith.constant 112 : index
        %get3A_276 = tpu.vector_load %arg21[%get3A_274, %get3A_275] {strides = array<i32>} : memref<80x128xf32, #tpu.memory_space<vmem>>, vector<16xf32>,
        %add3A_277 = arith.addf %get3A_273, %get3A_276 : vector<16xf32>
        %get3A_278 = arith.index_cast %scan3A_200 : i32 to index
        %get3A_279 = arith.constant 48 : index
        %get3A_280 = tpu.vector_load %arg24[%get3A_278, %get3A_279] {strides = array<i32>} : memref<80x64xf32, #tpu.memory_space<vmem>>, vector<16xf32>,
        %add3A_281 = arith.addf %add3A_277, %get3A_280 : vector<16xf32>
        %ge3A_282 = arith.constant 0.000000e+00 : f32
        %ge3A_283 = vector.broadcast %ge3A_282 : f32 to vector<16xf32>
        %ge3A_284 = arith.cmpf oge, %add3A_281, %ge3A_283 : vector<16xf32>
        %mul3A_285 = arith.constant 2.000000e-01 : f32
        %mul3A_286 = vector.broadcast %mul3A_285 : f32 to vector<16xf32>
        %mul3A_287 = arith.mulf %add3A_281, %mul3A_286 : vector<16xf32>
        %select_n3A_288 = arith.select %ge3A_284, %add3A_281, %mul3A_287 : vector<16xi1>, vector<16xf32>
        %mul3A_289 = arith.mulf %select_n3A_288, %get3A_29 : vector<16xf32>
        %reduce_sum3A_290 = arith.constant true
        %reduce_sum3A_291 = vector.broadcast %reduce_sum3A_290 : i1 to vector<16xi1>
        %reduce_sum3A_292 = tpu.scan <sum>, %mul3A_289 masked %reduce_sum3A_291 : vector<16xf32>, vector<16xi1> -> vector<16xf32>
        %reduce_sum3A_293 = vector.extract %reduce_sum3A_292[15] : f32 from vector<16xf32>
        %add3A_294 = arith.addf %add3A_270, %reduce_sum3A_293 : f32
        %broadcast_in_dim3A_295 = vector.broadcast %add3A_294 : f32 to vector<16xf32>
        %exp3A = math.exp %broadcast_in_dim3A_295 : vector<16xf32>
        %broadcast_in_dim3A_296 = vector.broadcast %scan3A_200 : i32 to vector<16xi32>
        %gather3A = tpu.vector_load_idx %arg13[%broadcast_in_dim3A_296] : memref<80xi32, #tpu.memory_space<vmem>>[vector<16xi32>], vector<16xi32>,
        %and3A = arith.constant 1 : i32
        %and3A_297 = vector.broadcast %and3A : i32 to vector<16xi32>
        %and3A_298 = arith.andi %gather3A, %and3A_297 : vector<16xi32>
        %eq3A_299 = arith.constant 1 : i32
        %eq3A_300 = vector.broadcast %eq3A_299 : i32 to vector<16xi32>
        %eq3A_301 = arith.cmpi eq, %and3A_298, %eq3A_300 : vector<16xi32>
        %get3A_302 = arith.index_cast %scan3A_200 : i32 to index
        %get3A_303 = arith.constant 0 : index
        %get3A_304 = tpu.vector_load %arg20[%get3A_302, %get3A_303] {strides = array<i32>} : memref<80x128xf32, #tpu.memory_space<vmem>>, vector<16xf32>,
        %mul3A_305 = arith.mulf %get3A_304, %exp3A : vector<16xf32>
        %select_n3A_306 = arith.select %eq3A_301, %broadcast_in_dim3A_1, %mul3A_305 : vector<16xi1>, vector<16xf32>
        %swap3A = arith.index_cast %scan3A_200 : i32 to index
        %swap3A_307 = arith.constant 0 : index
        %swap3A_308 = tpu.vector_load %arg25[%swap3A, %swap3A_307] {strides = array<i32>} : memref<80x128xf32, #tpu.memory_space<vmem>>, vector<16xf32>,
        tpu.vector_store %arg25[%swap3A, %swap3A_307], %select_n3A_306 {strides = array<i32>} : memref<80x128xf32, #tpu.memory_space<vmem>>, vector<16xf32>,
        %select_n3A_309 = arith.select %eq3A_301, %mul3A_305, %broadcast_in_dim3A_1 : vector<16xi1>, vector<16xf32>
        %swap3A_310 = arith.index_cast %scan3A_200 : i32 to index
        %swap3A_311 = arith.constant 64 : index
        %swap3A_312 = tpu.vector_load %arg25[%swap3A_310, %swap3A_311] {strides = array<i32>} : memref<80x128xf32, #tpu.memory_space<vmem>>, vector<16xf32>,
        tpu.vector_store %arg25[%swap3A_310, %swap3A_311], %select_n3A_309 {strides = array<i32>} : memref<80x128xf32, #tpu.memory_space<vmem>>, vector<16xf32>,
        %get3A_313 = arith.index_cast %scan3A_200 : i32 to index
        %get3A_314 = arith.constant 16 : index
        %get3A_315 = tpu.vector_load %arg20[%get3A_313, %get3A_314] {strides = array<i32>} : memref<80x128xf32, #tpu.memory_space<vmem>>, vector<16xf32>,
        %mul3A_316 = arith.mulf %get3A_315, %exp3A : vector<16xf32>
        %select_n3A_317 = arith.select %eq3A_301, %broadcast_in_dim3A_1, %mul3A_316 : vector<16xi1>, vector<16xf32>
        %swap3A_318 = arith.index_cast %scan3A_200 : i32 to index
        %swap3A_319 = arith.constant 16 : index
        %swap3A_320 = tpu.vector_load %arg25[%swap3A_318, %swap3A_319] {strides = array<i32>} : memref<80x128xf32, #tpu.memory_space<vmem>>, vector<16xf32>,
        tpu.vector_store %arg25[%swap3A_318, %swap3A_319], %select_n3A_317 {strides = array<i32>} : memref<80x128xf32, #tpu.memory_space<vmem>>, vector<16xf32>,
        %select_n3A_321 = arith.select %eq3A_301, %mul3A_316, %broadcast_in_dim3A_1 : vector<16xi1>, vector<16xf32>
        %swap3A_322 = arith.index_cast %scan3A_200 : i32 to index
        %swap3A_323 = arith.constant 80 : index
        %swap3A_324 = tpu.vector_load %arg25[%swap3A_322, %swap3A_323] {strides = array<i32>} : memref<80x128xf32, #tpu.memory_space<vmem>>, vector<16xf32>,
        tpu.vector_store %arg25[%swap3A_322, %swap3A_323], %select_n3A_321 {strides = array<i32>} : memref<80x128xf32, #tpu.memory_space<vmem>>, vector<16xf32>,
        %get3A_325 = arith.index_cast %scan3A_200 : i32 to index
        %get3A_326 = arith.constant 32 : index
        %get3A_327 = tpu.vector_load %arg20[%get3A_325, %get3A_326] {strides = array<i32>} : memref<80x128xf32, #tpu.memory_space<vmem>>, vector<16xf32>,
        %mul3A_328 = arith.mulf %get3A_327, %exp3A : vector<16xf32>
        %select_n3A_329 = arith.select %eq3A_301, %broadcast_in_dim3A_1, %mul3A_328 : vector<16xi1>, vector<16xf32>
        %swap3A_330 = arith.index_cast %scan3A_200 : i32 to index
        %swap3A_331 = arith.constant 32 : index
        %swap3A_332 = tpu.vector_load %arg25[%swap3A_330, %swap3A_331] {strides = array<i32>} : memref<80x128xf32, #tpu.memory_space<vmem>>, vector<16xf32>,
        tpu.vector_store %arg25[%swap3A_330, %swap3A_331], %select_n3A_329 {strides = array<i32>} : memref<80x128xf32, #tpu.memory_space<vmem>>, vector<16xf32>,
        %select_n3A_333 = arith.select %eq3A_301, %mul3A_328, %broadcast_in_dim3A_1 : vector<16xi1>, vector<16xf32>
        %swap3A_334 = arith.index_cast %scan3A_200 : i32 to index
        %swap3A_335 = arith.constant 96 : index
        %swap3A_336 = tpu.vector_load %arg25[%swap3A_334, %swap3A_335] {strides = array<i32>} : memref<80x128xf32, #tpu.memory_space<vmem>>, vector<16xf32>,
        tpu.vector_store %arg25[%swap3A_334, %swap3A_335], %select_n3A_333 {strides = array<i32>} : memref<80x128xf32, #tpu.memory_space<vmem>>, vector<16xf32>,
        %get3A_337 = arith.index_cast %scan3A_200 : i32 to index
        %get3A_338 = arith.constant 48 : index
        %get3A_339 = tpu.vector_load %arg20[%get3A_337, %get3A_338] {strides = array<i32>} : memref<80x128xf32, #tpu.memory_space<vmem>>, vector<16xf32>,
        %mul3A_340 = arith.mulf %get3A_339, %exp3A : vector<16xf32>
        %select_n3A_341 = arith.select %eq3A_301, %broadcast_in_dim3A_1, %mul3A_340 : vector<16xi1>, vector<16xf32>
        %swap3A_342 = arith.index_cast %scan3A_200 : i32 to index
        %swap3A_343 = arith.constant 48 : index
        %swap3A_344 = tpu.vector_load %arg25[%swap3A_342, %swap3A_343] {strides = array<i32>} : memref<80x128xf32, #tpu.memory_space<vmem>>, vector<16xf32>,
        tpu.vector_store %arg25[%swap3A_342, %swap3A_343], %select_n3A_341 {strides = array<i32>} : memref<80x128xf32, #tpu.memory_space<vmem>>, vector<16xf32>,
        %select_n3A_345 = arith.select %eq3A_301, %mul3A_340, %broadcast_in_dim3A_1 : vector<16xi1>, vector<16xf32>
        %swap3A_346 = arith.index_cast %scan3A_200 : i32 to index
        %swap3A_347 = arith.constant 112 : index
        %swap3A_348 = tpu.vector_load %arg25[%swap3A_346, %swap3A_347] {strides = array<i32>} : memref<80x128xf32, #tpu.memory_space<vmem>>, vector<16xf32>,
        tpu.vector_store %arg25[%swap3A_346, %swap3A_347], %select_n3A_345 {strides = array<i32>} : memref<80x128xf32, #tpu.memory_space<vmem>>, vector<16xf32>,
        %iota3A = tpu.iota {dimensions = array<i32: 0>} : vector<16xi32>
        %and3A_349 = arith.constant 127 : i32
        %and3A_350 = vector.broadcast %and3A_349 : i32 to vector<16xi32>
        %and3A_351 = arith.andi %gather3A, %and3A_350 : vector<16xi32>
        %sub3A = arith.constant 0 : i32
        %sub3A_352 = vector.broadcast %sub3A : i32 to vector<16xi32>
        %sub3A_353 = arith.subi %and3A_351, %sub3A_352 : vector<16xi32>
        %eq3A_354 = arith.cmpi eq, %iota3A, %sub3A_353 : vector<16xi32>
        %select_n3A_355 = arith.select %eq3A_354, %exp3A, %broadcast_in_dim3A_1 : vector<16xi1>, vector<16xf32>
        %swap3A_356 = arith.index_cast %scan3A_200 : i32 to index
        %swap3A_357 = arith.constant 0 : index
        %swap3A_358 = tpu.vector_load %arg26[%swap3A_356, %swap3A_357] {strides = array<i32>} : memref<80x128xf32, #tpu.memory_space<vmem>>, vector<16xf32>,
        tpu.vector_store %arg26[%swap3A_356, %swap3A_357], %select_n3A_355 {strides = array<i32>} : memref<80x128xf32, #tpu.memory_space<vmem>>, vector<16xf32>,
        %sub3A_359 = arith.constant 16 : i32
        %sub3A_360 = vector.broadcast %sub3A_359 : i32 to vector<16xi32>
        %sub3A_361 = arith.subi %and3A_351, %sub3A_360 : vector<16xi32>
        %eq3A_362 = arith.cmpi eq, %iota3A, %sub3A_361 : vector<16xi32>
        %select_n3A_363 = arith.select %eq3A_362, %exp3A, %broadcast_in_dim3A_1 : vector<16xi1>, vector<16xf32>
        %swap3A_364 = arith.index_cast %scan3A_200 : i32 to index
        %swap3A_365 = arith.constant 16 : index
        %swap3A_366 = tpu.vector_load %arg26[%swap3A_364, %swap3A_365] {strides = array<i32>} : memref<80x128xf32, #tpu.memory_space<vmem>>, vector<16xf32>,
        tpu.vector_store %arg26[%swap3A_364, %swap3A_365], %select_n3A_363 {strides = array<i32>} : memref<80x128xf32, #tpu.memory_space<vmem>>, vector<16xf32>,
        %sub3A_367 = arith.constant 32 : i32
        %sub3A_368 = vector.broadcast %sub3A_367 : i32 to vector<16xi32>
        %sub3A_369 = arith.subi %and3A_351, %sub3A_368 : vector<16xi32>
        %eq3A_370 = arith.cmpi eq, %iota3A, %sub3A_369 : vector<16xi32>
        %select_n3A_371 = arith.select %eq3A_370, %exp3A, %broadcast_in_dim3A_1 : vector<16xi1>, vector<16xf32>
        %swap3A_372 = arith.index_cast %scan3A_200 : i32 to index
        %swap3A_373 = arith.constant 32 : index
        %swap3A_374 = tpu.vector_load %arg26[%swap3A_372, %swap3A_373] {strides = array<i32>} : memref<80x128xf32, #tpu.memory_space<vmem>>, vector<16xf32>,
        tpu.vector_store %arg26[%swap3A_372, %swap3A_373], %select_n3A_371 {strides = array<i32>} : memref<80x128xf32, #tpu.memory_space<vmem>>, vector<16xf32>,
        %sub3A_375 = arith.constant 48 : i32
        %sub3A_376 = vector.broadcast %sub3A_375 : i32 to vector<16xi32>
        %sub3A_377 = arith.subi %and3A_351, %sub3A_376 : vector<16xi32>
        %eq3A_378 = arith.cmpi eq, %iota3A, %sub3A_377 : vector<16xi32>
        %select_n3A_379 = arith.select %eq3A_378, %exp3A, %broadcast_in_dim3A_1 : vector<16xi1>, vector<16xf32>
        %swap3A_380 = arith.index_cast %scan3A_200 : i32 to index
        %swap3A_381 = arith.constant 48 : index
        %swap3A_382 = tpu.vector_load %arg26[%swap3A_380, %swap3A_381] {strides = array<i32>} : memref<80x128xf32, #tpu.memory_space<vmem>>, vector<16xf32>,
        tpu.vector_store %arg26[%swap3A_380, %swap3A_381], %select_n3A_379 {strides = array<i32>} : memref<80x128xf32, #tpu.memory_space<vmem>>, vector<16xf32>,
        %sub3A_383 = arith.constant 64 : i32
        %sub3A_384 = vector.broadcast %sub3A_383 : i32 to vector<16xi32>
        %sub3A_385 = arith.subi %and3A_351, %sub3A_384 : vector<16xi32>
        %eq3A_386 = arith.cmpi eq, %iota3A, %sub3A_385 : vector<16xi32>
        %select_n3A_387 = arith.select %eq3A_386, %exp3A, %broadcast_in_dim3A_1 : vector<16xi1>, vector<16xf32>
        %swap3A_388 = arith.index_cast %scan3A_200 : i32 to index
        %swap3A_389 = arith.constant 64 : index
        %swap3A_390 = tpu.vector_load %arg26[%swap3A_388, %swap3A_389] {strides = array<i32>} : memref<80x128xf32, #tpu.memory_space<vmem>>, vector<16xf32>,
        tpu.vector_store %arg26[%swap3A_388, %swap3A_389], %select_n3A_387 {strides = array<i32>} : memref<80x128xf32, #tpu.memory_space<vmem>>, vector<16xf32>,
        %sub3A_391 = arith.constant 80 : i32
        %sub3A_392 = vector.broadcast %sub3A_391 : i32 to vector<16xi32>
        %sub3A_393 = arith.subi %and3A_351, %sub3A_392 : vector<16xi32>
        %eq3A_394 = arith.cmpi eq, %iota3A, %sub3A_393 : vector<16xi32>
        %select_n3A_395 = arith.select %eq3A_394, %exp3A, %broadcast_in_dim3A_1 : vector<16xi1>, vector<16xf32>
        %swap3A_396 = arith.index_cast %scan3A_200 : i32 to index
        %swap3A_397 = arith.constant 80 : index
        %swap3A_398 = tpu.vector_load %arg26[%swap3A_396, %swap3A_397] {strides = array<i32>} : memref<80x128xf32, #tpu.memory_space<vmem>>, vector<16xf32>,
        tpu.vector_store %arg26[%swap3A_396, %swap3A_397], %select_n3A_395 {strides = array<i32>} : memref<80x128xf32, #tpu.memory_space<vmem>>, vector<16xf32>,
        %sub3A_399 = arith.constant 96 : i32
        %sub3A_400 = vector.broadcast %sub3A_399 : i32 to vector<16xi32>
        %sub3A_401 = arith.subi %and3A_351, %sub3A_400 : vector<16xi32>
        %eq3A_402 = arith.cmpi eq, %iota3A, %sub3A_401 : vector<16xi32>
        %select_n3A_403 = arith.select %eq3A_402, %exp3A, %broadcast_in_dim3A_1 : vector<16xi1>, vector<16xf32>
        %swap3A_404 = arith.index_cast %scan3A_200 : i32 to index
        %swap3A_405 = arith.constant 96 : index
        %swap3A_406 = tpu.vector_load %arg26[%swap3A_404, %swap3A_405] {strides = array<i32>} : memref<80x128xf32, #tpu.memory_space<vmem>>, vector<16xf32>,
        tpu.vector_store %arg26[%swap3A_404, %swap3A_405], %select_n3A_403 {strides = array<i32>} : memref<80x128xf32, #tpu.memory_space<vmem>>, vector<16xf32>,
        %sub3A_407 = arith.constant 112 : i32
        %sub3A_408 = vector.broadcast %sub3A_407 : i32 to vector<16xi32>
        %sub3A_409 = arith.subi %and3A_351, %sub3A_408 : vector<16xi32>
        %eq3A_410 = arith.cmpi eq, %iota3A, %sub3A_409 : vector<16xi32>
        %select_n3A_411 = arith.select %eq3A_410, %exp3A, %broadcast_in_dim3A_1 : vector<16xi1>, vector<16xf32>
        %swap3A_412 = arith.index_cast %scan3A_200 : i32 to index
        %swap3A_413 = arith.constant 112 : index
        %swap3A_414 = tpu.vector_load %arg26[%swap3A_412, %swap3A_413] {strides = array<i32>} : memref<80x128xf32, #tpu.memory_space<vmem>>, vector<16xf32>,
        tpu.vector_store %arg26[%swap3A_412, %swap3A_413], %select_n3A_411 {strides = array<i32>} : memref<80x128xf32, #tpu.memory_space<vmem>>, vector<16xf32>,
      }
      %scan3A_142 = arith.constant 80 : i32
      %dma_start3A_143 = arith.constant 0 : i32
      %dma_start3A_144 = arith.constant 0 : i32
      %dma_start3A_145 = tpu.memref_slice %arg10[%dma_start3A_143, %dma_start3A_144] : memref<5120x128xf32, #tpu.memory_space<vmem_shared>> -> memref<5120x128xf32, #tpu.memory_space<vmem_shared>>
      tpu.enqueue_indirect_dma source(%arg25 : memref<80x128xf32, #tpu.memory_space<vmem>>) target(%dma_start3A_145 : memref<5120x128xf32, #tpu.memory_space<vmem_shared>>) offsets(%arg14 : memref<80xi32, #tpu.memory_space<vmem>>) semaphore(%arg33 : memref<!tpu.dma_semaphore, #tpu.memory_space<semaphore_mem>>) {add = true}
      %dma_start3A_146 = arith.constant 0 : i32
      %dma_start3A_147 = arith.constant 0 : i32
      %dma_start3A_148 = tpu.memref_slice %arg11[%dma_start3A_146, %dma_start3A_147] : memref<80x128xf32, #tpu.memory_space<vmem_shared>> -> memref<80x128xf32, #tpu.memory_space<vmem_shared>>
      tpu.enqueue_indirect_dma source(%arg26 : memref<80x128xf32, #tpu.memory_space<vmem>>) target(%dma_start3A_148 : memref<80x128xf32, #tpu.memory_space<vmem_shared>>) offsets(%arg15 : memref<80xi32, #tpu.memory_space<vmem>>) semaphore(%arg34 : memref<!tpu.dma_semaphore, #tpu.memory_space<semaphore_mem>>) {add = true}
      %mul3A_149 = arith.constant 10000 : i32
      %mul3A_150 = arith.muli %add3A, %mul3A_149 : i32
      %add3A_151 = arith.constant 1 : i32
      %add3A_152 = arith.addi %mul3A_94, %add3A_151 : i32
      %mul3A_153 = arith.constant 80 : i32
      %mul3A_154 = arith.muli %add3A_152, %mul3A_153 : i32
      %add3A_155 = arith.addi %mul3A_150, %mul3A_154 : i32
      %dma_start3A_156 = arith.constant 0 : i32
      %dma_start3A_157 = tpu.memref_slice %arg4[%add3A_155, %dma_start3A_156] : memref<320000x64xf32, #tpu.memory_space<hbm>> -> memref<80x64xf32, #tpu.memory_space<hbm>>
      %dma_start3A_158 = arith.constant 0 : i32
      %dma_start3A_159 = tpu.memref_slice %arg4[%add3A_155, %dma_start3A_158] : memref<320000x64xf32, #tpu.memory_space<hbm>> -> memref<80x64xf32, #tpu.memory_space<hbm>>
      tpu.enqueue_dma source(%dma_start3A_159 : memref<80x64xf32, #tpu.memory_space<hbm>>) target(%arg24 : memref<80x64xf32, #tpu.memory_space<vmem>>) target_semaphore(%arg32 : memref<!tpu.dma_semaphore, #tpu.memory_space<semaphore_mem>>)
      %dma_wait3A_160 = arith.constant 0 : i32
      %dma_wait3A_161 = arith.constant 0 : i32
      %dma_wait3A_162 = tpu.memref_slice %arg2[%dma_wait3A_160, %dma_wait3A_161] : memref<10000x128xf32, #tpu.memory_space<hbm>> -> memref<10000x128xf32, #tpu.memory_space<hbm>>
      tpu.wait_indirect_dma semaphore(%arg30 : memref<!tpu.dma_semaphore, #tpu.memory_space<semaphore_mem>>) src(%dma_wait3A_162 : memref<10000x128xf32, #tpu.memory_space<hbm>>) dst(%arg22 : memref<80x128xf32, #tpu.memory_space<vmem>>)
      %dma_wait3A_163 = arith.constant 0 : i32
      %dma_wait3A_164 = arith.constant 0 : i32
      %dma_wait3A_165 = tpu.memref_slice %arg3[%dma_wait3A_163, %dma_wait3A_164] : memref<10000x128xf32, #tpu.memory_space<hbm>> -> memref<10000x128xf32, #tpu.memory_space<hbm>>
      tpu.wait_indirect_dma semaphore(%arg31 : memref<!tpu.dma_semaphore, #tpu.memory_space<semaphore_mem>>) src(%dma_wait3A_165 : memref<10000x128xf32, #tpu.memory_space<hbm>>) dst(%arg23 : memref<80x128xf32, #tpu.memory_space<vmem>>)
      %dma_wait3A_166 = arith.constant 0 : i32
      %dma_wait3A_167 = tpu.memref_slice %arg4[%add3A_155, %dma_wait3A_166] : memref<320000x64xf32, #tpu.memory_space<hbm>> -> memref<80x64xf32, #tpu.memory_space<hbm>>
      %dma_wait3A_168 = arith.constant 0 : i32
      %dma_wait3A_169 = tpu.memref_slice %arg4[%add3A_155, %dma_wait3A_168] : memref<320000x64xf32, #tpu.memory_space<hbm>> -> memref<80x64xf32, #tpu.memory_space<hbm>>
      tpu.wait_dma2 semaphore(%arg32 : memref<!tpu.dma_semaphore, #tpu.memory_space<semaphore_mem>>) src(%dma_wait3A_169 : memref<80x64xf32, #tpu.memory_space<hbm>>) dst(%arg24 : memref<80x64xf32, #tpu.memory_space<vmem>>)
      %dma_wait3A_170 = arith.constant 0 : i32
      %dma_wait3A_171 = arith.constant 0 : i32
      %dma_wait3A_172 = tpu.memref_slice %arg10[%dma_wait3A_170, %dma_wait3A_171] : memref<5120x128xf32, #tpu.memory_space<vmem_shared>> -> memref<5120x128xf32, #tpu.memory_space<vmem_shared>>
      tpu.wait_indirect_dma semaphore(%arg33 : memref<!tpu.dma_semaphore, #tpu.memory_space<semaphore_mem>>) src(%arg25 : memref<80x128xf32, #tpu.memory_space<vmem>>) dst(%dma_wait3A_172 : memref<5120x128xf32, #tpu.memory_space<vmem_shared>>)
      %dma_wait3A_173 = arith.constant 0 : i32
      %dma_wait3A_174 = arith.constant 0 : i32
      %dma_wait3A_175 = tpu.memref_slice %arg11[%dma_wait3A_173, %dma_wait3A_174] : memref<80x128xf32, #tpu.memory_space<vmem_shared>> -> memref<80x128xf32, #tpu.memory_space<vmem_shared>>
      tpu.wait_indirect_dma semaphore(%arg34 : memref<!tpu.dma_semaphore, #tpu.memory_space<semaphore_mem>>) src(%arg26 : memref<80x128xf32, #tpu.memory_space<vmem>>) dst(%dma_wait3A_175 : memref<80x128xf32, #tpu.memory_space<vmem_shared>>)
      %add3A_176 = arith.constant 2 : i32
      %add3A_177 = arith.addi %mul3A_94, %add3A_176 : i32
      %lt3A = arith.constant 125 : i32
      %lt3A_178 = arith.cmpi slt, %add3A_177, %lt3A : i32
      %convert_element_type3A_179 = arith.extui %lt3A_178 : i1 to i32
      %cond3A_180 = arith.constant 0 : i32
      %cond3A_181 = arith.cmpi ne, %convert_element_type3A_179, %cond3A_180 : i32
      scf.if %cond3A_181 {
        %add3A_200 = arith.constant 2 : i32
        %add3A_201 = arith.addi %mul3A_94, %add3A_200 : i32
        %mul3A_202 = arith.constant 10000 : i32
        %mul3A_203 = arith.muli %add3A, %mul3A_202 : i32
        %mul3A_204 = arith.constant 80 : i32
        %mul3A_205 = arith.muli %add3A_201, %mul3A_204 : i32
        %add3A_206 = arith.addi %mul3A_203, %mul3A_205 : i32
        "tpu.region"() ({
          %run_scoped3A = tpu.sem_alloc : memref<!tpu.dma_semaphore, #tpu.memory_space<semaphore_mem>>
          %dma_start3A_213 = tpu.memref_slice %arg5[%add3A_206] : memref<320000xi32, #tpu.memory_space<hbm>> -> memref<80xi32, #tpu.memory_space<hbm>>
          %dma_start3A_214 = tpu.memref_slice %arg5[%add3A_206] : memref<320000xi32, #tpu.memory_space<hbm>> -> memref<80xi32, #tpu.memory_space<hbm>>
          tpu.enqueue_dma source(%dma_start3A_214 : memref<80xi32, #tpu.memory_space<hbm>>) target(%arg12 : memref<80xi32, #tpu.memory_space<vmem>>) target_semaphore(%run_scoped3A : memref<!tpu.dma_semaphore, #tpu.memory_space<semaphore_mem>>)
          %dma_wait3A_215 = tpu.memref_slice %arg5[%add3A_206] : memref<320000xi32, #tpu.memory_space<hbm>> -> memref<80xi32, #tpu.memory_space<hbm>>
          %dma_wait3A_216 = tpu.memref_slice %arg5[%add3A_206] : memref<320000xi32, #tpu.memory_space<hbm>> -> memref<80xi32, #tpu.memory_space<hbm>>
          tpu.wait_dma2 semaphore(%run_scoped3A : memref<!tpu.dma_semaphore, #tpu.memory_space<semaphore_mem>>) src(%dma_wait3A_216 : memref<80xi32, #tpu.memory_space<hbm>>) dst(%arg12 : memref<80xi32, #tpu.memory_space<vmem>>)
          tpu.yield
        }) : () -> ()
        "tpu.region"() ({
          %run_scoped3A = tpu.sem_alloc : memref<!tpu.dma_semaphore, #tpu.memory_space<semaphore_mem>>
          %dma_start3A_213 = tpu.memref_slice %arg6[%add3A_206] : memref<320000xi32, #tpu.memory_space<hbm>> -> memref<80xi32, #tpu.memory_space<hbm>>
          %dma_start3A_214 = tpu.memref_slice %arg6[%add3A_206] : memref<320000xi32, #tpu.memory_space<hbm>> -> memref<80xi32, #tpu.memory_space<hbm>>
          tpu.enqueue_dma source(%dma_start3A_214 : memref<80xi32, #tpu.memory_space<hbm>>) target(%arg13 : memref<80xi32, #tpu.memory_space<vmem>>) target_semaphore(%run_scoped3A : memref<!tpu.dma_semaphore, #tpu.memory_space<semaphore_mem>>)
          %dma_wait3A_215 = tpu.memref_slice %arg6[%add3A_206] : memref<320000xi32, #tpu.memory_space<hbm>> -> memref<80xi32, #tpu.memory_space<hbm>>
          %dma_wait3A_216 = tpu.memref_slice %arg6[%add3A_206] : memref<320000xi32, #tpu.memory_space<hbm>> -> memref<80xi32, #tpu.memory_space<hbm>>
          tpu.wait_dma2 semaphore(%run_scoped3A : memref<!tpu.dma_semaphore, #tpu.memory_space<semaphore_mem>>) src(%dma_wait3A_216 : memref<80xi32, #tpu.memory_space<hbm>>) dst(%arg13 : memref<80xi32, #tpu.memory_space<vmem>>)
          tpu.yield
        }) : () -> ()
        %dma_start3A_207 = arith.constant 0 : i32
        %dma_start3A_208 = arith.constant 0 : i32
        %dma_start3A_209 = tpu.memref_slice %arg2[%dma_start3A_207, %dma_start3A_208] : memref<10000x128xf32, #tpu.memory_space<hbm>> -> memref<10000x128xf32, #tpu.memory_space<hbm>>
        tpu.enqueue_indirect_dma source(%dma_start3A_209 : memref<10000x128xf32, #tpu.memory_space<hbm>>) target(%arg20 : memref<80x128xf32, #tpu.memory_space<vmem>>) offsets(%arg12 : memref<80xi32, #tpu.memory_space<vmem>>) semaphore(%arg28 : memref<!tpu.dma_semaphore, #tpu.memory_space<semaphore_mem>>)
        %dma_start3A_210 = arith.constant 0 : i32
        %dma_start3A_211 = arith.constant 0 : i32
        %dma_start3A_212 = tpu.memref_slice %arg3[%dma_start3A_210, %dma_start3A_211] : memref<10000x128xf32, #tpu.memory_space<hbm>> -> memref<10000x128xf32, #tpu.memory_space<hbm>>
        tpu.enqueue_indirect_dma source(%dma_start3A_212 : memref<10000x128xf32, #tpu.memory_space<hbm>>) target(%arg21 : memref<80x128xf32, #tpu.memory_space<vmem>>) offsets(%arg13 : memref<80xi32, #tpu.memory_space<vmem>>) semaphore(%arg29 : memref<!tpu.dma_semaphore, #tpu.memory_space<semaphore_mem>>)
      } else {
      }
      %scan3A_182 = arith.constant 0 : i32
      %scan3A_183 = arith.constant 0 : i32
      %scan3A_184 = arith.constant 5 : i32
      %scan3A_185 = arith.addi %scan3A_183, %scan3A_184 : i32
      %scan3A_186 = arith.constant 1 : i32
      scf.for %scan3A_200 = %scan3A_183 to %scan3A_185 step %scan3A_186  : i32 {
        %mul3A_201 = arith.constant 16 : i32
        %mul3A_202 = arith.muli %scan3A_200, %mul3A_201 : i32
        %get3A_203 = arith.index_cast %mul3A_202 : i32 to index
        %get3A_204 = tpu.vector_load %arg17[%get3A_203] {strides = array<i32>} : memref<80xi32, #tpu.memory_space<vmem>>, vector<16xi32>,
        %shift_right_arithmetic3A = arith.constant 1 : i32
        %shift_right_arithmetic3A_205 = vector.broadcast %shift_right_arithmetic3A : i32 to vector<16xi32>
        %shift_right_arithmetic3A_206 = arith.shrsi %get3A_204, %shift_right_arithmetic3A_205 : vector<16xi32>
        %mul3A_207 = arith.constant 16 : i32
        %mul3A_208 = arith.muli %scan3A_200, %mul3A_207 : i32
        %swap3A = arith.index_cast %mul3A_208 : i32 to index
        %swap3A_209 = tpu.vector_load %arg18[%swap3A] {strides = array<i32>} : memref<80xi32, #tpu.memory_space<vmem>>, vector<16xi32>,
        tpu.vector_store %arg18[%swap3A], %shift_right_arithmetic3A_206 {strides = array<i32>} : memref<80xi32, #tpu.memory_space<vmem>>, vector<16xi32>,
        %shift_right_arithmetic3A_210 = arith.constant 7 : i32
        %shift_right_arithmetic3A_211 = vector.broadcast %shift_right_arithmetic3A_210 : i32 to vector<16xi32>
        %shift_right_arithmetic3A_212 = arith.shrsi %get3A_204, %shift_right_arithmetic3A_211 : vector<16xi32>
        %mul3A_213 = arith.constant 16 : i32
        %mul3A_214 = arith.muli %scan3A_200, %mul3A_213 : i32
        %swap3A_215 = arith.index_cast %mul3A_214 : i32 to index
        %swap3A_216 = tpu.vector_load %arg19[%swap3A_215] {strides = array<i32>} : memref<80xi32, #tpu.memory_space<vmem>>, vector<16xi32>,
        tpu.vector_store %arg19[%swap3A_215], %shift_right_arithmetic3A_212 {strides = array<i32>} : memref<80xi32, #tpu.memory_space<vmem>>, vector<16xi32>,
      }
      %scan3A_187 = arith.constant 5 : i32
      %scan3A_188 = arith.constant 0 : i32
      %scan3A_189 = arith.constant 0 : i32
      %scan3A_190 = arith.constant 80 : i32
      %scan3A_191 = arith.addi %scan3A_189, %scan3A_190 : i32
      %scan3A_192 = arith.constant 1 : i32
      scf.for %scan3A_200 = %scan3A_189 to %scan3A_191 step %scan3A_192  : i32 {
        %get3A_201 = arith.index_cast %scan3A_200 : i32 to index
        %get3A_202 = arith.constant 0 : index
        %get3A_203 = tpu.vector_load %arg22[%get3A_201, %get3A_202] {strides = array<i32>} : memref<80x128xf32, #tpu.memory_space<vmem>>, vector<16xf32>,
        %get3A_204 = arith.index_cast %scan3A_200 : i32 to index
        %get3A_205 = arith.constant 64 : index
        %get3A_206 = tpu.vector_load %arg23[%get3A_204, %get3A_205] {strides = array<i32>} : memref<80x128xf32, #tpu.memory_space<vmem>>, vector<16xf32>,
        %add3A_207 = arith.addf %get3A_203, %get3A_206 : vector<16xf32>
        %get3A_208 = arith.index_cast %scan3A_200 : i32 to index
        %get3A_209 = arith.constant 0 : index
        %get3A_210 = tpu.vector_load %arg24[%get3A_208, %get3A_209] {strides = array<i32>} : memref<80x64xf32, #tpu.memory_space<vmem>>, vector<16xf32>,
        %add3A_211 = arith.addf %add3A_207, %get3A_210 : vector<16xf32>
        %ge3A = arith.constant 0.000000e+00 : f32
        %ge3A_212 = vector.broadcast %ge3A : f32 to vector<16xf32>
        %ge3A_213 = arith.cmpf oge, %add3A_211, %ge3A_212 : vector<16xf32>
        %mul3A_214 = arith.constant 2.000000e-01 : f32
        %mul3A_215 = vector.broadcast %mul3A_214 : f32 to vector<16xf32>
        %mul3A_216 = arith.mulf %add3A_211, %mul3A_215 : vector<16xf32>
        %select_n3A = arith.select %ge3A_213, %add3A_211, %mul3A_216 : vector<16xi1>, vector<16xf32>
        %mul3A_217 = arith.mulf %select_n3A, %get3A_17 : vector<16xf32>
        %reduce_sum3A = arith.constant true
        %reduce_sum3A_218 = vector.broadcast %reduce_sum3A : i1 to vector<16xi1>
        %reduce_sum3A_219 = tpu.scan <sum>, %mul3A_217 masked %reduce_sum3A_218 : vector<16xf32>, vector<16xi1> -> vector<16xf32>
        %reduce_sum3A_220 = vector.extract %reduce_sum3A_219[15] : f32 from vector<16xf32>
        %add3A_221 = arith.constant 0.000000e+00 : f32
        %add3A_222 = arith.addf %add3A_221, %reduce_sum3A_220 : f32
        %get3A_223 = arith.index_cast %scan3A_200 : i32 to index
        %get3A_224 = arith.constant 16 : index
        %get3A_225 = tpu.vector_load %arg22[%get3A_223, %get3A_224] {strides = array<i32>} : memref<80x128xf32, #tpu.memory_space<vmem>>, vector<16xf32>,
        %get3A_226 = arith.index_cast %scan3A_200 : i32 to index
        %get3A_227 = arith.constant 80 : index
        %get3A_228 = tpu.vector_load %arg23[%get3A_226, %get3A_227] {strides = array<i32>} : memref<80x128xf32, #tpu.memory_space<vmem>>, vector<16xf32>,
        %add3A_229 = arith.addf %get3A_225, %get3A_228 : vector<16xf32>
        %get3A_230 = arith.index_cast %scan3A_200 : i32 to index
        %get3A_231 = arith.constant 16 : index
        %get3A_232 = tpu.vector_load %arg24[%get3A_230, %get3A_231] {strides = array<i32>} : memref<80x64xf32, #tpu.memory_space<vmem>>, vector<16xf32>,
        %add3A_233 = arith.addf %add3A_229, %get3A_232 : vector<16xf32>
        %ge3A_234 = arith.constant 0.000000e+00 : f32
        %ge3A_235 = vector.broadcast %ge3A_234 : f32 to vector<16xf32>
        %ge3A_236 = arith.cmpf oge, %add3A_233, %ge3A_235 : vector<16xf32>
        %mul3A_237 = arith.constant 2.000000e-01 : f32
        %mul3A_238 = vector.broadcast %mul3A_237 : f32 to vector<16xf32>
        %mul3A_239 = arith.mulf %add3A_233, %mul3A_238 : vector<16xf32>
        %select_n3A_240 = arith.select %ge3A_236, %add3A_233, %mul3A_239 : vector<16xi1>, vector<16xf32>
        %mul3A_241 = arith.mulf %select_n3A_240, %get3A_21 : vector<16xf32>
        %reduce_sum3A_242 = arith.constant true
        %reduce_sum3A_243 = vector.broadcast %reduce_sum3A_242 : i1 to vector<16xi1>
        %reduce_sum3A_244 = tpu.scan <sum>, %mul3A_241 masked %reduce_sum3A_243 : vector<16xf32>, vector<16xi1> -> vector<16xf32>
        %reduce_sum3A_245 = vector.extract %reduce_sum3A_244[15] : f32 from vector<16xf32>
        %add3A_246 = arith.addf %add3A_222, %reduce_sum3A_245 : f32
        %get3A_247 = arith.index_cast %scan3A_200 : i32 to index
        %get3A_248 = arith.constant 32 : index
        %get3A_249 = tpu.vector_load %arg22[%get3A_247, %get3A_248] {strides = array<i32>} : memref<80x128xf32, #tpu.memory_space<vmem>>, vector<16xf32>,
        %get3A_250 = arith.index_cast %scan3A_200 : i32 to index
        %get3A_251 = arith.constant 96 : index
        %get3A_252 = tpu.vector_load %arg23[%get3A_250, %get3A_251] {strides = array<i32>} : memref<80x128xf32, #tpu.memory_space<vmem>>, vector<16xf32>,
        %add3A_253 = arith.addf %get3A_249, %get3A_252 : vector<16xf32>
        %get3A_254 = arith.index_cast %scan3A_200 : i32 to index
        %get3A_255 = arith.constant 32 : index
        %get3A_256 = tpu.vector_load %arg24[%get3A_254, %get3A_255] {strides = array<i32>} : memref<80x64xf32, #tpu.memory_space<vmem>>, vector<16xf32>,
        %add3A_257 = arith.addf %add3A_253, %get3A_256 : vector<16xf32>
        %ge3A_258 = arith.constant 0.000000e+00 : f32
        %ge3A_259 = vector.broadcast %ge3A_258 : f32 to vector<16xf32>
        %ge3A_260 = arith.cmpf oge, %add3A_257, %ge3A_259 : vector<16xf32>
        %mul3A_261 = arith.constant 2.000000e-01 : f32
        %mul3A_262 = vector.broadcast %mul3A_261 : f32 to vector<16xf32>
        %mul3A_263 = arith.mulf %add3A_257, %mul3A_262 : vector<16xf32>
        %select_n3A_264 = arith.select %ge3A_260, %add3A_257, %mul3A_263 : vector<16xi1>, vector<16xf32>
        %mul3A_265 = arith.mulf %select_n3A_264, %get3A_25 : vector<16xf32>
        %reduce_sum3A_266 = arith.constant true
        %reduce_sum3A_267 = vector.broadcast %reduce_sum3A_266 : i1 to vector<16xi1>
        %reduce_sum3A_268 = tpu.scan <sum>, %mul3A_265 masked %reduce_sum3A_267 : vector<16xf32>, vector<16xi1> -> vector<16xf32>
        %reduce_sum3A_269 = vector.extract %reduce_sum3A_268[15] : f32 from vector<16xf32>
        %add3A_270 = arith.addf %add3A_246, %reduce_sum3A_269 : f32
        %get3A_271 = arith.index_cast %scan3A_200 : i32 to index
        %get3A_272 = arith.constant 48 : index
        %get3A_273 = tpu.vector_load %arg22[%get3A_271, %get3A_272] {strides = array<i32>} : memref<80x128xf32, #tpu.memory_space<vmem>>, vector<16xf32>,
        %get3A_274 = arith.index_cast %scan3A_200 : i32 to index
        %get3A_275 = arith.constant 112 : index
        %get3A_276 = tpu.vector_load %arg23[%get3A_274, %get3A_275] {strides = array<i32>} : memref<80x128xf32, #tpu.memory_space<vmem>>, vector<16xf32>,
        %add3A_277 = arith.addf %get3A_273, %get3A_276 : vector<16xf32>
        %get3A_278 = arith.index_cast %scan3A_200 : i32 to index
        %get3A_279 = arith.constant 48 : index
        %get3A_280 = tpu.vector_load %arg24[%get3A_278, %get3A_279] {strides = array<i32>} : memref<80x64xf32, #tpu.memory_space<vmem>>, vector<16xf32>,
        %add3A_281 = arith.addf %add3A_277, %get3A_280 : vector<16xf32>
        %ge3A_282 = arith.constant 0.000000e+00 : f32
        %ge3A_283 = vector.broadcast %ge3A_282 : f32 to vector<16xf32>
        %ge3A_284 = arith.cmpf oge, %add3A_281, %ge3A_283 : vector<16xf32>
        %mul3A_285 = arith.constant 2.000000e-01 : f32
        %mul3A_286 = vector.broadcast %mul3A_285 : f32 to vector<16xf32>
        %mul3A_287 = arith.mulf %add3A_281, %mul3A_286 : vector<16xf32>
        %select_n3A_288 = arith.select %ge3A_284, %add3A_281, %mul3A_287 : vector<16xi1>, vector<16xf32>
        %mul3A_289 = arith.mulf %select_n3A_288, %get3A_29 : vector<16xf32>
        %reduce_sum3A_290 = arith.constant true
        %reduce_sum3A_291 = vector.broadcast %reduce_sum3A_290 : i1 to vector<16xi1>
        %reduce_sum3A_292 = tpu.scan <sum>, %mul3A_289 masked %reduce_sum3A_291 : vector<16xf32>, vector<16xi1> -> vector<16xf32>
        %reduce_sum3A_293 = vector.extract %reduce_sum3A_292[15] : f32 from vector<16xf32>
        %add3A_294 = arith.addf %add3A_270, %reduce_sum3A_293 : f32
        %broadcast_in_dim3A_295 = vector.broadcast %add3A_294 : f32 to vector<16xf32>
        %exp3A = math.exp %broadcast_in_dim3A_295 : vector<16xf32>
        %broadcast_in_dim3A_296 = vector.broadcast %scan3A_200 : i32 to vector<16xi32>
        %gather3A = tpu.vector_load_idx %arg17[%broadcast_in_dim3A_296] : memref<80xi32, #tpu.memory_space<vmem>>[vector<16xi32>], vector<16xi32>,
        %and3A = arith.constant 1 : i32
        %and3A_297 = vector.broadcast %and3A : i32 to vector<16xi32>
        %and3A_298 = arith.andi %gather3A, %and3A_297 : vector<16xi32>
        %eq3A_299 = arith.constant 1 : i32
        %eq3A_300 = vector.broadcast %eq3A_299 : i32 to vector<16xi32>
        %eq3A_301 = arith.cmpi eq, %and3A_298, %eq3A_300 : vector<16xi32>
        %get3A_302 = arith.index_cast %scan3A_200 : i32 to index
        %get3A_303 = arith.constant 0 : index
        %get3A_304 = tpu.vector_load %arg22[%get3A_302, %get3A_303] {strides = array<i32>} : memref<80x128xf32, #tpu.memory_space<vmem>>, vector<16xf32>,
        %mul3A_305 = arith.mulf %get3A_304, %exp3A : vector<16xf32>
        %select_n3A_306 = arith.select %eq3A_301, %broadcast_in_dim3A_1, %mul3A_305 : vector<16xi1>, vector<16xf32>
        %swap3A = arith.index_cast %scan3A_200 : i32 to index
        %swap3A_307 = arith.constant 0 : index
        %swap3A_308 = tpu.vector_load %arg25[%swap3A, %swap3A_307] {strides = array<i32>} : memref<80x128xf32, #tpu.memory_space<vmem>>, vector<16xf32>,
        tpu.vector_store %arg25[%swap3A, %swap3A_307], %select_n3A_306 {strides = array<i32>} : memref<80x128xf32, #tpu.memory_space<vmem>>, vector<16xf32>,
        %select_n3A_309 = arith.select %eq3A_301, %mul3A_305, %broadcast_in_dim3A_1 : vector<16xi1>, vector<16xf32>
        %swap3A_310 = arith.index_cast %scan3A_200 : i32 to index
        %swap3A_311 = arith.constant 64 : index
        %swap3A_312 = tpu.vector_load %arg25[%swap3A_310, %swap3A_311] {strides = array<i32>} : memref<80x128xf32, #tpu.memory_space<vmem>>, vector<16xf32>,
        tpu.vector_store %arg25[%swap3A_310, %swap3A_311], %select_n3A_309 {strides = array<i32>} : memref<80x128xf32, #tpu.memory_space<vmem>>, vector<16xf32>,
        %get3A_313 = arith.index_cast %scan3A_200 : i32 to index
        %get3A_314 = arith.constant 16 : index
        %get3A_315 = tpu.vector_load %arg22[%get3A_313, %get3A_314] {strides = array<i32>} : memref<80x128xf32, #tpu.memory_space<vmem>>, vector<16xf32>,
        %mul3A_316 = arith.mulf %get3A_315, %exp3A : vector<16xf32>
        %select_n3A_317 = arith.select %eq3A_301, %broadcast_in_dim3A_1, %mul3A_316 : vector<16xi1>, vector<16xf32>
        %swap3A_318 = arith.index_cast %scan3A_200 : i32 to index
        %swap3A_319 = arith.constant 16 : index
        %swap3A_320 = tpu.vector_load %arg25[%swap3A_318, %swap3A_319] {strides = array<i32>} : memref<80x128xf32, #tpu.memory_space<vmem>>, vector<16xf32>,
        tpu.vector_store %arg25[%swap3A_318, %swap3A_319], %select_n3A_317 {strides = array<i32>} : memref<80x128xf32, #tpu.memory_space<vmem>>, vector<16xf32>,
        %select_n3A_321 = arith.select %eq3A_301, %mul3A_316, %broadcast_in_dim3A_1 : vector<16xi1>, vector<16xf32>
        %swap3A_322 = arith.index_cast %scan3A_200 : i32 to index
        %swap3A_323 = arith.constant 80 : index
        %swap3A_324 = tpu.vector_load %arg25[%swap3A_322, %swap3A_323] {strides = array<i32>} : memref<80x128xf32, #tpu.memory_space<vmem>>, vector<16xf32>,
        tpu.vector_store %arg25[%swap3A_322, %swap3A_323], %select_n3A_321 {strides = array<i32>} : memref<80x128xf32, #tpu.memory_space<vmem>>, vector<16xf32>,
        %get3A_325 = arith.index_cast %scan3A_200 : i32 to index
        %get3A_326 = arith.constant 32 : index
        %get3A_327 = tpu.vector_load %arg22[%get3A_325, %get3A_326] {strides = array<i32>} : memref<80x128xf32, #tpu.memory_space<vmem>>, vector<16xf32>,
        %mul3A_328 = arith.mulf %get3A_327, %exp3A : vector<16xf32>
        %select_n3A_329 = arith.select %eq3A_301, %broadcast_in_dim3A_1, %mul3A_328 : vector<16xi1>, vector<16xf32>
        %swap3A_330 = arith.index_cast %scan3A_200 : i32 to index
        %swap3A_331 = arith.constant 32 : index
        %swap3A_332 = tpu.vector_load %arg25[%swap3A_330, %swap3A_331] {strides = array<i32>} : memref<80x128xf32, #tpu.memory_space<vmem>>, vector<16xf32>,
        tpu.vector_store %arg25[%swap3A_330, %swap3A_331], %select_n3A_329 {strides = array<i32>} : memref<80x128xf32, #tpu.memory_space<vmem>>, vector<16xf32>,
        %select_n3A_333 = arith.select %eq3A_301, %mul3A_328, %broadcast_in_dim3A_1 : vector<16xi1>, vector<16xf32>
        %swap3A_334 = arith.index_cast %scan3A_200 : i32 to index
        %swap3A_335 = arith.constant 96 : index
        %swap3A_336 = tpu.vector_load %arg25[%swap3A_334, %swap3A_335] {strides = array<i32>} : memref<80x128xf32, #tpu.memory_space<vmem>>, vector<16xf32>,
        tpu.vector_store %arg25[%swap3A_334, %swap3A_335], %select_n3A_333 {strides = array<i32>} : memref<80x128xf32, #tpu.memory_space<vmem>>, vector<16xf32>,
        %get3A_337 = arith.index_cast %scan3A_200 : i32 to index
        %get3A_338 = arith.constant 48 : index
        %get3A_339 = tpu.vector_load %arg22[%get3A_337, %get3A_338] {strides = array<i32>} : memref<80x128xf32, #tpu.memory_space<vmem>>, vector<16xf32>,
        %mul3A_340 = arith.mulf %get3A_339, %exp3A : vector<16xf32>
        %select_n3A_341 = arith.select %eq3A_301, %broadcast_in_dim3A_1, %mul3A_340 : vector<16xi1>, vector<16xf32>
        %swap3A_342 = arith.index_cast %scan3A_200 : i32 to index
        %swap3A_343 = arith.constant 48 : index
        %swap3A_344 = tpu.vector_load %arg25[%swap3A_342, %swap3A_343] {strides = array<i32>} : memref<80x128xf32, #tpu.memory_space<vmem>>, vector<16xf32>,
        tpu.vector_store %arg25[%swap3A_342, %swap3A_343], %select_n3A_341 {strides = array<i32>} : memref<80x128xf32, #tpu.memory_space<vmem>>, vector<16xf32>,
        %select_n3A_345 = arith.select %eq3A_301, %mul3A_340, %broadcast_in_dim3A_1 : vector<16xi1>, vector<16xf32>
        %swap3A_346 = arith.index_cast %scan3A_200 : i32 to index
        %swap3A_347 = arith.constant 112 : index
        %swap3A_348 = tpu.vector_load %arg25[%swap3A_346, %swap3A_347] {strides = array<i32>} : memref<80x128xf32, #tpu.memory_space<vmem>>, vector<16xf32>,
        tpu.vector_store %arg25[%swap3A_346, %swap3A_347], %select_n3A_345 {strides = array<i32>} : memref<80x128xf32, #tpu.memory_space<vmem>>, vector<16xf32>,
        %iota3A = tpu.iota {dimensions = array<i32: 0>} : vector<16xi32>
        %and3A_349 = arith.constant 127 : i32
        %and3A_350 = vector.broadcast %and3A_349 : i32 to vector<16xi32>
        %and3A_351 = arith.andi %gather3A, %and3A_350 : vector<16xi32>
        %sub3A = arith.constant 0 : i32
        %sub3A_352 = vector.broadcast %sub3A : i32 to vector<16xi32>
        %sub3A_353 = arith.subi %and3A_351, %sub3A_352 : vector<16xi32>
        %eq3A_354 = arith.cmpi eq, %iota3A, %sub3A_353 : vector<16xi32>
        %select_n3A_355 = arith.select %eq3A_354, %exp3A, %broadcast_in_dim3A_1 : vector<16xi1>, vector<16xf32>
        %swap3A_356 = arith.index_cast %scan3A_200 : i32 to index
        %swap3A_357 = arith.constant 0 : index
        %swap3A_358 = tpu.vector_load %arg26[%swap3A_356, %swap3A_357] {strides = array<i32>} : memref<80x128xf32, #tpu.memory_space<vmem>>, vector<16xf32>,
        tpu.vector_store %arg26[%swap3A_356, %swap3A_357], %select_n3A_355 {strides = array<i32>} : memref<80x128xf32, #tpu.memory_space<vmem>>, vector<16xf32>,
        %sub3A_359 = arith.constant 16 : i32
        %sub3A_360 = vector.broadcast %sub3A_359 : i32 to vector<16xi32>
        %sub3A_361 = arith.subi %and3A_351, %sub3A_360 : vector<16xi32>
        %eq3A_362 = arith.cmpi eq, %iota3A, %sub3A_361 : vector<16xi32>
        %select_n3A_363 = arith.select %eq3A_362, %exp3A, %broadcast_in_dim3A_1 : vector<16xi1>, vector<16xf32>
        %swap3A_364 = arith.index_cast %scan3A_200 : i32 to index
        %swap3A_365 = arith.constant 16 : index
        %swap3A_366 = tpu.vector_load %arg26[%swap3A_364, %swap3A_365] {strides = array<i32>} : memref<80x128xf32, #tpu.memory_space<vmem>>, vector<16xf32>,
        tpu.vector_store %arg26[%swap3A_364, %swap3A_365], %select_n3A_363 {strides = array<i32>} : memref<80x128xf32, #tpu.memory_space<vmem>>, vector<16xf32>,
        %sub3A_367 = arith.constant 32 : i32
        %sub3A_368 = vector.broadcast %sub3A_367 : i32 to vector<16xi32>
        %sub3A_369 = arith.subi %and3A_351, %sub3A_368 : vector<16xi32>
        %eq3A_370 = arith.cmpi eq, %iota3A, %sub3A_369 : vector<16xi32>
        %select_n3A_371 = arith.select %eq3A_370, %exp3A, %broadcast_in_dim3A_1 : vector<16xi1>, vector<16xf32>
        %swap3A_372 = arith.index_cast %scan3A_200 : i32 to index
        %swap3A_373 = arith.constant 32 : index
        %swap3A_374 = tpu.vector_load %arg26[%swap3A_372, %swap3A_373] {strides = array<i32>} : memref<80x128xf32, #tpu.memory_space<vmem>>, vector<16xf32>,
        tpu.vector_store %arg26[%swap3A_372, %swap3A_373], %select_n3A_371 {strides = array<i32>} : memref<80x128xf32, #tpu.memory_space<vmem>>, vector<16xf32>,
        %sub3A_375 = arith.constant 48 : i32
        %sub3A_376 = vector.broadcast %sub3A_375 : i32 to vector<16xi32>
        %sub3A_377 = arith.subi %and3A_351, %sub3A_376 : vector<16xi32>
        %eq3A_378 = arith.cmpi eq, %iota3A, %sub3A_377 : vector<16xi32>
        %select_n3A_379 = arith.select %eq3A_378, %exp3A, %broadcast_in_dim3A_1 : vector<16xi1>, vector<16xf32>
        %swap3A_380 = arith.index_cast %scan3A_200 : i32 to index
        %swap3A_381 = arith.constant 48 : index
        %swap3A_382 = tpu.vector_load %arg26[%swap3A_380, %swap3A_381] {strides = array<i32>} : memref<80x128xf32, #tpu.memory_space<vmem>>, vector<16xf32>,
        tpu.vector_store %arg26[%swap3A_380, %swap3A_381], %select_n3A_379 {strides = array<i32>} : memref<80x128xf32, #tpu.memory_space<vmem>>, vector<16xf32>,
        %sub3A_383 = arith.constant 64 : i32
        %sub3A_384 = vector.broadcast %sub3A_383 : i32 to vector<16xi32>
        %sub3A_385 = arith.subi %and3A_351, %sub3A_384 : vector<16xi32>
        %eq3A_386 = arith.cmpi eq, %iota3A, %sub3A_385 : vector<16xi32>
        %select_n3A_387 = arith.select %eq3A_386, %exp3A, %broadcast_in_dim3A_1 : vector<16xi1>, vector<16xf32>
        %swap3A_388 = arith.index_cast %scan3A_200 : i32 to index
        %swap3A_389 = arith.constant 64 : index
        %swap3A_390 = tpu.vector_load %arg26[%swap3A_388, %swap3A_389] {strides = array<i32>} : memref<80x128xf32, #tpu.memory_space<vmem>>, vector<16xf32>,
        tpu.vector_store %arg26[%swap3A_388, %swap3A_389], %select_n3A_387 {strides = array<i32>} : memref<80x128xf32, #tpu.memory_space<vmem>>, vector<16xf32>,
        %sub3A_391 = arith.constant 80 : i32
        %sub3A_392 = vector.broadcast %sub3A_391 : i32 to vector<16xi32>
        %sub3A_393 = arith.subi %and3A_351, %sub3A_392 : vector<16xi32>
        %eq3A_394 = arith.cmpi eq, %iota3A, %sub3A_393 : vector<16xi32>
        %select_n3A_395 = arith.select %eq3A_394, %exp3A, %broadcast_in_dim3A_1 : vector<16xi1>, vector<16xf32>
        %swap3A_396 = arith.index_cast %scan3A_200 : i32 to index
        %swap3A_397 = arith.constant 80 : index
        %swap3A_398 = tpu.vector_load %arg26[%swap3A_396, %swap3A_397] {strides = array<i32>} : memref<80x128xf32, #tpu.memory_space<vmem>>, vector<16xf32>,
        tpu.vector_store %arg26[%swap3A_396, %swap3A_397], %select_n3A_395 {strides = array<i32>} : memref<80x128xf32, #tpu.memory_space<vmem>>, vector<16xf32>,
        %sub3A_399 = arith.constant 96 : i32
        %sub3A_400 = vector.broadcast %sub3A_399 : i32 to vector<16xi32>
        %sub3A_401 = arith.subi %and3A_351, %sub3A_400 : vector<16xi32>
        %eq3A_402 = arith.cmpi eq, %iota3A, %sub3A_401 : vector<16xi32>
        %select_n3A_403 = arith.select %eq3A_402, %exp3A, %broadcast_in_dim3A_1 : vector<16xi1>, vector<16xf32>
        %swap3A_404 = arith.index_cast %scan3A_200 : i32 to index
        %swap3A_405 = arith.constant 96 : index
        %swap3A_406 = tpu.vector_load %arg26[%swap3A_404, %swap3A_405] {strides = array<i32>} : memref<80x128xf32, #tpu.memory_space<vmem>>, vector<16xf32>,
        tpu.vector_store %arg26[%swap3A_404, %swap3A_405], %select_n3A_403 {strides = array<i32>} : memref<80x128xf32, #tpu.memory_space<vmem>>, vector<16xf32>,
        %sub3A_407 = arith.constant 112 : i32
        %sub3A_408 = vector.broadcast %sub3A_407 : i32 to vector<16xi32>
        %sub3A_409 = arith.subi %and3A_351, %sub3A_408 : vector<16xi32>
        %eq3A_410 = arith.cmpi eq, %iota3A, %sub3A_409 : vector<16xi32>
        %select_n3A_411 = arith.select %eq3A_410, %exp3A, %broadcast_in_dim3A_1 : vector<16xi1>, vector<16xf32>
        %swap3A_412 = arith.index_cast %scan3A_200 : i32 to index
        %swap3A_413 = arith.constant 112 : index
        %swap3A_414 = tpu.vector_load %arg26[%swap3A_412, %swap3A_413] {strides = array<i32>} : memref<80x128xf32, #tpu.memory_space<vmem>>, vector<16xf32>,
        tpu.vector_store %arg26[%swap3A_412, %swap3A_413], %select_n3A_411 {strides = array<i32>} : memref<80x128xf32, #tpu.memory_space<vmem>>, vector<16xf32>,
      }
      %scan3A_193 = arith.constant 80 : i32
      %dma_start3A_194 = arith.constant 0 : i32
      %dma_start3A_195 = arith.constant 0 : i32
      %dma_start3A_196 = tpu.memref_slice %arg10[%dma_start3A_194, %dma_start3A_195] : memref<5120x128xf32, #tpu.memory_space<vmem_shared>> -> memref<5120x128xf32, #tpu.memory_space<vmem_shared>>
      tpu.enqueue_indirect_dma source(%arg25 : memref<80x128xf32, #tpu.memory_space<vmem>>) target(%dma_start3A_196 : memref<5120x128xf32, #tpu.memory_space<vmem_shared>>) offsets(%arg18 : memref<80xi32, #tpu.memory_space<vmem>>) semaphore(%arg33 : memref<!tpu.dma_semaphore, #tpu.memory_space<semaphore_mem>>) {add = true}
      %dma_start3A_197 = arith.constant 0 : i32
      %dma_start3A_198 = arith.constant 0 : i32
      %dma_start3A_199 = tpu.memref_slice %arg11[%dma_start3A_197, %dma_start3A_198] : memref<80x128xf32, #tpu.memory_space<vmem_shared>> -> memref<80x128xf32, #tpu.memory_space<vmem_shared>>
      tpu.enqueue_indirect_dma source(%arg26 : memref<80x128xf32, #tpu.memory_space<vmem>>) target(%dma_start3A_199 : memref<80x128xf32, #tpu.memory_space<vmem_shared>>) offsets(%arg19 : memref<80xi32, #tpu.memory_space<vmem>>) semaphore(%arg34 : memref<!tpu.dma_semaphore, #tpu.memory_space<semaphore_mem>>) {add = true}
    }
    %scan3A_44 = arith.constant 62 : i32
    %dma_wait3A = arith.constant 0 : i32
    %dma_wait3A_45 = arith.constant 0 : i32
    %dma_wait3A_46 = tpu.memref_slice %arg10[%dma_wait3A, %dma_wait3A_45] : memref<5120x128xf32, #tpu.memory_space<vmem_shared>> -> memref<5120x128xf32, #tpu.memory_space<vmem_shared>>
    tpu.wait_indirect_dma semaphore(%arg33 : memref<!tpu.dma_semaphore, #tpu.memory_space<semaphore_mem>>) src(%arg25 : memref<80x128xf32, #tpu.memory_space<vmem>>) dst(%dma_wait3A_46 : memref<5120x128xf32, #tpu.memory_space<vmem_shared>>)
    %dma_wait3A_47 = arith.constant 0 : i32
    %dma_wait3A_48 = arith.constant 0 : i32
    %dma_wait3A_49 = tpu.memref_slice %arg11[%dma_wait3A_47, %dma_wait3A_48] : memref<80x128xf32, #tpu.memory_space<vmem_shared>> -> memref<80x128xf32, #tpu.memory_space<vmem_shared>>
    tpu.wait_indirect_dma semaphore(%arg34 : memref<!tpu.dma_semaphore, #tpu.memory_space<semaphore_mem>>) src(%arg26 : memref<80x128xf32, #tpu.memory_space<vmem>>) dst(%dma_wait3A_49 : memref<80x128xf32, #tpu.memory_space<vmem_shared>>)
    %mul3A_50 = arith.constant 10000 : i32
    %mul3A_51 = arith.muli %add3A, %mul3A_50 : i32
    %add3A_52 = arith.constant 9920 : i32
    %add3A_53 = arith.addi %mul3A_51, %add3A_52 : i32
    %dma_start3A_54 = arith.constant 0 : i32
    %dma_start3A_55 = tpu.memref_slice %arg4[%add3A_53, %dma_start3A_54] : memref<320000x64xf32, #tpu.memory_space<hbm>> -> memref<80x64xf32, #tpu.memory_space<hbm>>
    %dma_start3A_56 = arith.constant 0 : i32
    %dma_start3A_57 = tpu.memref_slice %arg4[%add3A_53, %dma_start3A_56] : memref<320000x64xf32, #tpu.memory_space<hbm>> -> memref<80x64xf32, #tpu.memory_space<hbm>>
    tpu.enqueue_dma source(%dma_start3A_57 : memref<80x64xf32, #tpu.memory_space<hbm>>) target(%arg24 : memref<80x64xf32, #tpu.memory_space<vmem>>) target_semaphore(%arg32 : memref<!tpu.dma_semaphore, #tpu.memory_space<semaphore_mem>>)
    %dma_wait3A_58 = arith.constant 0 : i32
    %dma_wait3A_59 = arith.constant 0 : i32
    %dma_wait3A_60 = tpu.memref_slice %arg2[%dma_wait3A_58, %dma_wait3A_59] : memref<10000x128xf32, #tpu.memory_space<hbm>> -> memref<10000x128xf32, #tpu.memory_space<hbm>>
    tpu.wait_indirect_dma semaphore(%arg28 : memref<!tpu.dma_semaphore, #tpu.memory_space<semaphore_mem>>) src(%dma_wait3A_60 : memref<10000x128xf32, #tpu.memory_space<hbm>>) dst(%arg20 : memref<80x128xf32, #tpu.memory_space<vmem>>)
    %dma_wait3A_61 = arith.constant 0 : i32
    %dma_wait3A_62 = arith.constant 0 : i32
    %dma_wait3A_63 = tpu.memref_slice %arg3[%dma_wait3A_61, %dma_wait3A_62] : memref<10000x128xf32, #tpu.memory_space<hbm>> -> memref<10000x128xf32, #tpu.memory_space<hbm>>
    tpu.wait_indirect_dma semaphore(%arg29 : memref<!tpu.dma_semaphore, #tpu.memory_space<semaphore_mem>>) src(%dma_wait3A_63 : memref<10000x128xf32, #tpu.memory_space<hbm>>) dst(%arg21 : memref<80x128xf32, #tpu.memory_space<vmem>>)
    %dma_wait3A_64 = arith.constant 0 : i32
    %dma_wait3A_65 = tpu.memref_slice %arg4[%add3A_53, %dma_wait3A_64] : memref<320000x64xf32, #tpu.memory_space<hbm>> -> memref<80x64xf32, #tpu.memory_space<hbm>>
    %dma_wait3A_66 = arith.constant 0 : i32
    %dma_wait3A_67 = tpu.memref_slice %arg4[%add3A_53, %dma_wait3A_66] : memref<320000x64xf32, #tpu.memory_space<hbm>> -> memref<80x64xf32, #tpu.memory_space<hbm>>
    tpu.wait_dma2 semaphore(%arg32 : memref<!tpu.dma_semaphore, #tpu.memory_space<semaphore_mem>>) src(%dma_wait3A_67 : memref<80x64xf32, #tpu.memory_space<hbm>>) dst(%arg24 : memref<80x64xf32, #tpu.memory_space<vmem>>)
    %scan3A_68 = arith.constant 0 : i32
    %scan3A_69 = arith.constant 0 : i32
    %scan3A_70 = arith.constant 5 : i32
    %scan3A_71 = arith.addi %scan3A_69, %scan3A_70 : i32
    %scan3A_72 = arith.constant 1 : i32
    scf.for %scan3A_92 = %scan3A_69 to %scan3A_71 step %scan3A_72  : i32 {
      %mul3A_93 = arith.constant 16 : i32
      %mul3A_94 = arith.muli %scan3A_92, %mul3A_93 : i32
      %get3A_95 = arith.index_cast %mul3A_94 : i32 to index
      %get3A_96 = tpu.vector_load %arg13[%get3A_95] {strides = array<i32>} : memref<80xi32, #tpu.memory_space<vmem>>, vector<16xi32>,
      %shift_right_arithmetic3A = arith.constant 1 : i32
      %shift_right_arithmetic3A_97 = vector.broadcast %shift_right_arithmetic3A : i32 to vector<16xi32>
      %shift_right_arithmetic3A_98 = arith.shrsi %get3A_96, %shift_right_arithmetic3A_97 : vector<16xi32>
      %mul3A_99 = arith.constant 16 : i32
      %mul3A_100 = arith.muli %scan3A_92, %mul3A_99 : i32
      %swap3A = arith.index_cast %mul3A_100 : i32 to index
      %swap3A_101 = tpu.vector_load %arg14[%swap3A] {strides = array<i32>} : memref<80xi32, #tpu.memory_space<vmem>>, vector<16xi32>,
      tpu.vector_store %arg14[%swap3A], %shift_right_arithmetic3A_98 {strides = array<i32>} : memref<80xi32, #tpu.memory_space<vmem>>, vector<16xi32>,
      %shift_right_arithmetic3A_102 = arith.constant 7 : i32
      %shift_right_arithmetic3A_103 = vector.broadcast %shift_right_arithmetic3A_102 : i32 to vector<16xi32>
      %shift_right_arithmetic3A_104 = arith.shrsi %get3A_96, %shift_right_arithmetic3A_103 : vector<16xi32>
      %mul3A_105 = arith.constant 16 : i32
      %mul3A_106 = arith.muli %scan3A_92, %mul3A_105 : i32
      %swap3A_107 = arith.index_cast %mul3A_106 : i32 to index
      %swap3A_108 = tpu.vector_load %arg15[%swap3A_107] {strides = array<i32>} : memref<80xi32, #tpu.memory_space<vmem>>, vector<16xi32>,
      tpu.vector_store %arg15[%swap3A_107], %shift_right_arithmetic3A_104 {strides = array<i32>} : memref<80xi32, #tpu.memory_space<vmem>>, vector<16xi32>,
    }
    %scan3A_73 = arith.constant 5 : i32
    %scan3A_74 = arith.constant 0 : i32
    %scan3A_75 = arith.constant 0 : i32
    %scan3A_76 = arith.constant 80 : i32
    %scan3A_77 = arith.addi %scan3A_75, %scan3A_76 : i32
    %scan3A_78 = arith.constant 1 : i32
    scf.for %scan3A_92 = %scan3A_75 to %scan3A_77 step %scan3A_78  : i32 {
      %get3A_93 = arith.index_cast %scan3A_92 : i32 to index
      %get3A_94 = arith.constant 0 : index
      %get3A_95 = tpu.vector_load %arg20[%get3A_93, %get3A_94] {strides = array<i32>} : memref<80x128xf32, #tpu.memory_space<vmem>>, vector<16xf32>,
      %get3A_96 = arith.index_cast %scan3A_92 : i32 to index
      %get3A_97 = arith.constant 64 : index
      %get3A_98 = tpu.vector_load %arg21[%get3A_96, %get3A_97] {strides = array<i32>} : memref<80x128xf32, #tpu.memory_space<vmem>>, vector<16xf32>,
      %add3A_99 = arith.addf %get3A_95, %get3A_98 : vector<16xf32>
      %get3A_100 = arith.index_cast %scan3A_92 : i32 to index
      %get3A_101 = arith.constant 0 : index
      %get3A_102 = tpu.vector_load %arg24[%get3A_100, %get3A_101] {strides = array<i32>} : memref<80x64xf32, #tpu.memory_space<vmem>>, vector<16xf32>,
      %add3A_103 = arith.addf %add3A_99, %get3A_102 : vector<16xf32>
      %ge3A = arith.constant 0.000000e+00 : f32
      %ge3A_104 = vector.broadcast %ge3A : f32 to vector<16xf32>
      %ge3A_105 = arith.cmpf oge, %add3A_103, %ge3A_104 : vector<16xf32>
      %mul3A_106 = arith.constant 2.000000e-01 : f32
      %mul3A_107 = vector.broadcast %mul3A_106 : f32 to vector<16xf32>
      %mul3A_108 = arith.mulf %add3A_103, %mul3A_107 : vector<16xf32>
      %select_n3A = arith.select %ge3A_105, %add3A_103, %mul3A_108 : vector<16xi1>, vector<16xf32>
      %mul3A_109 = arith.mulf %select_n3A, %get3A_17 : vector<16xf32>
      %reduce_sum3A = arith.constant true
      %reduce_sum3A_110 = vector.broadcast %reduce_sum3A : i1 to vector<16xi1>
      %reduce_sum3A_111 = tpu.scan <sum>, %mul3A_109 masked %reduce_sum3A_110 : vector<16xf32>, vector<16xi1> -> vector<16xf32>
      %reduce_sum3A_112 = vector.extract %reduce_sum3A_111[15] : f32 from vector<16xf32>
      %add3A_113 = arith.constant 0.000000e+00 : f32
      %add3A_114 = arith.addf %add3A_113, %reduce_sum3A_112 : f32
      %get3A_115 = arith.index_cast %scan3A_92 : i32 to index
      %get3A_116 = arith.constant 16 : index
      %get3A_117 = tpu.vector_load %arg20[%get3A_115, %get3A_116] {strides = array<i32>} : memref<80x128xf32, #tpu.memory_space<vmem>>, vector<16xf32>,
      %get3A_118 = arith.index_cast %scan3A_92 : i32 to index
      %get3A_119 = arith.constant 80 : index
      %get3A_120 = tpu.vector_load %arg21[%get3A_118, %get3A_119] {strides = array<i32>} : memref<80x128xf32, #tpu.memory_space<vmem>>, vector<16xf32>,
      %add3A_121 = arith.addf %get3A_117, %get3A_120 : vector<16xf32>
      %get3A_122 = arith.index_cast %scan3A_92 : i32 to index
      %get3A_123 = arith.constant 16 : index
      %get3A_124 = tpu.vector_load %arg24[%get3A_122, %get3A_123] {strides = array<i32>} : memref<80x64xf32, #tpu.memory_space<vmem>>, vector<16xf32>,
      %add3A_125 = arith.addf %add3A_121, %get3A_124 : vector<16xf32>
      %ge3A_126 = arith.constant 0.000000e+00 : f32
      %ge3A_127 = vector.broadcast %ge3A_126 : f32 to vector<16xf32>
      %ge3A_128 = arith.cmpf oge, %add3A_125, %ge3A_127 : vector<16xf32>
      %mul3A_129 = arith.constant 2.000000e-01 : f32
      %mul3A_130 = vector.broadcast %mul3A_129 : f32 to vector<16xf32>
      %mul3A_131 = arith.mulf %add3A_125, %mul3A_130 : vector<16xf32>
      %select_n3A_132 = arith.select %ge3A_128, %add3A_125, %mul3A_131 : vector<16xi1>, vector<16xf32>
      %mul3A_133 = arith.mulf %select_n3A_132, %get3A_21 : vector<16xf32>
      %reduce_sum3A_134 = arith.constant true
      %reduce_sum3A_135 = vector.broadcast %reduce_sum3A_134 : i1 to vector<16xi1>
      %reduce_sum3A_136 = tpu.scan <sum>, %mul3A_133 masked %reduce_sum3A_135 : vector<16xf32>, vector<16xi1> -> vector<16xf32>
      %reduce_sum3A_137 = vector.extract %reduce_sum3A_136[15] : f32 from vector<16xf32>
      %add3A_138 = arith.addf %add3A_114, %reduce_sum3A_137 : f32
      %get3A_139 = arith.index_cast %scan3A_92 : i32 to index
      %get3A_140 = arith.constant 32 : index
      %get3A_141 = tpu.vector_load %arg20[%get3A_139, %get3A_140] {strides = array<i32>} : memref<80x128xf32, #tpu.memory_space<vmem>>, vector<16xf32>,
      %get3A_142 = arith.index_cast %scan3A_92 : i32 to index
      %get3A_143 = arith.constant 96 : index
      %get3A_144 = tpu.vector_load %arg21[%get3A_142, %get3A_143] {strides = array<i32>} : memref<80x128xf32, #tpu.memory_space<vmem>>, vector<16xf32>,
      %add3A_145 = arith.addf %get3A_141, %get3A_144 : vector<16xf32>
      %get3A_146 = arith.index_cast %scan3A_92 : i32 to index
      %get3A_147 = arith.constant 32 : index
      %get3A_148 = tpu.vector_load %arg24[%get3A_146, %get3A_147] {strides = array<i32>} : memref<80x64xf32, #tpu.memory_space<vmem>>, vector<16xf32>,
      %add3A_149 = arith.addf %add3A_145, %get3A_148 : vector<16xf32>
      %ge3A_150 = arith.constant 0.000000e+00 : f32
      %ge3A_151 = vector.broadcast %ge3A_150 : f32 to vector<16xf32>
      %ge3A_152 = arith.cmpf oge, %add3A_149, %ge3A_151 : vector<16xf32>
      %mul3A_153 = arith.constant 2.000000e-01 : f32
      %mul3A_154 = vector.broadcast %mul3A_153 : f32 to vector<16xf32>
      %mul3A_155 = arith.mulf %add3A_149, %mul3A_154 : vector<16xf32>
      %select_n3A_156 = arith.select %ge3A_152, %add3A_149, %mul3A_155 : vector<16xi1>, vector<16xf32>
      %mul3A_157 = arith.mulf %select_n3A_156, %get3A_25 : vector<16xf32>
      %reduce_sum3A_158 = arith.constant true
      %reduce_sum3A_159 = vector.broadcast %reduce_sum3A_158 : i1 to vector<16xi1>
      %reduce_sum3A_160 = tpu.scan <sum>, %mul3A_157 masked %reduce_sum3A_159 : vector<16xf32>, vector<16xi1> -> vector<16xf32>
      %reduce_sum3A_161 = vector.extract %reduce_sum3A_160[15] : f32 from vector<16xf32>
      %add3A_162 = arith.addf %add3A_138, %reduce_sum3A_161 : f32
      %get3A_163 = arith.index_cast %scan3A_92 : i32 to index
      %get3A_164 = arith.constant 48 : index
      %get3A_165 = tpu.vector_load %arg20[%get3A_163, %get3A_164] {strides = array<i32>} : memref<80x128xf32, #tpu.memory_space<vmem>>, vector<16xf32>,
      %get3A_166 = arith.index_cast %scan3A_92 : i32 to index
      %get3A_167 = arith.constant 112 : index
      %get3A_168 = tpu.vector_load %arg21[%get3A_166, %get3A_167] {strides = array<i32>} : memref<80x128xf32, #tpu.memory_space<vmem>>, vector<16xf32>,
      %add3A_169 = arith.addf %get3A_165, %get3A_168 : vector<16xf32>
      %get3A_170 = arith.index_cast %scan3A_92 : i32 to index
      %get3A_171 = arith.constant 48 : index
      %get3A_172 = tpu.vector_load %arg24[%get3A_170, %get3A_171] {strides = array<i32>} : memref<80x64xf32, #tpu.memory_space<vmem>>, vector<16xf32>,
      %add3A_173 = arith.addf %add3A_169, %get3A_172 : vector<16xf32>
      %ge3A_174 = arith.constant 0.000000e+00 : f32
      %ge3A_175 = vector.broadcast %ge3A_174 : f32 to vector<16xf32>
      %ge3A_176 = arith.cmpf oge, %add3A_173, %ge3A_175 : vector<16xf32>
      %mul3A_177 = arith.constant 2.000000e-01 : f32
      %mul3A_178 = vector.broadcast %mul3A_177 : f32 to vector<16xf32>
      %mul3A_179 = arith.mulf %add3A_173, %mul3A_178 : vector<16xf32>
      %select_n3A_180 = arith.select %ge3A_176, %add3A_173, %mul3A_179 : vector<16xi1>, vector<16xf32>
      %mul3A_181 = arith.mulf %select_n3A_180, %get3A_29 : vector<16xf32>
      %reduce_sum3A_182 = arith.constant true
      %reduce_sum3A_183 = vector.broadcast %reduce_sum3A_182 : i1 to vector<16xi1>
      %reduce_sum3A_184 = tpu.scan <sum>, %mul3A_181 masked %reduce_sum3A_183 : vector<16xf32>, vector<16xi1> -> vector<16xf32>
      %reduce_sum3A_185 = vector.extract %reduce_sum3A_184[15] : f32 from vector<16xf32>
      %add3A_186 = arith.addf %add3A_162, %reduce_sum3A_185 : f32
      %broadcast_in_dim3A_187 = vector.broadcast %add3A_186 : f32 to vector<16xf32>
      %exp3A = math.exp %broadcast_in_dim3A_187 : vector<16xf32>
      %broadcast_in_dim3A_188 = vector.broadcast %scan3A_92 : i32 to vector<16xi32>
      %gather3A = tpu.vector_load_idx %arg13[%broadcast_in_dim3A_188] : memref<80xi32, #tpu.memory_space<vmem>>[vector<16xi32>], vector<16xi32>,
      %and3A = arith.constant 1 : i32
      %and3A_189 = vector.broadcast %and3A : i32 to vector<16xi32>
      %and3A_190 = arith.andi %gather3A, %and3A_189 : vector<16xi32>
      %eq3A_191 = arith.constant 1 : i32
      %eq3A_192 = vector.broadcast %eq3A_191 : i32 to vector<16xi32>
      %eq3A_193 = arith.cmpi eq, %and3A_190, %eq3A_192 : vector<16xi32>
      %get3A_194 = arith.index_cast %scan3A_92 : i32 to index
      %get3A_195 = arith.constant 0 : index
      %get3A_196 = tpu.vector_load %arg20[%get3A_194, %get3A_195] {strides = array<i32>} : memref<80x128xf32, #tpu.memory_space<vmem>>, vector<16xf32>,
      %mul3A_197 = arith.mulf %get3A_196, %exp3A : vector<16xf32>
      %select_n3A_198 = arith.select %eq3A_193, %broadcast_in_dim3A_1, %mul3A_197 : vector<16xi1>, vector<16xf32>
      %swap3A = arith.index_cast %scan3A_92 : i32 to index
      %swap3A_199 = arith.constant 0 : index
      %swap3A_200 = tpu.vector_load %arg25[%swap3A, %swap3A_199] {strides = array<i32>} : memref<80x128xf32, #tpu.memory_space<vmem>>, vector<16xf32>,
      tpu.vector_store %arg25[%swap3A, %swap3A_199], %select_n3A_198 {strides = array<i32>} : memref<80x128xf32, #tpu.memory_space<vmem>>, vector<16xf32>,
      %select_n3A_201 = arith.select %eq3A_193, %mul3A_197, %broadcast_in_dim3A_1 : vector<16xi1>, vector<16xf32>
      %swap3A_202 = arith.index_cast %scan3A_92 : i32 to index
      %swap3A_203 = arith.constant 64 : index
      %swap3A_204 = tpu.vector_load %arg25[%swap3A_202, %swap3A_203] {strides = array<i32>} : memref<80x128xf32, #tpu.memory_space<vmem>>, vector<16xf32>,
      tpu.vector_store %arg25[%swap3A_202, %swap3A_203], %select_n3A_201 {strides = array<i32>} : memref<80x128xf32, #tpu.memory_space<vmem>>, vector<16xf32>,
      %get3A_205 = arith.index_cast %scan3A_92 : i32 to index
      %get3A_206 = arith.constant 16 : index
      %get3A_207 = tpu.vector_load %arg20[%get3A_205, %get3A_206] {strides = array<i32>} : memref<80x128xf32, #tpu.memory_space<vmem>>, vector<16xf32>,
      %mul3A_208 = arith.mulf %get3A_207, %exp3A : vector<16xf32>
      %select_n3A_209 = arith.select %eq3A_193, %broadcast_in_dim3A_1, %mul3A_208 : vector<16xi1>, vector<16xf32>
      %swap3A_210 = arith.index_cast %scan3A_92 : i32 to index
      %swap3A_211 = arith.constant 16 : index
      %swap3A_212 = tpu.vector_load %arg25[%swap3A_210, %swap3A_211] {strides = array<i32>} : memref<80x128xf32, #tpu.memory_space<vmem>>, vector<16xf32>,
      tpu.vector_store %arg25[%swap3A_210, %swap3A_211], %select_n3A_209 {strides = array<i32>} : memref<80x128xf32, #tpu.memory_space<vmem>>, vector<16xf32>,
      %select_n3A_213 = arith.select %eq3A_193, %mul3A_208, %broadcast_in_dim3A_1 : vector<16xi1>, vector<16xf32>
      %swap3A_214 = arith.index_cast %scan3A_92 : i32 to index
      %swap3A_215 = arith.constant 80 : index
      %swap3A_216 = tpu.vector_load %arg25[%swap3A_214, %swap3A_215] {strides = array<i32>} : memref<80x128xf32, #tpu.memory_space<vmem>>, vector<16xf32>,
      tpu.vector_store %arg25[%swap3A_214, %swap3A_215], %select_n3A_213 {strides = array<i32>} : memref<80x128xf32, #tpu.memory_space<vmem>>, vector<16xf32>,
      %get3A_217 = arith.index_cast %scan3A_92 : i32 to index
      %get3A_218 = arith.constant 32 : index
      %get3A_219 = tpu.vector_load %arg20[%get3A_217, %get3A_218] {strides = array<i32>} : memref<80x128xf32, #tpu.memory_space<vmem>>, vector<16xf32>,
      %mul3A_220 = arith.mulf %get3A_219, %exp3A : vector<16xf32>
      %select_n3A_221 = arith.select %eq3A_193, %broadcast_in_dim3A_1, %mul3A_220 : vector<16xi1>, vector<16xf32>
      %swap3A_222 = arith.index_cast %scan3A_92 : i32 to index
      %swap3A_223 = arith.constant 32 : index
      %swap3A_224 = tpu.vector_load %arg25[%swap3A_222, %swap3A_223] {strides = array<i32>} : memref<80x128xf32, #tpu.memory_space<vmem>>, vector<16xf32>,
      tpu.vector_store %arg25[%swap3A_222, %swap3A_223], %select_n3A_221 {strides = array<i32>} : memref<80x128xf32, #tpu.memory_space<vmem>>, vector<16xf32>,
      %select_n3A_225 = arith.select %eq3A_193, %mul3A_220, %broadcast_in_dim3A_1 : vector<16xi1>, vector<16xf32>
      %swap3A_226 = arith.index_cast %scan3A_92 : i32 to index
      %swap3A_227 = arith.constant 96 : index
      %swap3A_228 = tpu.vector_load %arg25[%swap3A_226, %swap3A_227] {strides = array<i32>} : memref<80x128xf32, #tpu.memory_space<vmem>>, vector<16xf32>,
      tpu.vector_store %arg25[%swap3A_226, %swap3A_227], %select_n3A_225 {strides = array<i32>} : memref<80x128xf32, #tpu.memory_space<vmem>>, vector<16xf32>,
      %get3A_229 = arith.index_cast %scan3A_92 : i32 to index
      %get3A_230 = arith.constant 48 : index
      %get3A_231 = tpu.vector_load %arg20[%get3A_229, %get3A_230] {strides = array<i32>} : memref<80x128xf32, #tpu.memory_space<vmem>>, vector<16xf32>,
      %mul3A_232 = arith.mulf %get3A_231, %exp3A : vector<16xf32>
      %select_n3A_233 = arith.select %eq3A_193, %broadcast_in_dim3A_1, %mul3A_232 : vector<16xi1>, vector<16xf32>
      %swap3A_234 = arith.index_cast %scan3A_92 : i32 to index
      %swap3A_235 = arith.constant 48 : index
      %swap3A_236 = tpu.vector_load %arg25[%swap3A_234, %swap3A_235] {strides = array<i32>} : memref<80x128xf32, #tpu.memory_space<vmem>>, vector<16xf32>,
      tpu.vector_store %arg25[%swap3A_234, %swap3A_235], %select_n3A_233 {strides = array<i32>} : memref<80x128xf32, #tpu.memory_space<vmem>>, vector<16xf32>,
      %select_n3A_237 = arith.select %eq3A_193, %mul3A_232, %broadcast_in_dim3A_1 : vector<16xi1>, vector<16xf32>
      %swap3A_238 = arith.index_cast %scan3A_92 : i32 to index
      %swap3A_239 = arith.constant 112 : index
      %swap3A_240 = tpu.vector_load %arg25[%swap3A_238, %swap3A_239] {strides = array<i32>} : memref<80x128xf32, #tpu.memory_space<vmem>>, vector<16xf32>,
      tpu.vector_store %arg25[%swap3A_238, %swap3A_239], %select_n3A_237 {strides = array<i32>} : memref<80x128xf32, #tpu.memory_space<vmem>>, vector<16xf32>,
      %iota3A = tpu.iota {dimensions = array<i32: 0>} : vector<16xi32>
      %and3A_241 = arith.constant 127 : i32
      %and3A_242 = vector.broadcast %and3A_241 : i32 to vector<16xi32>
      %and3A_243 = arith.andi %gather3A, %and3A_242 : vector<16xi32>
      %sub3A = arith.constant 0 : i32
      %sub3A_244 = vector.broadcast %sub3A : i32 to vector<16xi32>
      %sub3A_245 = arith.subi %and3A_243, %sub3A_244 : vector<16xi32>
      %eq3A_246 = arith.cmpi eq, %iota3A, %sub3A_245 : vector<16xi32>
      %select_n3A_247 = arith.select %eq3A_246, %exp3A, %broadcast_in_dim3A_1 : vector<16xi1>, vector<16xf32>
      %swap3A_248 = arith.index_cast %scan3A_92 : i32 to index
      %swap3A_249 = arith.constant 0 : index
      %swap3A_250 = tpu.vector_load %arg26[%swap3A_248, %swap3A_249] {strides = array<i32>} : memref<80x128xf32, #tpu.memory_space<vmem>>, vector<16xf32>,
      tpu.vector_store %arg26[%swap3A_248, %swap3A_249], %select_n3A_247 {strides = array<i32>} : memref<80x128xf32, #tpu.memory_space<vmem>>, vector<16xf32>,
      %sub3A_251 = arith.constant 16 : i32
      %sub3A_252 = vector.broadcast %sub3A_251 : i32 to vector<16xi32>
      %sub3A_253 = arith.subi %and3A_243, %sub3A_252 : vector<16xi32>
      %eq3A_254 = arith.cmpi eq, %iota3A, %sub3A_253 : vector<16xi32>
      %select_n3A_255 = arith.select %eq3A_254, %exp3A, %broadcast_in_dim3A_1 : vector<16xi1>, vector<16xf32>
      %swap3A_256 = arith.index_cast %scan3A_92 : i32 to index
      %swap3A_257 = arith.constant 16 : index
      %swap3A_258 = tpu.vector_load %arg26[%swap3A_256, %swap3A_257] {strides = array<i32>} : memref<80x128xf32, #tpu.memory_space<vmem>>, vector<16xf32>,
      tpu.vector_store %arg26[%swap3A_256, %swap3A_257], %select_n3A_255 {strides = array<i32>} : memref<80x128xf32, #tpu.memory_space<vmem>>, vector<16xf32>,
      %sub3A_259 = arith.constant 32 : i32
      %sub3A_260 = vector.broadcast %sub3A_259 : i32 to vector<16xi32>
      %sub3A_261 = arith.subi %and3A_243, %sub3A_260 : vector<16xi32>
      %eq3A_262 = arith.cmpi eq, %iota3A, %sub3A_261 : vector<16xi32>
      %select_n3A_263 = arith.select %eq3A_262, %exp3A, %broadcast_in_dim3A_1 : vector<16xi1>, vector<16xf32>
      %swap3A_264 = arith.index_cast %scan3A_92 : i32 to index
      %swap3A_265 = arith.constant 32 : index
      %swap3A_266 = tpu.vector_load %arg26[%swap3A_264, %swap3A_265] {strides = array<i32>} : memref<80x128xf32, #tpu.memory_space<vmem>>, vector<16xf32>,
      tpu.vector_store %arg26[%swap3A_264, %swap3A_265], %select_n3A_263 {strides = array<i32>} : memref<80x128xf32, #tpu.memory_space<vmem>>, vector<16xf32>,
      %sub3A_267 = arith.constant 48 : i32
      %sub3A_268 = vector.broadcast %sub3A_267 : i32 to vector<16xi32>
      %sub3A_269 = arith.subi %and3A_243, %sub3A_268 : vector<16xi32>
      %eq3A_270 = arith.cmpi eq, %iota3A, %sub3A_269 : vector<16xi32>
      %select_n3A_271 = arith.select %eq3A_270, %exp3A, %broadcast_in_dim3A_1 : vector<16xi1>, vector<16xf32>
      %swap3A_272 = arith.index_cast %scan3A_92 : i32 to index
      %swap3A_273 = arith.constant 48 : index
      %swap3A_274 = tpu.vector_load %arg26[%swap3A_272, %swap3A_273] {strides = array<i32>} : memref<80x128xf32, #tpu.memory_space<vmem>>, vector<16xf32>,
      tpu.vector_store %arg26[%swap3A_272, %swap3A_273], %select_n3A_271 {strides = array<i32>} : memref<80x128xf32, #tpu.memory_space<vmem>>, vector<16xf32>,
      %sub3A_275 = arith.constant 64 : i32
      %sub3A_276 = vector.broadcast %sub3A_275 : i32 to vector<16xi32>
      %sub3A_277 = arith.subi %and3A_243, %sub3A_276 : vector<16xi32>
      %eq3A_278 = arith.cmpi eq, %iota3A, %sub3A_277 : vector<16xi32>
      %select_n3A_279 = arith.select %eq3A_278, %exp3A, %broadcast_in_dim3A_1 : vector<16xi1>, vector<16xf32>
      %swap3A_280 = arith.index_cast %scan3A_92 : i32 to index
      %swap3A_281 = arith.constant 64 : index
      %swap3A_282 = tpu.vector_load %arg26[%swap3A_280, %swap3A_281] {strides = array<i32>} : memref<80x128xf32, #tpu.memory_space<vmem>>, vector<16xf32>,
      tpu.vector_store %arg26[%swap3A_280, %swap3A_281], %select_n3A_279 {strides = array<i32>} : memref<80x128xf32, #tpu.memory_space<vmem>>, vector<16xf32>,
      %sub3A_283 = arith.constant 80 : i32
      %sub3A_284 = vector.broadcast %sub3A_283 : i32 to vector<16xi32>
      %sub3A_285 = arith.subi %and3A_243, %sub3A_284 : vector<16xi32>
      %eq3A_286 = arith.cmpi eq, %iota3A, %sub3A_285 : vector<16xi32>
      %select_n3A_287 = arith.select %eq3A_286, %exp3A, %broadcast_in_dim3A_1 : vector<16xi1>, vector<16xf32>
      %swap3A_288 = arith.index_cast %scan3A_92 : i32 to index
      %swap3A_289 = arith.constant 80 : index
      %swap3A_290 = tpu.vector_load %arg26[%swap3A_288, %swap3A_289] {strides = array<i32>} : memref<80x128xf32, #tpu.memory_space<vmem>>, vector<16xf32>,
      tpu.vector_store %arg26[%swap3A_288, %swap3A_289], %select_n3A_287 {strides = array<i32>} : memref<80x128xf32, #tpu.memory_space<vmem>>, vector<16xf32>,
      %sub3A_291 = arith.constant 96 : i32
      %sub3A_292 = vector.broadcast %sub3A_291 : i32 to vector<16xi32>
      %sub3A_293 = arith.subi %and3A_243, %sub3A_292 : vector<16xi32>
      %eq3A_294 = arith.cmpi eq, %iota3A, %sub3A_293 : vector<16xi32>
      %select_n3A_295 = arith.select %eq3A_294, %exp3A, %broadcast_in_dim3A_1 : vector<16xi1>, vector<16xf32>
      %swap3A_296 = arith.index_cast %scan3A_92 : i32 to index
      %swap3A_297 = arith.constant 96 : index
      %swap3A_298 = tpu.vector_load %arg26[%swap3A_296, %swap3A_297] {strides = array<i32>} : memref<80x128xf32, #tpu.memory_space<vmem>>, vector<16xf32>,
      tpu.vector_store %arg26[%swap3A_296, %swap3A_297], %select_n3A_295 {strides = array<i32>} : memref<80x128xf32, #tpu.memory_space<vmem>>, vector<16xf32>,
      %sub3A_299 = arith.constant 112 : i32
      %sub3A_300 = vector.broadcast %sub3A_299 : i32 to vector<16xi32>
      %sub3A_301 = arith.subi %and3A_243, %sub3A_300 : vector<16xi32>
      %eq3A_302 = arith.cmpi eq, %iota3A, %sub3A_301 : vector<16xi32>
      %select_n3A_303 = arith.select %eq3A_302, %exp3A, %broadcast_in_dim3A_1 : vector<16xi1>, vector<16xf32>
      %swap3A_304 = arith.index_cast %scan3A_92 : i32 to index
      %swap3A_305 = arith.constant 112 : index
      %swap3A_306 = tpu.vector_load %arg26[%swap3A_304, %swap3A_305] {strides = array<i32>} : memref<80x128xf32, #tpu.memory_space<vmem>>, vector<16xf32>,
      tpu.vector_store %arg26[%swap3A_304, %swap3A_305], %select_n3A_303 {strides = array<i32>} : memref<80x128xf32, #tpu.memory_space<vmem>>, vector<16xf32>,
    }
    %scan3A_79 = arith.constant 80 : i32
    "tpu.region"() ({
      %run_scoped3A = tpu.sem_alloc : memref<!tpu.dma_semaphore, #tpu.memory_space<semaphore_mem>>
      %dma_start3A_92 = arith.constant 0 : i32
      %dma_start3A_93 = arith.constant 0 : i32
      %dma_start3A_94 = tpu.memref_slice %arg10[%dma_start3A_92, %dma_start3A_93] : memref<5120x128xf32, #tpu.memory_space<vmem_shared>> -> memref<5120x128xf32, #tpu.memory_space<vmem_shared>>
      tpu.enqueue_indirect_dma source(%arg25 : memref<80x128xf32, #tpu.memory_space<vmem>>) target(%dma_start3A_94 : memref<5120x128xf32, #tpu.memory_space<vmem_shared>>) offsets(%arg14 : memref<80xi32, #tpu.memory_space<vmem>>) semaphore(%run_scoped3A : memref<!tpu.dma_semaphore, #tpu.memory_space<semaphore_mem>>) {add = true}
      %dma_wait3A_95 = arith.constant 0 : i32
      %dma_wait3A_96 = arith.constant 0 : i32
      %dma_wait3A_97 = tpu.memref_slice %arg10[%dma_wait3A_95, %dma_wait3A_96] : memref<5120x128xf32, #tpu.memory_space<vmem_shared>> -> memref<5120x128xf32, #tpu.memory_space<vmem_shared>>
      tpu.wait_indirect_dma semaphore(%run_scoped3A : memref<!tpu.dma_semaphore, #tpu.memory_space<semaphore_mem>>) src(%arg25 : memref<80x128xf32, #tpu.memory_space<vmem>>) dst(%dma_wait3A_97 : memref<5120x128xf32, #tpu.memory_space<vmem_shared>>)
      tpu.yield
    }) : () -> ()
    "tpu.region"() ({
      %run_scoped3A = tpu.sem_alloc : memref<!tpu.dma_semaphore, #tpu.memory_space<semaphore_mem>>
      %dma_start3A_92 = arith.constant 0 : i32
      %dma_start3A_93 = arith.constant 0 : i32
      %dma_start3A_94 = tpu.memref_slice %arg11[%dma_start3A_92, %dma_start3A_93] : memref<80x128xf32, #tpu.memory_space<vmem_shared>> -> memref<80x128xf32, #tpu.memory_space<vmem_shared>>
      tpu.enqueue_indirect_dma source(%arg26 : memref<80x128xf32, #tpu.memory_space<vmem>>) target(%dma_start3A_94 : memref<80x128xf32, #tpu.memory_space<vmem_shared>>) offsets(%arg15 : memref<80xi32, #tpu.memory_space<vmem>>) semaphore(%run_scoped3A : memref<!tpu.dma_semaphore, #tpu.memory_space<semaphore_mem>>) {add = true}
      %dma_wait3A_95 = arith.constant 0 : i32
      %dma_wait3A_96 = arith.constant 0 : i32
      %dma_wait3A_97 = tpu.memref_slice %arg11[%dma_wait3A_95, %dma_wait3A_96] : memref<80x128xf32, #tpu.memory_space<vmem_shared>> -> memref<80x128xf32, #tpu.memory_space<vmem_shared>>
      tpu.wait_indirect_dma semaphore(%run_scoped3A : memref<!tpu.dma_semaphore, #tpu.memory_space<semaphore_mem>>) src(%arg26 : memref<80x128xf32, #tpu.memory_space<vmem>>) dst(%dma_wait3A_97 : memref<80x128xf32, #tpu.memory_space<vmem_shared>>)
      tpu.yield
    }) : () -> ()
    %barrier3A_80 = arith.constant 0 : index
    tpu.barrier barrier_id(%barrier3A_80)
    %scan3A_81 = arith.constant 0 : i32
    %scan3A_82 = arith.constant 0 : i32
    %scan3A_83 = arith.constant 4 : i32
    %scan3A_84 = arith.addi %scan3A_82, %scan3A_83 : i32
    %scan3A_85 = arith.constant 1 : i32
    scf.for %scan3A_92 = %scan3A_82 to %scan3A_84 step %scan3A_85  : i32 {
      %mul3A_93 = arith.constant 320 : i32
      %mul3A_94 = arith.muli %arg1, %mul3A_93 : i32
      %mul3A_95 = arith.constant 80 : i32
      %mul3A_96 = arith.muli %scan3A_92, %mul3A_95 : i32
      %add3A_97 = arith.addi %mul3A_94, %mul3A_96 : i32
      "tpu.region"() ({
        %run_scoped3A = tpu.sem_alloc : memref<!tpu.dma_semaphore, #tpu.memory_space<semaphore_mem>>
        %dma_start3A_106 = arith.constant 0 : i32
        %dma_start3A_107 = tpu.memref_slice %arg10[%add3A_97, %dma_start3A_106] : memref<5120x128xf32, #tpu.memory_space<vmem_shared>> -> memref<80x128xf32, #tpu.memory_space<vmem_shared>>
        %dma_start3A_108 = arith.constant 0 : i32
        %dma_start3A_109 = tpu.memref_slice %arg10[%add3A_97, %dma_start3A_108] : memref<5120x128xf32, #tpu.memory_space<vmem_shared>> -> memref<80x128xf32, #tpu.memory_space<vmem_shared>>
        tpu.enqueue_dma source(%dma_start3A_109 : memref<80x128xf32, #tpu.memory_space<vmem_shared>>) target(%arg25 : memref<80x128xf32, #tpu.memory_space<vmem>>) target_semaphore(%run_scoped3A : memref<!tpu.dma_semaphore, #tpu.memory_space<semaphore_mem>>)
        %dma_wait3A_110 = arith.constant 0 : i32
        %dma_wait3A_111 = tpu.memref_slice %arg10[%add3A_97, %dma_wait3A_110] : memref<5120x128xf32, #tpu.memory_space<vmem_shared>> -> memref<80x128xf32, #tpu.memory_space<vmem_shared>>
        %dma_wait3A_112 = arith.constant 0 : i32
        %dma_wait3A_113 = tpu.memref_slice %arg10[%add3A_97, %dma_wait3A_112] : memref<5120x128xf32, #tpu.memory_space<vmem_shared>> -> memref<80x128xf32, #tpu.memory_space<vmem_shared>>
        tpu.wait_dma2 semaphore(%run_scoped3A : memref<!tpu.dma_semaphore, #tpu.memory_space<semaphore_mem>>) src(%dma_wait3A_113 : memref<80x128xf32, #tpu.memory_space<vmem_shared>>) dst(%arg25 : memref<80x128xf32, #tpu.memory_space<vmem>>)
        tpu.yield
      }) : () -> ()
      %mul3A_98 = arith.constant 5120 : i32
      %mul3A_99 = arith.muli %arg0, %mul3A_98 : i32
      %mul3A_100 = arith.constant 320 : i32
      %mul3A_101 = arith.muli %arg1, %mul3A_100 : i32
      %add3A_102 = arith.addi %mul3A_99, %mul3A_101 : i32
      %mul3A_103 = arith.constant 80 : i32
      %mul3A_104 = arith.muli %scan3A_92, %mul3A_103 : i32
      %add3A_105 = arith.addi %add3A_102, %mul3A_104 : i32
      "tpu.region"() ({
        %run_scoped3A = tpu.sem_alloc : memref<!tpu.dma_semaphore, #tpu.memory_space<semaphore_mem>>
        %dma_start3A_106 = arith.constant 0 : i32
        %dma_start3A_107 = tpu.memref_slice %arg8[%add3A_105, %dma_start3A_106] : memref<10240x128xf32, #tpu.memory_space<hbm>> -> memref<80x128xf32, #tpu.memory_space<hbm>>
        %dma_start3A_108 = arith.constant 0 : i32
        %dma_start3A_109 = tpu.memref_slice %arg8[%add3A_105, %dma_start3A_108] : memref<10240x128xf32, #tpu.memory_space<hbm>> -> memref<80x128xf32, #tpu.memory_space<hbm>>
        tpu.enqueue_dma source(%arg25 : memref<80x128xf32, #tpu.memory_space<vmem>>) target(%dma_start3A_109 : memref<80x128xf32, #tpu.memory_space<hbm>>) target_semaphore(%run_scoped3A : memref<!tpu.dma_semaphore, #tpu.memory_space<semaphore_mem>>)
        %dma_wait3A_110 = arith.constant 0 : i32
        %dma_wait3A_111 = tpu.memref_slice %arg8[%add3A_105, %dma_wait3A_110] : memref<10240x128xf32, #tpu.memory_space<hbm>> -> memref<80x128xf32, #tpu.memory_space<hbm>>
        %dma_wait3A_112 = arith.constant 0 : i32
        %dma_wait3A_113 = tpu.memref_slice %arg8[%add3A_105, %dma_wait3A_112] : memref<10240x128xf32, #tpu.memory_space<hbm>> -> memref<80x128xf32, #tpu.memory_space<hbm>>
        tpu.wait_dma2 semaphore(%run_scoped3A : memref<!tpu.dma_semaphore, #tpu.memory_space<semaphore_mem>>) src(%arg25 : memref<80x128xf32, #tpu.memory_space<vmem>>) dst(%dma_wait3A_113 : memref<80x128xf32, #tpu.memory_space<hbm>>)
        tpu.yield
      }) : () -> ()
    }
    %scan3A_86 = arith.constant 4 : i32
    %eq3A_87 = arith.constant 0 : i32
    %eq3A_88 = arith.cmpi eq, %arg1, %eq3A_87 : i32
    %convert_element_type3A_89 = arith.extui %eq3A_88 : i1 to i32
    %cond3A_90 = arith.constant 0 : i32
    %cond3A_91 = arith.cmpi ne, %convert_element_type3A_89, %cond3A_90 : i32
    scf.if %cond3A_91 {
      "tpu.region"() ({
        %run_scoped3A = tpu.sem_alloc : memref<!tpu.dma_semaphore, #tpu.memory_space<semaphore_mem>>
        %dma_start3A_94 = arith.constant 0 : i32
        %dma_start3A_95 = arith.constant 0 : i32
        %dma_start3A_96 = tpu.memref_slice %arg26[%dma_start3A_94, %dma_start3A_95] : memref<80x128xf32, #tpu.memory_space<vmem>> -> memref<80x128xf32, #tpu.memory_space<vmem>>
        %dma_start3A_97 = arith.constant 0 : i32
        %dma_start3A_98 = arith.constant 0 : i32
        %dma_start3A_99 = tpu.memref_slice %arg26[%dma_start3A_97, %dma_start3A_98] : memref<80x128xf32, #tpu.memory_space<vmem>> -> memref<80x128xf32, #tpu.memory_space<vmem>>
        tpu.enqueue_dma source(%arg11 : memref<80x128xf32, #tpu.memory_space<vmem_shared>>) target(%dma_start3A_99 : memref<80x128xf32, #tpu.memory_space<vmem>>) target_semaphore(%run_scoped3A : memref<!tpu.dma_semaphore, #tpu.memory_space<semaphore_mem>>)
        %dma_wait3A_100 = arith.constant 0 : i32
        %dma_wait3A_101 = arith.constant 0 : i32
        %dma_wait3A_102 = tpu.memref_slice %arg26[%dma_wait3A_100, %dma_wait3A_101] : memref<80x128xf32, #tpu.memory_space<vmem>> -> memref<80x128xf32, #tpu.memory_space<vmem>>
        %dma_wait3A_103 = arith.constant 0 : i32
        %dma_wait3A_104 = arith.constant 0 : i32
        %dma_wait3A_105 = tpu.memref_slice %arg26[%dma_wait3A_103, %dma_wait3A_104] : memref<80x128xf32, #tpu.memory_space<vmem>> -> memref<80x128xf32, #tpu.memory_space<vmem>>
        tpu.wait_dma2 semaphore(%run_scoped3A : memref<!tpu.dma_semaphore, #tpu.memory_space<semaphore_mem>>) src(%arg11 : memref<80x128xf32, #tpu.memory_space<vmem_shared>>) dst(%dma_wait3A_105 : memref<80x128xf32, #tpu.memory_space<vmem>>)
        tpu.yield
      }) : () -> ()
      %mul3A_92 = arith.constant 80 : i32
      %mul3A_93 = arith.muli %arg0, %mul3A_92 : i32
      "tpu.region"() ({
        %run_scoped3A = tpu.sem_alloc : memref<!tpu.dma_semaphore, #tpu.memory_space<semaphore_mem>>
        %dma_start3A_94 = arith.constant 0 : i32
        %dma_start3A_95 = arith.constant 0 : i32
        %dma_start3A_96 = tpu.memref_slice %arg26[%dma_start3A_94, %dma_start3A_95] : memref<80x128xf32, #tpu.memory_space<vmem>> -> memref<80x128xf32, #tpu.memory_space<vmem>>
        %dma_start3A_97 = arith.constant 0 : i32
        %dma_start3A_98 = tpu.memref_slice %arg9[%mul3A_93, %dma_start3A_97] : memref<160x128xf32, #tpu.memory_space<hbm>> -> memref<80x128xf32, #tpu.memory_space<hbm>>
        %dma_start3A_99 = arith.constant 0 : i32
        %dma_start3A_100 = tpu.memref_slice %arg9[%mul3A_93, %dma_start3A_99] : memref<160x128xf32, #tpu.memory_space<hbm>> -> memref<80x128xf32, #tpu.memory_space<hbm>>
        %dma_start3A_101 = arith.constant 0 : i32
        %dma_start3A_102 = arith.constant 0 : i32
        %dma_start3A_103 = tpu.memref_slice %arg26[%dma_start3A_101, %dma_start3A_102] : memref<80x128xf32, #tpu.memory_space<vmem>> -> memref<80x128xf32, #tpu.memory_space<vmem>>
        tpu.enqueue_dma source(%dma_start3A_103 : memref<80x128xf32, #tpu.memory_space<vmem>>) target(%dma_start3A_100 : memref<80x128xf32, #tpu.memory_space<hbm>>) target_semaphore(%run_scoped3A : memref<!tpu.dma_semaphore, #tpu.memory_space<semaphore_mem>>)
        %dma_wait3A_104 = arith.constant 0 : i32
        %dma_wait3A_105 = arith.constant 0 : i32
        %dma_wait3A_106 = tpu.memref_slice %arg26[%dma_wait3A_104, %dma_wait3A_105] : memref<80x128xf32, #tpu.memory_space<vmem>> -> memref<80x128xf32, #tpu.memory_space<vmem>>
        %dma_wait3A_107 = arith.constant 0 : i32
        %dma_wait3A_108 = tpu.memref_slice %arg9[%mul3A_93, %dma_wait3A_107] : memref<160x128xf32, #tpu.memory_space<hbm>> -> memref<80x128xf32, #tpu.memory_space<hbm>>
        %dma_wait3A_109 = arith.constant 0 : i32
        %dma_wait3A_110 = tpu.memref_slice %arg9[%mul3A_93, %dma_wait3A_109] : memref<160x128xf32, #tpu.memory_space<hbm>> -> memref<80x128xf32, #tpu.memory_space<hbm>>
        %dma_wait3A_111 = arith.constant 0 : i32
        %dma_wait3A_112 = arith.constant 0 : i32
        %dma_wait3A_113 = tpu.memref_slice %arg26[%dma_wait3A_111, %dma_wait3A_112] : memref<80x128xf32, #tpu.memory_space<vmem>> -> memref<80x128xf32, #tpu.memory_space<vmem>>
        tpu.wait_dma2 semaphore(%run_scoped3A : memref<!tpu.dma_semaphore, #tpu.memory_space<semaphore_mem>>) src(%dma_wait3A_113 : memref<80x128xf32, #tpu.memory_space<vmem>>) dst(%dma_wait3A_110 : memref<80x128xf32, #tpu.memory_space<hbm>>)
        tpu.yield
      }) : () -> ()
    } else {
    }
    return
  }
}

#map = affine_map<(d0, d1) -> (0, 0)>
#map1 = affine_map<(d0, d1) -> (0)>
module attributes {stable_mosaic.version = 14 : i64} {
  func.func @_sc_edge1_body(%arg0: i32, %arg1: i32, %arg2: memref<10000x128xf32, #tpu.memory_space<hbm>>, %arg3: memref<10000x128xf32, #tpu.memory_space<hbm>>, %arg4: memref<320000x128xf32, #tpu.memory_space<hbm>>, %arg5: memref<320000xi32, #tpu.memory_space<hbm>>, %arg6: memref<320000xi32, #tpu.memory_space<hbm>>, %arg7: memref<16x16xf32, #tpu.memory_space<hbm>>, %arg8: memref<20480x128xf32, #tpu.memory_space<hbm>>, %arg9: memref<2560x128xf32, #tpu.memory_space<hbm>>, %arg10: memref<10240x128xf32, #tpu.memory_space<vmem_shared>>, %arg11: memref<1280x128xf32, #tpu.memory_space<vmem_shared>>, %arg12: memref<40xi32, #tpu.memory_space<vmem>>, %arg13: memref<40xi32, #tpu.memory_space<vmem>>, %arg14: memref<40xi32, #tpu.memory_space<vmem>>, %arg15: memref<40xi32, #tpu.memory_space<vmem>>, %arg16: memref<40xi32, #tpu.memory_space<vmem>>, %arg17: memref<40xi32, #tpu.memory_space<vmem>>, %arg18: memref<40x128xf32, #tpu.memory_space<vmem>>, %arg19: memref<40x128xf32, #tpu.memory_space<vmem>>, %arg20: memref<40x128xf32, #tpu.memory_space<vmem>>, %arg21: memref<40x128xf32, #tpu.memory_space<vmem>>, %arg22: memref<40x128xf32, #tpu.memory_space<vmem>>, %arg23: memref<40x128xf32, #tpu.memory_space<vmem>>, %arg24: memref<40x128xf32, #tpu.memory_space<vmem>>, %arg25: memref<16x16xf32, #tpu.memory_space<vmem>>, %arg26: memref<!tpu.dma_semaphore, #tpu.memory_space<semaphore_mem>>, %arg27: memref<!tpu.dma_semaphore, #tpu.memory_space<semaphore_mem>>, %arg28: memref<!tpu.dma_semaphore, #tpu.memory_space<semaphore_mem>>, %arg29: memref<!tpu.dma_semaphore, #tpu.memory_space<semaphore_mem>>, %arg30: memref<!tpu.dma_semaphore, #tpu.memory_space<semaphore_mem>>, %arg31: memref<!tpu.dma_semaphore, #tpu.memory_space<semaphore_mem>>, %arg32: memref<!tpu.dma_semaphore, #tpu.memory_space<semaphore_mem>>) attributes {dimension_semantics = [#tpu.dimension_semantics<core_parallel>, #tpu.dimension_semantics<subcore_parallel>], iteration_bounds = array<i64: 2, 16>, scalar_prefetch = 0 : i64, scratch_operands = 23 : i64, tpu.core_type = #tpu.core_type<sc_vector_subcore>, window_params = [{transform_indices = #map}, {transform_indices = #map}, {transform_indices = #map}, {transform_indices = #map1}, {transform_indices = #map1}, {transform_indices = #map}, {transform_indices = #map}, {transform_indices = #map}]} {
    %mul3A = arith.constant 2 : i32
    %mul3A_0 = arith.muli %arg1, %mul3A : i32
    %add3A = arith.addi %mul3A_0, %arg0 : i32
    %broadcast_in_dim3A = arith.constant 0.000000e+00 : f32
    %broadcast_in_dim3A_1 = vector.broadcast %broadcast_in_dim3A : f32 to vector<16xf32>
    %scan3A = arith.constant 0 : i32
    %scan3A_2 = arith.constant 0 : i32
    %scan3A_3 = arith.constant 40 : i32
    %scan3A_4 = arith.addi %scan3A_2, %scan3A_3 : i32
    %scan3A_5 = arith.constant 1 : i32
    scf.for %scan3A_115 = %scan3A_2 to %scan3A_4 step %scan3A_5  : i32 {
      %swap3A = arith.index_cast %scan3A_115 : i32 to index
      %swap3A_116 = arith.constant 0 : index
      %swap3A_117 = tpu.vector_load %arg23[%swap3A, %swap3A_116] {strides = array<i32>} : memref<40x128xf32, #tpu.memory_space<vmem>>, vector<16xf32>,
      tpu.vector_store %arg23[%swap3A, %swap3A_116], %broadcast_in_dim3A_1 {strides = array<i32>} : memref<40x128xf32, #tpu.memory_space<vmem>>, vector<16xf32>,
      %swap3A_118 = arith.index_cast %scan3A_115 : i32 to index
      %swap3A_119 = arith.constant 0 : index
      %swap3A_120 = tpu.vector_load %arg24[%swap3A_118, %swap3A_119] {strides = array<i32>} : memref<40x128xf32, #tpu.memory_space<vmem>>, vector<16xf32>,
      tpu.vector_store %arg24[%swap3A_118, %swap3A_119], %broadcast_in_dim3A_1 {strides = array<i32>} : memref<40x128xf32, #tpu.memory_space<vmem>>, vector<16xf32>,
      %swap3A_121 = arith.index_cast %scan3A_115 : i32 to index
      %swap3A_122 = arith.constant 16 : index
      %swap3A_123 = tpu.vector_load %arg23[%swap3A_121, %swap3A_122] {strides = array<i32>} : memref<40x128xf32, #tpu.memory_space<vmem>>, vector<16xf32>,
      tpu.vector_store %arg23[%swap3A_121, %swap3A_122], %broadcast_in_dim3A_1 {strides = array<i32>} : memref<40x128xf32, #tpu.memory_space<vmem>>, vector<16xf32>,
      %swap3A_124 = arith.index_cast %scan3A_115 : i32 to index
      %swap3A_125 = arith.constant 16 : index
      %swap3A_126 = tpu.vector_load %arg24[%swap3A_124, %swap3A_125] {strides = array<i32>} : memref<40x128xf32, #tpu.memory_space<vmem>>, vector<16xf32>,
      tpu.vector_store %arg24[%swap3A_124, %swap3A_125], %broadcast_in_dim3A_1 {strides = array<i32>} : memref<40x128xf32, #tpu.memory_space<vmem>>, vector<16xf32>,
      %swap3A_127 = arith.index_cast %scan3A_115 : i32 to index
      %swap3A_128 = arith.constant 32 : index
      %swap3A_129 = tpu.vector_load %arg23[%swap3A_127, %swap3A_128] {strides = array<i32>} : memref<40x128xf32, #tpu.memory_space<vmem>>, vector<16xf32>,
      tpu.vector_store %arg23[%swap3A_127, %swap3A_128], %broadcast_in_dim3A_1 {strides = array<i32>} : memref<40x128xf32, #tpu.memory_space<vmem>>, vector<16xf32>,
      %swap3A_130 = arith.index_cast %scan3A_115 : i32 to index
      %swap3A_131 = arith.constant 32 : index
      %swap3A_132 = tpu.vector_load %arg24[%swap3A_130, %swap3A_131] {strides = array<i32>} : memref<40x128xf32, #tpu.memory_space<vmem>>, vector<16xf32>,
      tpu.vector_store %arg24[%swap3A_130, %swap3A_131], %broadcast_in_dim3A_1 {strides = array<i32>} : memref<40x128xf32, #tpu.memory_space<vmem>>, vector<16xf32>,
      %swap3A_133 = arith.index_cast %scan3A_115 : i32 to index
      %swap3A_134 = arith.constant 48 : index
      %swap3A_135 = tpu.vector_load %arg23[%swap3A_133, %swap3A_134] {strides = array<i32>} : memref<40x128xf32, #tpu.memory_space<vmem>>, vector<16xf32>,
      tpu.vector_store %arg23[%swap3A_133, %swap3A_134], %broadcast_in_dim3A_1 {strides = array<i32>} : memref<40x128xf32, #tpu.memory_space<vmem>>, vector<16xf32>,
      %swap3A_136 = arith.index_cast %scan3A_115 : i32 to index
      %swap3A_137 = arith.constant 48 : index
      %swap3A_138 = tpu.vector_load %arg24[%swap3A_136, %swap3A_137] {strides = array<i32>} : memref<40x128xf32, #tpu.memory_space<vmem>>, vector<16xf32>,
      tpu.vector_store %arg24[%swap3A_136, %swap3A_137], %broadcast_in_dim3A_1 {strides = array<i32>} : memref<40x128xf32, #tpu.memory_space<vmem>>, vector<16xf32>,
      %swap3A_139 = arith.index_cast %scan3A_115 : i32 to index
      %swap3A_140 = arith.constant 64 : index
      %swap3A_141 = tpu.vector_load %arg23[%swap3A_139, %swap3A_140] {strides = array<i32>} : memref<40x128xf32, #tpu.memory_space<vmem>>, vector<16xf32>,
      tpu.vector_store %arg23[%swap3A_139, %swap3A_140], %broadcast_in_dim3A_1 {strides = array<i32>} : memref<40x128xf32, #tpu.memory_space<vmem>>, vector<16xf32>,
      %swap3A_142 = arith.index_cast %scan3A_115 : i32 to index
      %swap3A_143 = arith.constant 64 : index
      %swap3A_144 = tpu.vector_load %arg24[%swap3A_142, %swap3A_143] {strides = array<i32>} : memref<40x128xf32, #tpu.memory_space<vmem>>, vector<16xf32>,
      tpu.vector_store %arg24[%swap3A_142, %swap3A_143], %broadcast_in_dim3A_1 {strides = array<i32>} : memref<40x128xf32, #tpu.memory_space<vmem>>, vector<16xf32>,
      %swap3A_145 = arith.index_cast %scan3A_115 : i32 to index
      %swap3A_146 = arith.constant 80 : index
      %swap3A_147 = tpu.vector_load %arg23[%swap3A_145, %swap3A_146] {strides = array<i32>} : memref<40x128xf32, #tpu.memory_space<vmem>>, vector<16xf32>,
      tpu.vector_store %arg23[%swap3A_145, %swap3A_146], %broadcast_in_dim3A_1 {strides = array<i32>} : memref<40x128xf32, #tpu.memory_space<vmem>>, vector<16xf32>,
      %swap3A_148 = arith.index_cast %scan3A_115 : i32 to index
      %swap3A_149 = arith.constant 80 : index
      %swap3A_150 = tpu.vector_load %arg24[%swap3A_148, %swap3A_149] {strides = array<i32>} : memref<40x128xf32, #tpu.memory_space<vmem>>, vector<16xf32>,
      tpu.vector_store %arg24[%swap3A_148, %swap3A_149], %broadcast_in_dim3A_1 {strides = array<i32>} : memref<40x128xf32, #tpu.memory_space<vmem>>, vector<16xf32>,
      %swap3A_151 = arith.index_cast %scan3A_115 : i32 to index
      %swap3A_152 = arith.constant 96 : index
      %swap3A_153 = tpu.vector_load %arg23[%swap3A_151, %swap3A_152] {strides = array<i32>} : memref<40x128xf32, #tpu.memory_space<vmem>>, vector<16xf32>,
      tpu.vector_store %arg23[%swap3A_151, %swap3A_152], %broadcast_in_dim3A_1 {strides = array<i32>} : memref<40x128xf32, #tpu.memory_space<vmem>>, vector<16xf32>,
      %swap3A_154 = arith.index_cast %scan3A_115 : i32 to index
      %swap3A_155 = arith.constant 96 : index
      %swap3A_156 = tpu.vector_load %arg24[%swap3A_154, %swap3A_155] {strides = array<i32>} : memref<40x128xf32, #tpu.memory_space<vmem>>, vector<16xf32>,
      tpu.vector_store %arg24[%swap3A_154, %swap3A_155], %broadcast_in_dim3A_1 {strides = array<i32>} : memref<40x128xf32, #tpu.memory_space<vmem>>, vector<16xf32>,
      %swap3A_157 = arith.index_cast %scan3A_115 : i32 to index
      %swap3A_158 = arith.constant 112 : index
      %swap3A_159 = tpu.vector_load %arg23[%swap3A_157, %swap3A_158] {strides = array<i32>} : memref<40x128xf32, #tpu.memory_space<vmem>>, vector<16xf32>,
      tpu.vector_store %arg23[%swap3A_157, %swap3A_158], %broadcast_in_dim3A_1 {strides = array<i32>} : memref<40x128xf32, #tpu.memory_space<vmem>>, vector<16xf32>,
      %swap3A_160 = arith.index_cast %scan3A_115 : i32 to index
      %swap3A_161 = arith.constant 112 : index
      %swap3A_162 = tpu.vector_load %arg24[%swap3A_160, %swap3A_161] {strides = array<i32>} : memref<40x128xf32, #tpu.memory_space<vmem>>, vector<16xf32>,
      tpu.vector_store %arg24[%swap3A_160, %swap3A_161], %broadcast_in_dim3A_1 {strides = array<i32>} : memref<40x128xf32, #tpu.memory_space<vmem>>, vector<16xf32>,
    }
    %scan3A_6 = arith.constant 40 : i32
    %scan3A_7 = arith.constant 0 : i32
    %scan3A_8 = arith.constant 0 : i32
    %scan3A_9 = arith.constant 16 : i32
    %scan3A_10 = arith.addi %scan3A_8, %scan3A_9 : i32
    %scan3A_11 = arith.constant 1 : i32
    scf.for %scan3A_115 = %scan3A_8 to %scan3A_10 step %scan3A_11  : i32 {
      %mul3A_116 = arith.constant 640 : i32
      %mul3A_117 = arith.muli %arg1, %mul3A_116 : i32
      %mul3A_118 = arith.constant 40 : i32
      %mul3A_119 = arith.muli %scan3A_115, %mul3A_118 : i32
      %add3A_120 = arith.addi %mul3A_117, %mul3A_119 : i32
      "tpu.region"() ({
        %run_scoped3A = tpu.sem_alloc : memref<!tpu.dma_semaphore, #tpu.memory_space<semaphore_mem>>
        %dma_start3A_121 = arith.constant 0 : i32
        %dma_start3A_122 = tpu.memref_slice %arg10[%add3A_120, %dma_start3A_121] : memref<10240x128xf32, #tpu.memory_space<vmem_shared>> -> memref<40x128xf32, #tpu.memory_space<vmem_shared>>
        %dma_start3A_123 = arith.constant 0 : i32
        %dma_start3A_124 = tpu.memref_slice %arg10[%add3A_120, %dma_start3A_123] : memref<10240x128xf32, #tpu.memory_space<vmem_shared>> -> memref<40x128xf32, #tpu.memory_space<vmem_shared>>
        tpu.enqueue_dma source(%arg23 : memref<40x128xf32, #tpu.memory_space<vmem>>) target(%dma_start3A_124 : memref<40x128xf32, #tpu.memory_space<vmem_shared>>) target_semaphore(%run_scoped3A : memref<!tpu.dma_semaphore, #tpu.memory_space<semaphore_mem>>)
        %dma_wait3A_125 = arith.constant 0 : i32
        %dma_wait3A_126 = tpu.memref_slice %arg10[%add3A_120, %dma_wait3A_125] : memref<10240x128xf32, #tpu.memory_space<vmem_shared>> -> memref<40x128xf32, #tpu.memory_space<vmem_shared>>
        %dma_wait3A_127 = arith.constant 0 : i32
        %dma_wait3A_128 = tpu.memref_slice %arg10[%add3A_120, %dma_wait3A_127] : memref<10240x128xf32, #tpu.memory_space<vmem_shared>> -> memref<40x128xf32, #tpu.memory_space<vmem_shared>>
        tpu.wait_dma2 semaphore(%run_scoped3A : memref<!tpu.dma_semaphore, #tpu.memory_space<semaphore_mem>>) src(%arg23 : memref<40x128xf32, #tpu.memory_space<vmem>>) dst(%dma_wait3A_128 : memref<40x128xf32, #tpu.memory_space<vmem_shared>>)
        tpu.yield
      }) : () -> ()
    }
    %scan3A_12 = arith.constant 16 : i32
    %scan3A_13 = arith.constant 0 : i32
    %scan3A_14 = arith.constant 0 : i32
    %scan3A_15 = arith.constant 2 : i32
    %scan3A_16 = arith.addi %scan3A_14, %scan3A_15 : i32
    %scan3A_17 = arith.constant 1 : i32
    scf.for %scan3A_115 = %scan3A_14 to %scan3A_16 step %scan3A_17  : i32 {
      %mul3A_116 = arith.constant 80 : i32
      %mul3A_117 = arith.muli %arg1, %mul3A_116 : i32
      %mul3A_118 = arith.constant 40 : i32
      %mul3A_119 = arith.muli %scan3A_115, %mul3A_118 : i32
      %add3A_120 = arith.addi %mul3A_117, %mul3A_119 : i32
      "tpu.region"() ({
        %run_scoped3A = tpu.sem_alloc : memref<!tpu.dma_semaphore, #tpu.memory_space<semaphore_mem>>
        %dma_start3A_121 = arith.constant 0 : i32
        %dma_start3A_122 = tpu.memref_slice %arg11[%add3A_120, %dma_start3A_121] : memref<1280x128xf32, #tpu.memory_space<vmem_shared>> -> memref<40x128xf32, #tpu.memory_space<vmem_shared>>
        %dma_start3A_123 = arith.constant 0 : i32
        %dma_start3A_124 = tpu.memref_slice %arg11[%add3A_120, %dma_start3A_123] : memref<1280x128xf32, #tpu.memory_space<vmem_shared>> -> memref<40x128xf32, #tpu.memory_space<vmem_shared>>
        tpu.enqueue_dma source(%arg24 : memref<40x128xf32, #tpu.memory_space<vmem>>) target(%dma_start3A_124 : memref<40x128xf32, #tpu.memory_space<vmem_shared>>) target_semaphore(%run_scoped3A : memref<!tpu.dma_semaphore, #tpu.memory_space<semaphore_mem>>)
        %dma_wait3A_125 = arith.constant 0 : i32
        %dma_wait3A_126 = tpu.memref_slice %arg11[%add3A_120, %dma_wait3A_125] : memref<1280x128xf32, #tpu.memory_space<vmem_shared>> -> memref<40x128xf32, #tpu.memory_space<vmem_shared>>
        %dma_wait3A_127 = arith.constant 0 : i32
        %dma_wait3A_128 = tpu.memref_slice %arg11[%add3A_120, %dma_wait3A_127] : memref<1280x128xf32, #tpu.memory_space<vmem_shared>> -> memref<40x128xf32, #tpu.memory_space<vmem_shared>>
        tpu.wait_dma2 semaphore(%run_scoped3A : memref<!tpu.dma_semaphore, #tpu.memory_space<semaphore_mem>>) src(%arg24 : memref<40x128xf32, #tpu.memory_space<vmem>>) dst(%dma_wait3A_128 : memref<40x128xf32, #tpu.memory_space<vmem_shared>>)
        tpu.yield
      }) : () -> ()
    }
    %scan3A_18 = arith.constant 2 : i32
    "tpu.region"() ({
      %run_scoped3A = tpu.sem_alloc : memref<!tpu.dma_semaphore, #tpu.memory_space<semaphore_mem>>
      tpu.enqueue_dma source(%arg7 : memref<16x16xf32, #tpu.memory_space<hbm>>) target(%arg25 : memref<16x16xf32, #tpu.memory_space<vmem>>) target_semaphore(%run_scoped3A : memref<!tpu.dma_semaphore, #tpu.memory_space<semaphore_mem>>)
      tpu.wait_dma2 semaphore(%run_scoped3A : memref<!tpu.dma_semaphore, #tpu.memory_space<semaphore_mem>>) src(%arg7 : memref<16x16xf32, #tpu.memory_space<hbm>>) dst(%arg25 : memref<16x16xf32, #tpu.memory_space<vmem>>)
      tpu.yield
    }) : () -> ()
    %barrier3A = arith.constant 0 : index
    tpu.barrier barrier_id(%barrier3A)
    %get3A = arith.constant 0 : i32
    %get3A_19 = arith.index_cast %get3A : i32 to index
    %get3A_20 = arith.constant 0 : index
    %get3A_21 = tpu.vector_load %arg25[%get3A_19, %get3A_20] {strides = array<i32>} : memref<16x16xf32, #tpu.memory_space<vmem>>, vector<16xf32>,
    %get3A_22 = arith.constant 1 : i32
    %get3A_23 = arith.index_cast %get3A_22 : i32 to index
    %get3A_24 = arith.constant 0 : index
    %get3A_25 = tpu.vector_load %arg25[%get3A_23, %get3A_24] {strides = array<i32>} : memref<16x16xf32, #tpu.memory_space<vmem>>, vector<16xf32>,
    %get3A_26 = arith.constant 2 : i32
    %get3A_27 = arith.index_cast %get3A_26 : i32 to index
    %get3A_28 = arith.constant 0 : index
    %get3A_29 = tpu.vector_load %arg25[%get3A_27, %get3A_28] {strides = array<i32>} : memref<16x16xf32, #tpu.memory_space<vmem>>, vector<16xf32>,
    %get3A_30 = arith.constant 3 : i32
    %get3A_31 = arith.index_cast %get3A_30 : i32 to index
    %get3A_32 = arith.constant 0 : index
    %get3A_33 = tpu.vector_load %arg25[%get3A_31, %get3A_32] {strides = array<i32>} : memref<16x16xf32, #tpu.memory_space<vmem>>, vector<16xf32>,
    %get3A_34 = arith.constant 4 : i32
    %get3A_35 = arith.index_cast %get3A_34 : i32 to index
    %get3A_36 = arith.constant 0 : index
    %get3A_37 = tpu.vector_load %arg25[%get3A_35, %get3A_36] {strides = array<i32>} : memref<16x16xf32, #tpu.memory_space<vmem>>, vector<16xf32>,
    %get3A_38 = arith.constant 5 : i32
    %get3A_39 = arith.index_cast %get3A_38 : i32 to index
    %get3A_40 = arith.constant 0 : index
    %get3A_41 = tpu.vector_load %arg25[%get3A_39, %get3A_40] {strides = array<i32>} : memref<16x16xf32, #tpu.memory_space<vmem>>, vector<16xf32>,
    %get3A_42 = arith.constant 6 : i32
    %get3A_43 = arith.index_cast %get3A_42 : i32 to index
    %get3A_44 = arith.constant 0 : index
    %get3A_45 = tpu.vector_load %arg25[%get3A_43, %get3A_44] {strides = array<i32>} : memref<16x16xf32, #tpu.memory_space<vmem>>, vector<16xf32>,
    %get3A_46 = arith.constant 7 : i32
    %get3A_47 = arith.index_cast %get3A_46 : i32 to index
    %get3A_48 = arith.constant 0 : index
    %get3A_49 = tpu.vector_load %arg25[%get3A_47, %get3A_48] {strides = array<i32>} : memref<16x16xf32, #tpu.memory_space<vmem>>, vector<16xf32>,
    %get3A_50 = arith.constant 8 : i32
    %get3A_51 = arith.index_cast %get3A_50 : i32 to index
    %get3A_52 = arith.constant 0 : index
    %get3A_53 = tpu.vector_load %arg25[%get3A_51, %get3A_52] {strides = array<i32>} : memref<16x16xf32, #tpu.memory_space<vmem>>, vector<16xf32>,
    %get3A_54 = arith.constant 9 : i32
    %get3A_55 = arith.index_cast %get3A_54 : i32 to index
    %get3A_56 = arith.constant 0 : index
    %get3A_57 = tpu.vector_load %arg25[%get3A_55, %get3A_56] {strides = array<i32>} : memref<16x16xf32, #tpu.memory_space<vmem>>, vector<16xf32>,
    %get3A_58 = arith.constant 10 : i32
    %get3A_59 = arith.index_cast %get3A_58 : i32 to index
    %get3A_60 = arith.constant 0 : index
    %get3A_61 = tpu.vector_load %arg25[%get3A_59, %get3A_60] {strides = array<i32>} : memref<16x16xf32, #tpu.memory_space<vmem>>, vector<16xf32>,
    %get3A_62 = arith.constant 11 : i32
    %get3A_63 = arith.index_cast %get3A_62 : i32 to index
    %get3A_64 = arith.constant 0 : index
    %get3A_65 = tpu.vector_load %arg25[%get3A_63, %get3A_64] {strides = array<i32>} : memref<16x16xf32, #tpu.memory_space<vmem>>, vector<16xf32>,
    %get3A_66 = arith.constant 12 : i32
    %get3A_67 = arith.index_cast %get3A_66 : i32 to index
    %get3A_68 = arith.constant 0 : index
    %get3A_69 = tpu.vector_load %arg25[%get3A_67, %get3A_68] {strides = array<i32>} : memref<16x16xf32, #tpu.memory_space<vmem>>, vector<16xf32>,
    %get3A_70 = arith.constant 13 : i32
    %get3A_71 = arith.index_cast %get3A_70 : i32 to index
    %get3A_72 = arith.constant 0 : index
    %get3A_73 = tpu.vector_load %arg25[%get3A_71, %get3A_72] {strides = array<i32>} : memref<16x16xf32, #tpu.memory_space<vmem>>, vector<16xf32>,
    %get3A_74 = arith.constant 14 : i32
    %get3A_75 = arith.index_cast %get3A_74 : i32 to index
    %get3A_76 = arith.constant 0 : index
    %get3A_77 = tpu.vector_load %arg25[%get3A_75, %get3A_76] {strides = array<i32>} : memref<16x16xf32, #tpu.memory_space<vmem>>, vector<16xf32>,
    %get3A_78 = arith.constant 15 : i32
    %get3A_79 = arith.index_cast %get3A_78 : i32 to index
    %get3A_80 = arith.constant 0 : index
    %get3A_81 = tpu.vector_load %arg25[%get3A_79, %get3A_80] {strides = array<i32>} : memref<16x16xf32, #tpu.memory_space<vmem>>, vector<16xf32>,
    %mul3A_82 = arith.constant 10000 : i32
    %mul3A_83 = arith.muli %add3A, %mul3A_82 : i32
    %add3A_84 = arith.constant 0 : i32
    %add3A_85 = arith.addi %mul3A_83, %add3A_84 : i32
    "tpu.region"() ({
      %run_scoped3A = tpu.sem_alloc : memref<!tpu.dma_semaphore, #tpu.memory_space<semaphore_mem>>
      %dma_start3A_115 = tpu.memref_slice %arg5[%add3A_85] : memref<320000xi32, #tpu.memory_space<hbm>> -> memref<40xi32, #tpu.memory_space<hbm>>
      %dma_start3A_116 = tpu.memref_slice %arg5[%add3A_85] : memref<320000xi32, #tpu.memory_space<hbm>> -> memref<40xi32, #tpu.memory_space<hbm>>
      tpu.enqueue_dma source(%dma_start3A_116 : memref<40xi32, #tpu.memory_space<hbm>>) target(%arg12 : memref<40xi32, #tpu.memory_space<vmem>>) target_semaphore(%run_scoped3A : memref<!tpu.dma_semaphore, #tpu.memory_space<semaphore_mem>>)
      %dma_wait3A_117 = tpu.memref_slice %arg5[%add3A_85] : memref<320000xi32, #tpu.memory_space<hbm>> -> memref<40xi32, #tpu.memory_space<hbm>>
      %dma_wait3A_118 = tpu.memref_slice %arg5[%add3A_85] : memref<320000xi32, #tpu.memory_space<hbm>> -> memref<40xi32, #tpu.memory_space<hbm>>
      tpu.wait_dma2 semaphore(%run_scoped3A : memref<!tpu.dma_semaphore, #tpu.memory_space<semaphore_mem>>) src(%dma_wait3A_118 : memref<40xi32, #tpu.memory_space<hbm>>) dst(%arg12 : memref<40xi32, #tpu.memory_space<vmem>>)
      tpu.yield
    }) : () -> ()
    "tpu.region"() ({
      %run_scoped3A = tpu.sem_alloc : memref<!tpu.dma_semaphore, #tpu.memory_space<semaphore_mem>>
      %dma_start3A_115 = tpu.memref_slice %arg6[%add3A_85] : memref<320000xi32, #tpu.memory_space<hbm>> -> memref<40xi32, #tpu.memory_space<hbm>>
      %dma_start3A_116 = tpu.memref_slice %arg6[%add3A_85] : memref<320000xi32, #tpu.memory_space<hbm>> -> memref<40xi32, #tpu.memory_space<hbm>>
      tpu.enqueue_dma source(%dma_start3A_116 : memref<40xi32, #tpu.memory_space<hbm>>) target(%arg13 : memref<40xi32, #tpu.memory_space<vmem>>) target_semaphore(%run_scoped3A : memref<!tpu.dma_semaphore, #tpu.memory_space<semaphore_mem>>)
      %dma_wait3A_117 = tpu.memref_slice %arg6[%add3A_85] : memref<320000xi32, #tpu.memory_space<hbm>> -> memref<40xi32, #tpu.memory_space<hbm>>
      %dma_wait3A_118 = tpu.memref_slice %arg6[%add3A_85] : memref<320000xi32, #tpu.memory_space<hbm>> -> memref<40xi32, #tpu.memory_space<hbm>>
      tpu.wait_dma2 semaphore(%run_scoped3A : memref<!tpu.dma_semaphore, #tpu.memory_space<semaphore_mem>>) src(%dma_wait3A_118 : memref<40xi32, #tpu.memory_space<hbm>>) dst(%arg13 : memref<40xi32, #tpu.memory_space<vmem>>)
      tpu.yield
    }) : () -> ()
    %dma_start3A = arith.constant 0 : i32
    %dma_start3A_86 = arith.constant 0 : i32
    %dma_start3A_87 = tpu.memref_slice %arg2[%dma_start3A, %dma_start3A_86] : memref<10000x128xf32, #tpu.memory_space<hbm>> -> memref<10000x128xf32, #tpu.memory_space<hbm>>
    tpu.enqueue_indirect_dma source(%dma_start3A_87 : memref<10000x128xf32, #tpu.memory_space<hbm>>) target(%arg18 : memref<40x128xf32, #tpu.memory_space<vmem>>) offsets(%arg12 : memref<40xi32, #tpu.memory_space<vmem>>) semaphore(%arg26 : memref<!tpu.dma_semaphore, #tpu.memory_space<semaphore_mem>>)
    %dma_start3A_88 = arith.constant 0 : i32
    %dma_start3A_89 = arith.constant 0 : i32
    %dma_start3A_90 = tpu.memref_slice %arg3[%dma_start3A_88, %dma_start3A_89] : memref<10000x128xf32, #tpu.memory_space<hbm>> -> memref<10000x128xf32, #tpu.memory_space<hbm>>
    tpu.enqueue_indirect_dma source(%dma_start3A_90 : memref<10000x128xf32, #tpu.memory_space<hbm>>) target(%arg19 : memref<40x128xf32, #tpu.memory_space<vmem>>) offsets(%arg13 : memref<40xi32, #tpu.memory_space<vmem>>) semaphore(%arg27 : memref<!tpu.dma_semaphore, #tpu.memory_space<semaphore_mem>>)
    %scan3A_91 = arith.constant 0 : i32
    %scan3A_92 = arith.constant 0 : i32
    %scan3A_93 = arith.constant 125 : i32
    %scan3A_94 = arith.addi %scan3A_92, %scan3A_93 : i32
    %scan3A_95 = arith.constant 1 : i32
    scf.for %scan3A_115 = %scan3A_92 to %scan3A_94 step %scan3A_95  : i32 {
      %mul3A_116 = arith.constant 2 : i32
      %mul3A_117 = arith.muli %mul3A_116, %scan3A_115 : i32
      %gt3A = arith.constant 0 : i32
      %gt3A_118 = arith.cmpi sgt, %scan3A_115, %gt3A : i32
      %convert_element_type3A = arith.extui %gt3A_118 : i1 to i32
      %cond3A = arith.constant 0 : i32
      %cond3A_119 = arith.cmpi ne, %convert_element_type3A, %cond3A : i32
      scf.if %cond3A_119 {
        %dma_wait3A_249 = arith.constant 0 : i32
        %dma_wait3A_250 = arith.constant 0 : i32
        %dma_wait3A_251 = tpu.memref_slice %arg10[%dma_wait3A_249, %dma_wait3A_250] : memref<10240x128xf32, #tpu.memory_space<vmem_shared>> -> memref<10240x128xf32, #tpu.memory_space<vmem_shared>>
        tpu.wait_indirect_dma semaphore(%arg31 : memref<!tpu.dma_semaphore, #tpu.memory_space<semaphore_mem>>) src(%arg23 : memref<40x128xf32, #tpu.memory_space<vmem>>) dst(%dma_wait3A_251 : memref<10240x128xf32, #tpu.memory_space<vmem_shared>>)
        %dma_wait3A_252 = arith.constant 0 : i32
        %dma_wait3A_253 = arith.constant 0 : i32
        %dma_wait3A_254 = tpu.memref_slice %arg11[%dma_wait3A_252, %dma_wait3A_253] : memref<1280x128xf32, #tpu.memory_space<vmem_shared>> -> memref<1280x128xf32, #tpu.memory_space<vmem_shared>>
        tpu.wait_indirect_dma semaphore(%arg32 : memref<!tpu.dma_semaphore, #tpu.memory_space<semaphore_mem>>) src(%arg24 : memref<40x128xf32, #tpu.memory_space<vmem>>) dst(%dma_wait3A_254 : memref<1280x128xf32, #tpu.memory_space<vmem_shared>>)
      } else {
      }
      %add3A_120 = arith.constant 1 : i32
      %add3A_121 = arith.addi %mul3A_117, %add3A_120 : i32
      %mul3A_122 = arith.constant 10000 : i32
      %mul3A_123 = arith.muli %add3A, %mul3A_122 : i32
      %mul3A_124 = arith.constant 40 : i32
      %mul3A_125 = arith.muli %add3A_121, %mul3A_124 : i32
      %add3A_126 = arith.addi %mul3A_123, %mul3A_125 : i32
      "tpu.region"() ({
        %run_scoped3A = tpu.sem_alloc : memref<!tpu.dma_semaphore, #tpu.memory_space<semaphore_mem>>
        %dma_start3A_249 = tpu.memref_slice %arg5[%add3A_126] : memref<320000xi32, #tpu.memory_space<hbm>> -> memref<40xi32, #tpu.memory_space<hbm>>
        %dma_start3A_250 = tpu.memref_slice %arg5[%add3A_126] : memref<320000xi32, #tpu.memory_space<hbm>> -> memref<40xi32, #tpu.memory_space<hbm>>
        tpu.enqueue_dma source(%dma_start3A_250 : memref<40xi32, #tpu.memory_space<hbm>>) target(%arg15 : memref<40xi32, #tpu.memory_space<vmem>>) target_semaphore(%run_scoped3A : memref<!tpu.dma_semaphore, #tpu.memory_space<semaphore_mem>>)
        %dma_wait3A_251 = tpu.memref_slice %arg5[%add3A_126] : memref<320000xi32, #tpu.memory_space<hbm>> -> memref<40xi32, #tpu.memory_space<hbm>>
        %dma_wait3A_252 = tpu.memref_slice %arg5[%add3A_126] : memref<320000xi32, #tpu.memory_space<hbm>> -> memref<40xi32, #tpu.memory_space<hbm>>
        tpu.wait_dma2 semaphore(%run_scoped3A : memref<!tpu.dma_semaphore, #tpu.memory_space<semaphore_mem>>) src(%dma_wait3A_252 : memref<40xi32, #tpu.memory_space<hbm>>) dst(%arg15 : memref<40xi32, #tpu.memory_space<vmem>>)
        tpu.yield
      }) : () -> ()
      "tpu.region"() ({
        %run_scoped3A = tpu.sem_alloc : memref<!tpu.dma_semaphore, #tpu.memory_space<semaphore_mem>>
        %dma_start3A_249 = tpu.memref_slice %arg6[%add3A_126] : memref<320000xi32, #tpu.memory_space<hbm>> -> memref<40xi32, #tpu.memory_space<hbm>>
        %dma_start3A_250 = tpu.memref_slice %arg6[%add3A_126] : memref<320000xi32, #tpu.memory_space<hbm>> -> memref<40xi32, #tpu.memory_space<hbm>>
        tpu.enqueue_dma source(%dma_start3A_250 : memref<40xi32, #tpu.memory_space<hbm>>) target(%arg16 : memref<40xi32, #tpu.memory_space<vmem>>) target_semaphore(%run_scoped3A : memref<!tpu.dma_semaphore, #tpu.memory_space<semaphore_mem>>)
        %dma_wait3A_251 = tpu.memref_slice %arg6[%add3A_126] : memref<320000xi32, #tpu.memory_space<hbm>> -> memref<40xi32, #tpu.memory_space<hbm>>
        %dma_wait3A_252 = tpu.memref_slice %arg6[%add3A_126] : memref<320000xi32, #tpu.memory_space<hbm>> -> memref<40xi32, #tpu.memory_space<hbm>>
        tpu.wait_dma2 semaphore(%run_scoped3A : memref<!tpu.dma_semaphore, #tpu.memory_space<semaphore_mem>>) src(%dma_wait3A_252 : memref<40xi32, #tpu.memory_space<hbm>>) dst(%arg16 : memref<40xi32, #tpu.memory_space<vmem>>)
        tpu.yield
      }) : () -> ()
      %dma_start3A_127 = arith.constant 0 : i32
      %dma_start3A_128 = arith.constant 0 : i32
      %dma_start3A_129 = tpu.memref_slice %arg2[%dma_start3A_127, %dma_start3A_128] : memref<10000x128xf32, #tpu.memory_space<hbm>> -> memref<10000x128xf32, #tpu.memory_space<hbm>>
      tpu.enqueue_indirect_dma source(%dma_start3A_129 : memref<10000x128xf32, #tpu.memory_space<hbm>>) target(%arg20 : memref<40x128xf32, #tpu.memory_space<vmem>>) offsets(%arg15 : memref<40xi32, #tpu.memory_space<vmem>>) semaphore(%arg28 : memref<!tpu.dma_semaphore, #tpu.memory_space<semaphore_mem>>)
      %dma_start3A_130 = arith.constant 0 : i32
      %dma_start3A_131 = arith.constant 0 : i32
      %dma_start3A_132 = tpu.memref_slice %arg3[%dma_start3A_130, %dma_start3A_131] : memref<10000x128xf32, #tpu.memory_space<hbm>> -> memref<10000x128xf32, #tpu.memory_space<hbm>>
      tpu.enqueue_indirect_dma source(%dma_start3A_132 : memref<10000x128xf32, #tpu.memory_space<hbm>>) target(%arg21 : memref<40x128xf32, #tpu.memory_space<vmem>>) offsets(%arg16 : memref<40xi32, #tpu.memory_space<vmem>>) semaphore(%arg29 : memref<!tpu.dma_semaphore, #tpu.memory_space<semaphore_mem>>)
      %mul3A_133 = arith.constant 10000 : i32
      %mul3A_134 = arith.muli %add3A, %mul3A_133 : i32
      %mul3A_135 = arith.constant 40 : i32
      %mul3A_136 = arith.muli %mul3A_117, %mul3A_135 : i32
      %add3A_137 = arith.addi %mul3A_134, %mul3A_136 : i32
      %dma_start3A_138 = arith.constant 0 : i32
      %dma_start3A_139 = tpu.memref_slice %arg4[%add3A_137, %dma_start3A_138] : memref<320000x128xf32, #tpu.memory_space<hbm>> -> memref<40x128xf32, #tpu.memory_space<hbm>>
      %dma_start3A_140 = arith.constant 0 : i32
      %dma_start3A_141 = tpu.memref_slice %arg4[%add3A_137, %dma_start3A_140] : memref<320000x128xf32, #tpu.memory_space<hbm>> -> memref<40x128xf32, #tpu.memory_space<hbm>>
      tpu.enqueue_dma source(%dma_start3A_141 : memref<40x128xf32, #tpu.memory_space<hbm>>) target(%arg22 : memref<40x128xf32, #tpu.memory_space<vmem>>) target_semaphore(%arg30 : memref<!tpu.dma_semaphore, #tpu.memory_space<semaphore_mem>>)
      %dma_wait3A_142 = arith.constant 0 : i32
      %dma_wait3A_143 = arith.constant 0 : i32
      %dma_wait3A_144 = tpu.memref_slice %arg2[%dma_wait3A_142, %dma_wait3A_143] : memref<10000x128xf32, #tpu.memory_space<hbm>> -> memref<10000x128xf32, #tpu.memory_space<hbm>>
      tpu.wait_indirect_dma semaphore(%arg26 : memref<!tpu.dma_semaphore, #tpu.memory_space<semaphore_mem>>) src(%dma_wait3A_144 : memref<10000x128xf32, #tpu.memory_space<hbm>>) dst(%arg18 : memref<40x128xf32, #tpu.memory_space<vmem>>)
      %dma_wait3A_145 = arith.constant 0 : i32
      %dma_wait3A_146 = arith.constant 0 : i32
      %dma_wait3A_147 = tpu.memref_slice %arg3[%dma_wait3A_145, %dma_wait3A_146] : memref<10000x128xf32, #tpu.memory_space<hbm>> -> memref<10000x128xf32, #tpu.memory_space<hbm>>
      tpu.wait_indirect_dma semaphore(%arg27 : memref<!tpu.dma_semaphore, #tpu.memory_space<semaphore_mem>>) src(%dma_wait3A_147 : memref<10000x128xf32, #tpu.memory_space<hbm>>) dst(%arg19 : memref<40x128xf32, #tpu.memory_space<vmem>>)
      %dma_wait3A_148 = arith.constant 0 : i32
      %dma_wait3A_149 = tpu.memref_slice %arg4[%add3A_137, %dma_wait3A_148] : memref<320000x128xf32, #tpu.memory_space<hbm>> -> memref<40x128xf32, #tpu.memory_space<hbm>>
      %dma_wait3A_150 = arith.constant 0 : i32
      %dma_wait3A_151 = tpu.memref_slice %arg4[%add3A_137, %dma_wait3A_150] : memref<320000x128xf32, #tpu.memory_space<hbm>> -> memref<40x128xf32, #tpu.memory_space<hbm>>
      tpu.wait_dma2 semaphore(%arg30 : memref<!tpu.dma_semaphore, #tpu.memory_space<semaphore_mem>>) src(%dma_wait3A_151 : memref<40x128xf32, #tpu.memory_space<hbm>>) dst(%arg22 : memref<40x128xf32, #tpu.memory_space<vmem>>)
      %get3A_152 = arith.constant 0 : index
      %get3A_153 = tpu.vector_load %arg13[%get3A_152] {strides = array<i32>} : memref<40xi32, #tpu.memory_space<vmem>>, vector<16xi32>,
      %shift_right_arithmetic3A = arith.constant 3 : i32
      %shift_right_arithmetic3A_154 = vector.broadcast %shift_right_arithmetic3A : i32 to vector<16xi32>
      %shift_right_arithmetic3A_155 = arith.shrsi %get3A_153, %shift_right_arithmetic3A_154 : vector<16xi32>
      %swap3A = arith.constant 0 : index
      %swap3A_156 = tpu.vector_load %arg14[%swap3A] {strides = array<i32>} : memref<40xi32, #tpu.memory_space<vmem>>, vector<16xi32>,
      tpu.vector_store %arg14[%swap3A], %shift_right_arithmetic3A_155 {strides = array<i32>} : memref<40xi32, #tpu.memory_space<vmem>>, vector<16xi32>,
      %get3A_157 = arith.constant 16 : index
      %get3A_158 = tpu.vector_load %arg13[%get3A_157] {strides = array<i32>} : memref<40xi32, #tpu.memory_space<vmem>>, vector<16xi32>,
      %shift_right_arithmetic3A_159 = arith.constant 3 : i32
      %shift_right_arithmetic3A_160 = vector.broadcast %shift_right_arithmetic3A_159 : i32 to vector<16xi32>
      %shift_right_arithmetic3A_161 = arith.shrsi %get3A_158, %shift_right_arithmetic3A_160 : vector<16xi32>
      %swap3A_162 = arith.constant 16 : index
      %swap3A_163 = tpu.vector_load %arg14[%swap3A_162] {strides = array<i32>} : memref<40xi32, #tpu.memory_space<vmem>>, vector<16xi32>,
      tpu.vector_store %arg14[%swap3A_162], %shift_right_arithmetic3A_161 {strides = array<i32>} : memref<40xi32, #tpu.memory_space<vmem>>, vector<16xi32>,
      %get3A_164 = arith.constant 24 : index
      %get3A_165 = tpu.vector_load %arg13[%get3A_164] {strides = array<i32>} : memref<40xi32, #tpu.memory_space<vmem>>, vector<16xi32>,
      %shift_right_arithmetic3A_166 = arith.constant 3 : i32
      %shift_right_arithmetic3A_167 = vector.broadcast %shift_right_arithmetic3A_166 : i32 to vector<16xi32>
      %shift_right_arithmetic3A_168 = arith.shrsi %get3A_165, %shift_right_arithmetic3A_167 : vector<16xi32>
      %swap3A_169 = arith.constant 24 : index
      %swap3A_170 = tpu.vector_load %arg14[%swap3A_169] {strides = array<i32>} : memref<40xi32, #tpu.memory_space<vmem>>, vector<16xi32>,
      tpu.vector_store %arg14[%swap3A_169], %shift_right_arithmetic3A_168 {strides = array<i32>} : memref<40xi32, #tpu.memory_space<vmem>>, vector<16xi32>,
      %scan3A_171 = arith.constant 0 : i32
      %scan3A_172 = arith.constant 0 : i32
      %scan3A_173 = arith.constant 40 : i32
      %scan3A_174 = arith.addi %scan3A_172, %scan3A_173 : i32
      %scan3A_175 = arith.constant 1 : i32
      scf.for %scan3A_249 = %scan3A_172 to %scan3A_174 step %scan3A_175  : i32 {
        %get3A_250 = arith.index_cast %scan3A_249 : i32 to index
        %get3A_251 = arith.constant 0 : index
        %get3A_252 = tpu.vector_load %arg18[%get3A_250, %get3A_251] {strides = array<i32>} : memref<40x128xf32, #tpu.memory_space<vmem>>, vector<16xf32>,
        %get3A_253 = arith.index_cast %scan3A_249 : i32 to index
        %get3A_254 = arith.constant 0 : index
        %get3A_255 = tpu.vector_load %arg19[%get3A_253, %get3A_254] {strides = array<i32>} : memref<40x128xf32, #tpu.memory_space<vmem>>, vector<16xf32>,
        %add3A_256 = arith.addf %get3A_252, %get3A_255 : vector<16xf32>
        %get3A_257 = arith.index_cast %scan3A_249 : i32 to index
        %get3A_258 = arith.constant 0 : index
        %get3A_259 = tpu.vector_load %arg22[%get3A_257, %get3A_258] {strides = array<i32>} : memref<40x128xf32, #tpu.memory_space<vmem>>, vector<16xf32>,
        %add3A_260 = arith.addf %add3A_256, %get3A_259 : vector<16xf32>
        %ge3A = arith.constant 0.000000e+00 : f32
        %ge3A_261 = vector.broadcast %ge3A : f32 to vector<16xf32>
        %ge3A_262 = arith.cmpf oge, %add3A_260, %ge3A_261 : vector<16xf32>
        %mul3A_263 = arith.constant 2.000000e-01 : f32
        %mul3A_264 = vector.broadcast %mul3A_263 : f32 to vector<16xf32>
        %mul3A_265 = arith.mulf %add3A_260, %mul3A_264 : vector<16xf32>
        %select_n3A = arith.select %ge3A_262, %add3A_260, %mul3A_265 : vector<16xi1>, vector<16xf32>
        %mul3A_266 = arith.mulf %select_n3A, %get3A_21 : vector<16xf32>
        %reduce_sum3A = arith.constant true
        %reduce_sum3A_267 = vector.broadcast %reduce_sum3A : i1 to vector<16xi1>
        %reduce_sum3A_268 = tpu.scan <sum>, %mul3A_266 masked %reduce_sum3A_267 : vector<16xf32>, vector<16xi1> -> vector<16xf32>
        %reduce_sum3A_269 = vector.extract %reduce_sum3A_268[15] : f32 from vector<16xf32>
        %broadcast_in_dim3A_270 = vector.broadcast %reduce_sum3A_269 : f32 to vector<16xf32>
        %exp3A = math.exp %broadcast_in_dim3A_270 : vector<16xf32>
        %mul3A_271 = arith.mulf %get3A_252, %exp3A : vector<16xf32>
        %swap3A_272 = arith.index_cast %scan3A_249 : i32 to index
        %swap3A_273 = arith.constant 0 : index
        %swap3A_274 = tpu.vector_load %arg23[%swap3A_272, %swap3A_273] {strides = array<i32>} : memref<40x128xf32, #tpu.memory_space<vmem>>, vector<16xf32>,
        tpu.vector_store %arg23[%swap3A_272, %swap3A_273], %mul3A_271 {strides = array<i32>} : memref<40x128xf32, #tpu.memory_space<vmem>>, vector<16xf32>,
        %mul3A_275 = arith.mulf %exp3A, %get3A_53 : vector<16xf32>
        %add3A_276 = arith.addf %broadcast_in_dim3A_1, %mul3A_275 : vector<16xf32>
        %get3A_277 = arith.index_cast %scan3A_249 : i32 to index
        %get3A_278 = arith.constant 16 : index
        %get3A_279 = tpu.vector_load %arg18[%get3A_277, %get3A_278] {strides = array<i32>} : memref<40x128xf32, #tpu.memory_space<vmem>>, vector<16xf32>,
        %get3A_280 = arith.index_cast %scan3A_249 : i32 to index
        %get3A_281 = arith.constant 16 : index
        %get3A_282 = tpu.vector_load %arg19[%get3A_280, %get3A_281] {strides = array<i32>} : memref<40x128xf32, #tpu.memory_space<vmem>>, vector<16xf32>,
        %add3A_283 = arith.addf %get3A_279, %get3A_282 : vector<16xf32>
        %get3A_284 = arith.index_cast %scan3A_249 : i32 to index
        %get3A_285 = arith.constant 16 : index
        %get3A_286 = tpu.vector_load %arg22[%get3A_284, %get3A_285] {strides = array<i32>} : memref<40x128xf32, #tpu.memory_space<vmem>>, vector<16xf32>,
        %add3A_287 = arith.addf %add3A_283, %get3A_286 : vector<16xf32>
        %ge3A_288 = arith.constant 0.000000e+00 : f32
        %ge3A_289 = vector.broadcast %ge3A_288 : f32 to vector<16xf32>
        %ge3A_290 = arith.cmpf oge, %add3A_287, %ge3A_289 : vector<16xf32>
        %mul3A_291 = arith.constant 2.000000e-01 : f32
        %mul3A_292 = vector.broadcast %mul3A_291 : f32 to vector<16xf32>
        %mul3A_293 = arith.mulf %add3A_287, %mul3A_292 : vector<16xf32>
        %select_n3A_294 = arith.select %ge3A_290, %add3A_287, %mul3A_293 : vector<16xi1>, vector<16xf32>
        %mul3A_295 = arith.mulf %select_n3A_294, %get3A_25 : vector<16xf32>
        %reduce_sum3A_296 = arith.constant true
        %reduce_sum3A_297 = vector.broadcast %reduce_sum3A_296 : i1 to vector<16xi1>
        %reduce_sum3A_298 = tpu.scan <sum>, %mul3A_295 masked %reduce_sum3A_297 : vector<16xf32>, vector<16xi1> -> vector<16xf32>
        %reduce_sum3A_299 = vector.extract %reduce_sum3A_298[15] : f32 from vector<16xf32>
        %broadcast_in_dim3A_300 = vector.broadcast %reduce_sum3A_299 : f32 to vector<16xf32>
        %exp3A_301 = math.exp %broadcast_in_dim3A_300 : vector<16xf32>
        %mul3A_302 = arith.mulf %get3A_279, %exp3A_301 : vector<16xf32>
        %swap3A_303 = arith.index_cast %scan3A_249 : i32 to index
        %swap3A_304 = arith.constant 16 : index
        %swap3A_305 = tpu.vector_load %arg23[%swap3A_303, %swap3A_304] {strides = array<i32>} : memref<40x128xf32, #tpu.memory_space<vmem>>, vector<16xf32>,
        tpu.vector_store %arg23[%swap3A_303, %swap3A_304], %mul3A_302 {strides = array<i32>} : memref<40x128xf32, #tpu.memory_space<vmem>>, vector<16xf32>,
        %mul3A_306 = arith.mulf %exp3A_301, %get3A_57 : vector<16xf32>
        %add3A_307 = arith.addf %add3A_276, %mul3A_306 : vector<16xf32>
        %get3A_308 = arith.index_cast %scan3A_249 : i32 to index
        %get3A_309 = arith.constant 32 : index
        %get3A_310 = tpu.vector_load %arg18[%get3A_308, %get3A_309] {strides = array<i32>} : memref<40x128xf32, #tpu.memory_space<vmem>>, vector<16xf32>,
        %get3A_311 = arith.index_cast %scan3A_249 : i32 to index
        %get3A_312 = arith.constant 32 : index
        %get3A_313 = tpu.vector_load %arg19[%get3A_311, %get3A_312] {strides = array<i32>} : memref<40x128xf32, #tpu.memory_space<vmem>>, vector<16xf32>,
        %add3A_314 = arith.addf %get3A_310, %get3A_313 : vector<16xf32>
        %get3A_315 = arith.index_cast %scan3A_249 : i32 to index
        %get3A_316 = arith.constant 32 : index
        %get3A_317 = tpu.vector_load %arg22[%get3A_315, %get3A_316] {strides = array<i32>} : memref<40x128xf32, #tpu.memory_space<vmem>>, vector<16xf32>,
        %add3A_318 = arith.addf %add3A_314, %get3A_317 : vector<16xf32>
        %ge3A_319 = arith.constant 0.000000e+00 : f32
        %ge3A_320 = vector.broadcast %ge3A_319 : f32 to vector<16xf32>
        %ge3A_321 = arith.cmpf oge, %add3A_318, %ge3A_320 : vector<16xf32>
        %mul3A_322 = arith.constant 2.000000e-01 : f32
        %mul3A_323 = vector.broadcast %mul3A_322 : f32 to vector<16xf32>
        %mul3A_324 = arith.mulf %add3A_318, %mul3A_323 : vector<16xf32>
        %select_n3A_325 = arith.select %ge3A_321, %add3A_318, %mul3A_324 : vector<16xi1>, vector<16xf32>
        %mul3A_326 = arith.mulf %select_n3A_325, %get3A_29 : vector<16xf32>
        %reduce_sum3A_327 = arith.constant true
        %reduce_sum3A_328 = vector.broadcast %reduce_sum3A_327 : i1 to vector<16xi1>
        %reduce_sum3A_329 = tpu.scan <sum>, %mul3A_326 masked %reduce_sum3A_328 : vector<16xf32>, vector<16xi1> -> vector<16xf32>
        %reduce_sum3A_330 = vector.extract %reduce_sum3A_329[15] : f32 from vector<16xf32>
        %broadcast_in_dim3A_331 = vector.broadcast %reduce_sum3A_330 : f32 to vector<16xf32>
        %exp3A_332 = math.exp %broadcast_in_dim3A_331 : vector<16xf32>
        %mul3A_333 = arith.mulf %get3A_310, %exp3A_332 : vector<16xf32>
        %swap3A_334 = arith.index_cast %scan3A_249 : i32 to index
        %swap3A_335 = arith.constant 32 : index
        %swap3A_336 = tpu.vector_load %arg23[%swap3A_334, %swap3A_335] {strides = array<i32>} : memref<40x128xf32, #tpu.memory_space<vmem>>, vector<16xf32>,
        tpu.vector_store %arg23[%swap3A_334, %swap3A_335], %mul3A_333 {strides = array<i32>} : memref<40x128xf32, #tpu.memory_space<vmem>>, vector<16xf32>,
        %mul3A_337 = arith.mulf %exp3A_332, %get3A_61 : vector<16xf32>
        %add3A_338 = arith.addf %add3A_307, %mul3A_337 : vector<16xf32>
        %get3A_339 = arith.index_cast %scan3A_249 : i32 to index
        %get3A_340 = arith.constant 48 : index
        %get3A_341 = tpu.vector_load %arg18[%get3A_339, %get3A_340] {strides = array<i32>} : memref<40x128xf32, #tpu.memory_space<vmem>>, vector<16xf32>,
        %get3A_342 = arith.index_cast %scan3A_249 : i32 to index
        %get3A_343 = arith.constant 48 : index
        %get3A_344 = tpu.vector_load %arg19[%get3A_342, %get3A_343] {strides = array<i32>} : memref<40x128xf32, #tpu.memory_space<vmem>>, vector<16xf32>,
        %add3A_345 = arith.addf %get3A_341, %get3A_344 : vector<16xf32>
        %get3A_346 = arith.index_cast %scan3A_249 : i32 to index
        %get3A_347 = arith.constant 48 : index
        %get3A_348 = tpu.vector_load %arg22[%get3A_346, %get3A_347] {strides = array<i32>} : memref<40x128xf32, #tpu.memory_space<vmem>>, vector<16xf32>,
        %add3A_349 = arith.addf %add3A_345, %get3A_348 : vector<16xf32>
        %ge3A_350 = arith.constant 0.000000e+00 : f32
        %ge3A_351 = vector.broadcast %ge3A_350 : f32 to vector<16xf32>
        %ge3A_352 = arith.cmpf oge, %add3A_349, %ge3A_351 : vector<16xf32>
        %mul3A_353 = arith.constant 2.000000e-01 : f32
        %mul3A_354 = vector.broadcast %mul3A_353 : f32 to vector<16xf32>
        %mul3A_355 = arith.mulf %add3A_349, %mul3A_354 : vector<16xf32>
        %select_n3A_356 = arith.select %ge3A_352, %add3A_349, %mul3A_355 : vector<16xi1>, vector<16xf32>
        %mul3A_357 = arith.mulf %select_n3A_356, %get3A_33 : vector<16xf32>
        %reduce_sum3A_358 = arith.constant true
        %reduce_sum3A_359 = vector.broadcast %reduce_sum3A_358 : i1 to vector<16xi1>
        %reduce_sum3A_360 = tpu.scan <sum>, %mul3A_357 masked %reduce_sum3A_359 : vector<16xf32>, vector<16xi1> -> vector<16xf32>
        %reduce_sum3A_361 = vector.extract %reduce_sum3A_360[15] : f32 from vector<16xf32>
        %broadcast_in_dim3A_362 = vector.broadcast %reduce_sum3A_361 : f32 to vector<16xf32>
        %exp3A_363 = math.exp %broadcast_in_dim3A_362 : vector<16xf32>
        %mul3A_364 = arith.mulf %get3A_341, %exp3A_363 : vector<16xf32>
        %swap3A_365 = arith.index_cast %scan3A_249 : i32 to index
        %swap3A_366 = arith.constant 48 : index
        %swap3A_367 = tpu.vector_load %arg23[%swap3A_365, %swap3A_366] {strides = array<i32>} : memref<40x128xf32, #tpu.memory_space<vmem>>, vector<16xf32>,
        tpu.vector_store %arg23[%swap3A_365, %swap3A_366], %mul3A_364 {strides = array<i32>} : memref<40x128xf32, #tpu.memory_space<vmem>>, vector<16xf32>,
        %mul3A_368 = arith.mulf %exp3A_363, %get3A_65 : vector<16xf32>
        %add3A_369 = arith.addf %add3A_338, %mul3A_368 : vector<16xf32>
        %get3A_370 = arith.index_cast %scan3A_249 : i32 to index
        %get3A_371 = arith.constant 64 : index
        %get3A_372 = tpu.vector_load %arg18[%get3A_370, %get3A_371] {strides = array<i32>} : memref<40x128xf32, #tpu.memory_space<vmem>>, vector<16xf32>,
        %get3A_373 = arith.index_cast %scan3A_249 : i32 to index
        %get3A_374 = arith.constant 64 : index
        %get3A_375 = tpu.vector_load %arg19[%get3A_373, %get3A_374] {strides = array<i32>} : memref<40x128xf32, #tpu.memory_space<vmem>>, vector<16xf32>,
        %add3A_376 = arith.addf %get3A_372, %get3A_375 : vector<16xf32>
        %get3A_377 = arith.index_cast %scan3A_249 : i32 to index
        %get3A_378 = arith.constant 64 : index
        %get3A_379 = tpu.vector_load %arg22[%get3A_377, %get3A_378] {strides = array<i32>} : memref<40x128xf32, #tpu.memory_space<vmem>>, vector<16xf32>,
        %add3A_380 = arith.addf %add3A_376, %get3A_379 : vector<16xf32>
        %ge3A_381 = arith.constant 0.000000e+00 : f32
        %ge3A_382 = vector.broadcast %ge3A_381 : f32 to vector<16xf32>
        %ge3A_383 = arith.cmpf oge, %add3A_380, %ge3A_382 : vector<16xf32>
        %mul3A_384 = arith.constant 2.000000e-01 : f32
        %mul3A_385 = vector.broadcast %mul3A_384 : f32 to vector<16xf32>
        %mul3A_386 = arith.mulf %add3A_380, %mul3A_385 : vector<16xf32>
        %select_n3A_387 = arith.select %ge3A_383, %add3A_380, %mul3A_386 : vector<16xi1>, vector<16xf32>
        %mul3A_388 = arith.mulf %select_n3A_387, %get3A_37 : vector<16xf32>
        %reduce_sum3A_389 = arith.constant true
        %reduce_sum3A_390 = vector.broadcast %reduce_sum3A_389 : i1 to vector<16xi1>
        %reduce_sum3A_391 = tpu.scan <sum>, %mul3A_388 masked %reduce_sum3A_390 : vector<16xf32>, vector<16xi1> -> vector<16xf32>
        %reduce_sum3A_392 = vector.extract %reduce_sum3A_391[15] : f32 from vector<16xf32>
        %broadcast_in_dim3A_393 = vector.broadcast %reduce_sum3A_392 : f32 to vector<16xf32>
        %exp3A_394 = math.exp %broadcast_in_dim3A_393 : vector<16xf32>
        %mul3A_395 = arith.mulf %get3A_372, %exp3A_394 : vector<16xf32>
        %swap3A_396 = arith.index_cast %scan3A_249 : i32 to index
        %swap3A_397 = arith.constant 64 : index
        %swap3A_398 = tpu.vector_load %arg23[%swap3A_396, %swap3A_397] {strides = array<i32>} : memref<40x128xf32, #tpu.memory_space<vmem>>, vector<16xf32>,
        tpu.vector_store %arg23[%swap3A_396, %swap3A_397], %mul3A_395 {strides = array<i32>} : memref<40x128xf32, #tpu.memory_space<vmem>>, vector<16xf32>,
        %mul3A_399 = arith.mulf %exp3A_394, %get3A_69 : vector<16xf32>
        %add3A_400 = arith.addf %add3A_369, %mul3A_399 : vector<16xf32>
        %get3A_401 = arith.index_cast %scan3A_249 : i32 to index
        %get3A_402 = arith.constant 80 : index
        %get3A_403 = tpu.vector_load %arg18[%get3A_401, %get3A_402] {strides = array<i32>} : memref<40x128xf32, #tpu.memory_space<vmem>>, vector<16xf32>,
        %get3A_404 = arith.index_cast %scan3A_249 : i32 to index
        %get3A_405 = arith.constant 80 : index
        %get3A_406 = tpu.vector_load %arg19[%get3A_404, %get3A_405] {strides = array<i32>} : memref<40x128xf32, #tpu.memory_space<vmem>>, vector<16xf32>,
        %add3A_407 = arith.addf %get3A_403, %get3A_406 : vector<16xf32>
        %get3A_408 = arith.index_cast %scan3A_249 : i32 to index
        %get3A_409 = arith.constant 80 : index
        %get3A_410 = tpu.vector_load %arg22[%get3A_408, %get3A_409] {strides = array<i32>} : memref<40x128xf32, #tpu.memory_space<vmem>>, vector<16xf32>,
        %add3A_411 = arith.addf %add3A_407, %get3A_410 : vector<16xf32>
        %ge3A_412 = arith.constant 0.000000e+00 : f32
        %ge3A_413 = vector.broadcast %ge3A_412 : f32 to vector<16xf32>
        %ge3A_414 = arith.cmpf oge, %add3A_411, %ge3A_413 : vector<16xf32>
        %mul3A_415 = arith.constant 2.000000e-01 : f32
        %mul3A_416 = vector.broadcast %mul3A_415 : f32 to vector<16xf32>
        %mul3A_417 = arith.mulf %add3A_411, %mul3A_416 : vector<16xf32>
        %select_n3A_418 = arith.select %ge3A_414, %add3A_411, %mul3A_417 : vector<16xi1>, vector<16xf32>
        %mul3A_419 = arith.mulf %select_n3A_418, %get3A_41 : vector<16xf32>
        %reduce_sum3A_420 = arith.constant true
        %reduce_sum3A_421 = vector.broadcast %reduce_sum3A_420 : i1 to vector<16xi1>
        %reduce_sum3A_422 = tpu.scan <sum>, %mul3A_419 masked %reduce_sum3A_421 : vector<16xf32>, vector<16xi1> -> vector<16xf32>
        %reduce_sum3A_423 = vector.extract %reduce_sum3A_422[15] : f32 from vector<16xf32>
        %broadcast_in_dim3A_424 = vector.broadcast %reduce_sum3A_423 : f32 to vector<16xf32>
        %exp3A_425 = math.exp %broadcast_in_dim3A_424 : vector<16xf32>
        %mul3A_426 = arith.mulf %get3A_403, %exp3A_425 : vector<16xf32>
        %swap3A_427 = arith.index_cast %scan3A_249 : i32 to index
        %swap3A_428 = arith.constant 80 : index
        %swap3A_429 = tpu.vector_load %arg23[%swap3A_427, %swap3A_428] {strides = array<i32>} : memref<40x128xf32, #tpu.memory_space<vmem>>, vector<16xf32>,
        tpu.vector_store %arg23[%swap3A_427, %swap3A_428], %mul3A_426 {strides = array<i32>} : memref<40x128xf32, #tpu.memory_space<vmem>>, vector<16xf32>,
        %mul3A_430 = arith.mulf %exp3A_425, %get3A_73 : vector<16xf32>
        %add3A_431 = arith.addf %add3A_400, %mul3A_430 : vector<16xf32>
        %get3A_432 = arith.index_cast %scan3A_249 : i32 to index
        %get3A_433 = arith.constant 96 : index
        %get3A_434 = tpu.vector_load %arg18[%get3A_432, %get3A_433] {strides = array<i32>} : memref<40x128xf32, #tpu.memory_space<vmem>>, vector<16xf32>,
        %get3A_435 = arith.index_cast %scan3A_249 : i32 to index
        %get3A_436 = arith.constant 96 : index
        %get3A_437 = tpu.vector_load %arg19[%get3A_435, %get3A_436] {strides = array<i32>} : memref<40x128xf32, #tpu.memory_space<vmem>>, vector<16xf32>,
        %add3A_438 = arith.addf %get3A_434, %get3A_437 : vector<16xf32>
        %get3A_439 = arith.index_cast %scan3A_249 : i32 to index
        %get3A_440 = arith.constant 96 : index
        %get3A_441 = tpu.vector_load %arg22[%get3A_439, %get3A_440] {strides = array<i32>} : memref<40x128xf32, #tpu.memory_space<vmem>>, vector<16xf32>,
        %add3A_442 = arith.addf %add3A_438, %get3A_441 : vector<16xf32>
        %ge3A_443 = arith.constant 0.000000e+00 : f32
        %ge3A_444 = vector.broadcast %ge3A_443 : f32 to vector<16xf32>
        %ge3A_445 = arith.cmpf oge, %add3A_442, %ge3A_444 : vector<16xf32>
        %mul3A_446 = arith.constant 2.000000e-01 : f32
        %mul3A_447 = vector.broadcast %mul3A_446 : f32 to vector<16xf32>
        %mul3A_448 = arith.mulf %add3A_442, %mul3A_447 : vector<16xf32>
        %select_n3A_449 = arith.select %ge3A_445, %add3A_442, %mul3A_448 : vector<16xi1>, vector<16xf32>
        %mul3A_450 = arith.mulf %select_n3A_449, %get3A_45 : vector<16xf32>
        %reduce_sum3A_451 = arith.constant true
        %reduce_sum3A_452 = vector.broadcast %reduce_sum3A_451 : i1 to vector<16xi1>
        %reduce_sum3A_453 = tpu.scan <sum>, %mul3A_450 masked %reduce_sum3A_452 : vector<16xf32>, vector<16xi1> -> vector<16xf32>
        %reduce_sum3A_454 = vector.extract %reduce_sum3A_453[15] : f32 from vector<16xf32>
        %broadcast_in_dim3A_455 = vector.broadcast %reduce_sum3A_454 : f32 to vector<16xf32>
        %exp3A_456 = math.exp %broadcast_in_dim3A_455 : vector<16xf32>
        %mul3A_457 = arith.mulf %get3A_434, %exp3A_456 : vector<16xf32>
        %swap3A_458 = arith.index_cast %scan3A_249 : i32 to index
        %swap3A_459 = arith.constant 96 : index
        %swap3A_460 = tpu.vector_load %arg23[%swap3A_458, %swap3A_459] {strides = array<i32>} : memref<40x128xf32, #tpu.memory_space<vmem>>, vector<16xf32>,
        tpu.vector_store %arg23[%swap3A_458, %swap3A_459], %mul3A_457 {strides = array<i32>} : memref<40x128xf32, #tpu.memory_space<vmem>>, vector<16xf32>,
        %mul3A_461 = arith.mulf %exp3A_456, %get3A_77 : vector<16xf32>
        %add3A_462 = arith.addf %add3A_431, %mul3A_461 : vector<16xf32>
        %get3A_463 = arith.index_cast %scan3A_249 : i32 to index
        %get3A_464 = arith.constant 112 : index
        %get3A_465 = tpu.vector_load %arg18[%get3A_463, %get3A_464] {strides = array<i32>} : memref<40x128xf32, #tpu.memory_space<vmem>>, vector<16xf32>,
        %get3A_466 = arith.index_cast %scan3A_249 : i32 to index
        %get3A_467 = arith.constant 112 : index
        %get3A_468 = tpu.vector_load %arg19[%get3A_466, %get3A_467] {strides = array<i32>} : memref<40x128xf32, #tpu.memory_space<vmem>>, vector<16xf32>,
        %add3A_469 = arith.addf %get3A_465, %get3A_468 : vector<16xf32>
        %get3A_470 = arith.index_cast %scan3A_249 : i32 to index
        %get3A_471 = arith.constant 112 : index
        %get3A_472 = tpu.vector_load %arg22[%get3A_470, %get3A_471] {strides = array<i32>} : memref<40x128xf32, #tpu.memory_space<vmem>>, vector<16xf32>,
        %add3A_473 = arith.addf %add3A_469, %get3A_472 : vector<16xf32>
        %ge3A_474 = arith.constant 0.000000e+00 : f32
        %ge3A_475 = vector.broadcast %ge3A_474 : f32 to vector<16xf32>
        %ge3A_476 = arith.cmpf oge, %add3A_473, %ge3A_475 : vector<16xf32>
        %mul3A_477 = arith.constant 2.000000e-01 : f32
        %mul3A_478 = vector.broadcast %mul3A_477 : f32 to vector<16xf32>
        %mul3A_479 = arith.mulf %add3A_473, %mul3A_478 : vector<16xf32>
        %select_n3A_480 = arith.select %ge3A_476, %add3A_473, %mul3A_479 : vector<16xi1>, vector<16xf32>
        %mul3A_481 = arith.mulf %select_n3A_480, %get3A_49 : vector<16xf32>
        %reduce_sum3A_482 = arith.constant true
        %reduce_sum3A_483 = vector.broadcast %reduce_sum3A_482 : i1 to vector<16xi1>
        %reduce_sum3A_484 = tpu.scan <sum>, %mul3A_481 masked %reduce_sum3A_483 : vector<16xf32>, vector<16xi1> -> vector<16xf32>
        %reduce_sum3A_485 = vector.extract %reduce_sum3A_484[15] : f32 from vector<16xf32>
        %broadcast_in_dim3A_486 = vector.broadcast %reduce_sum3A_485 : f32 to vector<16xf32>
        %exp3A_487 = math.exp %broadcast_in_dim3A_486 : vector<16xf32>
        %mul3A_488 = arith.mulf %get3A_465, %exp3A_487 : vector<16xf32>
        %swap3A_489 = arith.index_cast %scan3A_249 : i32 to index
        %swap3A_490 = arith.constant 112 : index
        %swap3A_491 = tpu.vector_load %arg23[%swap3A_489, %swap3A_490] {strides = array<i32>} : memref<40x128xf32, #tpu.memory_space<vmem>>, vector<16xf32>,
        tpu.vector_store %arg23[%swap3A_489, %swap3A_490], %mul3A_488 {strides = array<i32>} : memref<40x128xf32, #tpu.memory_space<vmem>>, vector<16xf32>,
        %mul3A_492 = arith.mulf %exp3A_487, %get3A_81 : vector<16xf32>
        %add3A_493 = arith.addf %add3A_462, %mul3A_492 : vector<16xf32>
        %broadcast_in_dim3A_494 = vector.broadcast %scan3A_249 : i32 to vector<16xi32>
        %gather3A = tpu.vector_load_idx %arg13[%broadcast_in_dim3A_494] : memref<40xi32, #tpu.memory_space<vmem>>[vector<16xi32>], vector<16xi32>,
        %and3A = arith.constant 7 : i32
        %and3A_495 = vector.broadcast %and3A : i32 to vector<16xi32>
        %and3A_496 = arith.andi %gather3A, %and3A_495 : vector<16xi32>
        %eq3A = arith.constant 0 : i32
        %eq3A_497 = vector.broadcast %eq3A : i32 to vector<16xi32>
        %eq3A_498 = arith.cmpi eq, %and3A_496, %eq3A_497 : vector<16xi32>
        %select_n3A_499 = arith.select %eq3A_498, %add3A_493, %broadcast_in_dim3A_1 : vector<16xi1>, vector<16xf32>
        %swap3A_500 = arith.index_cast %scan3A_249 : i32 to index
        %swap3A_501 = arith.constant 0 : index
        %swap3A_502 = tpu.vector_load %arg24[%swap3A_500, %swap3A_501] {strides = array<i32>} : memref<40x128xf32, #tpu.memory_space<vmem>>, vector<16xf32>,
        tpu.vector_store %arg24[%swap3A_500, %swap3A_501], %select_n3A_499 {strides = array<i32>} : memref<40x128xf32, #tpu.memory_space<vmem>>, vector<16xf32>,
        %eq3A_503 = arith.constant 1 : i32
        %eq3A_504 = vector.broadcast %eq3A_503 : i32 to vector<16xi32>
        %eq3A_505 = arith.cmpi eq, %and3A_496, %eq3A_504 : vector<16xi32>
        %select_n3A_506 = arith.select %eq3A_505, %add3A_493, %broadcast_in_dim3A_1 : vector<16xi1>, vector<16xf32>
        %swap3A_507 = arith.index_cast %scan3A_249 : i32 to index
        %swap3A_508 = arith.constant 16 : index
        %swap3A_509 = tpu.vector_load %arg24[%swap3A_507, %swap3A_508] {strides = array<i32>} : memref<40x128xf32, #tpu.memory_space<vmem>>, vector<16xf32>,
        tpu.vector_store %arg24[%swap3A_507, %swap3A_508], %select_n3A_506 {strides = array<i32>} : memref<40x128xf32, #tpu.memory_space<vmem>>, vector<16xf32>,
        %eq3A_510 = arith.constant 2 : i32
        %eq3A_511 = vector.broadcast %eq3A_510 : i32 to vector<16xi32>
        %eq3A_512 = arith.cmpi eq, %and3A_496, %eq3A_511 : vector<16xi32>
        %select_n3A_513 = arith.select %eq3A_512, %add3A_493, %broadcast_in_dim3A_1 : vector<16xi1>, vector<16xf32>
        %swap3A_514 = arith.index_cast %scan3A_249 : i32 to index
        %swap3A_515 = arith.constant 32 : index
        %swap3A_516 = tpu.vector_load %arg24[%swap3A_514, %swap3A_515] {strides = array<i32>} : memref<40x128xf32, #tpu.memory_space<vmem>>, vector<16xf32>,
        tpu.vector_store %arg24[%swap3A_514, %swap3A_515], %select_n3A_513 {strides = array<i32>} : memref<40x128xf32, #tpu.memory_space<vmem>>, vector<16xf32>,
        %eq3A_517 = arith.constant 3 : i32
        %eq3A_518 = vector.broadcast %eq3A_517 : i32 to vector<16xi32>
        %eq3A_519 = arith.cmpi eq, %and3A_496, %eq3A_518 : vector<16xi32>
        %select_n3A_520 = arith.select %eq3A_519, %add3A_493, %broadcast_in_dim3A_1 : vector<16xi1>, vector<16xf32>
        %swap3A_521 = arith.index_cast %scan3A_249 : i32 to index
        %swap3A_522 = arith.constant 48 : index
        %swap3A_523 = tpu.vector_load %arg24[%swap3A_521, %swap3A_522] {strides = array<i32>} : memref<40x128xf32, #tpu.memory_space<vmem>>, vector<16xf32>,
        tpu.vector_store %arg24[%swap3A_521, %swap3A_522], %select_n3A_520 {strides = array<i32>} : memref<40x128xf32, #tpu.memory_space<vmem>>, vector<16xf32>,
        %eq3A_524 = arith.constant 4 : i32
        %eq3A_525 = vector.broadcast %eq3A_524 : i32 to vector<16xi32>
        %eq3A_526 = arith.cmpi eq, %and3A_496, %eq3A_525 : vector<16xi32>
        %select_n3A_527 = arith.select %eq3A_526, %add3A_493, %broadcast_in_dim3A_1 : vector<16xi1>, vector<16xf32>
        %swap3A_528 = arith.index_cast %scan3A_249 : i32 to index
        %swap3A_529 = arith.constant 64 : index
        %swap3A_530 = tpu.vector_load %arg24[%swap3A_528, %swap3A_529] {strides = array<i32>} : memref<40x128xf32, #tpu.memory_space<vmem>>, vector<16xf32>,
        tpu.vector_store %arg24[%swap3A_528, %swap3A_529], %select_n3A_527 {strides = array<i32>} : memref<40x128xf32, #tpu.memory_space<vmem>>, vector<16xf32>,
        %eq3A_531 = arith.constant 5 : i32
        %eq3A_532 = vector.broadcast %eq3A_531 : i32 to vector<16xi32>
        %eq3A_533 = arith.cmpi eq, %and3A_496, %eq3A_532 : vector<16xi32>
        %select_n3A_534 = arith.select %eq3A_533, %add3A_493, %broadcast_in_dim3A_1 : vector<16xi1>, vector<16xf32>
        %swap3A_535 = arith.index_cast %scan3A_249 : i32 to index
        %swap3A_536 = arith.constant 80 : index
        %swap3A_537 = tpu.vector_load %arg24[%swap3A_535, %swap3A_536] {strides = array<i32>} : memref<40x128xf32, #tpu.memory_space<vmem>>, vector<16xf32>,
        tpu.vector_store %arg24[%swap3A_535, %swap3A_536], %select_n3A_534 {strides = array<i32>} : memref<40x128xf32, #tpu.memory_space<vmem>>, vector<16xf32>,
        %eq3A_538 = arith.constant 6 : i32
        %eq3A_539 = vector.broadcast %eq3A_538 : i32 to vector<16xi32>
        %eq3A_540 = arith.cmpi eq, %and3A_496, %eq3A_539 : vector<16xi32>
        %select_n3A_541 = arith.select %eq3A_540, %add3A_493, %broadcast_in_dim3A_1 : vector<16xi1>, vector<16xf32>
        %swap3A_542 = arith.index_cast %scan3A_249 : i32 to index
        %swap3A_543 = arith.constant 96 : index
        %swap3A_544 = tpu.vector_load %arg24[%swap3A_542, %swap3A_543] {strides = array<i32>} : memref<40x128xf32, #tpu.memory_space<vmem>>, vector<16xf32>,
        tpu.vector_store %arg24[%swap3A_542, %swap3A_543], %select_n3A_541 {strides = array<i32>} : memref<40x128xf32, #tpu.memory_space<vmem>>, vector<16xf32>,
        %eq3A_545 = arith.constant 7 : i32
        %eq3A_546 = vector.broadcast %eq3A_545 : i32 to vector<16xi32>
        %eq3A_547 = arith.cmpi eq, %and3A_496, %eq3A_546 : vector<16xi32>
        %select_n3A_548 = arith.select %eq3A_547, %add3A_493, %broadcast_in_dim3A_1 : vector<16xi1>, vector<16xf32>
        %swap3A_549 = arith.index_cast %scan3A_249 : i32 to index
        %swap3A_550 = arith.constant 112 : index
        %swap3A_551 = tpu.vector_load %arg24[%swap3A_549, %swap3A_550] {strides = array<i32>} : memref<40x128xf32, #tpu.memory_space<vmem>>, vector<16xf32>,
        tpu.vector_store %arg24[%swap3A_549, %swap3A_550], %select_n3A_548 {strides = array<i32>} : memref<40x128xf32, #tpu.memory_space<vmem>>, vector<16xf32>,
      }
      %scan3A_176 = arith.constant 40 : i32
      %dma_start3A_177 = arith.constant 0 : i32
      %dma_start3A_178 = arith.constant 0 : i32
      %dma_start3A_179 = tpu.memref_slice %arg10[%dma_start3A_177, %dma_start3A_178] : memref<10240x128xf32, #tpu.memory_space<vmem_shared>> -> memref<10240x128xf32, #tpu.memory_space<vmem_shared>>
      tpu.enqueue_indirect_dma source(%arg23 : memref<40x128xf32, #tpu.memory_space<vmem>>) target(%dma_start3A_179 : memref<10240x128xf32, #tpu.memory_space<vmem_shared>>) offsets(%arg13 : memref<40xi32, #tpu.memory_space<vmem>>) semaphore(%arg31 : memref<!tpu.dma_semaphore, #tpu.memory_space<semaphore_mem>>) {add = true}
      %dma_start3A_180 = arith.constant 0 : i32
      %dma_start3A_181 = arith.constant 0 : i32
      %dma_start3A_182 = tpu.memref_slice %arg11[%dma_start3A_180, %dma_start3A_181] : memref<1280x128xf32, #tpu.memory_space<vmem_shared>> -> memref<1280x128xf32, #tpu.memory_space<vmem_shared>>
      tpu.enqueue_indirect_dma source(%arg24 : memref<40x128xf32, #tpu.memory_space<vmem>>) target(%dma_start3A_182 : memref<1280x128xf32, #tpu.memory_space<vmem_shared>>) offsets(%arg14 : memref<40xi32, #tpu.memory_space<vmem>>) semaphore(%arg32 : memref<!tpu.dma_semaphore, #tpu.memory_space<semaphore_mem>>) {add = true}
      %mul3A_183 = arith.constant 10000 : i32
      %mul3A_184 = arith.muli %add3A, %mul3A_183 : i32
      %add3A_185 = arith.constant 1 : i32
      %add3A_186 = arith.addi %mul3A_117, %add3A_185 : i32
      %mul3A_187 = arith.constant 40 : i32
      %mul3A_188 = arith.muli %add3A_186, %mul3A_187 : i32
      %add3A_189 = arith.addi %mul3A_184, %mul3A_188 : i32
      %dma_start3A_190 = arith.constant 0 : i32
      %dma_start3A_191 = tpu.memref_slice %arg4[%add3A_189, %dma_start3A_190] : memref<320000x128xf32, #tpu.memory_space<hbm>> -> memref<40x128xf32, #tpu.memory_space<hbm>>
      %dma_start3A_192 = arith.constant 0 : i32
      %dma_start3A_193 = tpu.memref_slice %arg4[%add3A_189, %dma_start3A_192] : memref<320000x128xf32, #tpu.memory_space<hbm>> -> memref<40x128xf32, #tpu.memory_space<hbm>>
      tpu.enqueue_dma source(%dma_start3A_193 : memref<40x128xf32, #tpu.memory_space<hbm>>) target(%arg22 : memref<40x128xf32, #tpu.memory_space<vmem>>) target_semaphore(%arg30 : memref<!tpu.dma_semaphore, #tpu.memory_space<semaphore_mem>>)
      %dma_wait3A_194 = arith.constant 0 : i32
      %dma_wait3A_195 = arith.constant 0 : i32
      %dma_wait3A_196 = tpu.memref_slice %arg2[%dma_wait3A_194, %dma_wait3A_195] : memref<10000x128xf32, #tpu.memory_space<hbm>> -> memref<10000x128xf32, #tpu.memory_space<hbm>>
      tpu.wait_indirect_dma semaphore(%arg28 : memref<!tpu.dma_semaphore, #tpu.memory_space<semaphore_mem>>) src(%dma_wait3A_196 : memref<10000x128xf32, #tpu.memory_space<hbm>>) dst(%arg20 : memref<40x128xf32, #tpu.memory_space<vmem>>)
      %dma_wait3A_197 = arith.constant 0 : i32
      %dma_wait3A_198 = arith.constant 0 : i32
      %dma_wait3A_199 = tpu.memref_slice %arg3[%dma_wait3A_197, %dma_wait3A_198] : memref<10000x128xf32, #tpu.memory_space<hbm>> -> memref<10000x128xf32, #tpu.memory_space<hbm>>
      tpu.wait_indirect_dma semaphore(%arg29 : memref<!tpu.dma_semaphore, #tpu.memory_space<semaphore_mem>>) src(%dma_wait3A_199 : memref<10000x128xf32, #tpu.memory_space<hbm>>) dst(%arg21 : memref<40x128xf32, #tpu.memory_space<vmem>>)
      %dma_wait3A_200 = arith.constant 0 : i32
      %dma_wait3A_201 = tpu.memref_slice %arg4[%add3A_189, %dma_wait3A_200] : memref<320000x128xf32, #tpu.memory_space<hbm>> -> memref<40x128xf32, #tpu.memory_space<hbm>>
      %dma_wait3A_202 = arith.constant 0 : i32
      %dma_wait3A_203 = tpu.memref_slice %arg4[%add3A_189, %dma_wait3A_202] : memref<320000x128xf32, #tpu.memory_space<hbm>> -> memref<40x128xf32, #tpu.memory_space<hbm>>
      tpu.wait_dma2 semaphore(%arg30 : memref<!tpu.dma_semaphore, #tpu.memory_space<semaphore_mem>>) src(%dma_wait3A_203 : memref<40x128xf32, #tpu.memory_space<hbm>>) dst(%arg22 : memref<40x128xf32, #tpu.memory_space<vmem>>)
      %dma_wait3A_204 = arith.constant 0 : i32
      %dma_wait3A_205 = arith.constant 0 : i32
      %dma_wait3A_206 = tpu.memref_slice %arg10[%dma_wait3A_204, %dma_wait3A_205] : memref<10240x128xf32, #tpu.memory_space<vmem_shared>> -> memref<10240x128xf32, #tpu.memory_space<vmem_shared>>
      tpu.wait_indirect_dma semaphore(%arg31 : memref<!tpu.dma_semaphore, #tpu.memory_space<semaphore_mem>>) src(%arg23 : memref<40x128xf32, #tpu.memory_space<vmem>>) dst(%dma_wait3A_206 : memref<10240x128xf32, #tpu.memory_space<vmem_shared>>)
      %dma_wait3A_207 = arith.constant 0 : i32
      %dma_wait3A_208 = arith.constant 0 : i32
      %dma_wait3A_209 = tpu.memref_slice %arg11[%dma_wait3A_207, %dma_wait3A_208] : memref<1280x128xf32, #tpu.memory_space<vmem_shared>> -> memref<1280x128xf32, #tpu.memory_space<vmem_shared>>
      tpu.wait_indirect_dma semaphore(%arg32 : memref<!tpu.dma_semaphore, #tpu.memory_space<semaphore_mem>>) src(%arg24 : memref<40x128xf32, #tpu.memory_space<vmem>>) dst(%dma_wait3A_209 : memref<1280x128xf32, #tpu.memory_space<vmem_shared>>)
      %add3A_210 = arith.constant 2 : i32
      %add3A_211 = arith.addi %mul3A_117, %add3A_210 : i32
      %lt3A = arith.constant 250 : i32
      %lt3A_212 = arith.cmpi slt, %add3A_211, %lt3A : i32
      %convert_element_type3A_213 = arith.extui %lt3A_212 : i1 to i32
      %cond3A_214 = arith.constant 0 : i32
      %cond3A_215 = arith.cmpi ne, %convert_element_type3A_213, %cond3A_214 : i32
      scf.if %cond3A_215 {
        %add3A_249 = arith.constant 2 : i32
        %add3A_250 = arith.addi %mul3A_117, %add3A_249 : i32
        %mul3A_251 = arith.constant 10000 : i32
        %mul3A_252 = arith.muli %add3A, %mul3A_251 : i32
        %mul3A_253 = arith.constant 40 : i32
        %mul3A_254 = arith.muli %add3A_250, %mul3A_253 : i32
        %add3A_255 = arith.addi %mul3A_252, %mul3A_254 : i32
        "tpu.region"() ({
          %run_scoped3A = tpu.sem_alloc : memref<!tpu.dma_semaphore, #tpu.memory_space<semaphore_mem>>
          %dma_start3A_262 = tpu.memref_slice %arg5[%add3A_255] : memref<320000xi32, #tpu.memory_space<hbm>> -> memref<40xi32, #tpu.memory_space<hbm>>
          %dma_start3A_263 = tpu.memref_slice %arg5[%add3A_255] : memref<320000xi32, #tpu.memory_space<hbm>> -> memref<40xi32, #tpu.memory_space<hbm>>
          tpu.enqueue_dma source(%dma_start3A_263 : memref<40xi32, #tpu.memory_space<hbm>>) target(%arg12 : memref<40xi32, #tpu.memory_space<vmem>>) target_semaphore(%run_scoped3A : memref<!tpu.dma_semaphore, #tpu.memory_space<semaphore_mem>>)
          %dma_wait3A_264 = tpu.memref_slice %arg5[%add3A_255] : memref<320000xi32, #tpu.memory_space<hbm>> -> memref<40xi32, #tpu.memory_space<hbm>>
          %dma_wait3A_265 = tpu.memref_slice %arg5[%add3A_255] : memref<320000xi32, #tpu.memory_space<hbm>> -> memref<40xi32, #tpu.memory_space<hbm>>
          tpu.wait_dma2 semaphore(%run_scoped3A : memref<!tpu.dma_semaphore, #tpu.memory_space<semaphore_mem>>) src(%dma_wait3A_265 : memref<40xi32, #tpu.memory_space<hbm>>) dst(%arg12 : memref<40xi32, #tpu.memory_space<vmem>>)
          tpu.yield
        }) : () -> ()
        "tpu.region"() ({
          %run_scoped3A = tpu.sem_alloc : memref<!tpu.dma_semaphore, #tpu.memory_space<semaphore_mem>>
          %dma_start3A_262 = tpu.memref_slice %arg6[%add3A_255] : memref<320000xi32, #tpu.memory_space<hbm>> -> memref<40xi32, #tpu.memory_space<hbm>>
          %dma_start3A_263 = tpu.memref_slice %arg6[%add3A_255] : memref<320000xi32, #tpu.memory_space<hbm>> -> memref<40xi32, #tpu.memory_space<hbm>>
          tpu.enqueue_dma source(%dma_start3A_263 : memref<40xi32, #tpu.memory_space<hbm>>) target(%arg13 : memref<40xi32, #tpu.memory_space<vmem>>) target_semaphore(%run_scoped3A : memref<!tpu.dma_semaphore, #tpu.memory_space<semaphore_mem>>)
          %dma_wait3A_264 = tpu.memref_slice %arg6[%add3A_255] : memref<320000xi32, #tpu.memory_space<hbm>> -> memref<40xi32, #tpu.memory_space<hbm>>
          %dma_wait3A_265 = tpu.memref_slice %arg6[%add3A_255] : memref<320000xi32, #tpu.memory_space<hbm>> -> memref<40xi32, #tpu.memory_space<hbm>>
          tpu.wait_dma2 semaphore(%run_scoped3A : memref<!tpu.dma_semaphore, #tpu.memory_space<semaphore_mem>>) src(%dma_wait3A_265 : memref<40xi32, #tpu.memory_space<hbm>>) dst(%arg13 : memref<40xi32, #tpu.memory_space<vmem>>)
          tpu.yield
        }) : () -> ()
        %dma_start3A_256 = arith.constant 0 : i32
        %dma_start3A_257 = arith.constant 0 : i32
        %dma_start3A_258 = tpu.memref_slice %arg2[%dma_start3A_256, %dma_start3A_257] : memref<10000x128xf32, #tpu.memory_space<hbm>> -> memref<10000x128xf32, #tpu.memory_space<hbm>>
        tpu.enqueue_indirect_dma source(%dma_start3A_258 : memref<10000x128xf32, #tpu.memory_space<hbm>>) target(%arg18 : memref<40x128xf32, #tpu.memory_space<vmem>>) offsets(%arg12 : memref<40xi32, #tpu.memory_space<vmem>>) semaphore(%arg26 : memref<!tpu.dma_semaphore, #tpu.memory_space<semaphore_mem>>)
        %dma_start3A_259 = arith.constant 0 : i32
        %dma_start3A_260 = arith.constant 0 : i32
        %dma_start3A_261 = tpu.memref_slice %arg3[%dma_start3A_259, %dma_start3A_260] : memref<10000x128xf32, #tpu.memory_space<hbm>> -> memref<10000x128xf32, #tpu.memory_space<hbm>>
        tpu.enqueue_indirect_dma source(%dma_start3A_261 : memref<10000x128xf32, #tpu.memory_space<hbm>>) target(%arg19 : memref<40x128xf32, #tpu.memory_space<vmem>>) offsets(%arg13 : memref<40xi32, #tpu.memory_space<vmem>>) semaphore(%arg27 : memref<!tpu.dma_semaphore, #tpu.memory_space<semaphore_mem>>)
      } else {
      }
      %get3A_216 = arith.constant 0 : index
      %get3A_217 = tpu.vector_load %arg16[%get3A_216] {strides = array<i32>} : memref<40xi32, #tpu.memory_space<vmem>>, vector<16xi32>,
      %shift_right_arithmetic3A_218 = arith.constant 3 : i32
      %shift_right_arithmetic3A_219 = vector.broadcast %shift_right_arithmetic3A_218 : i32 to vector<16xi32>
      %shift_right_arithmetic3A_220 = arith.shrsi %get3A_217, %shift_right_arithmetic3A_219 : vector<16xi32>
      %swap3A_221 = arith.constant 0 : index
      %swap3A_222 = tpu.vector_load %arg17[%swap3A_221] {strides = array<i32>} : memref<40xi32, #tpu.memory_space<vmem>>, vector<16xi32>,
      tpu.vector_store %arg17[%swap3A_221], %shift_right_arithmetic3A_220 {strides = array<i32>} : memref<40xi32, #tpu.memory_space<vmem>>, vector<16xi32>,
      %get3A_223 = arith.constant 16 : index
      %get3A_224 = tpu.vector_load %arg16[%get3A_223] {strides = array<i32>} : memref<40xi32, #tpu.memory_space<vmem>>, vector<16xi32>,
      %shift_right_arithmetic3A_225 = arith.constant 3 : i32
      %shift_right_arithmetic3A_226 = vector.broadcast %shift_right_arithmetic3A_225 : i32 to vector<16xi32>
      %shift_right_arithmetic3A_227 = arith.shrsi %get3A_224, %shift_right_arithmetic3A_226 : vector<16xi32>
      %swap3A_228 = arith.constant 16 : index
      %swap3A_229 = tpu.vector_load %arg17[%swap3A_228] {strides = array<i32>} : memref<40xi32, #tpu.memory_space<vmem>>, vector<16xi32>,
      tpu.vector_store %arg17[%swap3A_228], %shift_right_arithmetic3A_227 {strides = array<i32>} : memref<40xi32, #tpu.memory_space<vmem>>, vector<16xi32>,
      %get3A_230 = arith.constant 24 : index
      %get3A_231 = tpu.vector_load %arg16[%get3A_230] {strides = array<i32>} : memref<40xi32, #tpu.memory_space<vmem>>, vector<16xi32>,
      %shift_right_arithmetic3A_232 = arith.constant 3 : i32
      %shift_right_arithmetic3A_233 = vector.broadcast %shift_right_arithmetic3A_232 : i32 to vector<16xi32>
      %shift_right_arithmetic3A_234 = arith.shrsi %get3A_231, %shift_right_arithmetic3A_233 : vector<16xi32>
      %swap3A_235 = arith.constant 24 : index
      %swap3A_236 = tpu.vector_load %arg17[%swap3A_235] {strides = array<i32>} : memref<40xi32, #tpu.memory_space<vmem>>, vector<16xi32>,
      tpu.vector_store %arg17[%swap3A_235], %shift_right_arithmetic3A_234 {strides = array<i32>} : memref<40xi32, #tpu.memory_space<vmem>>, vector<16xi32>,
      %scan3A_237 = arith.constant 0 : i32
      %scan3A_238 = arith.constant 0 : i32
      %scan3A_239 = arith.constant 40 : i32
      %scan3A_240 = arith.addi %scan3A_238, %scan3A_239 : i32
      %scan3A_241 = arith.constant 1 : i32
      scf.for %scan3A_249 = %scan3A_238 to %scan3A_240 step %scan3A_241  : i32 {
        %get3A_250 = arith.index_cast %scan3A_249 : i32 to index
        %get3A_251 = arith.constant 0 : index
        %get3A_252 = tpu.vector_load %arg20[%get3A_250, %get3A_251] {strides = array<i32>} : memref<40x128xf32, #tpu.memory_space<vmem>>, vector<16xf32>,
        %get3A_253 = arith.index_cast %scan3A_249 : i32 to index
        %get3A_254 = arith.constant 0 : index
        %get3A_255 = tpu.vector_load %arg21[%get3A_253, %get3A_254] {strides = array<i32>} : memref<40x128xf32, #tpu.memory_space<vmem>>, vector<16xf32>,
        %add3A_256 = arith.addf %get3A_252, %get3A_255 : vector<16xf32>
        %get3A_257 = arith.index_cast %scan3A_249 : i32 to index
        %get3A_258 = arith.constant 0 : index
        %get3A_259 = tpu.vector_load %arg22[%get3A_257, %get3A_258] {strides = array<i32>} : memref<40x128xf32, #tpu.memory_space<vmem>>, vector<16xf32>,
        %add3A_260 = arith.addf %add3A_256, %get3A_259 : vector<16xf32>
        %ge3A = arith.constant 0.000000e+00 : f32
        %ge3A_261 = vector.broadcast %ge3A : f32 to vector<16xf32>
        %ge3A_262 = arith.cmpf oge, %add3A_260, %ge3A_261 : vector<16xf32>
        %mul3A_263 = arith.constant 2.000000e-01 : f32
        %mul3A_264 = vector.broadcast %mul3A_263 : f32 to vector<16xf32>
        %mul3A_265 = arith.mulf %add3A_260, %mul3A_264 : vector<16xf32>
        %select_n3A = arith.select %ge3A_262, %add3A_260, %mul3A_265 : vector<16xi1>, vector<16xf32>
        %mul3A_266 = arith.mulf %select_n3A, %get3A_21 : vector<16xf32>
        %reduce_sum3A = arith.constant true
        %reduce_sum3A_267 = vector.broadcast %reduce_sum3A : i1 to vector<16xi1>
        %reduce_sum3A_268 = tpu.scan <sum>, %mul3A_266 masked %reduce_sum3A_267 : vector<16xf32>, vector<16xi1> -> vector<16xf32>
        %reduce_sum3A_269 = vector.extract %reduce_sum3A_268[15] : f32 from vector<16xf32>
        %broadcast_in_dim3A_270 = vector.broadcast %reduce_sum3A_269 : f32 to vector<16xf32>
        %exp3A = math.exp %broadcast_in_dim3A_270 : vector<16xf32>
        %mul3A_271 = arith.mulf %get3A_252, %exp3A : vector<16xf32>
        %swap3A_272 = arith.index_cast %scan3A_249 : i32 to index
        %swap3A_273 = arith.constant 0 : index
        %swap3A_274 = tpu.vector_load %arg23[%swap3A_272, %swap3A_273] {strides = array<i32>} : memref<40x128xf32, #tpu.memory_space<vmem>>, vector<16xf32>,
        tpu.vector_store %arg23[%swap3A_272, %swap3A_273], %mul3A_271 {strides = array<i32>} : memref<40x128xf32, #tpu.memory_space<vmem>>, vector<16xf32>,
        %mul3A_275 = arith.mulf %exp3A, %get3A_53 : vector<16xf32>
        %add3A_276 = arith.addf %broadcast_in_dim3A_1, %mul3A_275 : vector<16xf32>
        %get3A_277 = arith.index_cast %scan3A_249 : i32 to index
        %get3A_278 = arith.constant 16 : index
        %get3A_279 = tpu.vector_load %arg20[%get3A_277, %get3A_278] {strides = array<i32>} : memref<40x128xf32, #tpu.memory_space<vmem>>, vector<16xf32>,
        %get3A_280 = arith.index_cast %scan3A_249 : i32 to index
        %get3A_281 = arith.constant 16 : index
        %get3A_282 = tpu.vector_load %arg21[%get3A_280, %get3A_281] {strides = array<i32>} : memref<40x128xf32, #tpu.memory_space<vmem>>, vector<16xf32>,
        %add3A_283 = arith.addf %get3A_279, %get3A_282 : vector<16xf32>
        %get3A_284 = arith.index_cast %scan3A_249 : i32 to index
        %get3A_285 = arith.constant 16 : index
        %get3A_286 = tpu.vector_load %arg22[%get3A_284, %get3A_285] {strides = array<i32>} : memref<40x128xf32, #tpu.memory_space<vmem>>, vector<16xf32>,
        %add3A_287 = arith.addf %add3A_283, %get3A_286 : vector<16xf32>
        %ge3A_288 = arith.constant 0.000000e+00 : f32
        %ge3A_289 = vector.broadcast %ge3A_288 : f32 to vector<16xf32>
        %ge3A_290 = arith.cmpf oge, %add3A_287, %ge3A_289 : vector<16xf32>
        %mul3A_291 = arith.constant 2.000000e-01 : f32
        %mul3A_292 = vector.broadcast %mul3A_291 : f32 to vector<16xf32>
        %mul3A_293 = arith.mulf %add3A_287, %mul3A_292 : vector<16xf32>
        %select_n3A_294 = arith.select %ge3A_290, %add3A_287, %mul3A_293 : vector<16xi1>, vector<16xf32>
        %mul3A_295 = arith.mulf %select_n3A_294, %get3A_25 : vector<16xf32>
        %reduce_sum3A_296 = arith.constant true
        %reduce_sum3A_297 = vector.broadcast %reduce_sum3A_296 : i1 to vector<16xi1>
        %reduce_sum3A_298 = tpu.scan <sum>, %mul3A_295 masked %reduce_sum3A_297 : vector<16xf32>, vector<16xi1> -> vector<16xf32>
        %reduce_sum3A_299 = vector.extract %reduce_sum3A_298[15] : f32 from vector<16xf32>
        %broadcast_in_dim3A_300 = vector.broadcast %reduce_sum3A_299 : f32 to vector<16xf32>
        %exp3A_301 = math.exp %broadcast_in_dim3A_300 : vector<16xf32>
        %mul3A_302 = arith.mulf %get3A_279, %exp3A_301 : vector<16xf32>
        %swap3A_303 = arith.index_cast %scan3A_249 : i32 to index
        %swap3A_304 = arith.constant 16 : index
        %swap3A_305 = tpu.vector_load %arg23[%swap3A_303, %swap3A_304] {strides = array<i32>} : memref<40x128xf32, #tpu.memory_space<vmem>>, vector<16xf32>,
        tpu.vector_store %arg23[%swap3A_303, %swap3A_304], %mul3A_302 {strides = array<i32>} : memref<40x128xf32, #tpu.memory_space<vmem>>, vector<16xf32>,
        %mul3A_306 = arith.mulf %exp3A_301, %get3A_57 : vector<16xf32>
        %add3A_307 = arith.addf %add3A_276, %mul3A_306 : vector<16xf32>
        %get3A_308 = arith.index_cast %scan3A_249 : i32 to index
        %get3A_309 = arith.constant 32 : index
        %get3A_310 = tpu.vector_load %arg20[%get3A_308, %get3A_309] {strides = array<i32>} : memref<40x128xf32, #tpu.memory_space<vmem>>, vector<16xf32>,
        %get3A_311 = arith.index_cast %scan3A_249 : i32 to index
        %get3A_312 = arith.constant 32 : index
        %get3A_313 = tpu.vector_load %arg21[%get3A_311, %get3A_312] {strides = array<i32>} : memref<40x128xf32, #tpu.memory_space<vmem>>, vector<16xf32>,
        %add3A_314 = arith.addf %get3A_310, %get3A_313 : vector<16xf32>
        %get3A_315 = arith.index_cast %scan3A_249 : i32 to index
        %get3A_316 = arith.constant 32 : index
        %get3A_317 = tpu.vector_load %arg22[%get3A_315, %get3A_316] {strides = array<i32>} : memref<40x128xf32, #tpu.memory_space<vmem>>, vector<16xf32>,
        %add3A_318 = arith.addf %add3A_314, %get3A_317 : vector<16xf32>
        %ge3A_319 = arith.constant 0.000000e+00 : f32
        %ge3A_320 = vector.broadcast %ge3A_319 : f32 to vector<16xf32>
        %ge3A_321 = arith.cmpf oge, %add3A_318, %ge3A_320 : vector<16xf32>
        %mul3A_322 = arith.constant 2.000000e-01 : f32
        %mul3A_323 = vector.broadcast %mul3A_322 : f32 to vector<16xf32>
        %mul3A_324 = arith.mulf %add3A_318, %mul3A_323 : vector<16xf32>
        %select_n3A_325 = arith.select %ge3A_321, %add3A_318, %mul3A_324 : vector<16xi1>, vector<16xf32>
        %mul3A_326 = arith.mulf %select_n3A_325, %get3A_29 : vector<16xf32>
        %reduce_sum3A_327 = arith.constant true
        %reduce_sum3A_328 = vector.broadcast %reduce_sum3A_327 : i1 to vector<16xi1>
        %reduce_sum3A_329 = tpu.scan <sum>, %mul3A_326 masked %reduce_sum3A_328 : vector<16xf32>, vector<16xi1> -> vector<16xf32>
        %reduce_sum3A_330 = vector.extract %reduce_sum3A_329[15] : f32 from vector<16xf32>
        %broadcast_in_dim3A_331 = vector.broadcast %reduce_sum3A_330 : f32 to vector<16xf32>
        %exp3A_332 = math.exp %broadcast_in_dim3A_331 : vector<16xf32>
        %mul3A_333 = arith.mulf %get3A_310, %exp3A_332 : vector<16xf32>
        %swap3A_334 = arith.index_cast %scan3A_249 : i32 to index
        %swap3A_335 = arith.constant 32 : index
        %swap3A_336 = tpu.vector_load %arg23[%swap3A_334, %swap3A_335] {strides = array<i32>} : memref<40x128xf32, #tpu.memory_space<vmem>>, vector<16xf32>,
        tpu.vector_store %arg23[%swap3A_334, %swap3A_335], %mul3A_333 {strides = array<i32>} : memref<40x128xf32, #tpu.memory_space<vmem>>, vector<16xf32>,
        %mul3A_337 = arith.mulf %exp3A_332, %get3A_61 : vector<16xf32>
        %add3A_338 = arith.addf %add3A_307, %mul3A_337 : vector<16xf32>
        %get3A_339 = arith.index_cast %scan3A_249 : i32 to index
        %get3A_340 = arith.constant 48 : index
        %get3A_341 = tpu.vector_load %arg20[%get3A_339, %get3A_340] {strides = array<i32>} : memref<40x128xf32, #tpu.memory_space<vmem>>, vector<16xf32>,
        %get3A_342 = arith.index_cast %scan3A_249 : i32 to index
        %get3A_343 = arith.constant 48 : index
        %get3A_344 = tpu.vector_load %arg21[%get3A_342, %get3A_343] {strides = array<i32>} : memref<40x128xf32, #tpu.memory_space<vmem>>, vector<16xf32>,
        %add3A_345 = arith.addf %get3A_341, %get3A_344 : vector<16xf32>
        %get3A_346 = arith.index_cast %scan3A_249 : i32 to index
        %get3A_347 = arith.constant 48 : index
        %get3A_348 = tpu.vector_load %arg22[%get3A_346, %get3A_347] {strides = array<i32>} : memref<40x128xf32, #tpu.memory_space<vmem>>, vector<16xf32>,
        %add3A_349 = arith.addf %add3A_345, %get3A_348 : vector<16xf32>
        %ge3A_350 = arith.constant 0.000000e+00 : f32
        %ge3A_351 = vector.broadcast %ge3A_350 : f32 to vector<16xf32>
        %ge3A_352 = arith.cmpf oge, %add3A_349, %ge3A_351 : vector<16xf32>
        %mul3A_353 = arith.constant 2.000000e-01 : f32
        %mul3A_354 = vector.broadcast %mul3A_353 : f32 to vector<16xf32>
        %mul3A_355 = arith.mulf %add3A_349, %mul3A_354 : vector<16xf32>
        %select_n3A_356 = arith.select %ge3A_352, %add3A_349, %mul3A_355 : vector<16xi1>, vector<16xf32>
        %mul3A_357 = arith.mulf %select_n3A_356, %get3A_33 : vector<16xf32>
        %reduce_sum3A_358 = arith.constant true
        %reduce_sum3A_359 = vector.broadcast %reduce_sum3A_358 : i1 to vector<16xi1>
        %reduce_sum3A_360 = tpu.scan <sum>, %mul3A_357 masked %reduce_sum3A_359 : vector<16xf32>, vector<16xi1> -> vector<16xf32>
        %reduce_sum3A_361 = vector.extract %reduce_sum3A_360[15] : f32 from vector<16xf32>
        %broadcast_in_dim3A_362 = vector.broadcast %reduce_sum3A_361 : f32 to vector<16xf32>
        %exp3A_363 = math.exp %broadcast_in_dim3A_362 : vector<16xf32>
        %mul3A_364 = arith.mulf %get3A_341, %exp3A_363 : vector<16xf32>
        %swap3A_365 = arith.index_cast %scan3A_249 : i32 to index
        %swap3A_366 = arith.constant 48 : index
        %swap3A_367 = tpu.vector_load %arg23[%swap3A_365, %swap3A_366] {strides = array<i32>} : memref<40x128xf32, #tpu.memory_space<vmem>>, vector<16xf32>,
        tpu.vector_store %arg23[%swap3A_365, %swap3A_366], %mul3A_364 {strides = array<i32>} : memref<40x128xf32, #tpu.memory_space<vmem>>, vector<16xf32>,
        %mul3A_368 = arith.mulf %exp3A_363, %get3A_65 : vector<16xf32>
        %add3A_369 = arith.addf %add3A_338, %mul3A_368 : vector<16xf32>
        %get3A_370 = arith.index_cast %scan3A_249 : i32 to index
        %get3A_371 = arith.constant 64 : index
        %get3A_372 = tpu.vector_load %arg20[%get3A_370, %get3A_371] {strides = array<i32>} : memref<40x128xf32, #tpu.memory_space<vmem>>, vector<16xf32>,
        %get3A_373 = arith.index_cast %scan3A_249 : i32 to index
        %get3A_374 = arith.constant 64 : index
        %get3A_375 = tpu.vector_load %arg21[%get3A_373, %get3A_374] {strides = array<i32>} : memref<40x128xf32, #tpu.memory_space<vmem>>, vector<16xf32>,
        %add3A_376 = arith.addf %get3A_372, %get3A_375 : vector<16xf32>
        %get3A_377 = arith.index_cast %scan3A_249 : i32 to index
        %get3A_378 = arith.constant 64 : index
        %get3A_379 = tpu.vector_load %arg22[%get3A_377, %get3A_378] {strides = array<i32>} : memref<40x128xf32, #tpu.memory_space<vmem>>, vector<16xf32>,
        %add3A_380 = arith.addf %add3A_376, %get3A_379 : vector<16xf32>
        %ge3A_381 = arith.constant 0.000000e+00 : f32
        %ge3A_382 = vector.broadcast %ge3A_381 : f32 to vector<16xf32>
        %ge3A_383 = arith.cmpf oge, %add3A_380, %ge3A_382 : vector<16xf32>
        %mul3A_384 = arith.constant 2.000000e-01 : f32
        %mul3A_385 = vector.broadcast %mul3A_384 : f32 to vector<16xf32>
        %mul3A_386 = arith.mulf %add3A_380, %mul3A_385 : vector<16xf32>
        %select_n3A_387 = arith.select %ge3A_383, %add3A_380, %mul3A_386 : vector<16xi1>, vector<16xf32>
        %mul3A_388 = arith.mulf %select_n3A_387, %get3A_37 : vector<16xf32>
        %reduce_sum3A_389 = arith.constant true
        %reduce_sum3A_390 = vector.broadcast %reduce_sum3A_389 : i1 to vector<16xi1>
        %reduce_sum3A_391 = tpu.scan <sum>, %mul3A_388 masked %reduce_sum3A_390 : vector<16xf32>, vector<16xi1> -> vector<16xf32>
        %reduce_sum3A_392 = vector.extract %reduce_sum3A_391[15] : f32 from vector<16xf32>
        %broadcast_in_dim3A_393 = vector.broadcast %reduce_sum3A_392 : f32 to vector<16xf32>
        %exp3A_394 = math.exp %broadcast_in_dim3A_393 : vector<16xf32>
        %mul3A_395 = arith.mulf %get3A_372, %exp3A_394 : vector<16xf32>
        %swap3A_396 = arith.index_cast %scan3A_249 : i32 to index
        %swap3A_397 = arith.constant 64 : index
        %swap3A_398 = tpu.vector_load %arg23[%swap3A_396, %swap3A_397] {strides = array<i32>} : memref<40x128xf32, #tpu.memory_space<vmem>>, vector<16xf32>,
        tpu.vector_store %arg23[%swap3A_396, %swap3A_397], %mul3A_395 {strides = array<i32>} : memref<40x128xf32, #tpu.memory_space<vmem>>, vector<16xf32>,
        %mul3A_399 = arith.mulf %exp3A_394, %get3A_69 : vector<16xf32>
        %add3A_400 = arith.addf %add3A_369, %mul3A_399 : vector<16xf32>
        %get3A_401 = arith.index_cast %scan3A_249 : i32 to index
        %get3A_402 = arith.constant 80 : index
        %get3A_403 = tpu.vector_load %arg20[%get3A_401, %get3A_402] {strides = array<i32>} : memref<40x128xf32, #tpu.memory_space<vmem>>, vector<16xf32>,
        %get3A_404 = arith.index_cast %scan3A_249 : i32 to index
        %get3A_405 = arith.constant 80 : index
        %get3A_406 = tpu.vector_load %arg21[%get3A_404, %get3A_405] {strides = array<i32>} : memref<40x128xf32, #tpu.memory_space<vmem>>, vector<16xf32>,
        %add3A_407 = arith.addf %get3A_403, %get3A_406 : vector<16xf32>
        %get3A_408 = arith.index_cast %scan3A_249 : i32 to index
        %get3A_409 = arith.constant 80 : index
        %get3A_410 = tpu.vector_load %arg22[%get3A_408, %get3A_409] {strides = array<i32>} : memref<40x128xf32, #tpu.memory_space<vmem>>, vector<16xf32>,
        %add3A_411 = arith.addf %add3A_407, %get3A_410 : vector<16xf32>
        %ge3A_412 = arith.constant 0.000000e+00 : f32
        %ge3A_413 = vector.broadcast %ge3A_412 : f32 to vector<16xf32>
        %ge3A_414 = arith.cmpf oge, %add3A_411, %ge3A_413 : vector<16xf32>
        %mul3A_415 = arith.constant 2.000000e-01 : f32
        %mul3A_416 = vector.broadcast %mul3A_415 : f32 to vector<16xf32>
        %mul3A_417 = arith.mulf %add3A_411, %mul3A_416 : vector<16xf32>
        %select_n3A_418 = arith.select %ge3A_414, %add3A_411, %mul3A_417 : vector<16xi1>, vector<16xf32>
        %mul3A_419 = arith.mulf %select_n3A_418, %get3A_41 : vector<16xf32>
        %reduce_sum3A_420 = arith.constant true
        %reduce_sum3A_421 = vector.broadcast %reduce_sum3A_420 : i1 to vector<16xi1>
        %reduce_sum3A_422 = tpu.scan <sum>, %mul3A_419 masked %reduce_sum3A_421 : vector<16xf32>, vector<16xi1> -> vector<16xf32>
        %reduce_sum3A_423 = vector.extract %reduce_sum3A_422[15] : f32 from vector<16xf32>
        %broadcast_in_dim3A_424 = vector.broadcast %reduce_sum3A_423 : f32 to vector<16xf32>
        %exp3A_425 = math.exp %broadcast_in_dim3A_424 : vector<16xf32>
        %mul3A_426 = arith.mulf %get3A_403, %exp3A_425 : vector<16xf32>
        %swap3A_427 = arith.index_cast %scan3A_249 : i32 to index
        %swap3A_428 = arith.constant 80 : index
        %swap3A_429 = tpu.vector_load %arg23[%swap3A_427, %swap3A_428] {strides = array<i32>} : memref<40x128xf32, #tpu.memory_space<vmem>>, vector<16xf32>,
        tpu.vector_store %arg23[%swap3A_427, %swap3A_428], %mul3A_426 {strides = array<i32>} : memref<40x128xf32, #tpu.memory_space<vmem>>, vector<16xf32>,
        %mul3A_430 = arith.mulf %exp3A_425, %get3A_73 : vector<16xf32>
        %add3A_431 = arith.addf %add3A_400, %mul3A_430 : vector<16xf32>
        %get3A_432 = arith.index_cast %scan3A_249 : i32 to index
        %get3A_433 = arith.constant 96 : index
        %get3A_434 = tpu.vector_load %arg20[%get3A_432, %get3A_433] {strides = array<i32>} : memref<40x128xf32, #tpu.memory_space<vmem>>, vector<16xf32>,
        %get3A_435 = arith.index_cast %scan3A_249 : i32 to index
        %get3A_436 = arith.constant 96 : index
        %get3A_437 = tpu.vector_load %arg21[%get3A_435, %get3A_436] {strides = array<i32>} : memref<40x128xf32, #tpu.memory_space<vmem>>, vector<16xf32>,
        %add3A_438 = arith.addf %get3A_434, %get3A_437 : vector<16xf32>
        %get3A_439 = arith.index_cast %scan3A_249 : i32 to index
        %get3A_440 = arith.constant 96 : index
        %get3A_441 = tpu.vector_load %arg22[%get3A_439, %get3A_440] {strides = array<i32>} : memref<40x128xf32, #tpu.memory_space<vmem>>, vector<16xf32>,
        %add3A_442 = arith.addf %add3A_438, %get3A_441 : vector<16xf32>
        %ge3A_443 = arith.constant 0.000000e+00 : f32
        %ge3A_444 = vector.broadcast %ge3A_443 : f32 to vector<16xf32>
        %ge3A_445 = arith.cmpf oge, %add3A_442, %ge3A_444 : vector<16xf32>
        %mul3A_446 = arith.constant 2.000000e-01 : f32
        %mul3A_447 = vector.broadcast %mul3A_446 : f32 to vector<16xf32>
        %mul3A_448 = arith.mulf %add3A_442, %mul3A_447 : vector<16xf32>
        %select_n3A_449 = arith.select %ge3A_445, %add3A_442, %mul3A_448 : vector<16xi1>, vector<16xf32>
        %mul3A_450 = arith.mulf %select_n3A_449, %get3A_45 : vector<16xf32>
        %reduce_sum3A_451 = arith.constant true
        %reduce_sum3A_452 = vector.broadcast %reduce_sum3A_451 : i1 to vector<16xi1>
        %reduce_sum3A_453 = tpu.scan <sum>, %mul3A_450 masked %reduce_sum3A_452 : vector<16xf32>, vector<16xi1> -> vector<16xf32>
        %reduce_sum3A_454 = vector.extract %reduce_sum3A_453[15] : f32 from vector<16xf32>
        %broadcast_in_dim3A_455 = vector.broadcast %reduce_sum3A_454 : f32 to vector<16xf32>
        %exp3A_456 = math.exp %broadcast_in_dim3A_455 : vector<16xf32>
        %mul3A_457 = arith.mulf %get3A_434, %exp3A_456 : vector<16xf32>
        %swap3A_458 = arith.index_cast %scan3A_249 : i32 to index
        %swap3A_459 = arith.constant 96 : index
        %swap3A_460 = tpu.vector_load %arg23[%swap3A_458, %swap3A_459] {strides = array<i32>} : memref<40x128xf32, #tpu.memory_space<vmem>>, vector<16xf32>,
        tpu.vector_store %arg23[%swap3A_458, %swap3A_459], %mul3A_457 {strides = array<i32>} : memref<40x128xf32, #tpu.memory_space<vmem>>, vector<16xf32>,
        %mul3A_461 = arith.mulf %exp3A_456, %get3A_77 : vector<16xf32>
        %add3A_462 = arith.addf %add3A_431, %mul3A_461 : vector<16xf32>
        %get3A_463 = arith.index_cast %scan3A_249 : i32 to index
        %get3A_464 = arith.constant 112 : index
        %get3A_465 = tpu.vector_load %arg20[%get3A_463, %get3A_464] {strides = array<i32>} : memref<40x128xf32, #tpu.memory_space<vmem>>, vector<16xf32>,
        %get3A_466 = arith.index_cast %scan3A_249 : i32 to index
        %get3A_467 = arith.constant 112 : index
        %get3A_468 = tpu.vector_load %arg21[%get3A_466, %get3A_467] {strides = array<i32>} : memref<40x128xf32, #tpu.memory_space<vmem>>, vector<16xf32>,
        %add3A_469 = arith.addf %get3A_465, %get3A_468 : vector<16xf32>
        %get3A_470 = arith.index_cast %scan3A_249 : i32 to index
        %get3A_471 = arith.constant 112 : index
        %get3A_472 = tpu.vector_load %arg22[%get3A_470, %get3A_471] {strides = array<i32>} : memref<40x128xf32, #tpu.memory_space<vmem>>, vector<16xf32>,
        %add3A_473 = arith.addf %add3A_469, %get3A_472 : vector<16xf32>
        %ge3A_474 = arith.constant 0.000000e+00 : f32
        %ge3A_475 = vector.broadcast %ge3A_474 : f32 to vector<16xf32>
        %ge3A_476 = arith.cmpf oge, %add3A_473, %ge3A_475 : vector<16xf32>
        %mul3A_477 = arith.constant 2.000000e-01 : f32
        %mul3A_478 = vector.broadcast %mul3A_477 : f32 to vector<16xf32>
        %mul3A_479 = arith.mulf %add3A_473, %mul3A_478 : vector<16xf32>
        %select_n3A_480 = arith.select %ge3A_476, %add3A_473, %mul3A_479 : vector<16xi1>, vector<16xf32>
        %mul3A_481 = arith.mulf %select_n3A_480, %get3A_49 : vector<16xf32>
        %reduce_sum3A_482 = arith.constant true
        %reduce_sum3A_483 = vector.broadcast %reduce_sum3A_482 : i1 to vector<16xi1>
        %reduce_sum3A_484 = tpu.scan <sum>, %mul3A_481 masked %reduce_sum3A_483 : vector<16xf32>, vector<16xi1> -> vector<16xf32>
        %reduce_sum3A_485 = vector.extract %reduce_sum3A_484[15] : f32 from vector<16xf32>
        %broadcast_in_dim3A_486 = vector.broadcast %reduce_sum3A_485 : f32 to vector<16xf32>
        %exp3A_487 = math.exp %broadcast_in_dim3A_486 : vector<16xf32>
        %mul3A_488 = arith.mulf %get3A_465, %exp3A_487 : vector<16xf32>
        %swap3A_489 = arith.index_cast %scan3A_249 : i32 to index
        %swap3A_490 = arith.constant 112 : index
        %swap3A_491 = tpu.vector_load %arg23[%swap3A_489, %swap3A_490] {strides = array<i32>} : memref<40x128xf32, #tpu.memory_space<vmem>>, vector<16xf32>,
        tpu.vector_store %arg23[%swap3A_489, %swap3A_490], %mul3A_488 {strides = array<i32>} : memref<40x128xf32, #tpu.memory_space<vmem>>, vector<16xf32>,
        %mul3A_492 = arith.mulf %exp3A_487, %get3A_81 : vector<16xf32>
        %add3A_493 = arith.addf %add3A_462, %mul3A_492 : vector<16xf32>
        %broadcast_in_dim3A_494 = vector.broadcast %scan3A_249 : i32 to vector<16xi32>
        %gather3A = tpu.vector_load_idx %arg16[%broadcast_in_dim3A_494] : memref<40xi32, #tpu.memory_space<vmem>>[vector<16xi32>], vector<16xi32>,
        %and3A = arith.constant 7 : i32
        %and3A_495 = vector.broadcast %and3A : i32 to vector<16xi32>
        %and3A_496 = arith.andi %gather3A, %and3A_495 : vector<16xi32>
        %eq3A = arith.constant 0 : i32
        %eq3A_497 = vector.broadcast %eq3A : i32 to vector<16xi32>
        %eq3A_498 = arith.cmpi eq, %and3A_496, %eq3A_497 : vector<16xi32>
        %select_n3A_499 = arith.select %eq3A_498, %add3A_493, %broadcast_in_dim3A_1 : vector<16xi1>, vector<16xf32>
        %swap3A_500 = arith.index_cast %scan3A_249 : i32 to index
        %swap3A_501 = arith.constant 0 : index
        %swap3A_502 = tpu.vector_load %arg24[%swap3A_500, %swap3A_501] {strides = array<i32>} : memref<40x128xf32, #tpu.memory_space<vmem>>, vector<16xf32>,
        tpu.vector_store %arg24[%swap3A_500, %swap3A_501], %select_n3A_499 {strides = array<i32>} : memref<40x128xf32, #tpu.memory_space<vmem>>, vector<16xf32>,
        %eq3A_503 = arith.constant 1 : i32
        %eq3A_504 = vector.broadcast %eq3A_503 : i32 to vector<16xi32>
        %eq3A_505 = arith.cmpi eq, %and3A_496, %eq3A_504 : vector<16xi32>
        %select_n3A_506 = arith.select %eq3A_505, %add3A_493, %broadcast_in_dim3A_1 : vector<16xi1>, vector<16xf32>
        %swap3A_507 = arith.index_cast %scan3A_249 : i32 to index
        %swap3A_508 = arith.constant 16 : index
        %swap3A_509 = tpu.vector_load %arg24[%swap3A_507, %swap3A_508] {strides = array<i32>} : memref<40x128xf32, #tpu.memory_space<vmem>>, vector<16xf32>,
        tpu.vector_store %arg24[%swap3A_507, %swap3A_508], %select_n3A_506 {strides = array<i32>} : memref<40x128xf32, #tpu.memory_space<vmem>>, vector<16xf32>,
        %eq3A_510 = arith.constant 2 : i32
        %eq3A_511 = vector.broadcast %eq3A_510 : i32 to vector<16xi32>
        %eq3A_512 = arith.cmpi eq, %and3A_496, %eq3A_511 : vector<16xi32>
        %select_n3A_513 = arith.select %eq3A_512, %add3A_493, %broadcast_in_dim3A_1 : vector<16xi1>, vector<16xf32>
        %swap3A_514 = arith.index_cast %scan3A_249 : i32 to index
        %swap3A_515 = arith.constant 32 : index
        %swap3A_516 = tpu.vector_load %arg24[%swap3A_514, %swap3A_515] {strides = array<i32>} : memref<40x128xf32, #tpu.memory_space<vmem>>, vector<16xf32>,
        tpu.vector_store %arg24[%swap3A_514, %swap3A_515], %select_n3A_513 {strides = array<i32>} : memref<40x128xf32, #tpu.memory_space<vmem>>, vector<16xf32>,
        %eq3A_517 = arith.constant 3 : i32
        %eq3A_518 = vector.broadcast %eq3A_517 : i32 to vector<16xi32>
        %eq3A_519 = arith.cmpi eq, %and3A_496, %eq3A_518 : vector<16xi32>
        %select_n3A_520 = arith.select %eq3A_519, %add3A_493, %broadcast_in_dim3A_1 : vector<16xi1>, vector<16xf32>
        %swap3A_521 = arith.index_cast %scan3A_249 : i32 to index
        %swap3A_522 = arith.constant 48 : index
        %swap3A_523 = tpu.vector_load %arg24[%swap3A_521, %swap3A_522] {strides = array<i32>} : memref<40x128xf32, #tpu.memory_space<vmem>>, vector<16xf32>,
        tpu.vector_store %arg24[%swap3A_521, %swap3A_522], %select_n3A_520 {strides = array<i32>} : memref<40x128xf32, #tpu.memory_space<vmem>>, vector<16xf32>,
        %eq3A_524 = arith.constant 4 : i32
        %eq3A_525 = vector.broadcast %eq3A_524 : i32 to vector<16xi32>
        %eq3A_526 = arith.cmpi eq, %and3A_496, %eq3A_525 : vector<16xi32>
        %select_n3A_527 = arith.select %eq3A_526, %add3A_493, %broadcast_in_dim3A_1 : vector<16xi1>, vector<16xf32>
        %swap3A_528 = arith.index_cast %scan3A_249 : i32 to index
        %swap3A_529 = arith.constant 64 : index
        %swap3A_530 = tpu.vector_load %arg24[%swap3A_528, %swap3A_529] {strides = array<i32>} : memref<40x128xf32, #tpu.memory_space<vmem>>, vector<16xf32>,
        tpu.vector_store %arg24[%swap3A_528, %swap3A_529], %select_n3A_527 {strides = array<i32>} : memref<40x128xf32, #tpu.memory_space<vmem>>, vector<16xf32>,
        %eq3A_531 = arith.constant 5 : i32
        %eq3A_532 = vector.broadcast %eq3A_531 : i32 to vector<16xi32>
        %eq3A_533 = arith.cmpi eq, %and3A_496, %eq3A_532 : vector<16xi32>
        %select_n3A_534 = arith.select %eq3A_533, %add3A_493, %broadcast_in_dim3A_1 : vector<16xi1>, vector<16xf32>
        %swap3A_535 = arith.index_cast %scan3A_249 : i32 to index
        %swap3A_536 = arith.constant 80 : index
        %swap3A_537 = tpu.vector_load %arg24[%swap3A_535, %swap3A_536] {strides = array<i32>} : memref<40x128xf32, #tpu.memory_space<vmem>>, vector<16xf32>,
        tpu.vector_store %arg24[%swap3A_535, %swap3A_536], %select_n3A_534 {strides = array<i32>} : memref<40x128xf32, #tpu.memory_space<vmem>>, vector<16xf32>,
        %eq3A_538 = arith.constant 6 : i32
        %eq3A_539 = vector.broadcast %eq3A_538 : i32 to vector<16xi32>
        %eq3A_540 = arith.cmpi eq, %and3A_496, %eq3A_539 : vector<16xi32>
        %select_n3A_541 = arith.select %eq3A_540, %add3A_493, %broadcast_in_dim3A_1 : vector<16xi1>, vector<16xf32>
        %swap3A_542 = arith.index_cast %scan3A_249 : i32 to index
        %swap3A_543 = arith.constant 96 : index
        %swap3A_544 = tpu.vector_load %arg24[%swap3A_542, %swap3A_543] {strides = array<i32>} : memref<40x128xf32, #tpu.memory_space<vmem>>, vector<16xf32>,
        tpu.vector_store %arg24[%swap3A_542, %swap3A_543], %select_n3A_541 {strides = array<i32>} : memref<40x128xf32, #tpu.memory_space<vmem>>, vector<16xf32>,
        %eq3A_545 = arith.constant 7 : i32
        %eq3A_546 = vector.broadcast %eq3A_545 : i32 to vector<16xi32>
        %eq3A_547 = arith.cmpi eq, %and3A_496, %eq3A_546 : vector<16xi32>
        %select_n3A_548 = arith.select %eq3A_547, %add3A_493, %broadcast_in_dim3A_1 : vector<16xi1>, vector<16xf32>
        %swap3A_549 = arith.index_cast %scan3A_249 : i32 to index
        %swap3A_550 = arith.constant 112 : index
        %swap3A_551 = tpu.vector_load %arg24[%swap3A_549, %swap3A_550] {strides = array<i32>} : memref<40x128xf32, #tpu.memory_space<vmem>>, vector<16xf32>,
        tpu.vector_store %arg24[%swap3A_549, %swap3A_550], %select_n3A_548 {strides = array<i32>} : memref<40x128xf32, #tpu.memory_space<vmem>>, vector<16xf32>,
      }
      %scan3A_242 = arith.constant 40 : i32
      %dma_start3A_243 = arith.constant 0 : i32
      %dma_start3A_244 = arith.constant 0 : i32
      %dma_start3A_245 = tpu.memref_slice %arg10[%dma_start3A_243, %dma_start3A_244] : memref<10240x128xf32, #tpu.memory_space<vmem_shared>> -> memref<10240x128xf32, #tpu.memory_space<vmem_shared>>
      tpu.enqueue_indirect_dma source(%arg23 : memref<40x128xf32, #tpu.memory_space<vmem>>) target(%dma_start3A_245 : memref<10240x128xf32, #tpu.memory_space<vmem_shared>>) offsets(%arg16 : memref<40xi32, #tpu.memory_space<vmem>>) semaphore(%arg31 : memref<!tpu.dma_semaphore, #tpu.memory_space<semaphore_mem>>) {add = true}
      %dma_start3A_246 = arith.constant 0 : i32
      %dma_start3A_247 = arith.constant 0 : i32
      %dma_start3A_248 = tpu.memref_slice %arg11[%dma_start3A_246, %dma_start3A_247] : memref<1280x128xf32, #tpu.memory_space<vmem_shared>> -> memref<1280x128xf32, #tpu.memory_space<vmem_shared>>
      tpu.enqueue_indirect_dma source(%arg24 : memref<40x128xf32, #tpu.memory_space<vmem>>) target(%dma_start3A_248 : memref<1280x128xf32, #tpu.memory_space<vmem_shared>>) offsets(%arg17 : memref<40xi32, #tpu.memory_space<vmem>>) semaphore(%arg32 : memref<!tpu.dma_semaphore, #tpu.memory_space<semaphore_mem>>) {add = true}
    }
    %scan3A_96 = arith.constant 125 : i32
    %dma_wait3A = arith.constant 0 : i32
    %dma_wait3A_97 = arith.constant 0 : i32
    %dma_wait3A_98 = tpu.memref_slice %arg10[%dma_wait3A, %dma_wait3A_97] : memref<10240x128xf32, #tpu.memory_space<vmem_shared>> -> memref<10240x128xf32, #tpu.memory_space<vmem_shared>>
    tpu.wait_indirect_dma semaphore(%arg31 : memref<!tpu.dma_semaphore, #tpu.memory_space<semaphore_mem>>) src(%arg23 : memref<40x128xf32, #tpu.memory_space<vmem>>) dst(%dma_wait3A_98 : memref<10240x128xf32, #tpu.memory_space<vmem_shared>>)
    %dma_wait3A_99 = arith.constant 0 : i32
    %dma_wait3A_100 = arith.constant 0 : i32
    %dma_wait3A_101 = tpu.memref_slice %arg11[%dma_wait3A_99, %dma_wait3A_100] : memref<1280x128xf32, #tpu.memory_space<vmem_shared>> -> memref<1280x128xf32, #tpu.memory_space<vmem_shared>>
    tpu.wait_indirect_dma semaphore(%arg32 : memref<!tpu.dma_semaphore, #tpu.memory_space<semaphore_mem>>) src(%arg24 : memref<40x128xf32, #tpu.memory_space<vmem>>) dst(%dma_wait3A_101 : memref<1280x128xf32, #tpu.memory_space<vmem_shared>>)
    %barrier3A_102 = arith.constant 0 : index
    tpu.barrier barrier_id(%barrier3A_102)
    %scan3A_103 = arith.constant 0 : i32
    %scan3A_104 = arith.constant 0 : i32
    %scan3A_105 = arith.constant 16 : i32
    %scan3A_106 = arith.addi %scan3A_104, %scan3A_105 : i32
    %scan3A_107 = arith.constant 1 : i32
    scf.for %scan3A_115 = %scan3A_104 to %scan3A_106 step %scan3A_107  : i32 {
      %mul3A_116 = arith.constant 640 : i32
      %mul3A_117 = arith.muli %arg1, %mul3A_116 : i32
      %mul3A_118 = arith.constant 40 : i32
      %mul3A_119 = arith.muli %scan3A_115, %mul3A_118 : i32
      %add3A_120 = arith.addi %mul3A_117, %mul3A_119 : i32
      "tpu.region"() ({
        %run_scoped3A = tpu.sem_alloc : memref<!tpu.dma_semaphore, #tpu.memory_space<semaphore_mem>>
        %dma_start3A_129 = arith.constant 0 : i32
        %dma_start3A_130 = tpu.memref_slice %arg10[%add3A_120, %dma_start3A_129] : memref<10240x128xf32, #tpu.memory_space<vmem_shared>> -> memref<40x128xf32, #tpu.memory_space<vmem_shared>>
        %dma_start3A_131 = arith.constant 0 : i32
        %dma_start3A_132 = tpu.memref_slice %arg10[%add3A_120, %dma_start3A_131] : memref<10240x128xf32, #tpu.memory_space<vmem_shared>> -> memref<40x128xf32, #tpu.memory_space<vmem_shared>>
        tpu.enqueue_dma source(%dma_start3A_132 : memref<40x128xf32, #tpu.memory_space<vmem_shared>>) target(%arg23 : memref<40x128xf32, #tpu.memory_space<vmem>>) target_semaphore(%run_scoped3A : memref<!tpu.dma_semaphore, #tpu.memory_space<semaphore_mem>>)
        %dma_wait3A_133 = arith.constant 0 : i32
        %dma_wait3A_134 = tpu.memref_slice %arg10[%add3A_120, %dma_wait3A_133] : memref<10240x128xf32, #tpu.memory_space<vmem_shared>> -> memref<40x128xf32, #tpu.memory_space<vmem_shared>>
        %dma_wait3A_135 = arith.constant 0 : i32
        %dma_wait3A_136 = tpu.memref_slice %arg10[%add3A_120, %dma_wait3A_135] : memref<10240x128xf32, #tpu.memory_space<vmem_shared>> -> memref<40x128xf32, #tpu.memory_space<vmem_shared>>
        tpu.wait_dma2 semaphore(%run_scoped3A : memref<!tpu.dma_semaphore, #tpu.memory_space<semaphore_mem>>) src(%dma_wait3A_136 : memref<40x128xf32, #tpu.memory_space<vmem_shared>>) dst(%arg23 : memref<40x128xf32, #tpu.memory_space<vmem>>)
        tpu.yield
      }) : () -> ()
      %mul3A_121 = arith.constant 10240 : i32
      %mul3A_122 = arith.muli %arg0, %mul3A_121 : i32
      %mul3A_123 = arith.constant 640 : i32
      %mul3A_124 = arith.muli %arg1, %mul3A_123 : i32
      %add3A_125 = arith.addi %mul3A_122, %mul3A_124 : i32
      %mul3A_126 = arith.constant 40 : i32
      %mul3A_127 = arith.muli %scan3A_115, %mul3A_126 : i32
      %add3A_128 = arith.addi %add3A_125, %mul3A_127 : i32
      "tpu.region"() ({
        %run_scoped3A = tpu.sem_alloc : memref<!tpu.dma_semaphore, #tpu.memory_space<semaphore_mem>>
        %dma_start3A_129 = arith.constant 0 : i32
        %dma_start3A_130 = tpu.memref_slice %arg8[%add3A_128, %dma_start3A_129] : memref<20480x128xf32, #tpu.memory_space<hbm>> -> memref<40x128xf32, #tpu.memory_space<hbm>>
        %dma_start3A_131 = arith.constant 0 : i32
        %dma_start3A_132 = tpu.memref_slice %arg8[%add3A_128, %dma_start3A_131] : memref<20480x128xf32, #tpu.memory_space<hbm>> -> memref<40x128xf32, #tpu.memory_space<hbm>>
        tpu.enqueue_dma source(%arg23 : memref<40x128xf32, #tpu.memory_space<vmem>>) target(%dma_start3A_132 : memref<40x128xf32, #tpu.memory_space<hbm>>) target_semaphore(%run_scoped3A : memref<!tpu.dma_semaphore, #tpu.memory_space<semaphore_mem>>)
        %dma_wait3A_133 = arith.constant 0 : i32
        %dma_wait3A_134 = tpu.memref_slice %arg8[%add3A_128, %dma_wait3A_133] : memref<20480x128xf32, #tpu.memory_space<hbm>> -> memref<40x128xf32, #tpu.memory_space<hbm>>
        %dma_wait3A_135 = arith.constant 0 : i32
        %dma_wait3A_136 = tpu.memref_slice %arg8[%add3A_128, %dma_wait3A_135] : memref<20480x128xf32, #tpu.memory_space<hbm>> -> memref<40x128xf32, #tpu.memory_space<hbm>>
        tpu.wait_dma2 semaphore(%run_scoped3A : memref<!tpu.dma_semaphore, #tpu.memory_space<semaphore_mem>>) src(%arg23 : memref<40x128xf32, #tpu.memory_space<vmem>>) dst(%dma_wait3A_136 : memref<40x128xf32, #tpu.memory_space<hbm>>)
        tpu.yield
      }) : () -> ()
    }
    %scan3A_108 = arith.constant 16 : i32
    %scan3A_109 = arith.constant 0 : i32
    %scan3A_110 = arith.constant 0 : i32
    %scan3A_111 = arith.constant 2 : i32
    %scan3A_112 = arith.addi %scan3A_110, %scan3A_111 : i32
    %scan3A_113 = arith.constant 1 : i32
    scf.for %scan3A_115 = %scan3A_110 to %scan3A_112 step %scan3A_113  : i32 {
      %mul3A_116 = arith.constant 80 : i32
      %mul3A_117 = arith.muli %arg1, %mul3A_116 : i32
      %mul3A_118 = arith.constant 40 : i32
      %mul3A_119 = arith.muli %scan3A_115, %mul3A_118 : i32
      %add3A_120 = arith.addi %mul3A_117, %mul3A_119 : i32
      "tpu.region"() ({
        %run_scoped3A = tpu.sem_alloc : memref<!tpu.dma_semaphore, #tpu.memory_space<semaphore_mem>>
        %dma_start3A_129 = arith.constant 0 : i32
        %dma_start3A_130 = tpu.memref_slice %arg11[%add3A_120, %dma_start3A_129] : memref<1280x128xf32, #tpu.memory_space<vmem_shared>> -> memref<40x128xf32, #tpu.memory_space<vmem_shared>>
        %dma_start3A_131 = arith.constant 0 : i32
        %dma_start3A_132 = tpu.memref_slice %arg11[%add3A_120, %dma_start3A_131] : memref<1280x128xf32, #tpu.memory_space<vmem_shared>> -> memref<40x128xf32, #tpu.memory_space<vmem_shared>>
        tpu.enqueue_dma source(%dma_start3A_132 : memref<40x128xf32, #tpu.memory_space<vmem_shared>>) target(%arg24 : memref<40x128xf32, #tpu.memory_space<vmem>>) target_semaphore(%run_scoped3A : memref<!tpu.dma_semaphore, #tpu.memory_space<semaphore_mem>>)
        %dma_wait3A_133 = arith.constant 0 : i32
        %dma_wait3A_134 = tpu.memref_slice %arg11[%add3A_120, %dma_wait3A_133] : memref<1280x128xf32, #tpu.memory_space<vmem_shared>> -> memref<40x128xf32, #tpu.memory_space<vmem_shared>>
        %dma_wait3A_135 = arith.constant 0 : i32
        %dma_wait3A_136 = tpu.memref_slice %arg11[%add3A_120, %dma_wait3A_135] : memref<1280x128xf32, #tpu.memory_space<vmem_shared>> -> memref<40x128xf32, #tpu.memory_space<vmem_shared>>
        tpu.wait_dma2 semaphore(%run_scoped3A : memref<!tpu.dma_semaphore, #tpu.memory_space<semaphore_mem>>) src(%dma_wait3A_136 : memref<40x128xf32, #tpu.memory_space<vmem_shared>>) dst(%arg24 : memref<40x128xf32, #tpu.memory_space<vmem>>)
        tpu.yield
      }) : () -> ()
      %mul3A_121 = arith.constant 1280 : i32
      %mul3A_122 = arith.muli %arg0, %mul3A_121 : i32
      %mul3A_123 = arith.constant 80 : i32
      %mul3A_124 = arith.muli %arg1, %mul3A_123 : i32
      %add3A_125 = arith.addi %mul3A_122, %mul3A_124 : i32
      %mul3A_126 = arith.constant 40 : i32
      %mul3A_127 = arith.muli %scan3A_115, %mul3A_126 : i32
      %add3A_128 = arith.addi %add3A_125, %mul3A_127 : i32
      "tpu.region"() ({
        %run_scoped3A = tpu.sem_alloc : memref<!tpu.dma_semaphore, #tpu.memory_space<semaphore_mem>>
        %dma_start3A_129 = arith.constant 0 : i32
        %dma_start3A_130 = tpu.memref_slice %arg9[%add3A_128, %dma_start3A_129] : memref<2560x128xf32, #tpu.memory_space<hbm>> -> memref<40x128xf32, #tpu.memory_space<hbm>>
        %dma_start3A_131 = arith.constant 0 : i32
        %dma_start3A_132 = tpu.memref_slice %arg9[%add3A_128, %dma_start3A_131] : memref<2560x128xf32, #tpu.memory_space<hbm>> -> memref<40x128xf32, #tpu.memory_space<hbm>>
        tpu.enqueue_dma source(%arg24 : memref<40x128xf32, #tpu.memory_space<vmem>>) target(%dma_start3A_132 : memref<40x128xf32, #tpu.memory_space<hbm>>) target_semaphore(%run_scoped3A : memref<!tpu.dma_semaphore, #tpu.memory_space<semaphore_mem>>)
        %dma_wait3A_133 = arith.constant 0 : i32
        %dma_wait3A_134 = tpu.memref_slice %arg9[%add3A_128, %dma_wait3A_133] : memref<2560x128xf32, #tpu.memory_space<hbm>> -> memref<40x128xf32, #tpu.memory_space<hbm>>
        %dma_wait3A_135 = arith.constant 0 : i32
        %dma_wait3A_136 = tpu.memref_slice %arg9[%add3A_128, %dma_wait3A_135] : memref<2560x128xf32, #tpu.memory_space<hbm>> -> memref<40x128xf32, #tpu.memory_space<hbm>>
        tpu.wait_dma2 semaphore(%run_scoped3A : memref<!tpu.dma_semaphore, #tpu.memory_space<semaphore_mem>>) src(%arg24 : memref<40x128xf32, #tpu.memory_space<vmem>>) dst(%dma_wait3A_136 : memref<40x128xf32, #tpu.memory_space<hbm>>)
        tpu.yield
      }) : () -> ()
    }
    %scan3A_114 = arith.constant 2 : i32
    return
  }
}

module attributes {stable_mosaic.version = 14 : i64} {
  func.func @_node_mm_body(%arg0: i32, %arg1: memref<400x128xf32, #tpu.memory_space<vmem>>, %arg2: memref<128x384xf32, #tpu.memory_space<vmem>>, %arg3: memref<1x384xf32, #tpu.memory_space<vmem>>, %arg4: memref<400x128xf32, #tpu.memory_space<vmem>>, %arg5: memref<400x128xf32, #tpu.memory_space<vmem>>, %arg6: memref<400x128xf32, #tpu.memory_space<vmem>>) attributes {dimension_semantics = [#tpu.dimension_semantics<arbitrary>], iteration_bounds = array<i64: 25>, scalar_prefetch = 0 : i64, scratch_operands = 0 : i64, tpu.core_type = #tpu.core_type<tc>, window_params = [{transform_indices = @transform_0, window_bounds = array<i64: 400, 128>}, {pipeline_mode = #tpu.pipeline_mode<synchronous>, transform_indices = @transform_1, window_bounds = array<i64: 128, 384>}, {pipeline_mode = #tpu.pipeline_mode<synchronous>, transform_indices = @transform_2, window_bounds = array<i64: 1, 384>}, {transform_indices = @transform_3, window_bounds = array<i64: 400, 128>}, {transform_indices = @transform_4, window_bounds = array<i64: 400, 128>}, {transform_indices = @transform_5, window_bounds = array<i64: 400, 128>}]} {
    %get3A = arith.constant 0 : index
    %get3A_0 = arith.constant 0 : index
    %get3A_1 = vector.load %arg1[%get3A, %get3A_0] : memref<400x128xf32, #tpu.memory_space<vmem>>, vector<400x128xf32>
    %get3A_2 = arith.constant 0 : index
    %get3A_3 = arith.constant 0 : index
    %get3A_4 = vector.load %arg2[%get3A_2, %get3A_3] : memref<128x384xf32, #tpu.memory_space<vmem>>, vector<128x384xf32>
    %dot_general3A = arith.constant dense<0.000000e+00> : vector<400x384xf32>
    %dot_general3A_5 = tpu.matmul %get3A_1, %get3A_4, %dot_general3A {dimension_numbers = #tpu.dot_dimension_numbers<[1], [0], [0], [1], [0, 0, 1, 1], [], []>, transpose_lhs_hint = false} : vector<400x128xf32>, vector<128x384xf32>, vector<400x384xf32> -> vector<400x384xf32>
    %get3A_6 = arith.constant 0 : index
    %get3A_7 = arith.constant 0 : index
    %get3A_8 = vector.load %arg3[%get3A_6, %get3A_7] : memref<1x384xf32, #tpu.memory_space<vmem>>, vector<1x384xf32>
    %add3A = vector.broadcast %get3A_8 : vector<1x384xf32> to vector<400x384xf32>
    %add3A_9 = arith.addf %dot_general3A_5, %add3A : vector<400x384xf32>
    %slice3A = vector.extract_strided_slice %add3A_9 {offsets = [0, 0], sizes = [400, 128], strides = [1, 1]} : vector<400x384xf32> to vector<400x128xf32>
    %swap3A = arith.constant 0 : index
    %swap3A_10 = arith.constant 0 : index
    %swap3A_11 = vector.load %arg4[%swap3A, %swap3A_10] : memref<400x128xf32, #tpu.memory_space<vmem>>, vector<400x128xf32>
    tpu.vector_store %arg4[%swap3A, %swap3A_10], %slice3A {strides = array<i32>} : memref<400x128xf32, #tpu.memory_space<vmem>>, vector<400x128xf32>,
    %slice3A_12 = vector.extract_strided_slice %add3A_9 {offsets = [0, 128], sizes = [400, 128], strides = [1, 1]} : vector<400x384xf32> to vector<400x128xf32>
    %swap3A_13 = arith.constant 0 : index
    %swap3A_14 = arith.constant 0 : index
    %swap3A_15 = vector.load %arg5[%swap3A_13, %swap3A_14] : memref<400x128xf32, #tpu.memory_space<vmem>>, vector<400x128xf32>
    tpu.vector_store %arg5[%swap3A_13, %swap3A_14], %slice3A_12 {strides = array<i32>} : memref<400x128xf32, #tpu.memory_space<vmem>>, vector<400x128xf32>,
    %slice3A_16 = vector.extract_strided_slice %add3A_9 {offsets = [0, 256], sizes = [400, 128], strides = [1, 1]} : vector<400x384xf32> to vector<400x128xf32>
    %swap3A_17 = arith.constant 0 : index
    %swap3A_18 = arith.constant 0 : index
    %swap3A_19 = vector.load %arg6[%swap3A_17, %swap3A_18] : memref<400x128xf32, #tpu.memory_space<vmem>>, vector<400x128xf32>
    tpu.vector_store %arg6[%swap3A_17, %swap3A_18], %slice3A_16 {strides = array<i32>} : memref<400x128xf32, #tpu.memory_space<vmem>>, vector<400x128xf32>,
    return
  }
  func.func @transform_0(%arg0: i32) -> (i32, i32) {
    %c0_i32 = arith.constant 0 : i32
    %c0_i32_0 = arith.constant 0 : i32
    return %arg0, %c0_i32 : i32, i32
  }
  func.func @transform_1(%arg0: i32) -> (i32, i32) {
    %c0_i32 = arith.constant 0 : i32
    %c0_i32_0 = arith.constant 0 : i32
    %c0_i32_1 = arith.constant 0 : i32
    return %c0_i32, %c0_i32_0 : i32, i32
  }
  func.func @transform_2(%arg0: i32) -> (i32, i32) {
    %c0_i32 = arith.constant 0 : i32
    %c0_i32_0 = arith.constant 0 : i32
    %c0_i32_1 = arith.constant 0 : i32
    return %c0_i32, %c0_i32_0 : i32, i32
  }
  func.func @transform_3(%arg0: i32) -> (i32, i32) {
    %c0_i32 = arith.constant 0 : i32
    %c0_i32_0 = arith.constant 0 : i32
    return %arg0, %c0_i32 : i32, i32
  }
  func.func @transform_4(%arg0: i32) -> (i32, i32) {
    %c0_i32 = arith.constant 0 : i32
    %c0_i32_0 = arith.constant 0 : i32
    return %arg0, %c0_i32 : i32, i32
  }
  func.func @transform_5(%arg0: i32) -> (i32, i32) {
    %c0_i32 = arith.constant 0 : i32
    %c0_i32_0 = arith.constant 0 : i32
    return %arg0, %c0_i32 : i32, i32
  }
}

module attributes {stable_mosaic.version = 14 : i64} {
  func.func @_edge_mm_body(%arg0: i32, %arg1: memref<2000x16xf32, #tpu.memory_space<vmem>>, %arg2: memref<16x128xf32, #tpu.memory_space<vmem>>, %arg3: memref<16x64xf32, #tpu.memory_space<vmem>>, %arg4: memref<2000x128xf32, #tpu.memory_space<vmem>>, %arg5: memref<2000x64xf32, #tpu.memory_space<vmem>>, %arg6: memref<1x16xf32, #tpu.memory_space<vmem>>) attributes {dimension_semantics = [#tpu.dimension_semantics<arbitrary>], iteration_bounds = array<i64: 160>, scalar_prefetch = 0 : i64, scratch_operands = 0 : i64, tpu.core_type = #tpu.core_type<tc>, window_params = [{transform_indices = @transform_0, window_bounds = array<i64: 2000, 16>}, {pipeline_mode = #tpu.pipeline_mode<synchronous>, transform_indices = @transform_1, window_bounds = array<i64: 16, 128>}, {pipeline_mode = #tpu.pipeline_mode<synchronous>, transform_indices = @transform_2, window_bounds = array<i64: 16, 64>}, {transform_indices = @transform_3, window_bounds = array<i64: 2000, 128>}, {transform_indices = @transform_4, window_bounds = array<i64: 2000, 64>}, {pipeline_mode = #tpu.pipeline_mode<synchronous>, transform_indices = @transform_5, window_bounds = array<i64: 1, 16>}]} {
    %get3A = arith.constant 0 : index
    %get3A_0 = arith.constant 0 : index
    %get3A_1 = vector.load %arg1[%get3A, %get3A_0] : memref<2000x16xf32, #tpu.memory_space<vmem>>, vector<2000x16xf32>
    %get3A_2 = arith.constant 0 : index
    %get3A_3 = arith.constant 0 : index
    %get3A_4 = vector.load %arg2[%get3A_2, %get3A_3] : memref<16x128xf32, #tpu.memory_space<vmem>>, vector<16x128xf32>
    %dot_general3A = arith.constant dense<0.000000e+00> : vector<2000x128xf32>
    %dot_general3A_5 = tpu.matmul %get3A_1, %get3A_4, %dot_general3A {dimension_numbers = #tpu.dot_dimension_numbers<[1], [0], [0], [1], [0, 0, 1, 1], [], []>, transpose_lhs_hint = false} : vector<2000x16xf32>, vector<16x128xf32>, vector<2000x128xf32> -> vector<2000x128xf32>
    %swap3A = arith.constant 0 : index
    %swap3A_6 = arith.constant 0 : index
    %swap3A_7 = vector.load %arg4[%swap3A, %swap3A_6] : memref<2000x128xf32, #tpu.memory_space<vmem>>, vector<2000x128xf32>
    tpu.vector_store %arg4[%swap3A, %swap3A_6], %dot_general3A_5 {strides = array<i32>} : memref<2000x128xf32, #tpu.memory_space<vmem>>, vector<2000x128xf32>,
    %get3A_8 = arith.constant 0 : index
    %get3A_9 = arith.constant 0 : index
    %get3A_10 = vector.load %arg3[%get3A_8, %get3A_9] : memref<16x64xf32, #tpu.memory_space<vmem>>, vector<16x64xf32>
    %dot_general3A_11 = arith.constant dense<0.000000e+00> : vector<2000x64xf32>
    %dot_general3A_12 = tpu.matmul %get3A_1, %get3A_10, %dot_general3A_11 {dimension_numbers = #tpu.dot_dimension_numbers<[1], [0], [0], [1], [0, 0, 1, 1], [], []>, transpose_lhs_hint = false} : vector<2000x16xf32>, vector<16x64xf32>, vector<2000x64xf32> -> vector<2000x64xf32>
    %swap3A_13 = arith.constant 0 : index
    %swap3A_14 = arith.constant 0 : index
    %swap3A_15 = vector.load %arg5[%swap3A_13, %swap3A_14] : memref<2000x64xf32, #tpu.memory_space<vmem>>, vector<2000x64xf32>
    tpu.vector_store %arg5[%swap3A_13, %swap3A_14], %dot_general3A_12 {strides = array<i32>} : memref<2000x64xf32, #tpu.memory_space<vmem>>, vector<2000x64xf32>,
    %eq3A = arith.constant 0 : i32
    %eq3A_16 = arith.cmpi eq, %arg0, %eq3A : i32
    %convert_element_type3A = arith.extui %eq3A_16 : i1 to i32
    %cond3A = arith.constant 0 : i32
    %cond3A_17 = arith.cmpi ne, %convert_element_type3A, %cond3A : i32
    scf.if %cond3A_17 {
      %broadcast_in_dim3A_25 = arith.constant 0.000000e+00 : f32
      %broadcast_in_dim3A_26 = vector.broadcast %broadcast_in_dim3A_25 : f32 to vector<1x16xf32>
      %swap3A_27 = arith.constant 0 : index
      %swap3A_28 = arith.constant 0 : index
      %swap3A_29 = vector.load %arg6[%swap3A_27, %swap3A_28] : memref<1x16xf32, #tpu.memory_space<vmem>>, vector<1x16xf32>
      tpu.vector_store %arg6[%swap3A_27, %swap3A_28], %broadcast_in_dim3A_26 {strides = array<i32>} : memref<1x16xf32, #tpu.memory_space<vmem>>, vector<1x16xf32>,
    } else {
    }
    %get3A_18 = arith.constant 0 : index
    %get3A_19 = arith.constant 0 : index
    %get3A_20 = vector.load %arg6[%get3A_18, %get3A_19] : memref<1x16xf32, #tpu.memory_space<vmem>>, vector<1x16xf32>
    %reduce_sum3A = arith.constant dense<0.000000e+00> : vector<16xf32>
    %reduce_sum3A_21 = vector.multi_reduction <add>, %get3A_1, %reduce_sum3A [0] : vector<2000x16xf32> to vector<16xf32>
    %broadcast_in_dim3A = vector.shape_cast %reduce_sum3A_21 : vector<16xf32> to vector<1x16xf32>
    %add3A = arith.addf %get3A_20, %broadcast_in_dim3A : vector<1x16xf32>
    %swap3A_22 = arith.constant 0 : index
    %swap3A_23 = arith.constant 0 : index
    %swap3A_24 = vector.load %arg6[%swap3A_22, %swap3A_23] : memref<1x16xf32, #tpu.memory_space<vmem>>, vector<1x16xf32>
    tpu.vector_store %arg6[%swap3A_22, %swap3A_23], %add3A {strides = array<i32>} : memref<1x16xf32, #tpu.memory_space<vmem>>, vector<1x16xf32>,
    return
  }
  func.func @transform_0(%arg0: i32) -> (i32, i32) {
    %c0_i32 = arith.constant 0 : i32
    %c0_i32_0 = arith.constant 0 : i32
    return %arg0, %c0_i32 : i32, i32
  }
  func.func @transform_1(%arg0: i32) -> (i32, i32) {
    %c0_i32 = arith.constant 0 : i32
    %c0_i32_0 = arith.constant 0 : i32
    %c0_i32_1 = arith.constant 0 : i32
    return %c0_i32, %c0_i32_0 : i32, i32
  }
  func.func @transform_2(%arg0: i32) -> (i32, i32) {
    %c0_i32 = arith.constant 0 : i32
    %c0_i32_0 = arith.constant 0 : i32
    %c0_i32_1 = arith.constant 0 : i32
    return %c0_i32, %c0_i32_0 : i32, i32
  }
  func.func @transform_3(%arg0: i32) -> (i32, i32) {
    %c0_i32 = arith.constant 0 : i32
    %c0_i32_0 = arith.constant 0 : i32
    return %arg0, %c0_i32 : i32, i32
  }
  func.func @transform_4(%arg0: i32) -> (i32, i32) {
    %c0_i32 = arith.constant 0 : i32
    %c0_i32_0 = arith.constant 0 : i32
    return %arg0, %c0_i32 : i32, i32
  }
  func.func @transform_5(%arg0: i32) -> (i32, i32) {
    %c0_i32 = arith.constant 0 : i32
    %c0_i32_0 = arith.constant 0 : i32
    %c0_i32_1 = arith.constant 0 : i32
    return %c0_i32, %c0_i32_0 : i32, i32
  }
}

module attributes {stable_mosaic.version = 14 : i64} {
  func.func @_combine1_body(%arg0: i32, %arg1: memref<400x128xf32, #tpu.memory_space<vmem>>, %arg2: memref<400x128xf32, #tpu.memory_space<vmem>>, %arg3: memref<2x400x8xf32, #tpu.memory_space<vmem>>, %arg4: memref<400x128xf32, #tpu.memory_space<vmem>>, %arg5: memref<400x128xf32, #tpu.memory_space<vmem>>, %arg6: memref<400x128xf32, #tpu.memory_space<vmem>>, %arg7: memref<1x16xf32, #tpu.memory_space<vmem>>, %arg8: memref<16x128xf32, #tpu.memory_space<vmem>>, %arg9: memref<128x8xf32, #tpu.memory_space<vmem>>, %arg10: memref<8x128xf32, #tpu.memory_space<vmem>>, %arg11: memref<1x128xf32, #tpu.memory_space<vmem>>, %arg12: memref<1x128xf32, #tpu.memory_space<vmem>>, %arg13: memref<1x128xf32, #tpu.memory_space<vmem>>, %arg14: memref<128x192xf32, #tpu.memory_space<vmem>>, %arg15: memref<1x192xf32, #tpu.memory_space<vmem>>, %arg16: memref<400x192xf32, #tpu.memory_space<vmem>>) attributes {dimension_semantics = [#tpu.dimension_semantics<arbitrary>], iteration_bounds = array<i64: 25>, scalar_prefetch = 0 : i64, scratch_operands = 0 : i64, tpu.core_type = #tpu.core_type<tc>, window_params = [{transform_indices = @transform_0, window_bounds = array<i64: 400, 128>}, {transform_indices = @transform_1, window_bounds = array<i64: 400, 128>}, {transform_indices = @transform_2, window_bounds = array<i64: 2, 400, 8>}, {transform_indices = @transform_3, window_bounds = array<i64: 400, 128>}, {transform_indices = @transform_4, window_bounds = array<i64: 400, 128>}, {transform_indices = @transform_5, window_bounds = array<i64: 400, 128>}, {pipeline_mode = #tpu.pipeline_mode<synchronous>, transform_indices = @transform_6, window_bounds = array<i64: 1, 16>}, {pipeline_mode = #tpu.pipeline_mode<synchronous>, transform_indices = @transform_7, window_bounds = array<i64: 16, 128>}, {pipeline_mode = #tpu.pipeline_mode<synchronous>, transform_indices = @transform_8, window_bounds = array<i64: 128, 8>}, {pipeline_mode = #tpu.pipeline_mode<synchronous>, transform_indices = @transform_9, window_bounds = array<i64: 8, 128>}, {pipeline_mode = #tpu.pipeline_mode<synchronous>, transform_indices = @transform_10, window_bounds = array<i64: 1, 128>}, {pipeline_mode = #tpu.pipeline_mode<synchronous>, transform_indices = @transform_11, window_bounds = array<i64: 1, 128>}, {pipeline_mode = #tpu.pipeline_mode<synchronous>, transform_indices = @transform_12, window_bounds = array<i64: 1, 128>}, {pipeline_mode = #tpu.pipeline_mode<synchronous>, transform_indices = @transform_13, window_bounds = array<i64: 128, 192>}, {pipeline_mode = #tpu.pipeline_mode<synchronous>, transform_indices = @transform_14, window_bounds = array<i64: 1, 192>}, {transform_indices = @transform_15, window_bounds = array<i64: 400, 192>}]} {
    %get3A = arith.constant 0 : index
    %get3A_0 = arith.constant 0 : index
    %get3A_1 = vector.load %arg1[%get3A, %get3A_0] : memref<400x128xf32, #tpu.memory_space<vmem>>, vector<400x128xf32>
    %get3A_2 = arith.constant 0 : index
    %get3A_3 = arith.constant 0 : index
    %get3A_4 = vector.load %arg2[%get3A_2, %get3A_3] : memref<400x128xf32, #tpu.memory_space<vmem>>, vector<400x128xf32>
    %add3A = arith.addf %get3A_1, %get3A_4 : vector<400x128xf32>
    %get3A_5 = arith.constant 0 : index
    %get3A_6 = arith.constant 0 : index
    %get3A_7 = arith.constant 0 : index
    %get3A_8 = vector.load %arg3[%get3A_5, %get3A_6, %get3A_7] : memref<2x400x8xf32, #tpu.memory_space<vmem>>, vector<2x400x8xf32>
    %reduce_sum3A = arith.constant dense<0.000000e+00> : vector<400x8xf32>
    %reduce_sum3A_9 = vector.multi_reduction <add>, %get3A_8, %reduce_sum3A [0] : vector<2x400x8xf32> to vector<400x8xf32>
    %get3A_10 = arith.constant 0 : index
    %get3A_11 = arith.constant 0 : index
    %get3A_12 = vector.load %arg4[%get3A_10, %get3A_11] : memref<400x128xf32, #tpu.memory_space<vmem>>, vector<400x128xf32>
    %get3A_13 = arith.constant 0 : index
    %get3A_14 = arith.constant 0 : index
    %get3A_15 = vector.load %arg7[%get3A_13, %get3A_14] : memref<1x16xf32, #tpu.memory_space<vmem>>, vector<1x16xf32>
    %get3A_16 = arith.constant 0 : index
    %get3A_17 = arith.constant 0 : index
    %get3A_18 = vector.load %arg8[%get3A_16, %get3A_17] : memref<16x128xf32, #tpu.memory_space<vmem>>, vector<16x128xf32>
    %dot_general3A = arith.constant dense<0.000000e+00> : vector<1x128xf32>
    %dot_general3A_19 = tpu.matmul %get3A_15, %get3A_18, %dot_general3A {dimension_numbers = #tpu.dot_dimension_numbers<[1], [0], [0], [1], [0, 0, 1, 1], [], []>, transpose_lhs_hint = false} : vector<1x16xf32>, vector<16x128xf32>, vector<1x128xf32> -> vector<1x128xf32>
    %mul3A = arith.constant 3.125000e-06 : f32
    %mul3A_20 = vector.broadcast %mul3A : f32 to vector<1x128xf32>
    %mul3A_21 = arith.mulf %dot_general3A_19, %mul3A_20 : vector<1x128xf32>
    %get3A_22 = arith.constant 0 : index
    %get3A_23 = arith.constant 0 : index
    %get3A_24 = vector.load %arg5[%get3A_22, %get3A_23] : memref<400x128xf32, #tpu.memory_space<vmem>>, vector<400x128xf32>
    %add3A_25 = arith.addf %get3A_12, %get3A_24 : vector<400x128xf32>
    %add3A_26 = vector.broadcast %mul3A_21 : vector<1x128xf32> to vector<400x128xf32>
    %add3A_27 = arith.addf %add3A_25, %add3A_26 : vector<400x128xf32>
    %ge3A = arith.constant 0.000000e+00 : f32
    %ge3A_28 = vector.broadcast %ge3A : f32 to vector<400x128xf32>
    %ge3A_29 = arith.cmpf oge, %add3A_27, %ge3A_28 : vector<400x128xf32>
    %mul3A_30 = arith.constant 2.000000e-01 : f32
    %mul3A_31 = vector.broadcast %mul3A_30 : f32 to vector<400x128xf32>
    %mul3A_32 = arith.mulf %add3A_27, %mul3A_31 : vector<400x128xf32>
    %select_n3A = arith.select %ge3A_29, %add3A_27, %mul3A_32 : vector<400x128xi1>, vector<400x128xf32>
    %get3A_33 = arith.constant 0 : index
    %get3A_34 = arith.constant 0 : index
    %get3A_35 = vector.load %arg9[%get3A_33, %get3A_34] : memref<128x8xf32, #tpu.memory_space<vmem>>, vector<128x8xf32>
    %dot_general3A_36 = arith.constant dense<0.000000e+00> : vector<400x8xf32>
    %dot_general3A_37 = tpu.matmul %select_n3A, %get3A_35, %dot_general3A_36 {dimension_numbers = #tpu.dot_dimension_numbers<[1], [0], [0], [1], [0, 0, 1, 1], [], []>, transpose_lhs_hint = false} : vector<400x128xf32>, vector<128x8xf32>, vector<400x8xf32> -> vector<400x8xf32>
    %exp3A = math.exp %dot_general3A_37 : vector<400x8xf32>
    %get3A_38 = arith.constant 0 : index
    %get3A_39 = arith.constant 0 : index
    %get3A_40 = vector.load %arg10[%get3A_38, %get3A_39] : memref<8x128xf32, #tpu.memory_space<vmem>>, vector<8x128xf32>
    %dot_general3A_41 = arith.constant dense<0.000000e+00> : vector<400x128xf32>
    %dot_general3A_42 = tpu.matmul %exp3A, %get3A_40, %dot_general3A_41 {dimension_numbers = #tpu.dot_dimension_numbers<[1], [0], [0], [1], [0, 0, 1, 1], [], []>, transpose_lhs_hint = false} : vector<400x8xf32>, vector<8x128xf32>, vector<400x128xf32> -> vector<400x128xf32>
    %mul3A_43 = arith.mulf %get3A_12, %dot_general3A_42 : vector<400x128xf32>
    %add3A_44 = arith.addf %add3A, %mul3A_43 : vector<400x128xf32>
    %add3A_45 = arith.addf %reduce_sum3A_9, %exp3A : vector<400x8xf32>
    %add3A_46 = arith.constant 1.000000e-16 : f32
    %add3A_47 = vector.broadcast %add3A_46 : f32 to vector<400x8xf32>
    %add3A_48 = arith.addf %add3A_45, %add3A_47 : vector<400x8xf32>
    %div3A = arith.constant 1.000000e+00 : f32
    %div3A_49 = vector.broadcast %div3A : f32 to vector<400x8xf32>
    %div3A_50 = arith.divf %div3A_49, %add3A_48 : vector<400x8xf32>
    %get3A_51 = arith.constant 0 : index
    %get3A_52 = arith.constant 0 : index
    %get3A_53 = vector.load %arg10[%get3A_51, %get3A_52] : memref<8x128xf32, #tpu.memory_space<vmem>>, vector<8x128xf32>
    %dot_general3A_54 = arith.constant dense<0.000000e+00> : vector<400x128xf32>
    %dot_general3A_55 = tpu.matmul %div3A_50, %get3A_53, %dot_general3A_54 {dimension_numbers = #tpu.dot_dimension_numbers<[1], [0], [0], [1], [0, 0, 1, 1], [], []>, transpose_lhs_hint = false} : vector<400x8xf32>, vector<8x128xf32>, vector<400x128xf32> -> vector<400x128xf32>
    %mul3A_56 = arith.mulf %add3A_44, %dot_general3A_55 : vector<400x128xf32>
    %get3A_57 = arith.constant 0 : index
    %get3A_58 = arith.constant 0 : index
    %get3A_59 = vector.load %arg11[%get3A_57, %get3A_58] : memref<1x128xf32, #tpu.memory_space<vmem>>, vector<1x128xf32>
    %add3A_60 = vector.broadcast %get3A_59 : vector<1x128xf32> to vector<400x128xf32>
    %add3A_61 = arith.addf %mul3A_56, %add3A_60 : vector<400x128xf32>
    %get3A_62 = arith.constant 0 : index
    %get3A_63 = arith.constant 0 : index
    %get3A_64 = vector.load %arg6[%get3A_62, %get3A_63] : memref<400x128xf32, #tpu.memory_space<vmem>>, vector<400x128xf32>
    %add3A_65 = arith.addf %add3A_61, %get3A_64 : vector<400x128xf32>
    %reduce_sum3A_66 = arith.constant dense<0.000000e+00> : vector<400xf32>
    %reduce_sum3A_67 = vector.multi_reduction <add>, %add3A_65, %reduce_sum3A_66 [1] : vector<400x128xf32> to vector<400xf32>
    %broadcast_in_dim3A = vector.shape_cast %reduce_sum3A_67 : vector<400xf32> to vector<400x1xf32>
    %div3A_68 = arith.constant 1.280000e+02 : f32
    %div3A_69 = vector.broadcast %div3A_68 : f32 to vector<400x1xf32>
    %div3A_70 = arith.divf %broadcast_in_dim3A, %div3A_69 : vector<400x1xf32>
    %sub3A = vector.broadcast %div3A_70 : vector<400x1xf32> to vector<400x128xf32>
    %sub3A_71 = arith.subf %add3A_65, %sub3A : vector<400x128xf32>
    %integer_pow3A = arith.mulf %sub3A_71, %sub3A_71 : vector<400x128xf32>
    %reduce_sum3A_72 = arith.constant dense<0.000000e+00> : vector<400xf32>
    %reduce_sum3A_73 = vector.multi_reduction <add>, %integer_pow3A, %reduce_sum3A_72 [1] : vector<400x128xf32> to vector<400xf32>
    %broadcast_in_dim3A_74 = vector.shape_cast %reduce_sum3A_73 : vector<400xf32> to vector<400x1xf32>
    %div3A_75 = arith.constant 1.280000e+02 : f32
    %div3A_76 = vector.broadcast %div3A_75 : f32 to vector<400x1xf32>
    %div3A_77 = arith.divf %broadcast_in_dim3A_74, %div3A_76 : vector<400x1xf32>
    %sub3A_78 = vector.broadcast %div3A_70 : vector<400x1xf32> to vector<400x128xf32>
    %sub3A_79 = arith.subf %add3A_65, %sub3A_78 : vector<400x128xf32>
    %add3A_80 = arith.constant 9.99999974E-6 : f32
    %add3A_81 = vector.broadcast %add3A_80 : f32 to vector<400x1xf32>
    %add3A_82 = arith.addf %div3A_77, %add3A_81 : vector<400x1xf32>
    %rsqrt3A = math.rsqrt %add3A_82 : vector<400x1xf32>
    %mul3A_83 = vector.broadcast %rsqrt3A : vector<400x1xf32> to vector<400x128xf32>
    %mul3A_84 = arith.mulf %sub3A_79, %mul3A_83 : vector<400x128xf32>
    %get3A_85 = arith.constant 0 : index
    %get3A_86 = arith.constant 0 : index
    %get3A_87 = vector.load %arg12[%get3A_85, %get3A_86] : memref<1x128xf32, #tpu.memory_space<vmem>>, vector<1x128xf32>
    %mul3A_88 = vector.broadcast %get3A_87 : vector<1x128xf32> to vector<400x128xf32>
    %mul3A_89 = arith.mulf %mul3A_84, %mul3A_88 : vector<400x128xf32>
    %get3A_90 = arith.constant 0 : index
    %get3A_91 = arith.constant 0 : index
    %get3A_92 = vector.load %arg13[%get3A_90, %get3A_91] : memref<1x128xf32, #tpu.memory_space<vmem>>, vector<1x128xf32>
    %add3A_93 = vector.broadcast %get3A_92 : vector<1x128xf32> to vector<400x128xf32>
    %add3A_94 = arith.addf %mul3A_89, %add3A_93 : vector<400x128xf32>
    %gt3A = arith.constant 0.000000e+00 : f32
    %gt3A_95 = vector.broadcast %gt3A : f32 to vector<400x128xf32>
    %gt3A_96 = arith.cmpf ogt, %add3A_94, %gt3A_95 : vector<400x128xf32>
    %min3A = arith.constant 0.000000e+00 : f32
    %min3A_97 = vector.broadcast %min3A : f32 to vector<400x128xf32>
    %min3A_98 = arith.minimumf %add3A_94, %min3A_97 : vector<400x128xf32>
    %exp3A_99 = math.exp %min3A_98 : vector<400x128xf32>
    %sub3A_100 = arith.constant 1.000000e+00 : f32
    %sub3A_101 = vector.broadcast %sub3A_100 : f32 to vector<400x128xf32>
    %sub3A_102 = arith.subf %exp3A_99, %sub3A_101 : vector<400x128xf32>
    %select_n3A_103 = arith.select %gt3A_96, %add3A_94, %sub3A_102 : vector<400x128xi1>, vector<400x128xf32>
    %get3A_104 = arith.constant 0 : index
    %get3A_105 = arith.constant 0 : index
    %get3A_106 = vector.load %arg14[%get3A_104, %get3A_105] : memref<128x192xf32, #tpu.memory_space<vmem>>, vector<128x192xf32>
    %dot_general3A_107 = arith.constant dense<0.000000e+00> : vector<400x192xf32>
    %dot_general3A_108 = tpu.matmul %select_n3A_103, %get3A_106, %dot_general3A_107 {dimension_numbers = #tpu.dot_dimension_numbers<[1], [0], [0], [1], [0, 0, 1, 1], [], []>, transpose_lhs_hint = false} : vector<400x128xf32>, vector<128x192xf32>, vector<400x192xf32> -> vector<400x192xf32>
    %get3A_109 = arith.constant 0 : index
    %get3A_110 = arith.constant 0 : index
    %get3A_111 = vector.load %arg15[%get3A_109, %get3A_110] : memref<1x192xf32, #tpu.memory_space<vmem>>, vector<1x192xf32>
    %add3A_112 = vector.broadcast %get3A_111 : vector<1x192xf32> to vector<400x192xf32>
    %add3A_113 = arith.addf %dot_general3A_108, %add3A_112 : vector<400x192xf32>
    %swap3A = arith.constant 0 : index
    %swap3A_114 = arith.constant 0 : index
    %swap3A_115 = vector.load %arg16[%swap3A, %swap3A_114] : memref<400x192xf32, #tpu.memory_space<vmem>>, vector<400x192xf32>
    tpu.vector_store %arg16[%swap3A, %swap3A_114], %add3A_113 {strides = array<i32>} : memref<400x192xf32, #tpu.memory_space<vmem>>, vector<400x192xf32>,
    return
  }
  func.func @transform_0(%arg0: i32) -> (i32, i32) {
    %c0_i32 = arith.constant 0 : i32
    %c0_i32_0 = arith.constant 0 : i32
    return %arg0, %c0_i32 : i32, i32
  }
  func.func @transform_1(%arg0: i32) -> (i32, i32) {
    %c0_i32 = arith.constant 0 : i32
    %c0_i32_0 = arith.constant 0 : i32
    return %arg0, %c0_i32 : i32, i32
  }
  func.func @transform_2(%arg0: i32) -> (i32, i32, i32) {
    %c0_i32 = arith.constant 0 : i32
    %c0_i32_0 = arith.constant 0 : i32
    %c0_i32_1 = arith.constant 0 : i32
    return %c0_i32, %arg0, %c0_i32_0 : i32, i32, i32
  }
  func.func @transform_3(%arg0: i32) -> (i32, i32) {
    %c0_i32 = arith.constant 0 : i32
    %c0_i32_0 = arith.constant 0 : i32
    return %arg0, %c0_i32 : i32, i32
  }
  func.func @transform_4(%arg0: i32) -> (i32, i32) {
    %c0_i32 = arith.constant 0 : i32
    %c0_i32_0 = arith.constant 0 : i32
    return %arg0, %c0_i32 : i32, i32
  }
  func.func @transform_5(%arg0: i32) -> (i32, i32) {
    %c0_i32 = arith.constant 0 : i32
    %c0_i32_0 = arith.constant 0 : i32
    return %arg0, %c0_i32 : i32, i32
  }
  func.func @transform_6(%arg0: i32) -> (i32, i32) {
    %c0_i32 = arith.constant 0 : i32
    %c0_i32_0 = arith.constant 0 : i32
    %c0_i32_1 = arith.constant 0 : i32
    return %c0_i32, %c0_i32_0 : i32, i32
  }
  func.func @transform_7(%arg0: i32) -> (i32, i32) {
    %c0_i32 = arith.constant 0 : i32
    %c0_i32_0 = arith.constant 0 : i32
    %c0_i32_1 = arith.constant 0 : i32
    return %c0_i32, %c0_i32_0 : i32, i32
  }
  func.func @transform_8(%arg0: i32) -> (i32, i32) {
    %c0_i32 = arith.constant 0 : i32
    %c0_i32_0 = arith.constant 0 : i32
    %c0_i32_1 = arith.constant 0 : i32
    return %c0_i32, %c0_i32_0 : i32, i32
  }
  func.func @transform_9(%arg0: i32) -> (i32, i32) {
    %c0_i32 = arith.constant 0 : i32
    %c0_i32_0 = arith.constant 0 : i32
    %c0_i32_1 = arith.constant 0 : i32
    return %c0_i32, %c0_i32_0 : i32, i32
  }
  func.func @transform_10(%arg0: i32) -> (i32, i32) {
    %c0_i32 = arith.constant 0 : i32
    %c0_i32_0 = arith.constant 0 : i32
    %c0_i32_1 = arith.constant 0 : i32
    return %c0_i32, %c0_i32_0 : i32, i32
  }
  func.func @transform_11(%arg0: i32) -> (i32, i32) {
    %c0_i32 = arith.constant 0 : i32
    %c0_i32_0 = arith.constant 0 : i32
    %c0_i32_1 = arith.constant 0 : i32
    return %c0_i32, %c0_i32_0 : i32, i32
  }
  func.func @transform_12(%arg0: i32) -> (i32, i32) {
    %c0_i32 = arith.constant 0 : i32
    %c0_i32_0 = arith.constant 0 : i32
    %c0_i32_1 = arith.constant 0 : i32
    return %c0_i32, %c0_i32_0 : i32, i32
  }
  func.func @transform_13(%arg0: i32) -> (i32, i32) {
    %c0_i32 = arith.constant 0 : i32
    %c0_i32_0 = arith.constant 0 : i32
    %c0_i32_1 = arith.constant 0 : i32
    return %c0_i32, %c0_i32_0 : i32, i32
  }
  func.func @transform_14(%arg0: i32) -> (i32, i32) {
    %c0_i32 = arith.constant 0 : i32
    %c0_i32_0 = arith.constant 0 : i32
    %c0_i32_1 = arith.constant 0 : i32
    return %c0_i32, %c0_i32_0 : i32, i32
  }
  func.func @transform_15(%arg0: i32) -> (i32, i32) {
    %c0_i32 = arith.constant 0 : i32
    %c0_i32_0 = arith.constant 0 : i32
    return %arg0, %c0_i32 : i32, i32
  }
}

module attributes {stable_mosaic.version = 14 : i64} {
  func.func @_combine2_body(%arg0: i32, %arg1: memref<400x64xf32, #tpu.memory_space<vmem>>, %arg2: memref<400x64xf32, #tpu.memory_space<vmem>>, %arg3: memref<2x400x1xf32, #tpu.memory_space<vmem>>, %arg4: memref<400x192xf32, #tpu.memory_space<vmem>>, %arg5: memref<1x16xf32, #tpu.memory_space<vmem>>, %arg6: memref<16x64xf32, #tpu.memory_space<vmem>>, %arg7: memref<64x1xf32, #tpu.memory_space<vmem>>, %arg8: memref<1x64xf32, #tpu.memory_space<vmem>>, %arg9: memref<400x64xf32, #tpu.memory_space<vmem>>) attributes {dimension_semantics = [#tpu.dimension_semantics<arbitrary>], iteration_bounds = array<i64: 25>, scalar_prefetch = 0 : i64, scratch_operands = 0 : i64, tpu.core_type = #tpu.core_type<tc>, window_params = [{transform_indices = @transform_0, window_bounds = array<i64: 400, 64>}, {transform_indices = @transform_1, window_bounds = array<i64: 400, 64>}, {transform_indices = @transform_2, window_bounds = array<i64: 2, 400, 1>}, {transform_indices = @transform_3, window_bounds = array<i64: 400, 192>}, {pipeline_mode = #tpu.pipeline_mode<synchronous>, transform_indices = @transform_4, window_bounds = array<i64: 1, 16>}, {pipeline_mode = #tpu.pipeline_mode<synchronous>, transform_indices = @transform_5, window_bounds = array<i64: 16, 64>}, {pipeline_mode = #tpu.pipeline_mode<synchronous>, transform_indices = @transform_6, window_bounds = array<i64: 64, 1>}, {pipeline_mode = #tpu.pipeline_mode<synchronous>, transform_indices = @transform_7, window_bounds = array<i64: 1, 64>}, {transform_indices = @transform_8, window_bounds = array<i64: 400, 64>}]} {
    %get3A = arith.constant 0 : index
    %get3A_0 = arith.constant 0 : index
    %get3A_1 = vector.load %arg1[%get3A, %get3A_0] : memref<400x64xf32, #tpu.memory_space<vmem>>, vector<400x64xf32>
    %get3A_2 = arith.constant 0 : index
    %get3A_3 = arith.constant 0 : index
    %get3A_4 = vector.load %arg2[%get3A_2, %get3A_3] : memref<400x64xf32, #tpu.memory_space<vmem>>, vector<400x64xf32>
    %add3A = arith.addf %get3A_1, %get3A_4 : vector<400x64xf32>
    %get3A_5 = arith.constant 0 : index
    %get3A_6 = arith.constant 0 : index
    %get3A_7 = arith.constant 0 : index
    %get3A_8 = vector.load %arg3[%get3A_5, %get3A_6, %get3A_7] : memref<2x400x1xf32, #tpu.memory_space<vmem>>, vector<2x400x1xf32>
    %reduce_sum3A = arith.constant dense<0.000000e+00> : vector<400x1xf32>
    %reduce_sum3A_9 = vector.multi_reduction <add>, %get3A_8, %reduce_sum3A [0] : vector<2x400x1xf32> to vector<400x1xf32>
    %get3A_10 = arith.constant 0 : index
    %get3A_11 = arith.constant 0 : index
    %get3A_12 = vector.load %arg4[%get3A_10, %get3A_11] : memref<400x192xf32, #tpu.memory_space<vmem>>, vector<400x64xf32>
    %get3A_13 = arith.constant 0 : index
    %get3A_14 = arith.constant 64 : index
    %get3A_15 = vector.load %arg4[%get3A_13, %get3A_14] : memref<400x192xf32, #tpu.memory_space<vmem>>, vector<400x64xf32>
    %get3A_16 = arith.constant 0 : index
    %get3A_17 = arith.constant 128 : index
    %get3A_18 = vector.load %arg4[%get3A_16, %get3A_17] : memref<400x192xf32, #tpu.memory_space<vmem>>, vector<400x64xf32>
    %get3A_19 = arith.constant 0 : index
    %get3A_20 = arith.constant 0 : index
    %get3A_21 = vector.load %arg5[%get3A_19, %get3A_20] : memref<1x16xf32, #tpu.memory_space<vmem>>, vector<1x16xf32>
    %get3A_22 = arith.constant 0 : index
    %get3A_23 = arith.constant 0 : index
    %get3A_24 = vector.load %arg6[%get3A_22, %get3A_23] : memref<16x64xf32, #tpu.memory_space<vmem>>, vector<16x64xf32>
    %dot_general3A = arith.constant dense<0.000000e+00> : vector<1x64xf32>
    %dot_general3A_25 = tpu.matmul %get3A_21, %get3A_24, %dot_general3A {dimension_numbers = #tpu.dot_dimension_numbers<[1], [0], [0], [1], [0, 0, 1, 1], [], []>, transpose_lhs_hint = false} : vector<1x16xf32>, vector<16x64xf32>, vector<1x64xf32> -> vector<1x64xf32>
    %mul3A = arith.constant 3.125000e-06 : f32
    %mul3A_26 = vector.broadcast %mul3A : f32 to vector<1x64xf32>
    %mul3A_27 = arith.mulf %dot_general3A_25, %mul3A_26 : vector<1x64xf32>
    %add3A_28 = arith.addf %get3A_12, %get3A_15 : vector<400x64xf32>
    %add3A_29 = vector.broadcast %mul3A_27 : vector<1x64xf32> to vector<400x64xf32>
    %add3A_30 = arith.addf %add3A_28, %add3A_29 : vector<400x64xf32>
    %ge3A = arith.constant 0.000000e+00 : f32
    %ge3A_31 = vector.broadcast %ge3A : f32 to vector<400x64xf32>
    %ge3A_32 = arith.cmpf oge, %add3A_30, %ge3A_31 : vector<400x64xf32>
    %mul3A_33 = arith.constant 2.000000e-01 : f32
    %mul3A_34 = vector.broadcast %mul3A_33 : f32 to vector<400x64xf32>
    %mul3A_35 = arith.mulf %add3A_30, %mul3A_34 : vector<400x64xf32>
    %select_n3A = arith.select %ge3A_32, %add3A_30, %mul3A_35 : vector<400x64xi1>, vector<400x64xf32>
    %get3A_36 = arith.constant 0 : index
    %get3A_37 = arith.constant 0 : index
    %get3A_38 = vector.load %arg7[%get3A_36, %get3A_37] : memref<64x1xf32, #tpu.memory_space<vmem>>, vector<64x1xf32>
    %dot_general3A_39 = arith.constant dense<0.000000e+00> : vector<400x1xf32>
    %dot_general3A_40 = tpu.matmul %select_n3A, %get3A_38, %dot_general3A_39 {dimension_numbers = #tpu.dot_dimension_numbers<[1], [0], [0], [1], [0, 0, 1, 1], [], []>, transpose_lhs_hint = false} : vector<400x64xf32>, vector<64x1xf32>, vector<400x1xf32> -> vector<400x1xf32>
    %exp3A = math.exp %dot_general3A_40 : vector<400x1xf32>
    %mul3A_41 = vector.broadcast %exp3A : vector<400x1xf32> to vector<400x64xf32>
    %mul3A_42 = arith.mulf %get3A_12, %mul3A_41 : vector<400x64xf32>
    %add3A_43 = arith.addf %add3A, %mul3A_42 : vector<400x64xf32>
    %add3A_44 = arith.addf %reduce_sum3A_9, %exp3A : vector<400x1xf32>
    %add3A_45 = arith.constant 1.000000e-16 : f32
    %add3A_46 = vector.broadcast %add3A_45 : f32 to vector<400x1xf32>
    %add3A_47 = arith.addf %add3A_44, %add3A_46 : vector<400x1xf32>
    %div3A = vector.broadcast %add3A_47 : vector<400x1xf32> to vector<400x64xf32>
    %div3A_48 = arith.divf %add3A_43, %div3A : vector<400x64xf32>
    %get3A_49 = arith.constant 0 : index
    %get3A_50 = arith.constant 0 : index
    %get3A_51 = vector.load %arg8[%get3A_49, %get3A_50] : memref<1x64xf32, #tpu.memory_space<vmem>>, vector<1x64xf32>
    %add3A_52 = vector.broadcast %get3A_51 : vector<1x64xf32> to vector<400x64xf32>
    %add3A_53 = arith.addf %div3A_48, %add3A_52 : vector<400x64xf32>
    %add3A_54 = arith.addf %add3A_53, %get3A_18 : vector<400x64xf32>
    %swap3A = arith.constant 0 : index
    %swap3A_55 = arith.constant 0 : index
    %swap3A_56 = vector.load %arg9[%swap3A, %swap3A_55] : memref<400x64xf32, #tpu.memory_space<vmem>>, vector<400x64xf32>
    tpu.vector_store %arg9[%swap3A, %swap3A_55], %add3A_54 {strides = array<i32>} : memref<400x64xf32, #tpu.memory_space<vmem>>, vector<400x64xf32>,
    return
  }
  func.func @transform_0(%arg0: i32) -> (i32, i32) {
    %c0_i32 = arith.constant 0 : i32
    %c0_i32_0 = arith.constant 0 : i32
    return %arg0, %c0_i32 : i32, i32
  }
  func.func @transform_1(%arg0: i32) -> (i32, i32) {
    %c0_i32 = arith.constant 0 : i32
    %c0_i32_0 = arith.constant 0 : i32
    return %arg0, %c0_i32 : i32, i32
  }
  func.func @transform_2(%arg0: i32) -> (i32, i32, i32) {
    %c0_i32 = arith.constant 0 : i32
    %c0_i32_0 = arith.constant 0 : i32
    %c0_i32_1 = arith.constant 0 : i32
    return %c0_i32, %arg0, %c0_i32_0 : i32, i32, i32
  }
  func.func @transform_3(%arg0: i32) -> (i32, i32) {
    %c0_i32 = arith.constant 0 : i32
    %c0_i32_0 = arith.constant 0 : i32
    return %arg0, %c0_i32 : i32, i32
  }
  func.func @transform_4(%arg0: i32) -> (i32, i32) {
    %c0_i32 = arith.constant 0 : i32
    %c0_i32_0 = arith.constant 0 : i32
    %c0_i32_1 = arith.constant 0 : i32
    return %c0_i32, %c0_i32_0 : i32, i32
  }
  func.func @transform_5(%arg0: i32) -> (i32, i32) {
    %c0_i32 = arith.constant 0 : i32
    %c0_i32_0 = arith.constant 0 : i32
    %c0_i32_1 = arith.constant 0 : i32
    return %c0_i32, %c0_i32_0 : i32, i32
  }
  func.func @transform_6(%arg0: i32) -> (i32, i32) {
    %c0_i32 = arith.constant 0 : i32
    %c0_i32_0 = arith.constant 0 : i32
    %c0_i32_1 = arith.constant 0 : i32
    return %c0_i32, %c0_i32_0 : i32, i32
  }
  func.func @transform_7(%arg0: i32) -> (i32, i32) {
    %c0_i32 = arith.constant 0 : i32
    %c0_i32_0 = arith.constant 0 : i32
    %c0_i32_1 = arith.constant 0 : i32
    return %c0_i32, %c0_i32_0 : i32, i32
  }
  func.func @transform_8(%arg0: i32) -> (i32, i32) {
    %c0_i32 = arith.constant 0 : i32
    %c0_i32_0 = arith.constant 0 : i32
    return %arg0, %c0_i32 : i32, i32
  }
}

</mosaic_0001>

<sc_bundles>
// kernel: kernel.11.cloned.1.call-start
scs
__scs_entry_jumppad:
0x0: {  	(pc) =	sbr.rel $0x88, $3  }
0x1: {  	(tag) =	ssettag $0x0;
	lr =	simm.s32 $0x1  }
0x2: {  	[smem:$0x3F8E] =	sst lr;
	_ =	strace $0xD0000000  }
0x3: {  	_ = 	snop  }
0x4: {  	_ = 	snop  }
0x5: {  	_ = 	snop  }
0x6: {  	_ = 	snop  }
0x7: {  	_ = 	snop  }
__scs_overlays_trampoline_lowered:
0x8: {  	[smem:$0x3F9D] =	sst s0  }
0x9: {  	[smem:$0x3F9E] =	sst s1  }
0xa: {  	[smem:$0x3F9F] =	sst s2  }
0xb: {  	[smem:$0x3FA0] =	sst s3  }
0xc: {  	[smem:$0x3FA1] =	sst s4  }
0xd: {  	[smem:$0x3FA2] =	sst s5  }
0xe: {  	[smem:$0x3FA3] =	sst s6  }
0xf: {  	[smem:$0x3FA4] =	sst s7  }
0x10: {  	[smem:$0x3FA5] =	sst s8  }
0x11: {  	[smem:$0x3FA6] =	sst s9;
	s0 =	simm.s32 @!p0 $0x0  }
0x12: {  	s1 =	sld [smem:$0x3F8C];
	s0 =	simm.s32 @p0 $0x1  }
0x13: {  	[smem:$0x3FA7] =	sst s0;
	s0 =	simm.s32 @!p1 $0x0  }
0x14: {  	s2 =	sld [smem:$0x3F8B];
	s0 =	simm.s32 @p1 $0x1  }
0x15: {  	[smem:$0x3FA8] =	sst s0;
	s0 =	simm.s32 @!p2 $0x0  }
0x16: {  	s3 =	sld [smem:$0x3FDB];
	s0 =	simm.s32 @p2 $0x1  }
0x17: {  	s4 =	simm.s32 $0x1BF5;
	[smem:$0x3FAA] =	sst s0  }
0x18: {  	s0 =	sld [smem:$0x3F8D];
	_ =	swait.ge [sflag:s4], $0x0  }
0x19: {  	s7 =	sld [smem:$0x3F8E]  }
0x1a: {  	s8 =	sadd.s32 $0xFFFFE003, lr  }
0x1b: {  	s9 =	sadd.s32 $0xFFFFFEF7, lr;
	s5 =	simm.s32 $0xFFFFFFFF;
	p2 =	slt.u32 s8, $0xFFFFF086  }
0x1c: {  	p1 =	slt.u32 s9, $0xF7A;
	s5 =	simm.s32 @!p2 $0x0  }
0x1d: {  	s5 =	simm.s32 @p1 $0x1;
	p0 =	seq.s32 s7, s2  }
0x1e: {  	s7 =	smul.u32 @!p0 $0xF7A, s2;
	p2 =	seq.s32 @!p0 s5, $0x0  }
0x1f: {  	s9 =	smul.u32 $0xF7A, s1;
	s8 =	simm.s32 @!p0 $0x1BF5;
	p2 =	por !p2, p0  }
0x20: {  	[sflag:s8] =	ssyncset.s32 @!p0 $0xFFFFF086;
	s6 =	sadd.s32 @!p0 s3, s7;
	s7 =	simm.s32 @!p0 $0x108  }
0x21: {  	s3 =	sadd.s32 s3, s9;
	s6 =	sadd.s32 @!p0 $0x88, s6;
	s7 =	simm.s32 @p2 $0x1082  }
0x22: {  	[simem:s7], [sflag:s8] =	dma.local @!p0 [hbm:s6], $0xF7A  }
0x23: {  	s9 =	sor.u32 $0xD0000000, s2;
	s6 =	simm.s32 $0x108;
	_ =	swait.ge @!p0 [sflag:s8], $0x0  }
0x24: {  	s3 =	sadd.s32 $0x88, s3;
	s6 =	simm.s32 @!p1 $0x1082;
	[sflag:s4] =	ssyncset.s32 $0xFFFFF086  }
0x25: {  	[simem:s6], [sflag:s4] =	dma.local [hbm:s3], $0xF7A  }
0x26: {  	[smem:$0x3F8E] =	sst s1;
	(tag) =	ssettag s2;
	_ =	strace s9  }
0x27: {  	s1 =	sld [smem:$0x3F9E]  }
0x28: {  	s2 =	sld [smem:$0x3F9F]  }
0x29: {  	s4 =	sld [smem:$0x3FA1]  }
0x2a: {  	p0 =	seq.s32 s5, $0x0;
	s5 =	sld [smem:$0x3FA2]  }
0x2b: {  	s6 =	sld [smem:$0x3FA3]  }
0x2c: {  	s7 =	sld [smem:$0x3FA4]  }
0x2d: {  	s3 =	simm.s32 $0x108;
	s8 =	sld [smem:$0x3FA5]  }
0x2e: {  	s3 =	simm.s32 @!p0 $0x1082;
	s9 =	sld [smem:$0x3FA6]  }
0x2f: {  	lr =	sadd.s32 s0, s3;
	s0 =	sld [smem:$0x3F9D]  }
0x30: {  	s3 =	sld [smem:$0x3FA0]  }
0x31: {  	[smem:$0x3FA9] =	sst s10  }
0x32: {  	s10 =	sld [smem:$0x3FA7];
	_ =	sdelay $0x3  }
0x33: {  	p0 =	seq.s32 s10, $0x1;
	s10 =	sld [smem:$0x3FA9];
	_ =	sdelay $0x3  }
0x34: {  	[smem:$0x3FA9] =	sst s10  }
0x35: {  	s10 =	sld [smem:$0x3FA8];
	_ =	sdelay $0x3  }
0x36: {  	p1 =	seq.s32 s10, $0x1;
	s10 =	sld [smem:$0x3FA9];
	_ =	sdelay $0x3  }
0x37: {  	[smem:$0x3FA9] =	sst s10  }
0x38: {  	s10 =	sld [smem:$0x3FAA]  }
0x39: {  	_ = 	snop;
	(pc) =	sbr.ind lr, $3  }
0x3a: {  	_ = 	snop  }
0x3b: {  	_ = 	snop  }
0x3c: {  	p2 =	seq.s32 s10, $0x1;
	s10 =	sld [smem:$0x3FA9]  }
0x3d: {  	_ =	shalt  }
0x3e: {  	_ =	shalt  }
0x3f: {  	_ =	shalt  }
0x40: {  	_ =	shalt  }
0x41: {  	_ =	shalt  }
0x42: {  	_ =	shalt  }
0x43: {  	_ =	shalt  }
0x44: {  	_ =	shalt  }
0x45: {  	_ =	shalt  }
0x46: {  	_ =	shalt  }
0x47: {  	_ =	shalt  }
0x48: {  	_ =	shalt  }
0x49: {  	_ =	shalt  }
0x4a: {  	_ =	shalt  }
0x4b: {  	_ =	shalt  }
0x4c: {  	_ =	shalt  }
0x4d: {  	_ =	shalt  }
0x4e: {  	_ =	shalt  }
0x4f: {  	_ =	shalt  }
0x50: {  	_ =	shalt  }
0x51: {  	_ =	shalt  }
0x52: {  	_ =	shalt  }
0x53: {  	_ =	shalt  }
0x54: {  	_ =	shalt  }
0x55: {  	_ =	shalt  }
0x56: {  	_ =	shalt  }
0x57: {  	_ =	shalt  }
0x58: {  	_ =	shalt  }
0x59: {  	_ =	shalt  }
0x5a: {  	_ =	shalt  }
0x5b: {  	_ =	shalt  }
0x5c: {  	_ =	shalt  }
0x5d: {  	_ =	shalt  }
0x5e: {  	_ =	shalt  }
0x5f: {  	_ =	shalt  }
0x60: {  	_ =	shalt  }
0x61: {  	_ =	shalt  }
0x62: {  	_ =	shalt  }
0x63: {  	_ =	shalt  }
0x64: {  	_ =	shalt  }
0x65: {  	_ =	shalt  }
0x66: {  	_ =	shalt  }
0x67: {  	_ =	shalt  }
0x68: {  	_ =	shalt  }
0x69: {  	_ =	shalt  }
0x6a: {  	_ =	shalt  }
0x6b: {  	_ =	shalt  }
0x6c: {  	_ =	shalt  }
0x6d: {  	_ =	shalt  }
0x6e: {  	_ =	shalt  }
0x6f: {  	_ =	shalt  }
0x70: {  	_ =	shalt  }
0x71: {  	_ =	shalt  }
0x72: {  	_ =	shalt  }
0x73: {  	_ =	shalt  }
0x74: {  	_ =	shalt  }
0x75: {  	_ =	shalt  }
0x76: {  	_ =	shalt  }
0x77: {  	_ =	shalt  }
0x78: {  	_ =	shalt  }
0x79: {  	_ =	shalt  }
0x7a: {  	_ =	shalt  }
0x7b: {  	_ =	shalt  }
0x7c: {  	_ =	shalt  }
0x7d: {  	_ =	shalt  }
0x7e: {  	_ =	shalt  }
0x7f: {  	_ =	shalt  }
0x80: {  	_ =	shalt  }
0x81: {  	_ =	shalt  }
0x82: {  	_ =	shalt  }
0x83: {  	_ =	shalt  }
0x84: {  	_ =	shalt  }
0x85: {  	_ =	shalt  }
0x86: {  	_ =	shalt  }
0x87: {  	_ =	shalt  }
.Lfunc_end0:
.L_simem_size_0:
called_computation.1_lowered:
.L_overlay_start_0:
0x88: {  	s2 =	sld [smem:$0x3FD9]  }
0x89: {  	s3 =	sld [smem:$0x3FFE];
	_ =	sdelay $0x1  }
0x8a: {  	s1 =	srdreg.scid  }
0x8b: {  	s0 =	sand.u32 $0x1, s1  }
0x8c: {  	s17 =	sshll.u32 s0, $0xA;
	s2 =	sadd.s32 s3, s2  }
0x8d: {  	s2 =	sadd.s32 s2, s17  }
0x8e: {  	[smem:$0x3FB5] =	sst s2  }
0x8f: {  	_ = 	snop  }
0x90: {  	s2 =	sld [smem:$0x3FD0];
	(tm) =	ssettm $0x1  }
0x91: {  	s18 =	sld [smem:$0x3FFB];
	_ =	sdelay $0x3  }
0x92: {  	_ =	strace s18  }
0x93: {  	s3 =	sld [smem:$0x3FFC];
	_ =	sdelay $0x3  }
0x94: {  	_ =	strace s3  }
0x95: {  	s3 =	sld [smem:$0x3FFD];
	_ =	sdelay $0x3  }
0x96: {  	_ =	strace s3  }
0x97: {  	_ =	strace $0x8FFFFFFF  }
0x98: {  	s19 =	sld [smem:$0x3FDB];
	_ =	sdelay $0x1  }
0x99: {  	s4 =	simm.s32 $_scs_section_size  }
0x9a: {  	s5 =	simm.s32 $_size__tile_overlayer_lowered;
	s6 =	simm.s32 $_tile_overlayer_lowered  }
0x9b: {  	s22 =	simm.s32 $0x1BFF;
	s21 =	sshll.u32 s6, $0x1;
	s3 =	sadd.s32 s4, s19  }
0x9c: {  	s7 =	simm.s32 $0x0;
	s20 =	sshll.u32 s5, $0x1;
	s5 =	sadd.s32 s21, s3  }
0x9d: {  	[timem:s7], [sflag:s22] =	dma.local [hbm:s5], s20  }
0x9e: {  	_ =	swait.ge [sflag:s22], s20  }
0x9f: {  	s4 =	ssub.s32 $0x0, s20;
	[sflag:s22] =	ssyncset.done $0x0  }
0xa0: {  	[sflag:s22] =	ssyncadd.s32 s4;
	_ =	sdelay $0x1  }
0xa1: {  	s23 =	simm.s32 $0x1B8B  }
0xa2: {  	_ =	swait.ge [sflag:s23], $0x1  }
0xa3: {  	[sflag:s23] =	ssyncset.done $0x0  }
0xa4: {  	s25 =	simm.s32 $0x1B8E;
	s24 =	sld [smem:$0x3FFE];
	[sflag:s23] =	ssyncadd.s32 $0xFFFFFFFF  }
0xa5: {  	s26 =	simm.s32 $execute0_lowered;
	[smem:$0x3FD2] =	sst s25  }
0xa6: {  	s5 =	sshll.u32 s26, $0x1;
	_ =	strace $0x80000049;
	[dreg:$0x1] =	wrdreg $0xFFFFFFFF  }
0xa7: {  	s28 =	simm.s32 $_size_execute0_lowered;
	s3 =	sadd.s32 s3, s5;
	[dreg:$0x0] =	wrdreg $0x0  }
0xa8: {  	s5 =	sshll.u32 s28, $0x1;
	[dreg:$0x2] =	wrdreg s3  }
0xa9: {  	[dreg:$0x3] =	wrdreg s5  }
0xaa: {  	[dreg:$0x4] =	wrdreg $0xC0  }
0xab: {  	_ =	task [dreg:s7], $0x5FFFF  }
0xac: {  	[dreg:$0x1] =	wrdreg $0xFFFFFFFF  }
0xad: {  	[dreg:$0x0] =	wrdreg $0x60  }
0xae: {  	[dreg:$0x2] =	wrdreg s24  }
0xaf: {  	[dreg:$0x3] =	wrdreg s2  }
0xb0: {  	[dreg:$0x4] =	wrdreg $0x0  }
0xb1: {  	[dreg:$0x5] =	wrdreg $0xA0000  }
0xb2: {  	[dreg:$0x6] =	wrdreg $0x9  }
0xb3: {  	_ =	task.clear_ibuf [dreg:s7], $0x7FFFF;
	_ =	strace $0x90000049  }
0xb4: {  	s29 =	simm.s32 $0x9;
	_ =	strace $0x8000004B  }
0xb5: {  	_ =	swait.ge [sflag:s29], $0x1  }
0xb6: {  	[sflag:s29] =	ssyncadd.s32 $0xFFFFFFFF  }
0xb7: {  	_ =	strace $0x9000004B  }
0xb8: {  	_ =	sfence  }
0xb9: {  	s30 =	sld [smem:$0x0];
	_ =	sdelay $0x2  }
0xba: {  	s31 =	sshll.u32 s1, $0xD;
	s1 =	sshrl.u32 s1, $0x2  }
0xbb: {  	s3 =	sand.u32 $0x4000, s31;
	s1 =	sadd.s32 s1, s30  }
0xbc: {  	s0 =	sor.u32 s3, s0;
	s1 =	sshll.u32 s1, $0x11  }
0xbd: {  	s0 =	sor.u32 s1, s0  }
0xbe: {  	s0 =	sadd.s32 $0x8F2B, s0  }
0xbf: {  	[sflag:s0] =	ssyncadd.remote.s32 $0x1  }
0xc0: {  	_ =	sfence.sel $0xFFFF  }
0xc1: {  	[dreg:$0x0] =	wrdreg $0xFFFFFFFF;
	(pc) =	sbr.abs _section_cstart, $3  }
0xc2: {  	[dreg:$0x1] =	wrdreg $0xFFFFFFFF  }
0xc3: {  	_ =	task.clear_ibuf [dreg:s7], $0x2FFFF;
	_ =	strace $0x9FFFFFFF  }
0xc4: {  	(tm) =	ssettm $0x7FFFFFFF  }
0xc5: {  	_ =	shalt  }
tec
execute0_lowered:
.L_overlay_start_1:
0x0: {  	(tag) =	ssettag $0x1  }
0x1: {  	s0 =	rddreg [dreg:$0x0]  }
0x2: {  	s1 =	rddreg [dreg:$0x1]  }
0x3: {  	s29 =	rddreg [dreg:$0x2]  }
0x4: {  	s25 =	rddreg [dreg:$0x3];
	s4 =	simm.s32 $0x0  }
0x5: {  	s2 =	srdreg.scid;
	s3 =	stileid.u32;
	s30 =	simm.s32 $0xA300  }
0x6: {  	s31 =	simm.s32 $0x50;
	s15 =	simm.s32 $0x7;
	[smem:$0x7FF] =	sst s4  }
0x7: {  	s2 =	sand.u32 $0x1, s2;
	s7 =	smul.u32 $0x140, s3;
	s4 =	sadd.s32 $0x5400, s0  }
0x8: {  	s5 =	sadd.s32 $0xA52600, s0;
	s9 =	sshll.u32 s3, $0x1;
	s6 =	sadd.s32 $0x4F1000, s0  }
0x9: {  	s10 =	sadd.s32 $0x55400, s0;
	_ =	strace $0x8000004A;
	s8 =	smul.u32 $0x1400, s2  }
0xa: {  	s9 =	sor.u32 s2, s9;
	s17 =	ssub.s32 $0x2, s2;
	s2 =	smul.u32 $0x500, s2  }
0xb: {  	[dreg:$0x6] =	wrdreg s10;
	s12 =	smul.u32 $0x2710, s9;
	s18 =	sshrl.u32 s17, $0x1  }
0xc: {  	s9 =	smul.u32 $0x138800, s9;
	s8 =	sadd.s32 s8, s7;
	s7 =	sadd.s32 $0x4E7200, s0  }
0xd: {  	s1 =	sadd.s32 s1, s2;
	s8 =	sshll.u32 s8, $0x4;
	[dreg:$0x5] =	wrdreg s12  }
0xe: {  	s11 =	sshrl.u32 s12, $0x3;
	s21 =	sadd.s32 $0x50, s12;
	[dreg:$0xd] =	wrdreg s1  }
0xf: {  	s9 =	sshrl.u32 s9, $0x3;
	s22 =	sadd.s32 $0xA0, s12;
	[dreg:$0x9] =	wrdreg s21  }
0x10: {  	s0 =	sadd.s32 s8, s0;
	s19 =	sadd.s32 s6, s11;
	[dreg:$0xa] =	wrdreg s22  }
0x11: {  	s11 =	sadd.s32 s7, s11;
	s9 =	sadd.s32 s5, s9;
	[dreg:$0x7] =	wrdreg s19  }
0x12: {  	s8 =	ssub.s32 s17, s18;
	[dreg:$0x8] =	wrdreg s11;
	s9 =	sadd.s32 $0x26C00, s9  }
0x13: {  	s20 =	smul.u32 $0x28000, s3;
	s23 =	smax.u32 s8, $0x1;
	[dreg:$0xb] =	wrdreg s9  }
0x14: {  	p0 =	sne.s32 s3, $0x0;
	s24 =	sadd.s32 $0x2C600, s0;
	[dreg:$0xe] =	wrdreg s23  }
0x15: {  	s10 =	sshrl.u32 s20, $0x2;
	s26 =	sadd.s32 $0x2CB00, s0;
	[dreg:$0x12] =	wrdreg s24  }
0x16: {  	s20 =	simm.s32 $0x6;
	s28 =	sadd.s32 $0x2D000, s0;
	[dreg:$0x13] =	wrdreg s26  }
0x17: {  	s2 =	simm.s32 $0x0;
	s0 =	sadd.s32 $0x2D500, s0;
	[dreg:$0x14] =	wrdreg s28  }
0x18: {  	s17 =	simm.s32 $0x1;
	s9 =	sadd.s32 s10, s29;
	[dreg:$0x15] =	wrdreg s0  }
0x19: {  	v0 =	vlaneseq.u32;
	s21 =	simm.s32 $0x2;
	s8 =	sadd.s32 $0x2800, s9;
	[dreg:$0xc] =	wrdreg s9  }
0x1a: {  	v1 =	vimm.f32 $0.0e+00;
	v2 =	vor.u32 $0x10, v0;
	s22 =	simm.s32 $0x5;
	s11 =	sadd.s32 $0x5000, s9;
	[dreg:$0xf] =	wrdreg s8  }
0x1b: {  	v3 =	vor.u32 $0x20, v0;
	v4 =	vor.u32 $0x30, v0;
	v5 =	vor.u32 $0x40, v0;
	s19 =	simm.s32 $0x16E80;
	s12 =	sadd.s32 $0x7800, s9;
	[dreg:$0x10] =	wrdreg s11  }
0x1c: {  	v6 =	vor.u32 $0x50, v0;
	v7 =	vor.u32 $0x60, v0;
	v8 =	vor.u32 $0x70, v0;
	s26 =	simm.s32 $0x8;
	s10 =	simm.s32 $0xA500;
	[dreg:$0x11] =	wrdreg s12  }
.LBB2_1:
0x1d: {  	s0 =	simm.s32 $0x0;
	s1 =	simm.s32 $0x200  }
.LBB2_2:
0x1e: {  	p1 =	sne.s32 s1, $0x9E00;
	[tilespmem:s0+$0x196F0] =	vst v1  }
0x1f: {  	[tilespmem:s0+$0x16E80] =	vst v1  }
0x20: {  	[tilespmem:s0+$0x19680] =	vst v1  }
0x21: {  	[tilespmem:s0+$0x16E90] =	vst v1  }
0x22: {  	[tilespmem:s0+$0x19690] =	vst v1  }
0x23: {  	[tilespmem:s0+$0x16EA0] =	vst v1  }
0x24: {  	[tilespmem:s0+$0x196A0] =	vst v1  }
0x25: {  	[tilespmem:s0+$0x16EB0] =	vst v1  }
0x26: {  	[tilespmem:s0+$0x196B0] =	vst v1  }
0x27: {  	[tilespmem:s0+$0x16EC0] =	vst v1  }
0x28: {  	[tilespmem:s0+$0x196C0] =	vst v1  }
.Ltmp0:
0x29: {  	[tilespmem:s0+$0x16ED0] =	vst v1;
	(pc) =	sbr.rel @p1 .LBB2_2-.Ltmp0, $4  }
0x2a: {  	[tilespmem:s0+$0x196D0] =	vst v1  }
0x2b: {  	[tilespmem:s0+$0x16EE0] =	vst v1  }
0x2c: {  	[tilespmem:s0+$0x196E0] =	vst v1  }
0x2d: {  	[tilespmem:s0+$0x16EF0] =	vst v1;
	s0 =	sshra.s32 s1, $0x2;
	s1 =	sadd.s32 $0x200, s1  }
0x2e: {  	[tilespmem:s0+$0x196F0] =	vst v1  }
0x2f: {  	[tilespmem:s0+$0x16E80] =	vst v1  }
0x30: {  	[tilespmem:s0+$0x19680] =	vst v1  }
0x31: {  	[tilespmem:s0+$0x16E90] =	vst v1  }
0x32: {  	[tilespmem:s0+$0x19690] =	vst v1  }
0x33: {  	[tilespmem:s0+$0x16EA0] =	vst v1  }
0x34: {  	[tilespmem:s0+$0x196A0] =	vst v1  }
0x35: {  	[tilespmem:s0+$0x16EB0] =	vst v1  }
0x36: {  	[tilespmem:s0+$0x196B0] =	vst v1  }
0x37: {  	[tilespmem:s0+$0x16EC0] =	vst v1  }
0x38: {  	[tilespmem:s0+$0x196C0] =	vst v1  }
0x39: {  	[tilespmem:s0+$0x16ED0] =	vst v1  }
0x3a: {  	[tilespmem:s0+$0x196D0] =	vst v1  }
0x3b: {  	[tilespmem:s0+$0x16EE0] =	vst v1  }
0x3c: {  	[tilespmem:s0+$0x196E0] =	vst v1  }
0x3d: {  	[dreg:$0x16] =	wrdreg s2;
	[tilespmem:s0+$0x16EF0] =	vst v1;
	s13 =	simm.s32 $0x16E80  }
0x3e: {  	[spmem:s9] =	stream.linear.scatter [tilespmem:s13], [sflag:$0x8], $0x2800, $0x38;
	[tilespmem:$0x1C280] =	vst v63  }
0x3f: {  	_ =	swait.ge [sflag:s26], $0x2800  }
0x40: {  	[sflag:s26] =	ssyncset.done $0x0  }
0x41: {  	[sflag:s26] =	ssyncadd.s32 $0xFFFFD800  }
0x42: {  	[spmem:s8] =	stream.linear.scatter [tilespmem:s13], [sflag:$0x8], $0x2800, $0x38;
	[tilespmem:$0x1C280] =	vst v63  }
0x43: {  	_ =	swait.ge [sflag:s26], $0x2800  }
0x44: {  	[sflag:s26] =	ssyncset.done $0x0  }
0x45: {  	[sflag:s26] =	ssyncadd.s32 $0xFFFFD800  }
0x46: {  	[spmem:s11] =	stream.linear.scatter [tilespmem:s13], [sflag:$0x8], $0x2800, $0x38;
	[tilespmem:$0x1C280] =	vst v63  }
0x47: {  	_ =	swait.ge [sflag:s26], $0x2800  }
0x48: {  	[sflag:s26] =	ssyncset.done $0x0  }
0x49: {  	[sflag:s26] =	ssyncadd.s32 $0xFFFFD800  }
0x4a: {  	[spmem:s12] =	stream.linear.scatter [tilespmem:s13], [sflag:$0x8], $0x2800, $0x38;
	[tilespmem:$0x1C280] =	vst v63  }
0x4b: {  	_ =	swait.ge [sflag:s26], $0x2800  }
0x4c: {  	[sflag:s26] =	ssyncset.done $0x0  }
0x4d: {  	s0 =	simm.s32 @!p0 $0x19680;
	[sflag:s26] =	ssyncadd.s32 $0xFFFFD800  }
0x4e: {  	[spmem:s25] =	stream.linear.scatter @!p0 [tilespmem:s0], [sflag:$0x8], $0x2800, $0x38;
	[tilespmem:$0x1C280] =	vst v63  }
0x4f: {  	s0 =	simm.s32 @!p0 $0x8  }
0x50: {  	_ =	swait.ge @!p0 [sflag:s0], $0x2800  }
0x51: {  	s1 =	simm.s32 $0x1BE80;
	[sflag:s0] =	ssyncset.done @!p0 $0x0  }
0x52: {  	s11 =	simm.s32 $0x0;
	s14 =	rddreg [dreg:$0x6];
	[sflag:s0] =	ssyncadd.s32 @!p0 $0xFFFFD800  }
0x53: {  	[tilespmem:s1], [sflag:$0x8] =	stream.linear.gather [hbm4b:s14+s11], $0x400, $0x38;
	[tilespmem:$0x1C280] =	vst v63  }
0x54: {  	_ =	swait.ge [sflag:s26], $0x400  }
0x55: {  	[sflag:s26] =	ssyncset.done $0x0  }
0x56: {  	[sflag:s26] =	ssyncadd.s32 $0xFFFFFC00  }
0x57: {  	[bflag:$0x0] =	sbarrier.arrive $0xFFFF  }
0x58: {  	v9 =	vld [tilespmem:$0x1BE80]  }
0x59: {  	v10 =	vld [tilespmem:$0x1BF00]  }
0x5a: {  	s18 =	simm.s32 $0xA280;
	v11 =	vld [tilespmem:$0x1BF80];
	s16 =	rddreg [dreg:$0x7]  }
0x5b: {  	v12 =	vld [tilespmem:$0x1C000];
	[tilespmem:s18], [sflag:$0x8] =	stream.linear.gather [hbm4b:s16+s11], $0x50, $0x38  }
0x5c: {  	_ =	swait.ge [sflag:s26], $0x50  }
0x5d: {  	[sflag:s26] =	ssyncset.done $0x0  }
0x5e: {  	s23 =	rddreg [dreg:$0x8];
	[sflag:s26] =	ssyncadd.s32 $0xFFFFFFB0  }
0x5f: {  	[tilespmem:s30], [sflag:$0x8] =	stream.linear.gather [hbm4b:s23+s11], $0x50, $0x38;
	[tilespmem:$0x1C280] =	vst v63  }
0x60: {  	_ =	swait.ge [sflag:s26], $0x50  }
0x61: {  	[sflag:s26] =	ssyncset.done $0x0  }
0x62: {  	s24 =	simm.s32 $0xA680;
	[sflag:s26] =	ssyncadd.s32 $0xFFFFFFB0  }
0x63: {  	[tilespmem:s24], [sflag:$0x1] =	stream.indirect.gather [hbm4b:s4+s31], $0x80, s18, s31, $0xb8;
	[tilespmem:$0x1C280] =	vst v63  }
0x64: {  	s28 =	simm.s32 $0xCE80;
	s14 =	simm.s32 $0x0  }
0x65: {  	[tilespmem:s28], [sflag:$0x2] =	stream.indirect.gather [hbm4b:s4+s31], $0x80, s30, s31, $0xb8;
	[tilespmem:$0x1C280] =	vst v63  }
.LBB2_4:
0x66: {  	p1 =	seq.s32 s14, $0x0  }
0x67: {  	s1 =	simm.s32 @!p1 $0x6  }
0x68: {  	_ =	swait.ge @!p1 [sflag:s1], $0x2800  }
0x69: {  	[sflag:s1] =	ssyncset.done @!p1 $0x0  }
0x6a: {  	[sflag:s1] =	ssyncadd.s32 @!p1 $0xFFFFD800;
	s1 =	simm.s32 @!p1 $0x7  }
0x6b: {  	s0 =	smul.u32 $0xA0, s14;
	_ =	swait.ge @!p1 [sflag:s1], $0x2800  }
0x6c: {  	s2 =	rddreg [dreg:$0x9]  }
0x6d: {  	s28 =	sadd.s32 s0, s2  }
0x6e: {  	[sflag:s1] =	ssyncset.done @!p1 $0x0;
	s2 =	sshrl.u32 s28, $0x3  }
0x6f: {  	s3 =	simm.s32 $0xA480;
	[sflag:s1] =	ssyncadd.s32 @!p1 $0xFFFFD800;
	s23 =	sadd.s32 s6, s2  }
0x70: {  	[tilespmem:s3], [sflag:$0x8] =	stream.linear.gather [hbm4b:s23+s11], $0x50, $0x38;
	[tilespmem:$0x1C280] =	vst v63  }
0x71: {  	_ =	swait.ge [sflag:s26], $0x50  }
0x72: {  	[sflag:s26] =	ssyncset.done $0x0  }
0x73: {  	s24 =	sadd.s32 s7, s2;
	[sflag:s26] =	ssyncadd.s32 $0xFFFFFFB0  }
0x74: {  	[tilespmem:s10], [sflag:$0x8] =	stream.linear.gather [hbm4b:s24+s11], $0x50, $0x38;
	[tilespmem:$0x1C280] =	vst v63  }
0x75: {  	_ =	swait.ge [sflag:s26], $0x50  }
0x76: {  	s18 =	smov.u32 s25;
	[sflag:s26] =	ssyncset.done $0x0  }
0x77: {  	s25 =	smov.u32 s29;
	s29 =	simm.s32 $0xF680;
	[sflag:s26] =	ssyncadd.s32 $0xFFFFFFB0  }
0x78: {  	[tilespmem:s29], [sflag:$0x3] =	stream.indirect.gather [hbm4b:s4+s31], $0x80, s3, s31, $0xb8;
	[tilespmem:$0x1C280] =	vst v63  }
0x79: {  	s3 =	rddreg [dreg:$0x5]  }
0x7a: {  	s2 =	simm.s32 $0x11E80;
	s1 =	sadd.s32 s3, s0  }
0x7b: {  	[tilespmem:s2], [sflag:$0x4] =	stream.indirect.gather [hbm4b:s4+s31], $0x80, s10, s31, $0xb8;
	[tilespmem:$0x1C280] =	vst v63  }
0x7c: {  	s1 =	sshll.u32 s1, $0x4  }
0x7d: {  	s8 =	simm.s32 $0x14680;
	s1 =	sadd.s32 s5, s1  }
0x7e: {  	[tilespmem:s8], [sflag:$0x5] =	stream.linear.gather [hbm4b:s1+s11], $0x2800, $0x38;
	[tilespmem:$0x1C280] =	vst v63  }
0x7f: {  	_ =	swait.ge [sflag:s17], $0x2800  }
0x80: {  	[sflag:s17] =	ssyncset.done $0x0  }
0x81: {  	[sflag:s17] =	ssyncadd.s32 $0xFFFFD800  }
0x82: {  	_ =	swait.ge [sflag:s21], $0x2800  }
0x83: {  	[sflag:s21] =	ssyncset.done $0x0  }
0x84: {  	[sflag:s21] =	ssyncadd.s32 $0xFFFFD800  }
0x85: {  	_ =	swait.ge [sflag:s22], $0x2800  }
0x86: {  	[sflag:s22] =	ssyncset.done $0x0  }
0x87: {  	[sflag:s22] =	ssyncadd.s32 $0xFFFFD800  }
0x88: {  	v13 =	vld [tilespmem:$0xA300];
	_ =	sdelay $0x1  }
0x89: {  	v14 =	vld [tilespmem:$0xA310];
	_ =	sdelay $0x1  }
0x8a: {  	v15 =	vld [tilespmem:$0xA320]  }
0x8b: {  	v16 =	vshra.s32 v13, $0x1  }
0x8c: {  	v13 =	vshra.s32 v13, $0x7;
	[tilespmem:$0xA380] =	vst v16;
	v16 =	vld [tilespmem:$0xA330]  }
0x8d: {  	[tilespmem:$0xA400] =	vst v13;
	v13 =	vshra.s32 v14, $0x1  }
0x8e: {  	[tilespmem:$0xA390] =	vst v13;
	v13 =	vshra.s32 v14, $0x7;
	v14 =	vld [tilespmem:$0xA340]  }
0x8f: {  	[tilespmem:$0xA410] =	vst v13;
	v13 =	vshra.s32 v15, $0x1  }
0x90: {  	[tilespmem:$0xA3A0] =	vst v13;
	v13 =	vshra.s32 v15, $0x7  }
0x91: {  	[tilespmem:$0xA420] =	vst v13;
	v13 =	vshra.s32 v16, $0x1  }
0x92: {  	[tilespmem:$0xA3B0] =	vst v13;
	v13 =	vshra.s32 v16, $0x7  }
0x93: {  	[tilespmem:$0xA430] =	vst v13;
	v13 =	vshra.s32 v14, $0x1  }
0x94: {  	[tilespmem:$0xA3C0] =	vst v13;
	v13 =	vshra.s32 v14, $0x7  }
0x95: {  	s23 =	simm.s32 $0xCEF0;
	[tilespmem:$0xA440] =	vst v13  }
0x96: {  	s9 =	simm.s32 $0xA6A0;
	v13 =	vld [tilespmem:s23+$0xFFFFFFE0]  }
0x97: {  	v14 =	vld [tilespmem:s9+$0xFFFFFFF0]  }
0x98: {  	v15 =	vld [tilespmem:s23+$0xFFFFFFD0]  }
0x99: {  	s13 =	simm.s32 $0x146A0;
	v16 =	vld [tilespmem:s9+$0xFFFFFFE0]  }
0x9a: {  	v17 =	vld [tilespmem:s13+$0xFFFFFFE0]  }
0x9b: {  	v18 =	vld [tilespmem:s13+$0xFFFFFFF0]  }
0x9c: {  	v19 =	vld [tilespmem:s23+$0xFFFFFFF0]  }
0x9d: {  	v20 =	vld [tilespmem:s9+$0x0]  }
0x9e: {  	v21 =	vld [tilespmem:s23+$0x0]  }
0x9f: {  	v22 =	vld [tilespmem:s13+$0x0];
	v15 =	vadd.f32 v15, v16  }
0xa0: {  	v13 =	vadd.f32 v13, v14;
	v14 =	vld [tilespmem:s9+$0x10]  }
0xa1: {  	v15 =	vadd.f32 v17, v15  }
0xa2: {  	v19 =	vadd.f32 v19, v20;
	v17 =	vld [tilespmem:s13+$0x10]  }
0xa3: {  	v13 =	vadd.f32 v18, v13;
	v61 =	vmul.f32 $2.000000030e-01, v15  }
0xa4: {  	v63 =	vadd.f32 v22, v19;
	vm0 =	vge.f32 v15, $0.0e+00  }
0xa5: {  	v62 =	vmul.f32 $2.000000030e-01, v13;
	v14 =	vadd.f32 v21, v14;
	v15 =	vsel vm0, v15, v61  }
0xa6: {  	vm0 =	vge.f32 v13, $0.0e+00;
	v15 =	vmul.f32 v15, v9  }
0xa7: {  	v19 =	vmul.f32 $2.000000030e-01, v63;
	v13 =	vsel vm0, v13, v62;
	v14 =	vadd.f32 v17, v14  }
0xa8: {  	vm0 =	vge.f32 v63, $0.0e+00;
	v13 =	vmul.f32 v13, v10;
	(xrf2) =	vadd.scan.msk.f32 $0xffff, v15  }
0xa9: {  	v15 =	vsel vm0, v63, v19;
	v17 =	vmul.f32 $2.000000030e-01, v14  }
0xaa: {  	vm0 =	vge.f32 v14, $0.0e+00;
	v15 =	vmul.f32 v15, v11;
	(xrf2) =	vadd.scan.msk.f32 $0xffff, v13  }
0xab: {  	v13 =	vsel vm0, v14, v17  }
0xac: {  	v13 =	vmul.f32 v13, v12;
	(xrf2) =	vadd.scan.msk.f32 $0xffff, v15;
	_ =	sdelay $0x1  }
0xad: {  	(xrf2) =	vadd.scan.msk.f32 $0xffff, v13;
	_ =	sdelay $0x3  }
0xae: {  	v13, _, _ =	vpop (xrf2)  }
0xaf: {  	(v2sf) =	vpush v13, $0xF  }
0xb0: {  	v13, _, _ =	vpop (xrf2)  }
0xb1: {  	(v2sf) =	vpush v13, $0xF  }
0xb2: {  	v13, _, _ =	vpop (xrf2)  }
0xb3: {  	(v2sf) =	vpush v13, $0xF  }
0xb4: {  	v13, _, _ =	vpop (xrf2)  }
0xb5: {  	(v2sf) =	vpush v13, $0xF;
	_ =	sdelay $0x8  }
0xb6: {  	s16 =	spop (v2sf)  }
0xb7: {  	s1 =	sadd.f32 $0.0e+00, s16  }
0xb8: {  	s8 =	spop (v2sf)  }
0xb9: {  	s1 =	sadd.f32 s8, s1  }
0xba: {  	s24 =	spop (v2sf)  }
0xbb: {  	s1 =	sadd.f32 s24, s1  }
0xbc: {  	s29 =	spop (v2sf)  }
0xbd: {  	s1 =	sadd.f32 s29, s1;
	_ =	sdelay $0x1  }
0xbe: {  	v13 =	vmov s1  }
0xbf: {  	v13 =	vmul.f32 $1.442695020e+00, v13;
	_ =	sdelay $0x1  }
0xc0: {  	v13 =	vbroadcast v13, $0x0;
	_ =	sdelay $0x1  }
0xc1: {  	v14 =	vmov s11;
	(erf) = vpow2.f32 v13;
	_ =	sdelay $0x4  }
0xc2: {  	v14 =	vld.idx.msk [tilespmem:v14+s30+$0x0], $0xffff;
	_ =	sdelay $0x3  }
0xc3: {  	v13 =	vpop (erf)  }
0xc4: {  	v15 =	vand.u32 $0x1, v14;
	v16 =	vmul.f32 v13, v16  }
0xc5: {  	vm0 =	veq.s32 v15, $0x0  }
0xc6: {  	s8 =	simm.s32 $0x16EC0;
	v15 =	vnsel vm0, $0x0, v16  }
0xc7: {  	v16 =	vsel vm0, $0x0, v16;
	[tilespmem:s8+$0xFFFFFFC0] =	vst v15  }
0xc8: {  	[tilespmem:s8+$0x0] =	vst v16  }
0xc9: {  	v15 =	vld [tilespmem:s9+$0xFFFFFFF0];
	_ =	sdelay $0x4  }
0xca: {  	v15 =	vmul.f32 v13, v15;
	_ =	sdelay $0x1  }
0xcb: {  	v16 =	vnsel vm0, $0x0, v15  }
0xcc: {  	v15 =	vsel vm0, $0x0, v15;
	[tilespmem:s8+$0xFFFFFFD0] =	vst v16  }
0xcd: {  	[tilespmem:s8+$0x10] =	vst v15  }
0xce: {  	v15 =	vld [tilespmem:s9+$0x0];
	_ =	sdelay $0x4  }
0xcf: {  	v15 =	vmul.f32 v13, v15;
	_ =	sdelay $0x1  }
0xd0: {  	v16 =	vnsel vm0, $0x0, v15  }
0xd1: {  	v15 =	vsel vm0, $0x0, v15;
	[tilespmem:s8+$0xFFFFFFE0] =	vst v16  }
0xd2: {  	[tilespmem:s8+$0x20] =	vst v15  }
0xd3: {  	s12 =	simm.s32 $0x1;
	s2 =	simm.s32 $0x14720;
	s13 =	simm.s32 $0xA720;
	v15 =	vld [tilespmem:s9+$0x10]  }
0xd4: {  	v14 =	vand.u32 $0x7F, v14;
	s24 =	simm.s32 $0x196C0;
	s1 =	simm.s32 $0x196C0;
	s9 =	simm.s32 $0x16EC0  }
.LBB2_5:
0xd5: {  	s23 =	sadd.s32 $0x80, s23;
	s8 =	sadd.s32 $0x80, s8;
	s1 =	sadd.s32 $0x80, s1  }
0xd6: {  	p1 =	sne.s32 s12, $0x4F;
	s16 =	smov.u32 s12;
	s12 =	sadd.s32 $0x1, s12  }
0xd7: {  	_ = 	snop  }
0xd8: {  	v15 =	vmul.f32 v13, v15;
	_ =	sdelay $0x1  }
0xd9: {  	v16 =	vnsel vm0, $0x0, v15;
	v15 =	vsel vm0, $0x0, v15  }
0xda: {  	vm0 =	veq.s32 v14, v0;
	[tilespmem:s9+$0xFFFFFFF0] =	vst v16  }
0xdb: {  	[tilespmem:s9+$0x30] =	vst v15;
	v15 =	vnsel vm0, $0x0, v13;
	vm0 =	veq.s32 v14, v2;
	s9 =	smov.u32 s8  }
0xdc: {  	[tilespmem:s24+$0xFFFFFFC0] =	vst v15;
	v15 =	vnsel vm0, $0x0, v13;
	vm0 =	veq.s32 v14, v3  }
0xdd: {  	[tilespmem:s24+$0xFFFFFFD0] =	vst v15;
	v15 =	vnsel vm0, $0x0, v13;
	vm0 =	veq.s32 v14, v4  }
0xde: {  	[tilespmem:s24+$0xFFFFFFE0] =	vst v15;
	v15 =	vnsel vm0, $0x0, v13;
	vm0 =	veq.s32 v14, v5  }
0xdf: {  	[tilespmem:s24+$0xFFFFFFF0] =	vst v15;
	v15 =	vnsel vm0, $0x0, v13;
	vm0 =	veq.s32 v14, v6  }
0xe0: {  	[tilespmem:s24+$0x0] =	vst v15;
	v15 =	vnsel vm0, $0x0, v13;
	vm0 =	veq.s32 v14, v7  }
0xe1: {  	[tilespmem:s24+$0x10] =	vst v15;
	v15 =	vnsel vm0, $0x0, v13;
	vm0 =	veq.s32 v14, v8  }
0xe2: {  	[tilespmem:s24+$0x20] =	vst v15;
	v13 =	vnsel vm0, $0x0, v13  }
0xe3: {  	[tilespmem:s24+$0x30] =	vst v13;
	s24 =	smov.u32 s1  }
0xe4: {  	v13 =	vld [tilespmem:s23+$0xFFFFFFE0]  }
0xe5: {  	v14 =	vld [tilespmem:s13+$0xFFFFFFF0]  }
0xe6: {  	v15 =	vld [tilespmem:s23+$0xFFFFFFD0]  }
0xe7: {  	v16 =	vld [tilespmem:s13+$0xFFFFFFE0]  }
0xe8: {  	v17 =	vld [tilespmem:s2+$0xFFFFFFE0]  }
0xe9: {  	v18 =	vld [tilespmem:s2+$0xFFFFFFF0];
	_ =	sdelay $0x1  }
0xea: {  	v19 =	vld [tilespmem:s23+$0xFFFFFFF0]  }
0xeb: {  	v13 =	vadd.f32 v13, v14;
	v15 =	vadd.f32 v15, v16;
	v14 =	vld [tilespmem:s13+$0x0]  }
0xec: {  	v20 =	vld [tilespmem:s23+$0x0]  }
0xed: {  	v15 =	vadd.f32 v17, v15;
	v13 =	vadd.f32 v18, v13;
	v17 =	vld [tilespmem:s2+$0x0]  }
0xee: {  	v18 =	vld [tilespmem:s13+$0x10]  }
0xef: {  	v21 =	vmul.f32 $2.000000030e-01, v15;
	v22 =	vmul.f32 $2.000000030e-01, v13  }
0xf0: {  	vm0 =	vge.f32 v15, $0.0e+00;
	vm1 =	vge.f32 v13, $0.0e+00;
	v14 =	vadd.f32 v19, v14;
	v19 =	vld [tilespmem:s2+$0x10]  }
0xf1: {  	v15 =	vsel vm0, v15, v21;
	v13 =	vsel vm1, v13, v22  }
0xf2: {  	v15 =	vmul.f32 v15, v9;
	v13 =	vmul.f32 v13, v10;
	v14 =	vadd.f32 v17, v14  }
0xf3: {  	v17 =	vadd.f32 v20, v18  }
0xf4: {  	v18 =	vmul.f32 $2.000000030e-01, v14;
	(xrf2) =	vadd.scan.msk.f32 $0xffff, v15  }
0xf5: {  	vm0 =	vge.f32 v14, $0.0e+00;
	v15 =	vadd.f32 v19, v17  }
0xf6: {  	v14 =	vsel vm0, v14, v18  }
0xf7: {  	v14 =	vmul.f32 v14, v11;
	vm0 =	vge.f32 v15, $0.0e+00;
	v17 =	vmul.f32 $2.000000030e-01, v15;
	(xrf2) =	vadd.scan.msk.f32 $0xffff, v13;
	_ =	sdelay $0x1  }
0xf8: {  	v13 =	vsel vm0, v15, v17  }
0xf9: {  	v13 =	vmul.f32 v13, v12;
	(xrf2) =	vadd.scan.msk.f32 $0xffff, v14;
	_ =	sdelay $0x2  }
0xfa: {  	(xrf2) =	vadd.scan.msk.f32 $0xffff, v13  }
0xfb: {  	v13, _, _ =	vpop (xrf2);
	_ =	sdelay $0x1  }
0xfc: {  	(v2sf) =	vpush v13, $0xF  }
0xfd: {  	v13, _, _ =	vpop (xrf2);
	_ =	sdelay $0x1  }
0xfe: {  	(v2sf) =	vpush v13, $0xF  }
0xff: {  	v13, _, _ =	vpop (xrf2)  }
0x100: {  	(v2sf) =	vpush v13, $0xF;
	_ =	sdelay $0x1  }
0x101: {  	v13, _, _ =	vpop (xrf2)  }
0x102: {  	(v2sf) =	vpush v13, $0xF;
	_ =	sdelay $0x6  }
0x103: {  	s3 =	spop (v2sf)  }
0x104: {  	s3 =	sadd.f32 $0.0e+00, s3;
	_ =	sdelay $0x1  }
0x105: {  	s29 =	spop (v2sf)  }
0x106: {  	s3 =	sadd.f32 s29, s3  }
0x107: {  	s29 =	spop (v2sf)  }
0x108: {  	s3 =	sadd.f32 s29, s3;
	_ =	sdelay $0x1  }
0x109: {  	s29 =	spop (v2sf)  }
0x10a: {  	s3 =	sadd.f32 s29, s3;
	_ =	sdelay $0x1  }
0x10b: {  	v13 =	vmov s3  }
0x10c: {  	v13 =	vmul.f32 $1.442695020e+00, v13;
	_ =	sdelay $0x1  }
0x10d: {  	v13 =	vbroadcast v13, $0x0  }
0x10e: {  	v14 =	vmov s16  }
0x10f: {  	(erf) = vpow2.f32 v13;
	_ =	sdelay $0x3  }
0x110: {  	v14 =	vld.idx.msk [tilespmem:v14+s30+$0x0], $0xffff;
	_ =	sdelay $0x4  }
0x111: {  	v13 =	vpop (erf)  }
0x112: {  	v15 =	vand.u32 $0x1, v14;
	v14 =	vand.u32 $0x7F, v14;
	v16 =	vmul.f32 v13, v16  }
0x113: {  	vm0 =	veq.s32 v15, $0x0  }
0x114: {  	v15 =	vnsel vm0, $0x0, v16;
	v16 =	vsel vm0, $0x0, v16  }
0x115: {  	[tilespmem:s8+$0xFFFFFFC0] =	vst v15  }
0x116: {  	[tilespmem:s8+$0x0] =	vst v16  }
0x117: {  	v15 =	vld [tilespmem:s13+$0xFFFFFFF0];
	_ =	sdelay $0x4  }
0x118: {  	v15 =	vmul.f32 v13, v15;
	_ =	sdelay $0x1  }
0x119: {  	v16 =	vnsel vm0, $0x0, v15;
	v15 =	vsel vm0, $0x0, v15  }
0x11a: {  	[tilespmem:s8+$0xFFFFFFD0] =	vst v16  }
0x11b: {  	[tilespmem:s8+$0x10] =	vst v15  }
0x11c: {  	v15 =	vld [tilespmem:s13+$0x0];
	_ =	sdelay $0x4  }
0x11d: {  	v15 =	vmul.f32 v13, v15;
	_ =	sdelay $0x1  }
.Ltmp1:
0x11e: {  	v16 =	vnsel vm0, $0x0, v15;
	v15 =	vsel vm0, $0x0, v15;
	(pc) =	sbr.rel @p1 .LBB2_5-.Ltmp1, $4  }
0x11f: {  	[tilespmem:s8+$0xFFFFFFE0] =	vst v16  }
0x120: {  	[tilespmem:s8+$0x20] =	vst v15  }
0x121: {  	v15 =	vld [tilespmem:s13+$0x10]  }
0x122: {  	s2 =	sadd.s32 $0x80, s2;
	s13 =	sadd.s32 $0x80, s13  }
0x123: {  	_ =	sdelay $0x2  }
0x124: {  	v15 =	vmul.f32 v13, v15;
	_ =	sdelay $0x1  }
0x125: {  	v16 =	vnsel vm0, $0x0, v15  }
0x126: {  	v15 =	vsel vm0, $0x0, v15;
	vm0 =	veq.s32 v14, v0;
	[tilespmem:s9+$0xFFFFFFF0] =	vst v16  }
0x127: {  	[tilespmem:s9+$0x30] =	vst v15;
	v15 =	vnsel vm0, $0x0, v13;
	vm0 =	veq.s32 v14, v2  }
0x128: {  	[tilespmem:s24+$0xFFFFFFC0] =	vst v15;
	v15 =	vnsel vm0, $0x0, v13;
	vm0 =	veq.s32 v14, v3  }
0x129: {  	[tilespmem:s24+$0xFFFFFFD0] =	vst v15;
	v15 =	vnsel vm0, $0x0, v13;
	vm0 =	veq.s32 v14, v4  }
0x12a: {  	[tilespmem:s24+$0xFFFFFFE0] =	vst v15;
	v15 =	vnsel vm0, $0x0, v13;
	vm0 =	veq.s32 v14, v5  }
0x12b: {  	[tilespmem:s24+$0xFFFFFFF0] =	vst v15;
	v15 =	vnsel vm0, $0x0, v13;
	vm0 =	veq.s32 v14, v6  }
0x12c: {  	[tilespmem:s24+$0x0] =	vst v15;
	v15 =	vnsel vm0, $0x0, v13;
	vm0 =	veq.s32 v14, v7  }
0x12d: {  	[tilespmem:s24+$0x10] =	vst v15;
	v15 =	vnsel vm0, $0x0, v13;
	vm0 =	veq.s32 v14, v8  }
0x12e: {  	s29 =	smov.u32 s25;
	[tilespmem:s24+$0x20] =	vst v15;
	v13 =	vnsel vm0, $0x0, v13  }
0x12f: {  	s1 =	simm.s32 $0xA380;
	s8 =	simm.s32 $0xA400;
	s12 =	simm.s32 $0x0;
	[tilespmem:s24+$0x30] =	vst v13  }
0x130: {  	[spmem:s25] =	stream.indirect.scatter.add.f32 [tilespmem:s19], [sflag:$0x6], $0x80, s1, s31, $0xb8;
	[tilespmem:$0x1C280] =	vst v63  }
0x131: {  	s9 =	sshll.u32 s28, $0x4;
	s25 =	smov.u32 s18;
	s18 =	simm.s32 $0x19680  }
0x132: {  	[spmem:s25] =	stream.indirect.scatter.add.f32 [tilespmem:s18], [sflag:$0x7], $0x80, s8, s31, $0xb8;
	[tilespmem:$0x1C280] =	vst v63  }
0x133: {  	s3 =	simm.s32 $0x14680;
	s13 =	simm.s32 $0x3;
	s2 =	sadd.s32 s5, s9  }
0x134: {  	[tilespmem:s3], [sflag:$0x5] =	stream.linear.gather [hbm4b:s2+s12], $0x2800, $0x38;
	[tilespmem:$0x1C280] =	vst v63  }
0x135: {  	_ =	swait.ge [sflag:s13], $0x2800  }
0x136: {  	[sflag:s13] =	ssyncset.done $0x0  }
0x137: {  	s16 =	simm.s32 $0x4;
	[sflag:s13] =	ssyncadd.s32 $0xFFFFD800  }
0x138: {  	_ =	swait.ge [sflag:s16], $0x2800  }
0x139: {  	[sflag:s16] =	ssyncset.done $0x0  }
0x13a: {  	[sflag:s16] =	ssyncadd.s32 $0xFFFFD800  }
0x13b: {  	_ =	swait.ge [sflag:s22], $0x2800  }
0x13c: {  	[sflag:s22] =	ssyncset.done $0x0  }
0x13d: {  	[sflag:s22] =	ssyncadd.s32 $0xFFFFD800  }
0x13e: {  	_ =	swait.ge [sflag:s20], $0x2800  }
0x13f: {  	[sflag:s20] =	ssyncset.done $0x0  }
0x140: {  	[sflag:s20] =	ssyncadd.s32 $0xFFFFD800  }
0x141: {  	_ =	swait.ge [sflag:s15], $0x2800  }
0x142: {  	s23 =	rddreg [dreg:$0xa]  }
0x143: {  	s0 =	sadd.s32 s0, s23  }
0x144: {  	[sflag:s15] =	ssyncset.done $0x0;
	s0 =	sshrl.u32 s0, $0x3  }
0x145: {  	s28 =	simm.s32 $0xA280;
	[sflag:s15] =	ssyncadd.s32 $0xFFFFD800;
	s24 =	sadd.s32 s6, s0  }
0x146: {  	[tilespmem:s28], [sflag:$0x8] =	stream.linear.gather [hbm4b:s24+s12], $0x50, $0x38;
	[tilespmem:$0x1C280] =	vst v63  }
0x147: {  	_ =	swait.ge [sflag:s26], $0x50  }
0x148: {  	[sflag:s26] =	ssyncset.done $0x0  }
0x149: {  	s0 =	sadd.s32 s7, s0;
	[sflag:s26] =	ssyncadd.s32 $0xFFFFFFB0  }
0x14a: {  	[tilespmem:s30], [sflag:$0x8] =	stream.linear.gather [hbm4b:s0+s12], $0x50, $0x38;
	[tilespmem:$0x1C280] =	vst v63  }
0x14b: {  	_ =	swait.ge [sflag:s26], $0x50  }
0x14c: {  	[sflag:s26] =	ssyncset.done $0x0  }
0x14d: {  	s2 =	simm.s32 $0xA680;
	[sflag:s26] =	ssyncadd.s32 $0xFFFFFFB0  }
0x14e: {  	[tilespmem:s2], [sflag:$0x1] =	stream.indirect.gather [hbm4b:s4+s31], $0x80, s28, s31, $0xb8;
	[tilespmem:$0x1C280] =	vst v63  }
0x14f: {  	s8 =	simm.s32 $0xCE80  }
0x150: {  	[tilespmem:s8], [sflag:$0x2] =	stream.indirect.gather [hbm4b:s4+s31], $0x80, s30, s31, $0xb8;
	[tilespmem:$0x1C280] =	vst v63  }
0x151: {  	v13 =	vld [tilespmem:$0xA500];
	_ =	sdelay $0x1  }
0x152: {  	v14 =	vld [tilespmem:$0xA510];
	_ =	sdelay $0x1  }
0x153: {  	v15 =	vld [tilespmem:$0xA520]  }
0x154: {  	v16 =	vshra.s32 v13, $0x1  }
0x155: {  	v13 =	vshra.s32 v13, $0x7;
	[tilespmem:$0xA580] =	vst v16;
	v16 =	vld [tilespmem:$0xA530]  }
0x156: {  	[tilespmem:$0xA600] =	vst v13;
	v13 =	vshra.s32 v14, $0x1  }
0x157: {  	[tilespmem:$0xA590] =	vst v13;
	v13 =	vshra.s32 v14, $0x7;
	v14 =	vld [tilespmem:$0xA540]  }
0x158: {  	[tilespmem:$0xA610] =	vst v13;
	v13 =	vshra.s32 v15, $0x1  }
0x159: {  	[tilespmem:$0xA5A0] =	vst v13;
	v13 =	vshra.s32 v15, $0x7  }
0x15a: {  	[tilespmem:$0xA620] =	vst v13;
	v13 =	vshra.s32 v16, $0x1  }
0x15b: {  	[tilespmem:$0xA5B0] =	vst v13;
	v13 =	vshra.s32 v16, $0x7  }
0x15c: {  	[tilespmem:$0xA630] =	vst v13;
	v13 =	vshra.s32 v14, $0x1  }
0x15d: {  	[tilespmem:$0xA5C0] =	vst v13;
	v13 =	vshra.s32 v14, $0x7  }
0x15e: {  	s0 =	simm.s32 $0x11EF0;
	[tilespmem:$0xA640] =	vst v13  }
0x15f: {  	s9 =	simm.s32 $0xF6A0;
	v13 =	vld [tilespmem:s0+$0xFFFFFFE0]  }
0x160: {  	v14 =	vld [tilespmem:s9+$0xFFFFFFF0]  }
0x161: {  	v15 =	vld [tilespmem:s0+$0xFFFFFFD0]  }
0x162: {  	s16 =	simm.s32 $0x146A0;
	v16 =	vld [tilespmem:s9+$0xFFFFFFE0]  }
0x163: {  	v17 =	vld [tilespmem:s16+$0xFFFFFFE0]  }
0x164: {  	v18 =	vld [tilespmem:s16+$0xFFFFFFF0]  }
0x165: {  	v19 =	vld [tilespmem:s0+$0xFFFFFFF0]  }
0x166: {  	v20 =	vld [tilespmem:s9+$0x0]  }
0x167: {  	v21 =	vld [tilespmem:s0+$0x0]  }
0x168: {  	v22 =	vld [tilespmem:s16+$0x0];
	v15 =	vadd.f32 v15, v16  }
0x169: {  	v13 =	vadd.f32 v13, v14;
	v14 =	vld [tilespmem:s9+$0x10]  }
0x16a: {  	v15 =	vadd.f32 v17, v15  }
0x16b: {  	v19 =	vadd.f32 v19, v20;
	v17 =	vld [tilespmem:s16+$0x10]  }
0x16c: {  	v13 =	vadd.f32 v18, v13;
	v61 =	vmul.f32 $2.000000030e-01, v15  }
0x16d: {  	v63 =	vadd.f32 v22, v19;
	vm0 =	vge.f32 v15, $0.0e+00  }
0x16e: {  	v62 =	vmul.f32 $2.000000030e-01, v13;
	v14 =	vadd.f32 v21, v14;
	v15 =	vsel vm0, v15, v61  }
0x16f: {  	vm0 =	vge.f32 v13, $0.0e+00;
	v15 =	vmul.f32 v15, v9  }
0x170: {  	v19 =	vmul.f32 $2.000000030e-01, v63;
	v13 =	vsel vm0, v13, v62;
	v14 =	vadd.f32 v17, v14  }
0x171: {  	vm0 =	vge.f32 v63, $0.0e+00;
	v13 =	vmul.f32 v13, v10;
	(xrf2) =	vadd.scan.msk.f32 $0xffff, v15  }
0x172: {  	v15 =	vsel vm0, v63, v19;
	v17 =	vmul.f32 $2.000000030e-01, v14  }
0x173: {  	vm0 =	vge.f32 v14, $0.0e+00;
	v15 =	vmul.f32 v15, v11;
	(xrf2) =	vadd.scan.msk.f32 $0xffff, v13  }
0x174: {  	v13 =	vsel vm0, v14, v17  }
0x175: {  	v13 =	vmul.f32 v13, v12;
	(xrf2) =	vadd.scan.msk.f32 $0xffff, v15;
	_ =	sdelay $0x1  }
0x176: {  	(xrf2) =	vadd.scan.msk.f32 $0xffff, v13;
	_ =	sdelay $0x3  }
0x177: {  	v13, _, _ =	vpop (xrf2)  }
0x178: {  	(v2sf) =	vpush v13, $0xF  }
0x179: {  	v13, _, _ =	vpop (xrf2)  }
0x17a: {  	(v2sf) =	vpush v13, $0xF  }
0x17b: {  	v13, _, _ =	vpop (xrf2)  }
0x17c: {  	(v2sf) =	vpush v13, $0xF  }
0x17d: {  	v13, _, _ =	vpop (xrf2)  }
0x17e: {  	(v2sf) =	vpush v13, $0xF;
	_ =	sdelay $0x8  }
0x17f: {  	s23 =	spop (v2sf)  }
0x180: {  	s3 =	sadd.f32 $0.0e+00, s23  }
0x181: {  	s8 =	spop (v2sf)  }
0x182: {  	s3 =	sadd.f32 s8, s3  }
0x183: {  	s24 =	spop (v2sf)  }
0x184: {  	s3 =	sadd.f32 s24, s3  }
0x185: {  	s28 =	spop (v2sf)  }
0x186: {  	s3 =	sadd.f32 s28, s3;
	_ =	sdelay $0x1  }
0x187: {  	v13 =	vmov s3  }
0x188: {  	v13 =	vmul.f32 $1.442695020e+00, v13;
	_ =	sdelay $0x1  }
0x189: {  	v13 =	vbroadcast v13, $0x0;
	_ =	sdelay $0x1  }
0x18a: {  	v14 =	vmov s12;
	(erf) = vpow2.f32 v13;
	_ =	sdelay $0x4  }
0x18b: {  	v14 =	vld.idx.msk [tilespmem:v14+s10+$0x0], $0xffff;
	_ =	sdelay $0x3  }
0x18c: {  	v13 =	vpop (erf)  }
0x18d: {  	v15 =	vand.u32 $0x1, v14;
	v16 =	vmul.f32 v13, v16  }
0x18e: {  	vm0 =	veq.s32 v15, $0x0  }
0x18f: {  	s8 =	simm.s32 $0x16EC0;
	v15 =	vnsel vm0, $0x0, v16  }
0x190: {  	v16 =	vsel vm0, $0x0, v16;
	[tilespmem:s8+$0xFFFFFFC0] =	vst v15  }
0x191: {  	[tilespmem:s8+$0x0] =	vst v16  }
0x192: {  	v15 =	vld [tilespmem:s9+$0xFFFFFFF0];
	_ =	sdelay $0x4  }
0x193: {  	v15 =	vmul.f32 v13, v15;
	_ =	sdelay $0x1  }
0x194: {  	v16 =	vnsel vm0, $0x0, v15  }
0x195: {  	v15 =	vsel vm0, $0x0, v15;
	[tilespmem:s8+$0xFFFFFFD0] =	vst v16  }
0x196: {  	[tilespmem:s8+$0x10] =	vst v15  }
0x197: {  	v15 =	vld [tilespmem:s9+$0x0];
	_ =	sdelay $0x4  }
0x198: {  	v15 =	vmul.f32 v13, v15;
	_ =	sdelay $0x1  }
0x199: {  	v16 =	vnsel vm0, $0x0, v15  }
0x19a: {  	v15 =	vsel vm0, $0x0, v15;
	[tilespmem:s8+$0xFFFFFFE0] =	vst v16  }
0x19b: {  	[tilespmem:s8+$0x20] =	vst v15  }
0x19c: {  	s1 =	simm.s32 $0x196C0;
	s13 =	simm.s32 $0xF720;
	s2 =	simm.s32 $0x14720;
	v15 =	vld [tilespmem:s9+$0x10]  }
0x19d: {  	s12 =	simm.s32 $0x1;
	v14 =	vand.u32 $0x7F, v14;
	s23 =	simm.s32 $0x196C0;
	s9 =	simm.s32 $0x16EC0  }
.LBB2_7:
0x19e: {  	s0 =	sadd.s32 $0x80, s0;
	s8 =	sadd.s32 $0x80, s8;
	s1 =	sadd.s32 $0x80, s1  }
0x19f: {  	p1 =	sne.s32 s12, $0x4F;
	s16 =	smov.u32 s12;
	s12 =	sadd.s32 $0x1, s12  }
0x1a0: {  	_ = 	snop  }
0x1a1: {  	v15 =	vmul.f32 v13, v15;
	_ =	sdelay $0x1  }
0x1a2: {  	v16 =	vnsel vm0, $0x0, v15;
	v15 =	vsel vm0, $0x0, v15  }
0x1a3: {  	vm0 =	veq.s32 v14, v0;
	[tilespmem:s9+$0xFFFFFFF0] =	vst v16  }
0x1a4: {  	[tilespmem:s9+$0x30] =	vst v15;
	v15 =	vnsel vm0, $0x0, v13;
	vm0 =	veq.s32 v14, v2;
	s9 =	smov.u32 s8  }
0x1a5: {  	[tilespmem:s23+$0xFFFFFFC0] =	vst v15;
	v15 =	vnsel vm0, $0x0, v13;
	vm0 =	veq.s32 v14, v3  }
0x1a6: {  	[tilespmem:s23+$0xFFFFFFD0] =	vst v15;
	v15 =	vnsel vm0, $0x0, v13;
	vm0 =	veq.s32 v14, v4  }
0x1a7: {  	[tilespmem:s23+$0xFFFFFFE0] =	vst v15;
	v15 =	vnsel vm0, $0x0, v13;
	vm0 =	veq.s32 v14, v5  }
0x1a8: {  	[tilespmem:s23+$0xFFFFFFF0] =	vst v15;
	v15 =	vnsel vm0, $0x0, v13;
	vm0 =	veq.s32 v14, v6  }
0x1a9: {  	[tilespmem:s23+$0x0] =	vst v15;
	v15 =	vnsel vm0, $0x0, v13;
	vm0 =	veq.s32 v14, v7  }
0x1aa: {  	[tilespmem:s23+$0x10] =	vst v15;
	v15 =	vnsel vm0, $0x0, v13;
	vm0 =	veq.s32 v14, v8  }
0x1ab: {  	[tilespmem:s23+$0x20] =	vst v15;
	v13 =	vnsel vm0, $0x0, v13  }
0x1ac: {  	[tilespmem:s23+$0x30] =	vst v13;
	s23 =	smov.u32 s1  }
0x1ad: {  	v13 =	vld [tilespmem:s0+$0xFFFFFFE0]  }
0x1ae: {  	v14 =	vld [tilespmem:s13+$0xFFFFFFF0]  }
0x1af: {  	v15 =	vld [tilespmem:s0+$0xFFFFFFD0]  }
0x1b0: {  	v16 =	vld [tilespmem:s13+$0xFFFFFFE0]  }
0x1b1: {  	v17 =	vld [tilespmem:s2+$0xFFFFFFE0]  }
0x1b2: {  	v18 =	vld [tilespmem:s2+$0xFFFFFFF0];
	_ =	sdelay $0x1  }
0x1b3: {  	v19 =	vld [tilespmem:s0+$0xFFFFFFF0]  }
0x1b4: {  	v13 =	vadd.f32 v13, v14;
	v15 =	vadd.f32 v15, v16;
	v14 =	vld [tilespmem:s13+$0x0]  }
0x1b5: {  	v20 =	vld [tilespmem:s0+$0x0]  }
0x1b6: {  	v15 =	vadd.f32 v17, v15;
	v13 =	vadd.f32 v18, v13;
	v17 =	vld [tilespmem:s2+$0x0]  }
0x1b7: {  	v18 =	vld [tilespmem:s13+$0x10]  }
0x1b8: {  	v21 =	vmul.f32 $2.000000030e-01, v15;
	v22 =	vmul.f32 $2.000000030e-01, v13  }
0x1b9: {  	vm0 =	vge.f32 v15, $0.0e+00;
	vm1 =	vge.f32 v13, $0.0e+00;
	v14 =	vadd.f32 v19, v14;
	v19 =	vld [tilespmem:s2+$0x10]  }
0x1ba: {  	v15 =	vsel vm0, v15, v21;
	v13 =	vsel vm1, v13, v22  }
0x1bb: {  	v15 =	vmul.f32 v15, v9;
	v13 =	vmul.f32 v13, v10;
	v14 =	vadd.f32 v17, v14  }
0x1bc: {  	v17 =	vadd.f32 v20, v18  }
0x1bd: {  	v18 =	vmul.f32 $2.000000030e-01, v14;
	(xrf2) =	vadd.scan.msk.f32 $0xffff, v15  }
0x1be: {  	vm0 =	vge.f32 v14, $0.0e+00;
	v15 =	vadd.f32 v19, v17  }
0x1bf: {  	v14 =	vsel vm0, v14, v18  }
0x1c0: {  	v14 =	vmul.f32 v14, v11;
	vm0 =	vge.f32 v15, $0.0e+00;
	v17 =	vmul.f32 $2.000000030e-01, v15;
	(xrf2) =	vadd.scan.msk.f32 $0xffff, v13;
	_ =	sdelay $0x1  }
0x1c1: {  	v13 =	vsel vm0, v15, v17  }
0x1c2: {  	v13 =	vmul.f32 v13, v12;
	(xrf2) =	vadd.scan.msk.f32 $0xffff, v14;
	_ =	sdelay $0x2  }
0x1c3: {  	(xrf2) =	vadd.scan.msk.f32 $0xffff, v13  }
0x1c4: {  	v13, _, _ =	vpop (xrf2);
	_ =	sdelay $0x1  }
0x1c5: {  	(v2sf) =	vpush v13, $0xF  }
0x1c6: {  	v13, _, _ =	vpop (xrf2);
	_ =	sdelay $0x1  }
0x1c7: {  	(v2sf) =	vpush v13, $0xF  }
0x1c8: {  	v13, _, _ =	vpop (xrf2)  }
0x1c9: {  	(v2sf) =	vpush v13, $0xF;
	_ =	sdelay $0x1  }
0x1ca: {  	v13, _, _ =	vpop (xrf2)  }
0x1cb: {  	(v2sf) =	vpush v13, $0xF;
	_ =	sdelay $0x6  }
0x1cc: {  	s3 =	spop (v2sf)  }
0x1cd: {  	s3 =	sadd.f32 $0.0e+00, s3;
	_ =	sdelay $0x1  }
0x1ce: {  	s24 =	spop (v2sf)  }
0x1cf: {  	s3 =	sadd.f32 s24, s3  }
0x1d0: {  	s24 =	spop (v2sf)  }
0x1d1: {  	s3 =	sadd.f32 s24, s3;
	_ =	sdelay $0x1  }
0x1d2: {  	s24 =	spop (v2sf)  }
0x1d3: {  	s3 =	sadd.f32 s24, s3;
	_ =	sdelay $0x1  }
0x1d4: {  	v13 =	vmov s3  }
0x1d5: {  	v13 =	vmul.f32 $1.442695020e+00, v13;
	_ =	sdelay $0x1  }
0x1d6: {  	v13 =	vbroadcast v13, $0x0  }
0x1d7: {  	v14 =	vmov s16  }
0x1d8: {  	(erf) = vpow2.f32 v13;
	_ =	sdelay $0x3  }
0x1d9: {  	v14 =	vld.idx.msk [tilespmem:v14+s10+$0x0], $0xffff;
	_ =	sdelay $0x4  }
0x1da: {  	v13 =	vpop (erf)  }
0x1db: {  	v15 =	vand.u32 $0x1, v14;
	v14 =	vand.u32 $0x7F, v14;
	v16 =	vmul.f32 v13, v16  }
0x1dc: {  	vm0 =	veq.s32 v15, $0x0  }
0x1dd: {  	v15 =	vnsel vm0, $0x0, v16;
	v16 =	vsel vm0, $0x0, v16  }
0x1de: {  	[tilespmem:s8+$0xFFFFFFC0] =	vst v15  }
0x1df: {  	[tilespmem:s8+$0x0] =	vst v16  }
0x1e0: {  	v15 =	vld [tilespmem:s13+$0xFFFFFFF0];
	_ =	sdelay $0x4  }
0x1e1: {  	v15 =	vmul.f32 v13, v15;
	_ =	sdelay $0x1  }
0x1e2: {  	v16 =	vnsel vm0, $0x0, v15;
	v15 =	vsel vm0, $0x0, v15  }
0x1e3: {  	[tilespmem:s8+$0xFFFFFFD0] =	vst v16  }
0x1e4: {  	[tilespmem:s8+$0x10] =	vst v15  }
0x1e5: {  	v15 =	vld [tilespmem:s13+$0x0];
	_ =	sdelay $0x4  }
0x1e6: {  	v15 =	vmul.f32 v13, v15;
	_ =	sdelay $0x1  }
.Ltmp2:
0x1e7: {  	v16 =	vnsel vm0, $0x0, v15;
	v15 =	vsel vm0, $0x0, v15;
	(pc) =	sbr.rel @p1 .LBB2_7-.Ltmp2, $4  }
0x1e8: {  	[tilespmem:s8+$0xFFFFFFE0] =	vst v16  }
0x1e9: {  	[tilespmem:s8+$0x20] =	vst v15  }
0x1ea: {  	v15 =	vld [tilespmem:s13+$0x10]  }
0x1eb: {  	s2 =	sadd.s32 $0x80, s2;
	s13 =	sadd.s32 $0x80, s13  }
0x1ec: {  	_ =	sdelay $0x2  }
0x1ed: {  	v15 =	vmul.f32 v13, v15;
	_ =	sdelay $0x1  }
0x1ee: {  	v16 =	vnsel vm0, $0x0, v15  }
0x1ef: {  	vm8 =	veq.s32 v14, v0;
	v15 =	vsel vm0, $0x0, v15;
	[tilespmem:s9+$0xFFFFFFF0] =	vst v16  }
0x1f0: {  	vm9 =	veq.s32 v14, v2;
	[tilespmem:s9+$0x30] =	vst v15;
	v15 =	vnsel vm8, $0x0, v13  }
0x1f1: {  	vm10 =	veq.s32 v14, v3;
	[tilespmem:s23+$0xFFFFFFC0] =	vst v15;
	v15 =	vnsel vm9, $0x0, v13  }
0x1f2: {  	vm11 =	veq.s32 v14, v4;
	[tilespmem:s23+$0xFFFFFFD0] =	vst v15;
	v15 =	vnsel vm10, $0x0, v13  }
0x1f3: {  	vm12 =	veq.s32 v14, v5;
	[tilespmem:s23+$0xFFFFFFE0] =	vst v15;
	v15 =	vnsel vm11, $0x0, v13  }
0x1f4: {  	vm13 =	veq.s32 v14, v6;
	[tilespmem:s23+$0xFFFFFFF0] =	vst v15;
	v15 =	vnsel vm12, $0x0, v13  }
0x1f5: {  	vm14 =	veq.s32 v14, v7;
	s14 =	sadd.s32 $0x1, s14;
	[tilespmem:s23+$0x0] =	vst v15;
	v15 =	vnsel vm13, $0x0, v13  }
0x1f6: {  	vm15 =	veq.s32 v14, v8;
	p1 =	sne.s32 s14, $0x3E;
	[tilespmem:s23+$0x10] =	vst v15;
	v15 =	vnsel vm14, $0x0, v13  }
.Ltmp3:
0x1f7: {  	v13 =	vnsel vm15, $0x0, v13;
	[tilespmem:s23+$0x20] =	vst v15;
	(pc) =	sbr.rel @p1 .LBB2_4-.Ltmp3, $4  }
0x1f8: {  	s0 =	simm.s32 $0xA580;
	[tilespmem:s23+$0x30] =	vst v13  }
0x1f9: {  	[spmem:s29] =	stream.indirect.scatter.add.f32 [tilespmem:s19], [sflag:$0x6], $0x80, s0, s31, $0xb8;
	[tilespmem:$0x1C280] =	vst v63  }
0x1fa: {  	s28 =	simm.s32 $0xA600  }
0x1fb: {  	[spmem:s25] =	stream.indirect.scatter.add.f32 [tilespmem:s18], [sflag:$0x7], $0x80, s28, s31, $0xb8;
	[tilespmem:$0x1C280] =	vst v63  }
0x1fc: {  	_ =	swait.ge [sflag:s20], $0x2800  }
0x1fd: {  	[sflag:s20] =	ssyncset.done $0x0  }
0x1fe: {  	[sflag:s20] =	ssyncadd.s32 $0xFFFFD800  }
0x1ff: {  	_ =	swait.ge [sflag:s15], $0x2800  }
0x200: {  	s1 =	simm.s32 $0x0;
	[sflag:s15] =	ssyncset.done $0x0  }
0x201: {  	s2 =	simm.s32 $0x14680;
	s0 =	rddreg [dreg:$0xb];
	[sflag:s15] =	ssyncadd.s32 $0xFFFFD800  }
0x202: {  	[tilespmem:s2], [sflag:$0x5] =	stream.linear.gather [hbm4b:s0+s1], $0x2800, $0x38;
	[tilespmem:$0x1C280] =	vst v63  }
0x203: {  	_ =	swait.ge [sflag:s17], $0x2800  }
0x204: {  	[sflag:s17] =	ssyncset.done $0x0  }
0x205: {  	[sflag:s17] =	ssyncadd.s32 $0xFFFFD800  }
0x206: {  	_ =	swait.ge [sflag:s21], $0x2800  }
0x207: {  	[sflag:s21] =	ssyncset.done $0x0  }
0x208: {  	[sflag:s21] =	ssyncadd.s32 $0xFFFFD800  }
0x209: {  	_ =	swait.ge [sflag:s22], $0x2800  }
0x20a: {  	[sflag:s22] =	ssyncset.done $0x0  }
0x20b: {  	[sflag:s22] =	ssyncadd.s32 $0xFFFFD800  }
0x20c: {  	v13 =	vld [tilespmem:$0xA300];
	_ =	sdelay $0x1  }
0x20d: {  	v14 =	vld [tilespmem:$0xA310];
	_ =	sdelay $0x1  }
0x20e: {  	v15 =	vld [tilespmem:$0xA320]  }
0x20f: {  	v16 =	vshra.s32 v13, $0x1  }
0x210: {  	v13 =	vshra.s32 v13, $0x7;
	[tilespmem:$0xA380] =	vst v16;
	v16 =	vld [tilespmem:$0xA330]  }
0x211: {  	[tilespmem:$0xA400] =	vst v13;
	v13 =	vshra.s32 v14, $0x1  }
0x212: {  	[tilespmem:$0xA390] =	vst v13;
	v13 =	vshra.s32 v14, $0x7;
	v14 =	vld [tilespmem:$0xA340]  }
0x213: {  	[tilespmem:$0xA410] =	vst v13;
	v13 =	vshra.s32 v15, $0x1  }
0x214: {  	[tilespmem:$0xA3A0] =	vst v13;
	v13 =	vshra.s32 v15, $0x7  }
0x215: {  	[tilespmem:$0xA420] =	vst v13;
	v13 =	vshra.s32 v16, $0x1  }
0x216: {  	[tilespmem:$0xA3B0] =	vst v13;
	v13 =	vshra.s32 v16, $0x7  }
0x217: {  	[tilespmem:$0xA430] =	vst v13;
	v13 =	vshra.s32 v14, $0x1  }
0x218: {  	[tilespmem:$0xA3C0] =	vst v13;
	v13 =	vshra.s32 v14, $0x7  }
0x219: {  	s0 =	simm.s32 $0xCEF0;
	[tilespmem:$0xA440] =	vst v13  }
0x21a: {  	s16 =	simm.s32 $0xA6A0;
	v13 =	vld [tilespmem:s0+$0xFFFFFFE0]  }
0x21b: {  	v14 =	vld [tilespmem:s16+$0xFFFFFFF0]  }
0x21c: {  	v15 =	vld [tilespmem:s0+$0xFFFFFFD0]  }
0x21d: {  	s3 =	simm.s32 $0x146A0;
	v16 =	vld [tilespmem:s16+$0xFFFFFFE0]  }
0x21e: {  	v17 =	vld [tilespmem:s3+$0xFFFFFFE0]  }
0x21f: {  	v18 =	vld [tilespmem:s3+$0xFFFFFFF0]  }
0x220: {  	v19 =	vld [tilespmem:s0+$0xFFFFFFF0]  }
0x221: {  	v20 =	vld [tilespmem:s16+$0x0]  }
0x222: {  	v21 =	vld [tilespmem:s0+$0x0]  }
0x223: {  	v22 =	vld [tilespmem:s3+$0x0];
	v15 =	vadd.f32 v15, v16  }
0x224: {  	v13 =	vadd.f32 v13, v14;
	v14 =	vld [tilespmem:s16+$0x10]  }
0x225: {  	v15 =	vadd.f32 v17, v15  }
0x226: {  	v19 =	vadd.f32 v19, v20;
	v17 =	vld [tilespmem:s3+$0x10]  }
0x227: {  	v13 =	vadd.f32 v18, v13;
	v61 =	vmul.f32 $2.000000030e-01, v15  }
0x228: {  	v63 =	vadd.f32 v22, v19;
	vm0 =	vge.f32 v15, $0.0e+00  }
0x229: {  	v62 =	vmul.f32 $2.000000030e-01, v13;
	v14 =	vadd.f32 v21, v14;
	v15 =	vsel vm0, v15, v61  }
0x22a: {  	vm0 =	vge.f32 v13, $0.0e+00;
	v15 =	vmul.f32 v15, v9  }
0x22b: {  	v19 =	vmul.f32 $2.000000030e-01, v63;
	v13 =	vsel vm0, v13, v62;
	v14 =	vadd.f32 v17, v14  }
0x22c: {  	vm0 =	vge.f32 v63, $0.0e+00;
	v13 =	vmul.f32 v13, v10;
	(xrf2) =	vadd.scan.msk.f32 $0xffff, v15  }
0x22d: {  	v15 =	vsel vm0, v63, v19;
	v17 =	vmul.f32 $2.000000030e-01, v14  }
0x22e: {  	vm0 =	vge.f32 v14, $0.0e+00;
	v15 =	vmul.f32 v15, v11;
	(xrf2) =	vadd.scan.msk.f32 $0xffff, v13  }
0x22f: {  	v13 =	vsel vm0, v14, v17  }
0x230: {  	v13 =	vmul.f32 v13, v12;
	(xrf2) =	vadd.scan.msk.f32 $0xffff, v15;
	_ =	sdelay $0x1  }
0x231: {  	(xrf2) =	vadd.scan.msk.f32 $0xffff, v13;
	_ =	sdelay $0x3  }
0x232: {  	v13, _, _ =	vpop (xrf2)  }
0x233: {  	(v2sf) =	vpush v13, $0xF  }
0x234: {  	v13, _, _ =	vpop (xrf2)  }
0x235: {  	(v2sf) =	vpush v13, $0xF  }
0x236: {  	v13, _, _ =	vpop (xrf2)  }
0x237: {  	(v2sf) =	vpush v13, $0xF  }
0x238: {  	v13, _, _ =	vpop (xrf2)  }
0x239: {  	(v2sf) =	vpush v13, $0xF;
	_ =	sdelay $0x8  }
0x23a: {  	s23 =	spop (v2sf)  }
0x23b: {  	s3 =	sadd.f32 $0.0e+00, s23  }
0x23c: {  	s8 =	spop (v2sf)  }
0x23d: {  	s3 =	sadd.f32 s8, s3  }
0x23e: {  	s24 =	spop (v2sf)  }
0x23f: {  	s3 =	sadd.f32 s24, s3  }
0x240: {  	s28 =	spop (v2sf)  }
0x241: {  	s3 =	sadd.f32 s28, s3;
	_ =	sdelay $0x1  }
0x242: {  	v13 =	vmov s3  }
0x243: {  	v13 =	vmul.f32 $1.442695020e+00, v13;
	_ =	sdelay $0x1  }
0x244: {  	v13 =	vbroadcast v13, $0x0;
	_ =	sdelay $0x1  }
0x245: {  	v14 =	vmov s1;
	(erf) = vpow2.f32 v13;
	_ =	sdelay $0x4  }
0x246: {  	v14 =	vld.idx.msk [tilespmem:v14+s30+$0x0], $0xffff;
	_ =	sdelay $0x3  }
0x247: {  	v13 =	vpop (erf)  }
0x248: {  	v15 =	vand.u32 $0x1, v14;
	v16 =	vmul.f32 v13, v16  }
0x249: {  	vm0 =	veq.s32 v15, $0x0  }
0x24a: {  	s8 =	simm.s32 $0x16EC0;
	v15 =	vnsel vm0, $0x0, v16  }
0x24b: {  	v16 =	vsel vm0, $0x0, v16;
	[tilespmem:s8+$0xFFFFFFC0] =	vst v15  }
0x24c: {  	[tilespmem:s8+$0x0] =	vst v16  }
0x24d: {  	v15 =	vld [tilespmem:s16+$0xFFFFFFF0];
	_ =	sdelay $0x4  }
0x24e: {  	v15 =	vmul.f32 v13, v15;
	_ =	sdelay $0x1  }
0x24f: {  	v16 =	vnsel vm0, $0x0, v15  }
0x250: {  	v15 =	vsel vm0, $0x0, v15;
	[tilespmem:s8+$0xFFFFFFD0] =	vst v16  }
0x251: {  	[tilespmem:s8+$0x10] =	vst v15  }
0x252: {  	v15 =	vld [tilespmem:s16+$0x0];
	_ =	sdelay $0x4  }
0x253: {  	v15 =	vmul.f32 v13, v15;
	_ =	sdelay $0x1  }
0x254: {  	v16 =	vnsel vm0, $0x0, v15  }
0x255: {  	v15 =	vsel vm0, $0x0, v15;
	[tilespmem:s8+$0xFFFFFFE0] =	vst v16  }
0x256: {  	[tilespmem:s8+$0x20] =	vst v15  }
0x257: {  	s12 =	simm.s32 $0x1;
	s13 =	simm.s32 $0xA720;
	s9 =	simm.s32 $0x16EC0;
	v15 =	vld [tilespmem:s16+$0x10]  }
0x258: {  	s11 =	simm.s32 $0x196C0;
	s2 =	simm.s32 $0x14720;
	s1 =	simm.s32 $0x196C0;
	v14 =	vand.u32 $0x7F, v14  }
.LBB2_10:
0x259: {  	s0 =	sadd.s32 $0x80, s0;
	s8 =	sadd.s32 $0x80, s8;
	s1 =	sadd.s32 $0x80, s1  }
0x25a: {  	p1 =	sne.s32 s12, $0x4F;
	s14 =	smov.u32 s12;
	s12 =	sadd.s32 $0x1, s12  }
0x25b: {  	_ = 	snop  }
0x25c: {  	v15 =	vmul.f32 v13, v15;
	_ =	sdelay $0x1  }
0x25d: {  	v16 =	vnsel vm0, $0x0, v15;
	v15 =	vsel vm0, $0x0, v15  }
0x25e: {  	vm0 =	veq.s32 v14, v0;
	[tilespmem:s9+$0xFFFFFFF0] =	vst v16  }
0x25f: {  	[tilespmem:s9+$0x30] =	vst v15;
	v15 =	vnsel vm0, $0x0, v13;
	vm0 =	veq.s32 v14, v2;
	s9 =	smov.u32 s8  }
0x260: {  	[tilespmem:s11+$0xFFFFFFC0] =	vst v15;
	v15 =	vnsel vm0, $0x0, v13;
	vm0 =	veq.s32 v14, v3  }
0x261: {  	[tilespmem:s11+$0xFFFFFFD0] =	vst v15;
	v15 =	vnsel vm0, $0x0, v13;
	vm0 =	veq.s32 v14, v4  }
0x262: {  	[tilespmem:s11+$0xFFFFFFE0] =	vst v15;
	v15 =	vnsel vm0, $0x0, v13;
	vm0 =	veq.s32 v14, v5  }
0x263: {  	[tilespmem:s11+$0xFFFFFFF0] =	vst v15;
	v15 =	vnsel vm0, $0x0, v13;
	vm0 =	veq.s32 v14, v6  }
0x264: {  	[tilespmem:s11+$0x0] =	vst v15;
	v15 =	vnsel vm0, $0x0, v13;
	vm0 =	veq.s32 v14, v7  }
0x265: {  	[tilespmem:s11+$0x10] =	vst v15;
	v15 =	vnsel vm0, $0x0, v13;
	vm0 =	veq.s32 v14, v8  }
0x266: {  	[tilespmem:s11+$0x20] =	vst v15;
	v13 =	vnsel vm0, $0x0, v13  }
0x267: {  	[tilespmem:s11+$0x30] =	vst v13;
	s11 =	smov.u32 s1  }
0x268: {  	v13 =	vld [tilespmem:s0+$0xFFFFFFE0]  }
0x269: {  	v14 =	vld [tilespmem:s13+$0xFFFFFFF0]  }
0x26a: {  	v15 =	vld [tilespmem:s0+$0xFFFFFFD0]  }
0x26b: {  	v16 =	vld [tilespmem:s13+$0xFFFFFFE0]  }
0x26c: {  	v17 =	vld [tilespmem:s2+$0xFFFFFFE0]  }
0x26d: {  	v18 =	vld [tilespmem:s2+$0xFFFFFFF0];
	_ =	sdelay $0x1  }
0x26e: {  	v19 =	vld [tilespmem:s0+$0xFFFFFFF0]  }
0x26f: {  	v13 =	vadd.f32 v13, v14;
	v15 =	vadd.f32 v15, v16;
	v14 =	vld [tilespmem:s13+$0x0]  }
0x270: {  	v20 =	vld [tilespmem:s0+$0x0]  }
0x271: {  	v15 =	vadd.f32 v17, v15;
	v13 =	vadd.f32 v18, v13;
	v17 =	vld [tilespmem:s2+$0x0]  }
0x272: {  	v18 =	vld [tilespmem:s13+$0x10]  }
0x273: {  	v21 =	vmul.f32 $2.000000030e-01, v15;
	v22 =	vmul.f32 $2.000000030e-01, v13  }
0x274: {  	vm0 =	vge.f32 v15, $0.0e+00;
	vm1 =	vge.f32 v13, $0.0e+00;
	v14 =	vadd.f32 v19, v14;
	v19 =	vld [tilespmem:s2+$0x10]  }
0x275: {  	v15 =	vsel vm0, v15, v21;
	v13 =	vsel vm1, v13, v22  }
0x276: {  	v15 =	vmul.f32 v15, v9;
	v13 =	vmul.f32 v13, v10;
	v14 =	vadd.f32 v17, v14  }
0x277: {  	v17 =	vadd.f32 v20, v18  }
0x278: {  	v18 =	vmul.f32 $2.000000030e-01, v14;
	(xrf2) =	vadd.scan.msk.f32 $0xffff, v15  }
0x279: {  	vm0 =	vge.f32 v14, $0.0e+00;
	v15 =	vadd.f32 v19, v17  }
0x27a: {  	v14 =	vsel vm0, v14, v18  }
0x27b: {  	v14 =	vmul.f32 v14, v11;
	vm0 =	vge.f32 v15, $0.0e+00;
	v17 =	vmul.f32 $2.000000030e-01, v15;
	(xrf2) =	vadd.scan.msk.f32 $0xffff, v13;
	_ =	sdelay $0x1  }
0x27c: {  	v13 =	vsel vm0, v15, v17  }
0x27d: {  	v13 =	vmul.f32 v13, v12;
	(xrf2) =	vadd.scan.msk.f32 $0xffff, v14;
	_ =	sdelay $0x2  }
0x27e: {  	(xrf2) =	vadd.scan.msk.f32 $0xffff, v13  }
0x27f: {  	v13, _, _ =	vpop (xrf2);
	_ =	sdelay $0x1  }
0x280: {  	(v2sf) =	vpush v13, $0xF  }
0x281: {  	v13, _, _ =	vpop (xrf2);
	_ =	sdelay $0x1  }
0x282: {  	(v2sf) =	vpush v13, $0xF  }
0x283: {  	v13, _, _ =	vpop (xrf2)  }
0x284: {  	(v2sf) =	vpush v13, $0xF;
	_ =	sdelay $0x1  }
0x285: {  	v13, _, _ =	vpop (xrf2)  }
0x286: {  	(v2sf) =	vpush v13, $0xF;
	_ =	sdelay $0x6  }
0x287: {  	s3 =	spop (v2sf)  }
0x288: {  	s3 =	sadd.f32 $0.0e+00, s3;
	_ =	sdelay $0x1  }
0x289: {  	s16 =	spop (v2sf)  }
0x28a: {  	s3 =	sadd.f32 s16, s3  }
0x28b: {  	s16 =	spop (v2sf)  }
0x28c: {  	s3 =	sadd.f32 s16, s3;
	_ =	sdelay $0x1  }
0x28d: {  	s16 =	spop (v2sf)  }
0x28e: {  	s3 =	sadd.f32 s16, s3;
	_ =	sdelay $0x1  }
0x28f: {  	v13 =	vmov s3  }
0x290: {  	v13 =	vmul.f32 $1.442695020e+00, v13;
	_ =	sdelay $0x1  }
0x291: {  	v13 =	vbroadcast v13, $0x0  }
0x292: {  	v14 =	vmov s14  }
0x293: {  	(erf) = vpow2.f32 v13;
	_ =	sdelay $0x3  }
0x294: {  	v14 =	vld.idx.msk [tilespmem:v14+s30+$0x0], $0xffff;
	_ =	sdelay $0x4  }
0x295: {  	v13 =	vpop (erf)  }
0x296: {  	v15 =	vand.u32 $0x1, v14;
	v14 =	vand.u32 $0x7F, v14;
	v16 =	vmul.f32 v13, v16  }
0x297: {  	vm0 =	veq.s32 v15, $0x0  }
0x298: {  	v15 =	vnsel vm0, $0x0, v16;
	v16 =	vsel vm0, $0x0, v16  }
0x299: {  	[tilespmem:s8+$0xFFFFFFC0] =	vst v15  }
0x29a: {  	[tilespmem:s8+$0x0] =	vst v16  }
0x29b: {  	v15 =	vld [tilespmem:s13+$0xFFFFFFF0];
	_ =	sdelay $0x4  }
0x29c: {  	v15 =	vmul.f32 v13, v15;
	_ =	sdelay $0x1  }
0x29d: {  	v16 =	vnsel vm0, $0x0, v15;
	v15 =	vsel vm0, $0x0, v15  }
0x29e: {  	[tilespmem:s8+$0xFFFFFFD0] =	vst v16  }
0x29f: {  	[tilespmem:s8+$0x10] =	vst v15  }
0x2a0: {  	v15 =	vld [tilespmem:s13+$0x0];
	_ =	sdelay $0x4  }
0x2a1: {  	v15 =	vmul.f32 v13, v15;
	_ =	sdelay $0x1  }
.Ltmp4:
0x2a2: {  	v16 =	vnsel vm0, $0x0, v15;
	v15 =	vsel vm0, $0x0, v15;
	(pc) =	sbr.rel @p1 .LBB2_10-.Ltmp4, $4  }
0x2a3: {  	[tilespmem:s8+$0xFFFFFFE0] =	vst v16  }
0x2a4: {  	[tilespmem:s8+$0x20] =	vst v15  }
0x2a5: {  	v15 =	vld [tilespmem:s13+$0x10]  }
0x2a6: {  	s2 =	sadd.s32 $0x80, s2;
	s13 =	sadd.s32 $0x80, s13  }
0x2a7: {  	_ =	sdelay $0x2  }
0x2a8: {  	v9 =	vmul.f32 v13, v15;
	_ =	sdelay $0x1  }
0x2a9: {  	v10 =	vnsel vm0, $0x0, v9  }
0x2aa: {  	vm8 =	veq.s32 v14, v0;
	v9 =	vsel vm0, $0x0, v9;
	[tilespmem:s9+$0xFFFFFFF0] =	vst v10  }
0x2ab: {  	vm9 =	veq.s32 v14, v2;
	[tilespmem:s9+$0x30] =	vst v9;
	v9 =	vnsel vm8, $0x0, v13  }
0x2ac: {  	vm10 =	veq.s32 v14, v3;
	[tilespmem:s11+$0xFFFFFFC0] =	vst v9;
	v9 =	vnsel vm9, $0x0, v13  }
0x2ad: {  	vm11 =	veq.s32 v14, v4;
	[tilespmem:s11+$0xFFFFFFD0] =	vst v9;
	v9 =	vnsel vm10, $0x0, v13  }
0x2ae: {  	vm12 =	veq.s32 v14, v5;
	[tilespmem:s11+$0xFFFFFFE0] =	vst v9;
	v9 =	vnsel vm11, $0x0, v13  }
0x2af: {  	vm13 =	veq.s32 v14, v6;
	[tilespmem:s11+$0xFFFFFFF0] =	vst v9;
	v9 =	vnsel vm12, $0x0, v13  }
0x2b0: {  	vm14 =	veq.s32 v14, v7;
	[tilespmem:s11+$0x0] =	vst v9;
	v9 =	vnsel vm13, $0x0, v13  }
0x2b1: {  	vm15 =	veq.s32 v14, v8;
	[tilespmem:s11+$0x10] =	vst v9;
	v9 =	vnsel vm14, $0x0, v13  }
0x2b2: {  	[tilespmem:s11+$0x20] =	vst v9;
	v9 =	vnsel vm15, $0x0, v13  }
0x2b3: {  	s2 =	simm.s32 $0x16E80;
	s0 =	simm.s32 $0xA380;
	[tilespmem:s11+$0x30] =	vst v9  }
0x2b4: {  	[spmem:s29] =	stream.indirect.scatter.add.f32 [tilespmem:s2], [sflag:$0x8], $0x80, s0, s31, $0xb8;
	[tilespmem:$0x1C280] =	vst v63  }
0x2b5: {  	_ =	swait.ge [sflag:s26], $0x2800  }
0x2b6: {  	[sflag:s26] =	ssyncset.done $0x0  }
0x2b7: {  	s13 =	simm.s32 $0xA400;
	[sflag:s26] =	ssyncadd.s32 $0xFFFFD800  }
0x2b8: {  	[spmem:s25] =	stream.indirect.scatter.add.f32 [tilespmem:s18], [sflag:$0x8], $0x80, s13, s31, $0xb8;
	[tilespmem:$0x1C280] =	vst v63  }
0x2b9: {  	_ =	swait.ge [sflag:s26], $0x2800  }
0x2ba: {  	[sflag:s26] =	ssyncset.done $0x0  }
0x2bb: {  	[sflag:s26] =	ssyncadd.s32 $0xFFFFD800  }
0x2bc: {  	[bflag:$0x0] =	sbarrier.arrive $0xFFFF  }
0x2bd: {  	s9 =	rddreg [dreg:$0xc]  }
0x2be: {  	[tilespmem:s2], [sflag:$0x8] =	stream.linear.gather [spmem:s9], $0x2800, $0x38;
	[tilespmem:$0x1C280] =	vst v63  }
0x2bf: {  	_ =	swait.ge [sflag:s26], $0x2800  }
0x2c0: {  	[sflag:s26] =	ssyncset.done $0x0  }
0x2c1: {  	s14 =	simm.s32 $0x0;
	s1 =	rddreg [dreg:$0x12];
	[sflag:s26] =	ssyncadd.s32 $0xFFFFD800  }
0x2c2: {  	[hbm4b:s1+s14] =	stream.linear.scatter [tilespmem:s2], [sflag:$0x8], $0x2800, $0x38;
	[tilespmem:$0x1C280] =	vst v63  }
0x2c3: {  	_ =	swait.ge [sflag:s26], $0x2800  }
0x2c4: {  	[sflag:s26] =	ssyncset.done $0x0  }
0x2c5: {  	s8 =	rddreg [dreg:$0xf];
	[sflag:s26] =	ssyncadd.s32 $0xFFFFD800  }
0x2c6: {  	[tilespmem:s2], [sflag:$0x8] =	stream.linear.gather [spmem:s8], $0x2800, $0x38;
	[tilespmem:$0x1C280] =	vst v63  }
0x2c7: {  	_ =	swait.ge [sflag:s26], $0x2800  }
0x2c8: {  	[sflag:s26] =	ssyncset.done $0x0  }
0x2c9: {  	s16 =	rddreg [dreg:$0x13];
	[sflag:s26] =	ssyncadd.s32 $0xFFFFD800  }
0x2ca: {  	[hbm4b:s16+s14] =	stream.linear.scatter [tilespmem:s2], [sflag:$0x8], $0x2800, $0x38;
	[tilespmem:$0x1C280] =	vst v63  }
0x2cb: {  	_ =	swait.ge [sflag:s26], $0x2800  }
0x2cc: {  	[sflag:s26] =	ssyncset.done $0x0  }
0x2cd: {  	s11 =	rddreg [dreg:$0x10];
	[sflag:s26] =	ssyncadd.s32 $0xFFFFD800  }
0x2ce: {  	[tilespmem:s2], [sflag:$0x8] =	stream.linear.gather [spmem:s11], $0x2800, $0x38;
	[tilespmem:$0x1C280] =	vst v63  }
0x2cf: {  	_ =	swait.ge [sflag:s26], $0x2800  }
0x2d0: {  	[sflag:s26] =	ssyncset.done $0x0  }
0x2d1: {  	s18 =	rddreg [dreg:$0x14];
	[sflag:s26] =	ssyncadd.s32 $0xFFFFD800  }
0x2d2: {  	[hbm4b:s18+s14] =	stream.linear.scatter [tilespmem:s2], [sflag:$0x8], $0x2800, $0x38;
	[tilespmem:$0x1C280] =	vst v63  }
0x2d3: {  	_ =	swait.ge [sflag:s26], $0x2800  }
0x2d4: {  	[sflag:s26] =	ssyncset.done $0x0  }
0x2d5: {  	s12 =	rddreg [dreg:$0x11];
	[sflag:s26] =	ssyncadd.s32 $0xFFFFD800  }
0x2d6: {  	[tilespmem:s2], [sflag:$0x8] =	stream.linear.gather [spmem:s12], $0x2800, $0x38;
	[tilespmem:$0x1C280] =	vst v63  }
0x2d7: {  	_ =	swait.ge [sflag:s26], $0x2800  }
0x2d8: {  	[sflag:s26] =	ssyncset.done $0x0  }
0x2d9: {  	s23 =	rddreg [dreg:$0x15];
	[sflag:s26] =	ssyncadd.s32 $0xFFFFD800  }
0x2da: {  	[hbm4b:s23+s14] =	stream.linear.scatter [tilespmem:s2], [sflag:$0x8], $0x2800, $0x38;
	[tilespmem:$0x1C280] =	vst v63  }
0x2db: {  	_ =	swait.ge [sflag:s26], $0x2800  }
0x2dc: {  	[sflag:s26] =	ssyncset.done $0x0  }
0x2dd: {  	s0 =	simm.s32 @!p0 $0x19680;
	s1 =	simm.s32 @!p0 $0x8;
	[sflag:s26] =	ssyncadd.s32 $0xFFFFD800  }
0x2de: {  	[tilespmem:s0], [sflag:$0x8] =	stream.linear.gather @!p0 [spmem:s25], $0x2800, $0x38;
	[tilespmem:$0x1C280] =	vst v63  }
0x2df: {  	_ =	swait.ge @!p0 [sflag:s1], $0x2800  }
0x2e0: {  	[sflag:s1] =	ssyncset.done @!p0 $0x0  }
0x2e1: {  	s2 =	simm.s32 @!p0 $0x0;
	s3 =	rddreg [dreg:$0xd];
	[sflag:s1] =	ssyncadd.s32 @!p0 $0xFFFFD800  }
0x2e2: {  	[hbm4b:s3+s2] =	stream.linear.scatter @!p0 [tilespmem:s0], [sflag:$0x8], $0x2800, $0x38;
	[tilespmem:$0x1C280] =	vst v63  }
0x2e3: {  	_ =	swait.ge @!p0 [sflag:s1], $0x2800  }
0x2e4: {  	s24 =	rddreg [dreg:$0x16]  }
0x2e5: {  	s28 =	rddreg [dreg:$0xe];
	s2 =	sadd.s32 $0x1, s24  }
0x2e6: {  	p1 =	sne.s32 s2, s28  }
.Ltmp5:
0x2e7: {  	_ = 	snop;
	(pc) =	sbr.rel @p1 .LBB2_1-.Ltmp5, $3  }
0x2e8: {  	_ =	sdelay $0x1  }
0x2e9: {  	[sflag:s1] =	ssyncset.done @!p0 $0x0  }
0x2ea: {  	[sflag:s1] =	ssyncadd.s32 @!p0 $0xFFFFD800  }
0x2eb: {  	_ =	sfence.sel $0x180000  }
0x2ec: {  	[bflag:$0x0] =	sbarrier.arrive $0xFFFF  }
0x2ed: {  	_ =	strace $0x9000004A  }
0x2ee: {  	[bflag:$0x2] =	sbarrier.arrive $0xFFFF  }
0x2ef: {  	s0 =	rddreg [dreg:$0x4]  }
0x2f0: {  	s0 =	sadd.s32 @!p0 $0x100000, s0  }
0x2f1: {  	[sflag:s0] =	ssyncadd.tile.s32 @!p0 $0x1;
	_ =	shalt  }
.Lfunc_end2:
_tile_overlayer_lowered:
.L_overlay_start_2:
0x2f2: {  	(tag) =	ssettag $0x2  }
0x2f3: {  	s0 =	rddreg [dreg:$0x0];
	s2 =	stileid.u32  }
0x2f4: {  	s1 =	rddreg [dreg:$0x1];
	p0 =	sne.s32 s2, $0x0  }
0x2f5: {  	s3 =	rddreg [dreg:$0x2];
	[bflag:$0x3] =	sbarrier.arrive $0xFFFF;
	s2 =	simm.s32 @!p0 $0x1C08  }
0x2f6: {  	[timem:s3], [sflag:s2] =	dma.local @!p0 [hbm:s0], s1  }
0x2f7: {  	s0 =	simm.s32 @!p0 $0x8  }
0x2f8: {  	_ =	swait.ge @!p0 [sflag:s0], s1  }
0x2f9: {  	s1 =	ssub.s32 @!p0 $0x0, s1;
	[sflag:s0] =	ssyncset.done @!p0 $0x0  }
0x2fa: {  	[sflag:s0] =	ssyncadd.s32 @!p0 s1  }
0x2fb: {  	[bflag:$0x3] =	sbarrier.arrive $0xFFFF  }
0x2fc: {  	_ =	shalt  }

// kernel: kernel.8.cloned.1.call-start
scs
__scs_entry_jumppad:
0x0: {  	(pc) =	sbr.rel $0x88, $3  }
0x1: {  	(tag) =	ssettag $0x0;
	lr =	simm.s32 $0x1  }
0x2: {  	[smem:$0x3F8E] =	sst lr;
	_ =	strace $0xD0000000  }
0x3: {  	_ = 	snop  }
0x4: {  	_ = 	snop  }
0x5: {  	_ = 	snop  }
0x6: {  	_ = 	snop  }
0x7: {  	_ = 	snop  }
__scs_overlays_trampoline_lowered:
0x8: {  	[smem:$0x3F9D] =	sst s0  }
0x9: {  	[smem:$0x3F9E] =	sst s1  }
0xa: {  	[smem:$0x3F9F] =	sst s2  }
0xb: {  	[smem:$0x3FA0] =	sst s3  }
0xc: {  	[smem:$0x3FA1] =	sst s4  }
0xd: {  	[smem:$0x3FA2] =	sst s5  }
0xe: {  	[smem:$0x3FA3] =	sst s6  }
0xf: {  	[smem:$0x3FA4] =	sst s7  }
0x10: {  	[smem:$0x3FA5] =	sst s8  }
0x11: {  	[smem:$0x3FA6] =	sst s9;
	s0 =	simm.s32 @!p0 $0x0  }
0x12: {  	s1 =	sld [smem:$0x3F8C];
	s0 =	simm.s32 @p0 $0x1  }
0x13: {  	[smem:$0x3FA7] =	sst s0;
	s0 =	simm.s32 @!p1 $0x0  }
0x14: {  	s2 =	sld [smem:$0x3F8B];
	s0 =	simm.s32 @p1 $0x1  }
0x15: {  	[smem:$0x3FA8] =	sst s0;
	s0 =	simm.s32 @!p2 $0x0  }
0x16: {  	s3 =	sld [smem:$0x3FDB];
	s0 =	simm.s32 @p2 $0x1  }
0x17: {  	s4 =	simm.s32 $0x1BF5;
	[smem:$0x3FAA] =	sst s0  }
0x18: {  	s0 =	sld [smem:$0x3F8D];
	_ =	swait.ge [sflag:s4], $0x0  }
0x19: {  	s7 =	sld [smem:$0x3F8E]  }
0x1a: {  	s8 =	sadd.s32 $0xFFFFE003, lr  }
0x1b: {  	s9 =	sadd.s32 $0xFFFFFEF7, lr;
	s5 =	simm.s32 $0xFFFFFFFF;
	p2 =	slt.u32 s8, $0xFFFFF086  }
0x1c: {  	p1 =	slt.u32 s9, $0xF7A;
	s5 =	simm.s32 @!p2 $0x0  }
0x1d: {  	s5 =	simm.s32 @p1 $0x1;
	p0 =	seq.s32 s7, s2  }
0x1e: {  	s7 =	smul.u32 @!p0 $0xF7A, s2;
	p2 =	seq.s32 @!p0 s5, $0x0  }
0x1f: {  	s9 =	smul.u32 $0xF7A, s1;
	s8 =	simm.s32 @!p0 $0x1BF5;
	p2 =	por !p2, p0  }
0x20: {  	[sflag:s8] =	ssyncset.s32 @!p0 $0xFFFFF086;
	s6 =	sadd.s32 @!p0 s3, s7;
	s7 =	simm.s32 @!p0 $0x108  }
0x21: {  	s3 =	sadd.s32 s3, s9;
	s6 =	sadd.s32 @!p0 $0x88, s6;
	s7 =	simm.s32 @p2 $0x1082  }
0x22: {  	[simem:s7], [sflag:s8] =	dma.local @!p0 [hbm:s6], $0xF7A  }
0x23: {  	s9 =	sor.u32 $0xD0000000, s2;
	s6 =	simm.s32 $0x108;
	_ =	swait.ge @!p0 [sflag:s8], $0x0  }
0x24: {  	s3 =	sadd.s32 $0x88, s3;
	s6 =	simm.s32 @!p1 $0x1082;
	[sflag:s4] =	ssyncset.s32 $0xFFFFF086  }
0x25: {  	[simem:s6], [sflag:s4] =	dma.local [hbm:s3], $0xF7A  }
0x26: {  	[smem:$0x3F8E] =	sst s1;
	(tag) =	ssettag s2;
	_ =	strace s9  }
0x27: {  	s1 =	sld [smem:$0x3F9E]  }
0x28: {  	s2 =	sld [smem:$0x3F9F]  }
0x29: {  	s4 =	sld [smem:$0x3FA1]  }
0x2a: {  	p0 =	seq.s32 s5, $0x0;
	s5 =	sld [smem:$0x3FA2]  }
0x2b: {  	s6 =	sld [smem:$0x3FA3]  }
0x2c: {  	s7 =	sld [smem:$0x3FA4]  }
0x2d: {  	s3 =	simm.s32 $0x108;
	s8 =	sld [smem:$0x3FA5]  }
0x2e: {  	s3 =	simm.s32 @!p0 $0x1082;
	s9 =	sld [smem:$0x3FA6]  }
0x2f: {  	lr =	sadd.s32 s0, s3;
	s0 =	sld [smem:$0x3F9D]  }
0x30: {  	s3 =	sld [smem:$0x3FA0]  }
0x31: {  	[smem:$0x3FA9] =	sst s10  }
0x32: {  	s10 =	sld [smem:$0x3FA7];
	_ =	sdelay $0x3  }
0x33: {  	p0 =	seq.s32 s10, $0x1;
	s10 =	sld [smem:$0x3FA9];
	_ =	sdelay $0x3  }
0x34: {  	[smem:$0x3FA9] =	sst s10  }
0x35: {  	s10 =	sld [smem:$0x3FA8];
	_ =	sdelay $0x3  }
0x36: {  	p1 =	seq.s32 s10, $0x1;
	s10 =	sld [smem:$0x3FA9];
	_ =	sdelay $0x3  }
0x37: {  	[smem:$0x3FA9] =	sst s10  }
0x38: {  	s10 =	sld [smem:$0x3FAA]  }
0x39: {  	_ = 	snop;
	(pc) =	sbr.ind lr, $3  }
0x3a: {  	_ = 	snop  }
0x3b: {  	_ = 	snop  }
0x3c: {  	p2 =	seq.s32 s10, $0x1;
	s10 =	sld [smem:$0x3FA9]  }
0x3d: {  	_ =	shalt  }
0x3e: {  	_ =	shalt  }
0x3f: {  	_ =	shalt  }
0x40: {  	_ =	shalt  }
0x41: {  	_ =	shalt  }
0x42: {  	_ =	shalt  }
0x43: {  	_ =	shalt  }
0x44: {  	_ =	shalt  }
0x45: {  	_ =	shalt  }
0x46: {  	_ =	shalt  }
0x47: {  	_ =	shalt  }
0x48: {  	_ =	shalt  }
0x49: {  	_ =	shalt  }
0x4a: {  	_ =	shalt  }
0x4b: {  	_ =	shalt  }
0x4c: {  	_ =	shalt  }
0x4d: {  	_ =	shalt  }
0x4e: {  	_ =	shalt  }
0x4f: {  	_ =	shalt  }
0x50: {  	_ =	shalt  }
0x51: {  	_ =	shalt  }
0x52: {  	_ =	shalt  }
0x53: {  	_ =	shalt  }
0x54: {  	_ =	shalt  }
0x55: {  	_ =	shalt  }
0x56: {  	_ =	shalt  }
0x57: {  	_ =	shalt  }
0x58: {  	_ =	shalt  }
0x59: {  	_ =	shalt  }
0x5a: {  	_ =	shalt  }
0x5b: {  	_ =	shalt  }
0x5c: {  	_ =	shalt  }
0x5d: {  	_ =	shalt  }
0x5e: {  	_ =	shalt  }
0x5f: {  	_ =	shalt  }
0x60: {  	_ =	shalt  }
0x61: {  	_ =	shalt  }
0x62: {  	_ =	shalt  }
0x63: {  	_ =	shalt  }
0x64: {  	_ =	shalt  }
0x65: {  	_ =	shalt  }
0x66: {  	_ =	shalt  }
0x67: {  	_ =	shalt  }
0x68: {  	_ =	shalt  }
0x69: {  	_ =	shalt  }
0x6a: {  	_ =	shalt  }
0x6b: {  	_ =	shalt  }
0x6c: {  	_ =	shalt  }
0x6d: {  	_ =	shalt  }
0x6e: {  	_ =	shalt  }
0x6f: {  	_ =	shalt  }
0x70: {  	_ =	shalt  }
0x71: {  	_ =	shalt  }
0x72: {  	_ =	shalt  }
0x73: {  	_ =	shalt  }
0x74: {  	_ =	shalt  }
0x75: {  	_ =	shalt  }
0x76: {  	_ =	shalt  }
0x77: {  	_ =	shalt  }
0x78: {  	_ =	shalt  }
0x79: {  	_ =	shalt  }
0x7a: {  	_ =	shalt  }
0x7b: {  	_ =	shalt  }
0x7c: {  	_ =	shalt  }
0x7d: {  	_ =	shalt  }
0x7e: {  	_ =	shalt  }
0x7f: {  	_ =	shalt  }
0x80: {  	_ =	shalt  }
0x81: {  	_ =	shalt  }
0x82: {  	_ =	shalt  }
0x83: {  	_ =	shalt  }
0x84: {  	_ =	shalt  }
0x85: {  	_ =	shalt  }
0x86: {  	_ =	shalt  }
0x87: {  	_ =	shalt  }
.Lfunc_end0:
.L_simem_size_0:
called_computation_lowered:
.L_overlay_start_0:
0x88: {  	s2 =	sld [smem:$0x3FD9]  }
0x89: {  	s3 =	sld [smem:$0x3FFE];
	_ =	sdelay $0x1  }
0x8a: {  	s1 =	srdreg.scid  }
0x8b: {  	s0 =	sand.u32 $0x1, s1  }
0x8c: {  	s17 =	sshll.u32 s0, $0xA;
	s2 =	sadd.s32 s3, s2  }
0x8d: {  	s2 =	sadd.s32 s2, s17  }
0x8e: {  	[smem:$0x3FB5] =	sst s2  }
0x8f: {  	_ = 	snop  }
0x90: {  	s2 =	sld [smem:$0x3FD0];
	(tm) =	ssettm $0x1  }
0x91: {  	s18 =	sld [smem:$0x3FFB];
	_ =	sdelay $0x3  }
0x92: {  	_ =	strace s18  }
0x93: {  	s3 =	sld [smem:$0x3FFC];
	_ =	sdelay $0x3  }
0x94: {  	_ =	strace s3  }
0x95: {  	s3 =	sld [smem:$0x3FFD];
	_ =	sdelay $0x3  }
0x96: {  	_ =	strace s3  }
0x97: {  	_ =	strace $0x8FFFFFFF  }
0x98: {  	s19 =	sld [smem:$0x3FDB];
	_ =	sdelay $0x1  }
0x99: {  	s4 =	simm.s32 $_scs_section_size  }
0x9a: {  	s5 =	simm.s32 $_size__tile_overlayer_lowered;
	s6 =	simm.s32 $_tile_overlayer_lowered  }
0x9b: {  	s22 =	simm.s32 $0x1BFF;
	s21 =	sshll.u32 s6, $0x1;
	s3 =	sadd.s32 s4, s19  }
0x9c: {  	s7 =	simm.s32 $0x0;
	s20 =	sshll.u32 s5, $0x1;
	s5 =	sadd.s32 s21, s3  }
0x9d: {  	[timem:s7], [sflag:s22] =	dma.local [hbm:s5], s20  }
0x9e: {  	_ =	swait.ge [sflag:s22], s20  }
0x9f: {  	s4 =	ssub.s32 $0x0, s20;
	[sflag:s22] =	ssyncset.done $0x0  }
0xa0: {  	[sflag:s22] =	ssyncadd.s32 s4;
	_ =	sdelay $0x1  }
0xa1: {  	s23 =	simm.s32 $0x1B8B  }
0xa2: {  	_ =	swait.ge [sflag:s23], $0x1  }
0xa3: {  	[sflag:s23] =	ssyncset.done $0x0  }
0xa4: {  	s25 =	simm.s32 $0x1B8E;
	s24 =	sld [smem:$0x3FFE];
	[sflag:s23] =	ssyncadd.s32 $0xFFFFFFFF  }
0xa5: {  	s26 =	simm.s32 $execute0_lowered;
	[smem:$0x3FD2] =	sst s25  }
0xa6: {  	s5 =	sshll.u32 s26, $0x1;
	_ =	strace $0x80000046;
	[dreg:$0x1] =	wrdreg $0xFFFFFFFF  }
0xa7: {  	s28 =	simm.s32 $_size_execute0_lowered;
	s3 =	sadd.s32 s3, s5;
	[dreg:$0x0] =	wrdreg $0x0  }
0xa8: {  	s5 =	sshll.u32 s28, $0x1;
	[dreg:$0x2] =	wrdreg s3  }
0xa9: {  	[dreg:$0x3] =	wrdreg s5  }
0xaa: {  	[dreg:$0x4] =	wrdreg $0xC0  }
0xab: {  	_ =	task [dreg:s7], $0x5FFFF  }
0xac: {  	[dreg:$0x1] =	wrdreg $0xFFFFFFFF  }
0xad: {  	[dreg:$0x0] =	wrdreg $0x60  }
0xae: {  	[dreg:$0x2] =	wrdreg s24  }
0xaf: {  	[dreg:$0x3] =	wrdreg s2  }
0xb0: {  	[dreg:$0x4] =	wrdreg $0x0  }
0xb1: {  	[dreg:$0x5] =	wrdreg $0x140000  }
0xb2: {  	[dreg:$0x6] =	wrdreg $0x9  }
0xb3: {  	_ =	task.clear_ibuf [dreg:s7], $0x7FFFF;
	_ =	strace $0x90000046  }
0xb4: {  	s29 =	simm.s32 $0x9;
	_ =	strace $0x80000048  }
0xb5: {  	_ =	swait.ge [sflag:s29], $0x1  }
0xb6: {  	[sflag:s29] =	ssyncadd.s32 $0xFFFFFFFF  }
0xb7: {  	_ =	strace $0x90000048  }
0xb8: {  	_ =	sfence  }
0xb9: {  	s30 =	sld [smem:$0x0];
	_ =	sdelay $0x2  }
0xba: {  	s31 =	sshll.u32 s1, $0xD;
	s1 =	sshrl.u32 s1, $0x2  }
0xbb: {  	s3 =	sand.u32 $0x4000, s31;
	s1 =	sadd.s32 s1, s30  }
0xbc: {  	s0 =	sor.u32 s3, s0;
	s1 =	sshll.u32 s1, $0x11  }
0xbd: {  	s0 =	sor.u32 s1, s0  }
0xbe: {  	s0 =	sadd.s32 $0x8F2B, s0  }
0xbf: {  	[sflag:s0] =	ssyncadd.remote.s32 $0x1  }
0xc0: {  	_ =	sfence.sel $0xFFFF  }
0xc1: {  	[dreg:$0x0] =	wrdreg $0xFFFFFFFF;
	(pc) =	sbr.abs _section_cstart, $3  }
0xc2: {  	[dreg:$0x1] =	wrdreg $0xFFFFFFFF  }
0xc3: {  	_ =	task.clear_ibuf [dreg:s7], $0x2FFFF;
	_ =	strace $0x9FFFFFFF  }
0xc4: {  	(tm) =	ssettm $0x7FFFFFFF  }
0xc5: {  	_ =	shalt  }
tec
execute0_lowered:
.L_overlay_start_1:
0x0: {  	(tag) =	ssettag $0x1  }
0x1: {  	s0 =	rddreg [dreg:$0x0]  }
0x2: {  	s1 =	rddreg [dreg:$0x1]  }
0x3: {  	s29 =	rddreg [dreg:$0x2]  }
0x4: {  	s13 =	rddreg [dreg:$0x3]  }
0x5: {  	s3 =	simm.s32 $0x0;
	s2 =	srdreg.scid;
	s14 =	stileid.u32  }
0x6: {  	[smem:$0x7FF] =	sst s3;
	s4 =	sadd.s32 $0x4FB000, s0;
	s6 =	sadd.s32 $0x522200, s0  }
0x7: {  	s7 =	sadd.s32 $0x570600, s0;
	s2 =	sand.u32 $0x1, s2;
	s11 =	smul.u32 $0x50, s14  }
0x8: {  	s8 =	sadd.s32 $0x4F1000, s0;
	s9 =	sadd.s32 $0x4E7200, s0;
	s21 =	smul.u32 $0xA000, s14  }
0x9: {  	s10 =	sshll.u32 s14, $0x1;
	s12 =	sadd.s32 $0x4FAE00, s0;
	s5 =	smul.u32 $0x28000, s2  }
0xa: {  	s10 =	sor.u32 s2, s10;
	s19 =	ssub.s32 $0x2, s2;
	s2 =	smul.u32 $0x500, s2  }
0xb: {  	_ =	strace $0x80000047;
	[dreg:$0x5] =	wrdreg s12;
	s15 =	smul.u32 $0x2710, s10  }
0xc: {  	s20 =	sshrl.u32 s19, $0x1;
	s12 =	sshrl.u32 s21, $0x2;
	s0 =	sadd.s32 s5, s0  }
0xd: {  	s2 =	sadd.s32 s2, s11;
	s11 =	sadd.s32 s12, s13;
	[dreg:$0x6] =	wrdreg s15  }
0xe: {  	s5 =	ssub.s32 s19, s20;
	s23 =	sadd.s32 $0x28, s15;
	[dreg:$0xb] =	wrdreg s11  }
0xf: {  	s10 =	sshrl.u32 s15, $0x3;
	s15 =	sadd.s32 $0x50, s15;
	[dreg:$0x9] =	wrdreg s23  }
0x10: {  	s5 =	smax.u32 s5, $0x1;
	[dreg:$0xa] =	wrdreg s15  }
0x11: {  	s22 =	smul.u32 $0x50000, s14;
	s16 =	sadd.s32 s8, s10;
	[dreg:$0xc] =	wrdreg s5  }
0x12: {  	s2 =	sshll.u32 s2, $0x4;
	s10 =	sadd.s32 s9, s10;
	[dreg:$0x7] =	wrdreg s16  }
0x13: {  	s1 =	sadd.s32 s1, s2;
	[dreg:$0x8] =	wrdreg s10;
	s10 =	sshrl.u32 s22, $0x2  }
0x14: {  	[dreg:$0x12] =	wrdreg s1;
	s13 =	sadd.s32 s10, s29  }
0x15: {  	s10 =	sadd.s32 $0x1400, s13;
	[dreg:$0xd] =	wrdreg s13  }
0x16: {  	s25 =	sadd.s32 $0x2800, s13;
	[dreg:$0xe] =	wrdreg s10  }
0x17: {  	s26 =	sadd.s32 $0x3C00, s13;
	[dreg:$0xf] =	wrdreg s25  }
0x18: {  	s12 =	sadd.s32 $0x5000, s13;
	[dreg:$0x10] =	wrdreg s26  }
0x19: {  	s24 =	smul.u32 $0x2800, s14;
	s14 =	sadd.s32 $0x6400, s13;
	[dreg:$0x11] =	wrdreg s12  }
0x1a: {  	s15 =	sadd.s32 $0x7800, s13;
	[dreg:$0x13] =	wrdreg s14  }
0x1b: {  	s16 =	sadd.s32 $0x8C00, s13;
	[dreg:$0x14] =	wrdreg s15  }
0x1c: {  	s17 =	sadd.s32 $0xA000, s13;
	[dreg:$0x15] =	wrdreg s16  }
0x1d: {  	s18 =	sadd.s32 $0xB400, s13;
	[dreg:$0x16] =	wrdreg s17  }
0x1e: {  	s19 =	sadd.s32 $0xC800, s13;
	[dreg:$0x17] =	wrdreg s18  }
0x1f: {  	s20 =	sadd.s32 $0xDC00, s13;
	[dreg:$0x18] =	wrdreg s19  }
0x20: {  	s28 =	simm.s32 $0x28;
	s21 =	sadd.s32 $0xF000, s13;
	[dreg:$0x19] =	wrdreg s20  }
0x21: {  	s30 =	simm.s32 $0x16A00;
	s22 =	sadd.s32 $0x10400, s13;
	[dreg:$0x1a] =	wrdreg s21  }
0x22: {  	s31 =	simm.s32 $0x0;
	s23 =	sadd.s32 $0x11800, s13;
	[dreg:$0x1b] =	wrdreg s22  }
0x23: {  	s0 =	sadd.s32 s24, s0;
	s24 =	sadd.s32 $0x12C00, s13;
	[dreg:$0x1c] =	wrdreg s23  }
0x24: {  	s5 =	simm.s32 $0x1;
	s25 =	sadd.s32 $0x5400, s0;
	[dreg:$0x1d] =	wrdreg s24  }
0x25: {  	s14 =	sadd.s32 $0x1400, s11;
	s26 =	sadd.s32 $0x280, s1;
	s20 =	simm.s32 $0x1CF00  }
0x26: {  	s21 =	simm.s32 $0x8;
	s22 =	simm.s32 $0x1E300;
	s10 =	simm.s32 $0x2  }
0x27: {  	s12 =	simm.s32 $0x5;
	s19 =	simm.s32 $0x3;
	s23 =	simm.s32 $0x4  }
0x28: {  	s16 =	simm.s32 $0x6;
	s17 =	simm.s32 $0x7;
	[dreg:$0x1f] =	wrdreg s26  }
0x29: {  	v0 =	vimm.f32 $0.0e+00;
	s1 =	simm.s32 $0x0;
	s26 =	simm.s32 $0x16880;
	[dreg:$0x1e] =	wrdreg s14  }
.LBB2_1:
0x2a: {  	[smem:$0x7FD] =	sst s1;
	s1 =	simm.s32 $0x0;
	s2 =	simm.s32 $0x200  }
.LBB2_2:
0x2b: {  	p0 =	sne.s32 s2, $0x4E00;
	[tilespmem:s1+$0x1E370] =	vst v0  }
0x2c: {  	[tilespmem:s1+$0x1CF00] =	vst v0  }
0x2d: {  	[tilespmem:s1+$0x1E300] =	vst v0  }
0x2e: {  	[tilespmem:s1+$0x1CF10] =	vst v0  }
0x2f: {  	[tilespmem:s1+$0x1E310] =	vst v0  }
0x30: {  	[tilespmem:s1+$0x1CF20] =	vst v0  }
0x31: {  	[tilespmem:s1+$0x1E320] =	vst v0  }
0x32: {  	[tilespmem:s1+$0x1CF30] =	vst v0  }
0x33: {  	[tilespmem:s1+$0x1E330] =	vst v0  }
0x34: {  	[tilespmem:s1+$0x1CF40] =	vst v0  }
0x35: {  	[tilespmem:s1+$0x1E340] =	vst v0  }
.Ltmp0:
0x36: {  	[tilespmem:s1+$0x1CF50] =	vst v0;
	(pc) =	sbr.rel @p0 .LBB2_2-.Ltmp0, $4  }
0x37: {  	[tilespmem:s1+$0x1E350] =	vst v0  }
0x38: {  	[tilespmem:s1+$0x1CF60] =	vst v0  }
0x39: {  	[tilespmem:s1+$0x1E360] =	vst v0  }
0x3a: {  	[tilespmem:s1+$0x1CF70] =	vst v0;
	s1 =	sshra.s32 s2, $0x2;
	s2 =	sadd.s32 $0x200, s2  }
0x3b: {  	[tilespmem:s1+$0x1E370] =	vst v0  }
0x3c: {  	[tilespmem:s1+$0x1CF00] =	vst v0  }
0x3d: {  	[tilespmem:s1+$0x1E300] =	vst v0  }
0x3e: {  	[tilespmem:s1+$0x1CF10] =	vst v0  }
0x3f: {  	[tilespmem:s1+$0x1E310] =	vst v0  }
0x40: {  	[tilespmem:s1+$0x1CF20] =	vst v0  }
0x41: {  	[tilespmem:s1+$0x1E320] =	vst v0  }
0x42: {  	[tilespmem:s1+$0x1CF30] =	vst v0  }
0x43: {  	[tilespmem:s1+$0x1E330] =	vst v0  }
0x44: {  	[tilespmem:s1+$0x1CF40] =	vst v0  }
0x45: {  	[tilespmem:s1+$0x1E340] =	vst v0  }
0x46: {  	[tilespmem:s1+$0x1CF50] =	vst v0  }
0x47: {  	[tilespmem:s1+$0x1E350] =	vst v0  }
0x48: {  	[tilespmem:s1+$0x1CF60] =	vst v0  }
0x49: {  	[tilespmem:s1+$0x1E360] =	vst v0  }
0x4a: {  	[tilespmem:s1+$0x1CF70] =	vst v0  }
0x4b: {  	[spmem:s13] =	stream.linear.scatter [tilespmem:s20], [sflag:$0x8], $0x1400, $0x38;
	[tilespmem:$0x1FF00] =	vst v63  }
0x4c: {  	_ =	swait.ge [sflag:s21], $0x1400  }
0x4d: {  	[sflag:s21] =	ssyncset.done $0x0  }
0x4e: {  	s0 =	rddreg [dreg:$0xe];
	[sflag:s21] =	ssyncadd.s32 $0xFFFFEC00  }
0x4f: {  	[spmem:s0] =	stream.linear.scatter [tilespmem:s20], [sflag:$0x8], $0x1400, $0x38;
	[tilespmem:$0x1FF00] =	vst v63  }
0x50: {  	_ =	swait.ge [sflag:s21], $0x1400  }
0x51: {  	[sflag:s21] =	ssyncset.done $0x0  }
0x52: {  	s24 =	rddreg [dreg:$0xf];
	[sflag:s21] =	ssyncadd.s32 $0xFFFFEC00  }
0x53: {  	[spmem:s24] =	stream.linear.scatter [tilespmem:s20], [sflag:$0x8], $0x1400, $0x38;
	[tilespmem:$0x1FF00] =	vst v63  }
0x54: {  	_ =	swait.ge [sflag:s21], $0x1400  }
0x55: {  	[sflag:s21] =	ssyncset.done $0x0  }
0x56: {  	s1 =	rddreg [dreg:$0x10];
	[sflag:s21] =	ssyncadd.s32 $0xFFFFEC00  }
0x57: {  	[spmem:s1] =	stream.linear.scatter [tilespmem:s20], [sflag:$0x8], $0x1400, $0x38;
	[tilespmem:$0x1FF00] =	vst v63  }
0x58: {  	_ =	swait.ge [sflag:s21], $0x1400  }
0x59: {  	[sflag:s21] =	ssyncset.done $0x0  }
0x5a: {  	s2 =	rddreg [dreg:$0x11];
	[sflag:s21] =	ssyncadd.s32 $0xFFFFEC00  }
0x5b: {  	[spmem:s2] =	stream.linear.scatter [tilespmem:s20], [sflag:$0x8], $0x1400, $0x38;
	[tilespmem:$0x1FF00] =	vst v63  }
0x5c: {  	_ =	swait.ge [sflag:s21], $0x1400  }
0x5d: {  	[sflag:s21] =	ssyncset.done $0x0  }
0x5e: {  	s13 =	rddreg [dreg:$0x13];
	[sflag:s21] =	ssyncadd.s32 $0xFFFFEC00  }
0x5f: {  	[spmem:s13] =	stream.linear.scatter [tilespmem:s20], [sflag:$0x8], $0x1400, $0x38;
	[tilespmem:$0x1FF00] =	vst v63  }
0x60: {  	_ =	swait.ge [sflag:s21], $0x1400  }
0x61: {  	[sflag:s21] =	ssyncset.done $0x0  }
0x62: {  	s15 =	rddreg [dreg:$0x14];
	[sflag:s21] =	ssyncadd.s32 $0xFFFFEC00  }
0x63: {  	[spmem:s15] =	stream.linear.scatter [tilespmem:s20], [sflag:$0x8], $0x1400, $0x38;
	[tilespmem:$0x1FF00] =	vst v63  }
0x64: {  	_ =	swait.ge [sflag:s21], $0x1400  }
0x65: {  	[sflag:s21] =	ssyncset.done $0x0  }
0x66: {  	s18 =	rddreg [dreg:$0x15];
	[sflag:s21] =	ssyncadd.s32 $0xFFFFEC00  }
0x67: {  	[spmem:s18] =	stream.linear.scatter [tilespmem:s20], [sflag:$0x8], $0x1400, $0x38;
	[tilespmem:$0x1FF00] =	vst v63  }
0x68: {  	_ =	swait.ge [sflag:s21], $0x1400  }
0x69: {  	[sflag:s21] =	ssyncset.done $0x0  }
0x6a: {  	s24 =	rddreg [dreg:$0x16];
	[sflag:s21] =	ssyncadd.s32 $0xFFFFEC00  }
0x6b: {  	[spmem:s24] =	stream.linear.scatter [tilespmem:s20], [sflag:$0x8], $0x1400, $0x38;
	[tilespmem:$0x1FF00] =	vst v63  }
0x6c: {  	_ =	swait.ge [sflag:s21], $0x1400  }
0x6d: {  	[sflag:s21] =	ssyncset.done $0x0  }
0x6e: {  	s1 =	rddreg [dreg:$0x17];
	[sflag:s21] =	ssyncadd.s32 $0xFFFFEC00  }
0x6f: {  	[spmem:s1] =	stream.linear.scatter [tilespmem:s20], [sflag:$0x8], $0x1400, $0x38;
	[tilespmem:$0x1FF00] =	vst v63  }
0x70: {  	_ =	swait.ge [sflag:s21], $0x1400  }
0x71: {  	[sflag:s21] =	ssyncset.done $0x0  }
0x72: {  	s2 =	rddreg [dreg:$0x18];
	[sflag:s21] =	ssyncadd.s32 $0xFFFFEC00  }
0x73: {  	[spmem:s2] =	stream.linear.scatter [tilespmem:s20], [sflag:$0x8], $0x1400, $0x38;
	[tilespmem:$0x1FF00] =	vst v63  }
0x74: {  	_ =	swait.ge [sflag:s21], $0x1400  }
0x75: {  	[sflag:s21] =	ssyncset.done $0x0  }
0x76: {  	s13 =	rddreg [dreg:$0x19];
	[sflag:s21] =	ssyncadd.s32 $0xFFFFEC00  }
0x77: {  	[spmem:s13] =	stream.linear.scatter [tilespmem:s20], [sflag:$0x8], $0x1400, $0x38;
	[tilespmem:$0x1FF00] =	vst v63  }
0x78: {  	_ =	swait.ge [sflag:s21], $0x1400  }
0x79: {  	[sflag:s21] =	ssyncset.done $0x0  }
0x7a: {  	s15 =	rddreg [dreg:$0x1a];
	[sflag:s21] =	ssyncadd.s32 $0xFFFFEC00  }
0x7b: {  	[spmem:s15] =	stream.linear.scatter [tilespmem:s20], [sflag:$0x8], $0x1400, $0x38;
	[tilespmem:$0x1FF00] =	vst v63  }
0x7c: {  	_ =	swait.ge [sflag:s21], $0x1400  }
0x7d: {  	[sflag:s21] =	ssyncset.done $0x0  }
0x7e: {  	s18 =	rddreg [dreg:$0x1b];
	[sflag:s21] =	ssyncadd.s32 $0xFFFFEC00  }
0x7f: {  	[spmem:s18] =	stream.linear.scatter [tilespmem:s20], [sflag:$0x8], $0x1400, $0x38;
	[tilespmem:$0x1FF00] =	vst v63  }
0x80: {  	_ =	swait.ge [sflag:s21], $0x1400  }
0x81: {  	[sflag:s21] =	ssyncset.done $0x0  }
0x82: {  	s24 =	rddreg [dreg:$0x1c];
	[sflag:s21] =	ssyncadd.s32 $0xFFFFEC00  }
0x83: {  	[spmem:s24] =	stream.linear.scatter [tilespmem:s20], [sflag:$0x8], $0x1400, $0x38;
	[tilespmem:$0x1FF00] =	vst v63  }
0x84: {  	_ =	swait.ge [sflag:s21], $0x1400  }
0x85: {  	[sflag:s21] =	ssyncset.done $0x0  }
0x86: {  	s1 =	rddreg [dreg:$0x1d];
	[sflag:s21] =	ssyncadd.s32 $0xFFFFEC00  }
0x87: {  	[spmem:s1] =	stream.linear.scatter [tilespmem:s20], [sflag:$0x8], $0x1400, $0x38;
	[tilespmem:$0x1FF00] =	vst v63  }
0x88: {  	_ =	swait.ge [sflag:s21], $0x1400  }
0x89: {  	[sflag:s21] =	ssyncset.done $0x0  }
0x8a: {  	[sflag:s21] =	ssyncadd.s32 $0xFFFFEC00  }
0x8b: {  	[spmem:s11] =	stream.linear.scatter [tilespmem:s22], [sflag:$0x8], $0x1400, $0x38;
	[tilespmem:$0x1FF00] =	vst v63  }
0x8c: {  	_ =	swait.ge [sflag:s21], $0x1400  }
0x8d: {  	[sflag:s21] =	ssyncset.done $0x0  }
0x8e: {  	[sflag:s21] =	ssyncadd.s32 $0xFFFFEC00  }
0x8f: {  	[spmem:s14] =	stream.linear.scatter [tilespmem:s22], [sflag:$0x8], $0x1400, $0x38;
	[tilespmem:$0x1FF00] =	vst v63  }
0x90: {  	_ =	swait.ge [sflag:s21], $0x1400  }
0x91: {  	[sflag:s21] =	ssyncset.done $0x0  }
0x92: {  	s11 =	simm.s32 $0x1F700;
	s2 =	rddreg [dreg:$0x5];
	[sflag:s21] =	ssyncadd.s32 $0xFFFFEC00  }
0x93: {  	[tilespmem:s11], [sflag:$0x8] =	stream.linear.gather [hbm4b:s2+s31], $0x800, $0x38;
	[tilespmem:$0x1FF00] =	vst v63  }
0x94: {  	_ =	swait.ge [sflag:s21], $0x800  }
0x95: {  	[sflag:s21] =	ssyncset.done $0x0  }
0x96: {  	[sflag:s21] =	ssyncadd.s32 $0xFFFFF800  }
0x97: {  	[bflag:$0x0] =	sbarrier.arrive $0xFFFF  }
0x98: {  	v1 =	vld [tilespmem:$0x1F700]  }
0x99: {  	v2 =	vld [tilespmem:$0x1F780]  }
0x9a: {  	v3 =	vld [tilespmem:$0x1F800]  }
0x9b: {  	v4 =	vld [tilespmem:$0x1F880]  }
0x9c: {  	v5 =	vld [tilespmem:$0x1F900]  }
0x9d: {  	v6 =	vld [tilespmem:$0x1F980]  }
0x9e: {  	v7 =	vld [tilespmem:$0x1FA00]  }
0x9f: {  	v8 =	vld [tilespmem:$0x1FA80]  }
0xa0: {  	v9 =	vld [tilespmem:$0x1FB00]  }
0xa1: {  	v10 =	vld [tilespmem:$0x1FB80]  }
0xa2: {  	v11 =	vld [tilespmem:$0x1FC00]  }
0xa3: {  	v12 =	vld [tilespmem:$0x1FC80]  }
0xa4: {  	v13 =	vld [tilespmem:$0x1FD00]  }
0xa5: {  	v14 =	vld [tilespmem:$0x1FD80]  }
0xa6: {  	s14 =	simm.s32 $0x16800;
	v15 =	vld [tilespmem:$0x1FE00];
	s13 =	rddreg [dreg:$0x7]  }
0xa7: {  	v16 =	vld [tilespmem:$0x1FE80];
	[tilespmem:s14], [sflag:$0x8] =	stream.linear.gather [hbm4b:s13+s31], $0x28, $0x38  }
0xa8: {  	_ =	swait.ge [sflag:s21], $0x28  }
0xa9: {  	[sflag:s21] =	ssyncset.done $0x0  }
0xaa: {  	s15 =	rddreg [dreg:$0x8];
	[sflag:s21] =	ssyncadd.s32 $0xFFFFFFD8  }
0xab: {  	[tilespmem:s26], [sflag:$0x8] =	stream.linear.gather [hbm4b:s15+s31], $0x28, $0x38;
	[tilespmem:$0x1FF00] =	vst v63  }
0xac: {  	_ =	swait.ge [sflag:s21], $0x28  }
0xad: {  	[sflag:s21] =	ssyncset.done $0x0  }
0xae: {  	s18 =	simm.s32 $0x16B00;
	[sflag:s21] =	ssyncadd.s32 $0xFFFFFFD8  }
0xaf: {  	[tilespmem:s18], [sflag:$0x1] =	stream.indirect.gather [hbm4b:s4+s28], $0x80, s14, s28, $0xb8;
	[tilespmem:$0x1FF00] =	vst v63  }
0xb0: {  	s24 =	simm.s32 $0x17F00  }
0xb1: {  	[tilespmem:s24], [sflag:$0x2] =	stream.indirect.gather [hbm4b:s6+s28], $0x80, s26, s28, $0xb8;
	[tilespmem:$0x1FF00] =	vst v63  }
0xb2: {  	s24 =	simm.s32 $0x0  }
.LBB2_4:
0xb3: {  	p0 =	seq.s32 s24, $0x0  }
0xb4: {  	s1 =	simm.s32 @!p0 $0x6  }
0xb5: {  	_ =	swait.ge @!p0 [sflag:s1], $0x1400  }
0xb6: {  	[sflag:s1] =	ssyncset.done @!p0 $0x0  }
0xb7: {  	[sflag:s1] =	ssyncadd.s32 @!p0 $0xFFFFEC00;
	s1 =	simm.s32 @!p0 $0x7  }
0xb8: {  	s13 =	smul.u32 $0x50, s24;
	_ =	swait.ge @!p0 [sflag:s1], $0x1400  }
0xb9: {  	s2 =	rddreg [dreg:$0x9]  }
0xba: {  	s18 =	sadd.s32 s13, s2  }
0xbb: {  	[sflag:s1] =	ssyncset.done @!p0 $0x0;
	s2 =	sshrl.u32 s18, $0x3  }
0xbc: {  	s11 =	simm.s32 $0x16980;
	[sflag:s1] =	ssyncadd.s32 @!p0 $0xFFFFEC00;
	s14 =	sadd.s32 s8, s2  }
0xbd: {  	[tilespmem:s11], [sflag:$0x8] =	stream.linear.gather [hbm4b:s14+s31], $0x28, $0x38;
	[tilespmem:$0x1FF00] =	vst v63  }
0xbe: {  	_ =	swait.ge [sflag:s21], $0x28  }
0xbf: {  	[sflag:s21] =	ssyncset.done $0x0  }
0xc0: {  	s15 =	sadd.s32 s9, s2;
	[sflag:s21] =	ssyncadd.s32 $0xFFFFFFD8  }
0xc1: {  	[tilespmem:s30], [sflag:$0x8] =	stream.linear.gather [hbm4b:s15+s31], $0x28, $0x38;
	[tilespmem:$0x1FF00] =	vst v63  }
0xc2: {  	_ =	swait.ge [sflag:s21], $0x28  }
0xc3: {  	[sflag:s21] =	ssyncset.done $0x0;
	s14 =	rddreg [dreg:$0x6]  }
0xc4: {  	s2 =	simm.s32 $0x19300;
	[sflag:s21] =	ssyncadd.s32 $0xFFFFFFD8;
	s1 =	sadd.s32 s14, s13  }
0xc5: {  	[tilespmem:s2], [sflag:$0x3] =	stream.indirect.gather [hbm4b:s4+s28], $0x80, s11, s28, $0xb8;
	[tilespmem:$0x1FF00] =	vst v63  }
0xc6: {  	s11 =	simm.s32 $0x1A700;
	s1 =	sshll.u32 s1, $0x4  }
0xc7: {  	[tilespmem:s11], [sflag:$0x4] =	stream.indirect.gather [hbm4b:s6+s28], $0x80, s30, s28, $0xb8;
	[tilespmem:$0x1FF00] =	vst v63  }
0xc8: {  	s15 =	simm.s32 $0x1BB00;
	s1 =	sadd.s32 s7, s1  }
0xc9: {  	[tilespmem:s15], [sflag:$0x5] =	stream.linear.gather [hbm4b:s1+s31], $0x1400, $0x38;
	[tilespmem:$0x1FF00] =	vst v63  }
0xca: {  	_ =	swait.ge [sflag:s5], $0x1400  }
0xcb: {  	[sflag:s5] =	ssyncset.done $0x0  }
0xcc: {  	[sflag:s5] =	ssyncadd.s32 $0xFFFFEC00  }
0xcd: {  	_ =	swait.ge [sflag:s10], $0x1400  }
0xce: {  	[sflag:s10] =	ssyncset.done $0x0  }
0xcf: {  	[sflag:s10] =	ssyncadd.s32 $0xFFFFEC00  }
0xd0: {  	_ =	swait.ge [sflag:s12], $0x1400  }
0xd1: {  	[sflag:s12] =	ssyncset.done $0x0  }
0xd2: {  	[sflag:s12] =	ssyncadd.s32 $0xFFFFEC00  }
0xd3: {  	v17 =	vld [tilespmem:$0x16880]  }
0xd4: {  	v18 =	vld [tilespmem:$0x16890]  }
0xd5: {  	v19 =	vld [tilespmem:$0x16898];
	_ =	sdelay $0x2  }
0xd6: {  	v17 =	vshra.s32 v17, $0x3  }
0xd7: {  	s0 =	smov.u32 s29;
	[tilespmem:$0x16900] =	vst v17;
	v17 =	vshra.s32 v18, $0x3  }
0xd8: {  	s29 =	simm.s32 $0x0;
	s14 =	simm.s32 $0x1CF40;
	s2 =	simm.s32 $0x17F40;
	[tilespmem:$0x16910] =	vst v17;
	v17 =	vshra.s32 v19, $0x3  }
0xd9: {  	s11 =	simm.s32 $0x1BB40;
	s1 =	simm.s32 $0x16B40;
	s15 =	simm.s32 $0x1E340;
	[tilespmem:$0x16918] =	vst v17  }
.LBB2_5:
0xda: {  	v17 =	vld [tilespmem:s1+$0xFFFFFFC0]  }
0xdb: {  	v18 =	vld [tilespmem:s2+$0xFFFFFFC0];
	_ =	sdelay $0x1  }
0xdc: {  	v19 =	vld [tilespmem:s11+$0xFFFFFFC0];
	_ =	sdelay $0x2  }
0xdd: {  	v18 =	vadd.f32 v18, v17;
	_ =	sdelay $0x1  }
0xde: {  	v18 =	vadd.f32 v19, v18;
	_ =	sdelay $0x1  }
0xdf: {  	v19 =	vmul.f32 $2.000000030e-01, v18  }
0xe0: {  	vm0 =	vge.f32 v18, $0.0e+00  }
0xe1: {  	v18 =	vsel vm0, v18, v19  }
0xe2: {  	v18 =	vmul.f32 v18, v1;
	_ =	sdelay $0x1  }
0xe3: {  	(xrf2) =	vadd.scan.msk.f32 $0xffff, v18;
	_ =	sdelay $0x9  }
0xe4: {  	v18, _, _ =	vpop (xrf2)  }
0xe5: {  	v18 =	vmul.f32 $1.442695020e+00, v18;
	_ =	sdelay $0x1  }
0xe6: {  	v18 =	vbroadcast v18, $0xF;
	_ =	sdelay $0x1  }
0xe7: {  	(erf) = vpow2.f32 v18;
	_ =	sdelay $0x8  }
0xe8: {  	v18 =	vpop (erf)  }
0xe9: {  	v17 =	vmul.f32 v18, v17;
	_ =	sdelay $0x1  }
0xea: {  	[tilespmem:s14+$0xFFFFFFC0] =	vst v17  }
0xeb: {  	v17 =	vld [tilespmem:s1+$0xFFFFFFD0]  }
0xec: {  	v19 =	vld [tilespmem:s2+$0xFFFFFFD0];
	_ =	sdelay $0x1  }
0xed: {  	v20 =	vld [tilespmem:s11+$0xFFFFFFD0];
	_ =	sdelay $0x2  }
0xee: {  	v19 =	vadd.f32 v19, v17;
	_ =	sdelay $0x1  }
0xef: {  	v19 =	vadd.f32 v20, v19;
	_ =	sdelay $0x1  }
0xf0: {  	v20 =	vmul.f32 $2.000000030e-01, v19  }
0xf1: {  	vm13 =	vge.f32 v19, $0.0e+00  }
0xf2: {  	v19 =	vsel vm13, v19, v20  }
0xf3: {  	v19 =	vmul.f32 v19, v2;
	_ =	sdelay $0x1  }
0xf4: {  	(xrf2) =	vadd.scan.msk.f32 $0xffff, v19;
	_ =	sdelay $0x9  }
0xf5: {  	v19, _, _ =	vpop (xrf2)  }
0xf6: {  	v19 =	vmul.f32 $1.442695020e+00, v19;
	_ =	sdelay $0x1  }
0xf7: {  	v19 =	vbroadcast v19, $0xF;
	_ =	sdelay $0x1  }
0xf8: {  	(erf) = vpow2.f32 v19;
	_ =	sdelay $0x8  }
0xf9: {  	v19 =	vpop (erf)  }
0xfa: {  	v17 =	vmul.f32 v19, v17;
	_ =	sdelay $0x1  }
0xfb: {  	[tilespmem:s14+$0xFFFFFFD0] =	vst v17  }
0xfc: {  	v17 =	vld [tilespmem:s1+$0xFFFFFFE0]  }
0xfd: {  	v56 =	vld [tilespmem:s2+$0xFFFFFFE0];
	_ =	sdelay $0x1  }
0xfe: {  	v21 =	vld [tilespmem:s11+$0xFFFFFFE0];
	_ =	sdelay $0x2  }
0xff: {  	v20 =	vadd.f32 v56, v17;
	_ =	sdelay $0x1  }
0x100: {  	v20 =	vadd.f32 v21, v20;
	_ =	sdelay $0x1  }
0x101: {  	v21 =	vmul.f32 $2.000000030e-01, v20  }
0x102: {  	vm14 =	vge.f32 v20, $0.0e+00  }
0x103: {  	v20 =	vsel vm14, v20, v21  }
0x104: {  	v20 =	vmul.f32 v20, v3;
	_ =	sdelay $0x1  }
0x105: {  	(xrf2) =	vadd.scan.msk.f32 $0xffff, v20;
	_ =	sdelay $0x9  }
0x106: {  	v20, _, _ =	vpop (xrf2)  }
0x107: {  	v20 =	vmul.f32 $1.442695020e+00, v20;
	_ =	sdelay $0x1  }
0x108: {  	v20 =	vbroadcast v20, $0xF;
	_ =	sdelay $0x1  }
0x109: {  	(erf) = vpow2.f32 v20;
	_ =	sdelay $0x8  }
0x10a: {  	v20 =	vpop (erf)  }
0x10b: {  	v17 =	vmul.f32 v20, v17;
	_ =	sdelay $0x1  }
0x10c: {  	[tilespmem:s14+$0xFFFFFFE0] =	vst v17  }
0x10d: {  	v17 =	vld [tilespmem:s1+$0xFFFFFFF0]  }
0x10e: {  	v57 =	vld [tilespmem:s2+$0xFFFFFFF0];
	_ =	sdelay $0x1  }
0x10f: {  	v22 =	vld [tilespmem:s11+$0xFFFFFFF0];
	_ =	sdelay $0x2  }
0x110: {  	v21 =	vadd.f32 v57, v17;
	_ =	sdelay $0x1  }
0x111: {  	v21 =	vadd.f32 v22, v21;
	_ =	sdelay $0x1  }
0x112: {  	v22 =	vmul.f32 $2.000000030e-01, v21  }
0x113: {  	vm15 =	vge.f32 v21, $0.0e+00  }
0x114: {  	v21 =	vsel vm15, v21, v22  }
0x115: {  	v21 =	vmul.f32 v21, v4;
	_ =	sdelay $0x1  }
0x116: {  	(xrf2) =	vadd.scan.msk.f32 $0xffff, v21;
	_ =	sdelay $0x9  }
0x117: {  	v21, _, _ =	vpop (xrf2)  }
0x118: {  	v21 =	vmul.f32 $1.442695020e+00, v21;
	_ =	sdelay $0x1  }
0x119: {  	v21 =	vbroadcast v21, $0xF;
	_ =	sdelay $0x1  }
0x11a: {  	(erf) = vpow2.f32 v21;
	_ =	sdelay $0x8  }
0x11b: {  	v21 =	vpop (erf)  }
0x11c: {  	v17 =	vmul.f32 v21, v17;
	_ =	sdelay $0x1  }
0x11d: {  	[tilespmem:s14+$0xFFFFFFF0] =	vst v17  }
0x11e: {  	v17 =	vld [tilespmem:s1+$0x0]  }
0x11f: {  	v58 =	vld [tilespmem:s2+$0x0];
	_ =	sdelay $0x1  }
0x120: {  	v23 =	vld [tilespmem:s11+$0x0];
	_ =	sdelay $0x2  }
0x121: {  	v22 =	vadd.f32 v58, v17;
	_ =	sdelay $0x1  }
0x122: {  	v22 =	vadd.f32 v23, v22;
	_ =	sdelay $0x1  }
0x123: {  	v23 =	vmul.f32 $2.000000030e-01, v22  }
0x124: {  	vm4 =	vge.f32 v22, $0.0e+00  }
0x125: {  	v22 =	vsel vm4, v22, v23  }
0x126: {  	v22 =	vmul.f32 v22, v5;
	_ =	sdelay $0x1  }
0x127: {  	(xrf2) =	vadd.scan.msk.f32 $0xffff, v22;
	_ =	sdelay $0x9  }
0x128: {  	v22, _, _ =	vpop (xrf2)  }
0x129: {  	v22 =	vmul.f32 $1.442695020e+00, v22;
	_ =	sdelay $0x1  }
0x12a: {  	v22 =	vbroadcast v22, $0xF;
	_ =	sdelay $0x1  }
0x12b: {  	(erf) = vpow2.f32 v22;
	_ =	sdelay $0x8  }
0x12c: {  	v22 =	vpop (erf)  }
0x12d: {  	v17 =	vmul.f32 v22, v17;
	_ =	sdelay $0x1  }
0x12e: {  	[tilespmem:s14+$0x0] =	vst v17  }
0x12f: {  	v17 =	vld [tilespmem:s1+$0x10]  }
0x130: {  	v59 =	vld [tilespmem:s2+$0x10];
	_ =	sdelay $0x1  }
0x131: {  	v24 =	vld [tilespmem:s11+$0x10];
	_ =	sdelay $0x2  }
0x132: {  	v23 =	vadd.f32 v59, v17;
	_ =	sdelay $0x1  }
0x133: {  	v23 =	vadd.f32 v24, v23;
	_ =	sdelay $0x1  }
0x134: {  	v24 =	vmul.f32 $2.000000030e-01, v23  }
0x135: {  	vm5 =	vge.f32 v23, $0.0e+00  }
0x136: {  	v23 =	vsel vm5, v23, v24  }
0x137: {  	v23 =	vmul.f32 v23, v6;
	_ =	sdelay $0x1  }
0x138: {  	(xrf2) =	vadd.scan.msk.f32 $0xffff, v23;
	_ =	sdelay $0x9  }
0x139: {  	v23, _, _ =	vpop (xrf2)  }
0x13a: {  	v23 =	vmul.f32 $1.442695020e+00, v23;
	_ =	sdelay $0x1  }
0x13b: {  	v23 =	vbroadcast v23, $0xF;
	_ =	sdelay $0x1  }
0x13c: {  	(erf) = vpow2.f32 v23;
	_ =	sdelay $0x8  }
0x13d: {  	v23 =	vpop (erf)  }
0x13e: {  	v17 =	vmul.f32 v23, v17;
	_ =	sdelay $0x1  }
0x13f: {  	[tilespmem:s14+$0x10] =	vst v17  }
0x140: {  	v17 =	vld [tilespmem:s1+$0x20]  }
0x141: {  	v60 =	vld [tilespmem:s2+$0x20];
	_ =	sdelay $0x1  }
0x142: {  	v25 =	vld [tilespmem:s11+$0x20];
	_ =	sdelay $0x2  }
0x143: {  	v24 =	vadd.f32 v60, v17;
	_ =	sdelay $0x1  }
0x144: {  	v24 =	vadd.f32 v25, v24;
	_ =	sdelay $0x1  }
0x145: {  	v25 =	vmul.f32 $2.000000030e-01, v24  }
0x146: {  	vm6 =	vge.f32 v24, $0.0e+00  }
0x147: {  	v24 =	vsel vm6, v24, v25  }
0x148: {  	v24 =	vmul.f32 v24, v7;
	_ =	sdelay $0x1  }
0x149: {  	(xrf2) =	vadd.scan.msk.f32 $0xffff, v24;
	_ =	sdelay $0x9  }
0x14a: {  	v24, _, _ =	vpop (xrf2)  }
0x14b: {  	v24 =	vmul.f32 $1.442695020e+00, v24;
	_ =	sdelay $0x1  }
0x14c: {  	v24 =	vbroadcast v24, $0xF;
	_ =	sdelay $0x1  }
0x14d: {  	(erf) = vpow2.f32 v24;
	_ =	sdelay $0x8  }
0x14e: {  	v24 =	vpop (erf)  }
0x14f: {  	v17 =	vmul.f32 v24, v17;
	_ =	sdelay $0x1  }
0x150: {  	[tilespmem:s14+$0x20] =	vst v17  }
0x151: {  	v17 =	vld [tilespmem:s1+$0x30]  }
0x152: {  	v61 =	vld [tilespmem:s2+$0x30];
	_ =	sdelay $0x1  }
0x153: {  	v26 =	vld [tilespmem:s11+$0x30];
	_ =	sdelay $0x2  }
0x154: {  	v25 =	vadd.f32 v61, v17;
	_ =	sdelay $0x1  }
0x155: {  	v25 =	vadd.f32 v26, v25;
	_ =	sdelay $0x1  }
0x156: {  	v26 =	vmul.f32 $2.000000030e-01, v25  }
0x157: {  	vm7 =	vge.f32 v25, $0.0e+00  }
0x158: {  	v25 =	vsel vm7, v25, v26  }
0x159: {  	v25 =	vmul.f32 v25, v8;
	_ =	sdelay $0x1  }
0x15a: {  	(xrf2) =	vadd.scan.msk.f32 $0xffff, v25;
	_ =	sdelay $0x9  }
0x15b: {  	v25, _, _ =	vpop (xrf2)  }
0x15c: {  	v25 =	vmul.f32 $1.442695020e+00, v25;
	_ =	sdelay $0x1  }
0x15d: {  	v25 =	vbroadcast v25, $0xF;
	_ =	sdelay $0x1  }
0x15e: {  	(erf) = vpow2.f32 v25;
	_ =	sdelay $0x1  }
0x15f: {  	v18 =	vmul.f32 v18, v9;
	_ =	sdelay $0x1  }
0x160: {  	v18 =	vadd.f32 $0.0e+00, v18;
	v19 =	vmul.f32 v19, v10;
	_ =	sdelay $0x1  }
0x161: {  	v18 =	vadd.f32 v19, v18;
	v19 =	vmul.f32 v20, v11;
	_ =	sdelay $0x1  }
0x162: {  	v62 =	vmov s29;
	v18 =	vadd.f32 v19, v18;
	v19 =	vmul.f32 v21, v12  }
0x163: {  	v63 =	vpop (erf)  }
0x164: {  	v18 =	vadd.f32 v19, v18;
	v19 =	vmul.f32 v22, v13;
	v17 =	vmul.f32 v63, v17;
	_ =	sdelay $0x1  }
0x165: {  	v18 =	vadd.f32 v19, v18;
	[tilespmem:s14+$0x30] =	vst v17;
	v17 =	vmul.f32 v23, v14  }
0x166: {  	v19 =	vld.idx.msk [tilespmem:v62+s26+$0x0], $0xffff  }
0x167: {  	v17 =	vadd.f32 v17, v18;
	v18 =	vmul.f32 v24, v15;
	_ =	sdelay $0x1  }
0x168: {  	v17 =	vadd.f32 v18, v17;
	v18 =	vmul.f32 v63, v16;
	_ =	sdelay $0x1  }
0x169: {  	v17 =	vadd.f32 v18, v17;
	v18 =	vand.u32 $0x7, v19  }
0x16a: {  	vm8 =	veq.s32 v18, $0x0  }
0x16b: {  	vm9 =	veq.s32 v18, $0x1;
	v19 =	vnsel vm8, $0x0, v17  }
0x16c: {  	vm10 =	veq.s32 v18, $0x2;
	[tilespmem:s15+$0xFFFFFFC0] =	vst v19;
	v19 =	vnsel vm9, $0x0, v17  }
0x16d: {  	vm11 =	veq.s32 v18, $0x3;
	[tilespmem:s15+$0xFFFFFFD0] =	vst v19;
	v19 =	vnsel vm10, $0x0, v17  }
0x16e: {  	p0 =	sne.s32 s29, $0x27;
	vm12 =	veq.s32 v18, $0x4;
	[tilespmem:s15+$0xFFFFFFE0] =	vst v19;
	v19 =	vnsel vm11, $0x0, v17  }
.Ltmp1:
0x16f: {  	vm13 =	veq.s32 v18, $0x5;
	[tilespmem:s15+$0xFFFFFFF0] =	vst v19;
	v19 =	vnsel vm12, $0x0, v17;
	(pc) =	sbr.rel @p0 .LBB2_5-.Ltmp1, $4  }
0x170: {  	vm14 =	veq.s32 v18, $0x6;
	[tilespmem:s15+$0x0] =	vst v19;
	v19 =	vnsel vm13, $0x0, v17  }
0x171: {  	vm15 =	veq.s32 v18, $0x7;
	[tilespmem:s15+$0x10] =	vst v19;
	v19 =	vnsel vm14, $0x0, v17  }
0x172: {  	s29 =	sadd.s32 $0x1, s29;
	s1 =	sadd.s32 $0x80, s1;
	s2 =	sadd.s32 $0x80, s2;
	v17 =	vnsel vm15, $0x0, v17;
	[tilespmem:s15+$0x20] =	vst v19  }
0x173: {  	s11 =	sadd.s32 $0x80, s11;
	s14 =	sadd.s32 $0x80, s14;
	[tilespmem:s15+$0x30] =	vst v17;
	s15 =	sadd.s32 $0x80, s15  }
0x174: {  	[spmem:s0] =	stream.indirect.scatter.add.f32 [tilespmem:s20], [sflag:$0x6], $0x80, s26, s28, $0xb8;
	[tilespmem:$0x1FF00] =	vst v63  }
0x175: {  	s14 =	rddreg [dreg:$0x3];
	s1 =	simm.s32 $0x16900;
	s15 =	sshll.u32 s18, $0x4  }
0x176: {  	[spmem:s14] =	stream.indirect.scatter.add.f32 [tilespmem:s22], [sflag:$0x7], $0x80, s1, s28, $0xb8;
	[tilespmem:$0x1FF00] =	vst v63  }
0x177: {  	s18 =	simm.s32 $0x1BB00;
	s1 =	sadd.s32 s7, s15  }
0x178: {  	[tilespmem:s18], [sflag:$0x5] =	stream.linear.gather [hbm4b:s1+s3], $0x1400, $0x38;
	[tilespmem:$0x1FF00] =	vst v63  }
0x179: {  	_ =	swait.ge [sflag:s19], $0x1400  }
0x17a: {  	[sflag:s19] =	ssyncset.done $0x0  }
0x17b: {  	[sflag:s19] =	ssyncadd.s32 $0xFFFFEC00  }
0x17c: {  	_ =	swait.ge [sflag:s23], $0x1400  }
0x17d: {  	[sflag:s23] =	ssyncset.done $0x0  }
0x17e: {  	[sflag:s23] =	ssyncadd.s32 $0xFFFFEC00  }
0x17f: {  	_ =	swait.ge [sflag:s12], $0x1400  }
0x180: {  	[sflag:s12] =	ssyncset.done $0x0  }
0x181: {  	[sflag:s12] =	ssyncadd.s32 $0xFFFFEC00  }
0x182: {  	_ =	swait.ge [sflag:s16], $0x1400  }
0x183: {  	[sflag:s16] =	ssyncset.done $0x0  }
0x184: {  	[sflag:s16] =	ssyncadd.s32 $0xFFFFEC00  }
0x185: {  	_ =	swait.ge [sflag:s17], $0x1400  }
0x186: {  	s29 =	smov.u32 s0;
	p0 =	seq.s32 s24, $0x7C;
	s0 =	rddreg [dreg:$0xa]  }
0x187: {  	s1 =	sadd.s32 @!p0 s13, s0  }
0x188: {  	s11 =	simm.s32 @!p0 $0x0;
	[sflag:s17] =	ssyncset.done $0x0;
	s1 =	sshrl.u32 @!p0 s1, $0x3  }
0x189: {  	[sflag:s17] =	ssyncadd.s32 $0xFFFFEC00;
	s13 =	simm.s32 @!p0 $0x16800;
	s2 =	sadd.s32 @!p0 s8, s1  }
0x18a: {  	[tilespmem:s13], [sflag:$0x8] =	stream.linear.gather @!p0 [hbm4b:s2+s11], $0x28, $0x38;
	[tilespmem:$0x1FF00] =	vst v63  }
0x18b: {  	s2 =	simm.s32 @!p0 $0x8  }
0x18c: {  	_ =	swait.ge @!p0 [sflag:s2], $0x28  }
0x18d: {  	[sflag:s2] =	ssyncset.done @!p0 $0x0  }
0x18e: {  	s14 =	simm.s32 @!p0 $0x16880;
	s1 =	sadd.s32 @!p0 s9, s1;
	[sflag:s2] =	ssyncadd.s32 @!p0 $0xFFFFFFD8  }
0x18f: {  	[tilespmem:s14], [sflag:$0x8] =	stream.linear.gather @!p0 [hbm4b:s1+s11], $0x28, $0x38;
	[tilespmem:$0x1FF00] =	vst v63  }
0x190: {  	_ =	swait.ge @!p0 [sflag:s2], $0x28  }
0x191: {  	[sflag:s2] =	ssyncset.done @!p0 $0x0  }
0x192: {  	s1 =	simm.s32 @!p0 $0x28;
	[sflag:s2] =	ssyncadd.s32 @!p0 $0xFFFFFFD8;
	s2 =	simm.s32 @!p0 $0x16B00  }
0x193: {  	[tilespmem:s2], [sflag:$0x1] =	stream.indirect.gather @!p0 [hbm4b:s4+s1], $0x80, s13, s1, $0xb8;
	[tilespmem:$0x1FF00] =	vst v63  }
0x194: {  	s2 =	simm.s32 @!p0 $0x17F00  }
0x195: {  	[tilespmem:s2], [sflag:$0x2] =	stream.indirect.gather @!p0 [hbm4b:s6+s1], $0x80, s14, s1, $0xb8;
	[tilespmem:$0x1FF00] =	vst v63  }
0x196: {  	v17 =	vld [tilespmem:$0x16A00]  }
0x197: {  	v18 =	vld [tilespmem:$0x16A10]  }
0x198: {  	v19 =	vld [tilespmem:$0x16A18];
	_ =	sdelay $0x2  }
0x199: {  	v17 =	vshra.s32 v17, $0x3  }
0x19a: {  	[tilespmem:$0x16A80] =	vst v17;
	v17 =	vshra.s32 v18, $0x3  }
0x19b: {  	s15 =	simm.s32 $0x1E340;
	s11 =	simm.s32 $0x1A740;
	s13 =	simm.s32 $0x1BB40;
	[tilespmem:$0x16A90] =	vst v17;
	v17 =	vshra.s32 v19, $0x3  }
0x19c: {  	s1 =	simm.s32 $0x0;
	s2 =	simm.s32 $0x19340;
	s14 =	simm.s32 $0x1CF40;
	[tilespmem:$0x16A98] =	vst v17  }
.LBB2_7:
0x19d: {  	v17 =	vld [tilespmem:s2+$0xFFFFFFC0]  }
0x19e: {  	v18 =	vld [tilespmem:s11+$0xFFFFFFC0];
	_ =	sdelay $0x1  }
0x19f: {  	v19 =	vld [tilespmem:s13+$0xFFFFFFC0];
	_ =	sdelay $0x2  }
0x1a0: {  	v18 =	vadd.f32 v18, v17;
	_ =	sdelay $0x1  }
0x1a1: {  	v18 =	vadd.f32 v19, v18;
	_ =	sdelay $0x1  }
0x1a2: {  	v19 =	vmul.f32 $2.000000030e-01, v18  }
0x1a3: {  	vm0 =	vge.f32 v18, $0.0e+00  }
0x1a4: {  	v18 =	vsel vm0, v18, v19  }
0x1a5: {  	v18 =	vmul.f32 v18, v1;
	_ =	sdelay $0x1  }
0x1a6: {  	(xrf2) =	vadd.scan.msk.f32 $0xffff, v18;
	_ =	sdelay $0x9  }
0x1a7: {  	v18, _, _ =	vpop (xrf2)  }
0x1a8: {  	v18 =	vmul.f32 $1.442695020e+00, v18;
	_ =	sdelay $0x1  }
0x1a9: {  	v18 =	vbroadcast v18, $0xF;
	_ =	sdelay $0x1  }
0x1aa: {  	(erf) = vpow2.f32 v18;
	_ =	sdelay $0x8  }
0x1ab: {  	v18 =	vpop (erf)  }
0x1ac: {  	v17 =	vmul.f32 v18, v17;
	_ =	sdelay $0x1  }
0x1ad: {  	[tilespmem:s14+$0xFFFFFFC0] =	vst v17  }
0x1ae: {  	v17 =	vld [tilespmem:s2+$0xFFFFFFD0]  }
0x1af: {  	v19 =	vld [tilespmem:s11+$0xFFFFFFD0];
	_ =	sdelay $0x1  }
0x1b0: {  	v20 =	vld [tilespmem:s13+$0xFFFFFFD0];
	_ =	sdelay $0x2  }
0x1b1: {  	v19 =	vadd.f32 v19, v17;
	_ =	sdelay $0x1  }
0x1b2: {  	v19 =	vadd.f32 v20, v19;
	_ =	sdelay $0x1  }
0x1b3: {  	v20 =	vmul.f32 $2.000000030e-01, v19  }
0x1b4: {  	vm13 =	vge.f32 v19, $0.0e+00  }
0x1b5: {  	v19 =	vsel vm13, v19, v20  }
0x1b6: {  	v19 =	vmul.f32 v19, v2;
	_ =	sdelay $0x1  }
0x1b7: {  	(xrf2) =	vadd.scan.msk.f32 $0xffff, v19;
	_ =	sdelay $0x9  }
0x1b8: {  	v19, _, _ =	vpop (xrf2)  }
0x1b9: {  	v19 =	vmul.f32 $1.442695020e+00, v19;
	_ =	sdelay $0x1  }
0x1ba: {  	v19 =	vbroadcast v19, $0xF;
	_ =	sdelay $0x1  }
0x1bb: {  	(erf) = vpow2.f32 v19;
	_ =	sdelay $0x8  }
0x1bc: {  	v19 =	vpop (erf)  }
0x1bd: {  	v17 =	vmul.f32 v19, v17;
	_ =	sdelay $0x1  }
0x1be: {  	[tilespmem:s14+$0xFFFFFFD0] =	vst v17  }
0x1bf: {  	v17 =	vld [tilespmem:s2+$0xFFFFFFE0]  }
0x1c0: {  	v56 =	vld [tilespmem:s11+$0xFFFFFFE0];
	_ =	sdelay $0x1  }
0x1c1: {  	v21 =	vld [tilespmem:s13+$0xFFFFFFE0];
	_ =	sdelay $0x2  }
0x1c2: {  	v20 =	vadd.f32 v56, v17;
	_ =	sdelay $0x1  }
0x1c3: {  	v20 =	vadd.f32 v21, v20;
	_ =	sdelay $0x1  }
0x1c4: {  	v21 =	vmul.f32 $2.000000030e-01, v20  }
0x1c5: {  	vm14 =	vge.f32 v20, $0.0e+00  }
0x1c6: {  	v20 =	vsel vm14, v20, v21  }
0x1c7: {  	v20 =	vmul.f32 v20, v3;
	_ =	sdelay $0x1  }
0x1c8: {  	(xrf2) =	vadd.scan.msk.f32 $0xffff, v20;
	_ =	sdelay $0x9  }
0x1c9: {  	v20, _, _ =	vpop (xrf2)  }
0x1ca: {  	v20 =	vmul.f32 $1.442695020e+00, v20;
	_ =	sdelay $0x1  }
0x1cb: {  	v20 =	vbroadcast v20, $0xF;
	_ =	sdelay $0x1  }
0x1cc: {  	(erf) = vpow2.f32 v20;
	_ =	sdelay $0x8  }
0x1cd: {  	v20 =	vpop (erf)  }
0x1ce: {  	v17 =	vmul.f32 v20, v17;
	_ =	sdelay $0x1  }
0x1cf: {  	[tilespmem:s14+$0xFFFFFFE0] =	vst v17  }
0x1d0: {  	v17 =	vld [tilespmem:s2+$0xFFFFFFF0]  }
0x1d1: {  	v57 =	vld [tilespmem:s11+$0xFFFFFFF0];
	_ =	sdelay $0x1  }
0x1d2: {  	v22 =	vld [tilespmem:s13+$0xFFFFFFF0];
	_ =	sdelay $0x2  }
0x1d3: {  	v21 =	vadd.f32 v57, v17;
	_ =	sdelay $0x1  }
0x1d4: {  	v21 =	vadd.f32 v22, v21;
	_ =	sdelay $0x1  }
0x1d5: {  	v22 =	vmul.f32 $2.000000030e-01, v21  }
0x1d6: {  	vm15 =	vge.f32 v21, $0.0e+00  }
0x1d7: {  	v21 =	vsel vm15, v21, v22  }
0x1d8: {  	v21 =	vmul.f32 v21, v4;
	_ =	sdelay $0x1  }
0x1d9: {  	(xrf2) =	vadd.scan.msk.f32 $0xffff, v21;
	_ =	sdelay $0x9  }
0x1da: {  	v21, _, _ =	vpop (xrf2)  }
0x1db: {  	v21 =	vmul.f32 $1.442695020e+00, v21;
	_ =	sdelay $0x1  }
0x1dc: {  	v21 =	vbroadcast v21, $0xF;
	_ =	sdelay $0x1  }
0x1dd: {  	(erf) = vpow2.f32 v21;
	_ =	sdelay $0x8  }
0x1de: {  	v21 =	vpop (erf)  }
0x1df: {  	v17 =	vmul.f32 v21, v17;
	_ =	sdelay $0x1  }
0x1e0: {  	[tilespmem:s14+$0xFFFFFFF0] =	vst v17  }
0x1e1: {  	v17 =	vld [tilespmem:s2+$0x0]  }
0x1e2: {  	v58 =	vld [tilespmem:s11+$0x0];
	_ =	sdelay $0x1  }
0x1e3: {  	v23 =	vld [tilespmem:s13+$0x0];
	_ =	sdelay $0x2  }
0x1e4: {  	v22 =	vadd.f32 v58, v17;
	_ =	sdelay $0x1  }
0x1e5: {  	v22 =	vadd.f32 v23, v22;
	_ =	sdelay $0x1  }
0x1e6: {  	v23 =	vmul.f32 $2.000000030e-01, v22  }
0x1e7: {  	vm4 =	vge.f32 v22, $0.0e+00  }
0x1e8: {  	v22 =	vsel vm4, v22, v23  }
0x1e9: {  	v22 =	vmul.f32 v22, v5;
	_ =	sdelay $0x1  }
0x1ea: {  	(xrf2) =	vadd.scan.msk.f32 $0xffff, v22;
	_ =	sdelay $0x9  }
0x1eb: {  	v22, _, _ =	vpop (xrf2)  }
0x1ec: {  	v22 =	vmul.f32 $1.442695020e+00, v22;
	_ =	sdelay $0x1  }
0x1ed: {  	v22 =	vbroadcast v22, $0xF;
	_ =	sdelay $0x1  }
0x1ee: {  	(erf) = vpow2.f32 v22;
	_ =	sdelay $0x8  }
0x1ef: {  	v22 =	vpop (erf)  }
0x1f0: {  	v17 =	vmul.f32 v22, v17;
	_ =	sdelay $0x1  }
0x1f1: {  	[tilespmem:s14+$0x0] =	vst v17  }
0x1f2: {  	v17 =	vld [tilespmem:s2+$0x10]  }
0x1f3: {  	v59 =	vld [tilespmem:s11+$0x10];
	_ =	sdelay $0x1  }
0x1f4: {  	v24 =	vld [tilespmem:s13+$0x10];
	_ =	sdelay $0x2  }
0x1f5: {  	v23 =	vadd.f32 v59, v17;
	_ =	sdelay $0x1  }
0x1f6: {  	v23 =	vadd.f32 v24, v23;
	_ =	sdelay $0x1  }
0x1f7: {  	v24 =	vmul.f32 $2.000000030e-01, v23  }
0x1f8: {  	vm5 =	vge.f32 v23, $0.0e+00  }
0x1f9: {  	v23 =	vsel vm5, v23, v24  }
0x1fa: {  	v23 =	vmul.f32 v23, v6;
	_ =	sdelay $0x1  }
0x1fb: {  	(xrf2) =	vadd.scan.msk.f32 $0xffff, v23;
	_ =	sdelay $0x9  }
0x1fc: {  	v23, _, _ =	vpop (xrf2)  }
0x1fd: {  	v23 =	vmul.f32 $1.442695020e+00, v23;
	_ =	sdelay $0x1  }
0x1fe: {  	v23 =	vbroadcast v23, $0xF;
	_ =	sdelay $0x1  }
0x1ff: {  	(erf) = vpow2.f32 v23;
	_ =	sdelay $0x8  }
0x200: {  	v23 =	vpop (erf)  }
0x201: {  	v17 =	vmul.f32 v23, v17;
	_ =	sdelay $0x1  }
0x202: {  	[tilespmem:s14+$0x10] =	vst v17  }
0x203: {  	v17 =	vld [tilespmem:s2+$0x20]  }
0x204: {  	v60 =	vld [tilespmem:s11+$0x20];
	_ =	sdelay $0x1  }
0x205: {  	v25 =	vld [tilespmem:s13+$0x20];
	_ =	sdelay $0x2  }
0x206: {  	v24 =	vadd.f32 v60, v17;
	_ =	sdelay $0x1  }
0x207: {  	v24 =	vadd.f32 v25, v24;
	_ =	sdelay $0x1  }
0x208: {  	v25 =	vmul.f32 $2.000000030e-01, v24  }
0x209: {  	vm6 =	vge.f32 v24, $0.0e+00  }
0x20a: {  	v24 =	vsel vm6, v24, v25  }
0x20b: {  	v24 =	vmul.f32 v24, v7;
	_ =	sdelay $0x1  }
0x20c: {  	(xrf2) =	vadd.scan.msk.f32 $0xffff, v24;
	_ =	sdelay $0x9  }
0x20d: {  	v24, _, _ =	vpop (xrf2)  }
0x20e: {  	v24 =	vmul.f32 $1.442695020e+00, v24;
	_ =	sdelay $0x1  }
0x20f: {  	v24 =	vbroadcast v24, $0xF;
	_ =	sdelay $0x1  }
0x210: {  	(erf) = vpow2.f32 v24;
	_ =	sdelay $0x8  }
0x211: {  	v24 =	vpop (erf)  }
0x212: {  	v17 =	vmul.f32 v24, v17;
	_ =	sdelay $0x1  }
0x213: {  	[tilespmem:s14+$0x20] =	vst v17  }
0x214: {  	v17 =	vld [tilespmem:s2+$0x30]  }
0x215: {  	v61 =	vld [tilespmem:s11+$0x30];
	_ =	sdelay $0x1  }
0x216: {  	v26 =	vld [tilespmem:s13+$0x30];
	_ =	sdelay $0x2  }
0x217: {  	v25 =	vadd.f32 v61, v17;
	_ =	sdelay $0x1  }
0x218: {  	v25 =	vadd.f32 v26, v25;
	_ =	sdelay $0x1  }
0x219: {  	v26 =	vmul.f32 $2.000000030e-01, v25  }
0x21a: {  	vm7 =	vge.f32 v25, $0.0e+00  }
0x21b: {  	v25 =	vsel vm7, v25, v26  }
0x21c: {  	v25 =	vmul.f32 v25, v8;
	_ =	sdelay $0x1  }
0x21d: {  	(xrf2) =	vadd.scan.msk.f32 $0xffff, v25;
	_ =	sdelay $0x9  }
0x21e: {  	v25, _, _ =	vpop (xrf2)  }
0x21f: {  	v25 =	vmul.f32 $1.442695020e+00, v25;
	_ =	sdelay $0x1  }
0x220: {  	v25 =	vbroadcast v25, $0xF;
	_ =	sdelay $0x1  }
0x221: {  	(erf) = vpow2.f32 v25;
	_ =	sdelay $0x1  }
0x222: {  	v18 =	vmul.f32 v18, v9;
	_ =	sdelay $0x1  }
0x223: {  	v18 =	vadd.f32 $0.0e+00, v18;
	v19 =	vmul.f32 v19, v10;
	_ =	sdelay $0x1  }
0x224: {  	v18 =	vadd.f32 v19, v18;
	v19 =	vmul.f32 v20, v11;
	_ =	sdelay $0x1  }
0x225: {  	v62 =	vmov s1;
	v18 =	vadd.f32 v19, v18;
	v19 =	vmul.f32 v21, v12  }
0x226: {  	v63 =	vpop (erf)  }
0x227: {  	v18 =	vadd.f32 v19, v18;
	v19 =	vmul.f32 v22, v13;
	v17 =	vmul.f32 v63, v17;
	_ =	sdelay $0x1  }
0x228: {  	v18 =	vadd.f32 v19, v18;
	[tilespmem:s14+$0x30] =	vst v17;
	v17 =	vmul.f32 v23, v14  }
0x229: {  	v19 =	vld.idx.msk [tilespmem:v62+s30+$0x0], $0xffff  }
0x22a: {  	v17 =	vadd.f32 v17, v18;
	v18 =	vmul.f32 v24, v15;
	_ =	sdelay $0x1  }
0x22b: {  	v17 =	vadd.f32 v18, v17;
	v18 =	vmul.f32 v63, v16;
	_ =	sdelay $0x1  }
0x22c: {  	v17 =	vadd.f32 v18, v17;
	v18 =	vand.u32 $0x7, v19  }
0x22d: {  	vm8 =	veq.s32 v18, $0x0  }
0x22e: {  	vm9 =	veq.s32 v18, $0x1;
	v19 =	vnsel vm8, $0x0, v17  }
0x22f: {  	vm10 =	veq.s32 v18, $0x2;
	[tilespmem:s15+$0xFFFFFFC0] =	vst v19;
	v19 =	vnsel vm9, $0x0, v17  }
0x230: {  	vm11 =	veq.s32 v18, $0x3;
	[tilespmem:s15+$0xFFFFFFD0] =	vst v19;
	v19 =	vnsel vm10, $0x0, v17  }
0x231: {  	p0 =	sne.s32 s1, $0x27;
	vm12 =	veq.s32 v18, $0x4;
	[tilespmem:s15+$0xFFFFFFE0] =	vst v19;
	v19 =	vnsel vm11, $0x0, v17  }
.Ltmp2:
0x232: {  	vm13 =	veq.s32 v18, $0x5;
	[tilespmem:s15+$0xFFFFFFF0] =	vst v19;
	v19 =	vnsel vm12, $0x0, v17;
	(pc) =	sbr.rel @p0 .LBB2_7-.Ltmp2, $4  }
0x233: {  	vm14 =	veq.s32 v18, $0x6;
	[tilespmem:s15+$0x0] =	vst v19;
	v19 =	vnsel vm13, $0x0, v17  }
0x234: {  	vm15 =	veq.s32 v18, $0x7;
	[tilespmem:s15+$0x10] =	vst v19;
	v19 =	vnsel vm14, $0x0, v17  }
0x235: {  	s1 =	sadd.s32 $0x1, s1;
	s2 =	sadd.s32 $0x80, s2;
	s11 =	sadd.s32 $0x80, s11;
	v17 =	vnsel vm15, $0x0, v17;
	[tilespmem:s15+$0x20] =	vst v19  }
0x236: {  	s13 =	sadd.s32 $0x80, s13;
	s14 =	sadd.s32 $0x80, s14;
	[tilespmem:s15+$0x30] =	vst v17;
	s15 =	sadd.s32 $0x80, s15  }
0x237: {  	s24 =	sadd.s32 $0x1, s24  }
0x238: {  	p0 =	sne.s32 s24, $0x7D  }
.Ltmp3:
0x239: {  	_ = 	snop;
	(pc) =	sbr.rel @p0 .LBB2_4-.Ltmp3, $4  }
0x23a: {  	_ = 	snop  }
0x23b: {  	[spmem:s29] =	stream.indirect.scatter.add.f32 [tilespmem:s20], [sflag:$0x6], $0x80, s30, s28, $0xb8;
	[tilespmem:$0x1FF00] =	vst v63  }
0x23c: {  	s0 =	rddreg [dreg:$0x3];
	s1 =	simm.s32 $0x16A80  }
0x23d: {  	[spmem:s0] =	stream.indirect.scatter.add.f32 [tilespmem:s22], [sflag:$0x7], $0x80, s1, s28, $0xb8;
	[tilespmem:$0x1FF00] =	vst v63  }
0x23e: {  	_ =	swait.ge [sflag:s16], $0x1400  }
0x23f: {  	[sflag:s16] =	ssyncset.done $0x0  }
0x240: {  	[sflag:s16] =	ssyncadd.s32 $0xFFFFEC00  }
0x241: {  	_ =	swait.ge [sflag:s17], $0x1400  }
0x242: {  	[sflag:s17] =	ssyncset.done $0x0  }
0x243: {  	[sflag:s17] =	ssyncadd.s32 $0xFFFFEC00  }
0x244: {  	[bflag:$0x0] =	sbarrier.arrive $0xFFFF  }
0x245: {  	s13 =	rddreg [dreg:$0xd]  }
0x246: {  	[tilespmem:s20], [sflag:$0x8] =	stream.linear.gather [spmem:s13], $0x1400, $0x38;
	[tilespmem:$0x1FF00] =	vst v63  }
0x247: {  	_ =	swait.ge [sflag:s21], $0x1400  }
0x248: {  	[sflag:s21] =	ssyncset.done $0x0  }
0x249: {  	s1 =	sadd.s32 $0x0, s25;
	[sflag:s21] =	ssyncadd.s32 $0xFFFFEC00  }
0x24a: {  	[hbm4b:s1+s3] =	stream.linear.scatter [tilespmem:s20], [sflag:$0x8], $0x1400, $0x38;
	[tilespmem:$0x1FF00] =	vst v63  }
0x24b: {  	_ =	swait.ge [sflag:s21], $0x1400  }
0x24c: {  	s2 =	smov.u32 s13;
	s1 =	simm.s32 $0x280;
	[sflag:s21] =	ssyncset.done $0x0  }
.LBB2_10:
0x24d: {  	p0 =	sne.s32 s1, $0x2580;
	[sflag:s21] =	ssyncadd.s32 $0xFFFFEC00;
	s2 =	sadd.s32 $0x1400, s2  }
0x24e: {  	[tilespmem:s20], [sflag:$0x8] =	stream.linear.gather [spmem:s2], $0x1400, $0x38;
	[tilespmem:$0x1FF00] =	vst v63  }
0x24f: {  	s11 =	smov.u32 s1;
	s1 =	sadd.s32 $0x280, s1;
	_ =	swait.ge [sflag:s21], $0x1400  }
.Ltmp4:
0x250: {  	[sflag:s21] =	ssyncset.done $0x0;
	(pc) =	sbr.rel @p0 .LBB2_10-.Ltmp4, $4  }
0x251: {  	s11 =	sadd.s32 s11, s25;
	[sflag:s21] =	ssyncadd.s32 $0xFFFFEC00  }
0x252: {  	[hbm4b:s11+s3] =	stream.linear.scatter [tilespmem:s20], [sflag:$0x8], $0x1400, $0x38;
	[tilespmem:$0x1FF00] =	vst v63  }
0x253: {  	_ =	swait.ge [sflag:s21], $0x1400  }
0x254: {  	[sflag:s21] =	ssyncset.done $0x0  }
0x255: {  	[sflag:s21] =	ssyncadd.s32 $0xFFFFEC00;
	s11 =	rddreg [dreg:$0xb]  }
0x256: {  	[tilespmem:s22], [sflag:$0x8] =	stream.linear.gather [spmem:s11], $0x1400, $0x38;
	[tilespmem:$0x1FF00] =	vst v63  }
0x257: {  	_ =	swait.ge [sflag:s21], $0x1400  }
0x258: {  	[sflag:s21] =	ssyncset.done $0x0  }
0x259: {  	s0 =	rddreg [dreg:$0x12];
	[sflag:s21] =	ssyncadd.s32 $0xFFFFEC00  }
0x25a: {  	[hbm4b:s0+s3] =	stream.linear.scatter [tilespmem:s22], [sflag:$0x8], $0x1400, $0x38;
	[tilespmem:$0x1FF00] =	vst v63  }
0x25b: {  	_ =	swait.ge [sflag:s21], $0x1400  }
0x25c: {  	[sflag:s21] =	ssyncset.done $0x0  }
0x25d: {  	s14 =	rddreg [dreg:$0x1e];
	[sflag:s21] =	ssyncadd.s32 $0xFFFFEC00  }
0x25e: {  	[tilespmem:s22], [sflag:$0x8] =	stream.linear.gather [spmem:s14], $0x1400, $0x38;
	[tilespmem:$0x1FF00] =	vst v63  }
0x25f: {  	_ =	swait.ge [sflag:s21], $0x1400  }
0x260: {  	[sflag:s21] =	ssyncset.done $0x0  }
0x261: {  	s18 =	rddreg [dreg:$0x1f];
	[sflag:s21] =	ssyncadd.s32 $0xFFFFEC00  }
0x262: {  	[hbm4b:s18+s3] =	stream.linear.scatter [tilespmem:s22], [sflag:$0x8], $0x1400, $0x38;
	[tilespmem:$0x1FF00] =	vst v63  }
0x263: {  	_ =	swait.ge [sflag:s21], $0x1400  }
0x264: {  	s1 =	sld [smem:$0x7FD];
	_ =	sdelay $0x2  }
0x265: {  	s24 =	rddreg [dreg:$0xc];
	s1 =	sadd.s32 $0x1, s1  }
0x266: {  	p0 =	sne.s32 s1, s24  }
.Ltmp5:
0x267: {  	_ = 	snop;
	(pc) =	sbr.rel @p0 .LBB2_1-.Ltmp5, $3  }
0x268: {  	_ =	sdelay $0x1  }
0x269: {  	[sflag:s21] =	ssyncset.done $0x0  }
0x26a: {  	[sflag:s21] =	ssyncadd.s32 $0xFFFFEC00  }
0x26b: {  	_ =	sfence.sel $0x180000  }
0x26c: {  	[bflag:$0x0] =	sbarrier.arrive $0xFFFF  }
0x26d: {  	_ =	strace $0x90000047  }
0x26e: {  	s0 =	stileid.u32;
	[bflag:$0x2] =	sbarrier.arrive $0xFFFF  }
0x26f: {  	p0 =	sne.s32 s0, $0x0;
	s0 =	rddreg [dreg:$0x4]  }
0x270: {  	s0 =	sadd.s32 @!p0 $0x100000, s0  }
0x271: {  	[sflag:s0] =	ssyncadd.tile.s32 @!p0 $0x1;
	_ =	shalt  }
.Lfunc_end2:
_tile_overlayer_lowered:
.L_overlay_start_2:
0x272: {  	(tag) =	ssettag $0x2  }
0x273: {  	s0 =	rddreg [dreg:$0x0];
	s2 =	stileid.u32  }
0x274: {  	s1 =	rddreg [dreg:$0x1];
	p0 =	sne.s32 s2, $0x0  }
0x275: {  	s3 =	rddreg [dreg:$0x2];
	[bflag:$0x3] =	sbarrier.arrive $0xFFFF;
	s2 =	simm.s32 @!p0 $0x1C08  }
0x276: {  	[timem:s3], [sflag:s2] =	dma.local @!p0 [hbm:s0], s1  }
0x277: {  	s0 =	simm.s32 @!p0 $0x8  }
0x278: {  	_ =	swait.ge @!p0 [sflag:s0], s1  }
0x279: {  	s1 =	ssub.s32 @!p0 $0x0, s1;
	[sflag:s0] =	ssyncset.done @!p0 $0x0  }
0x27a: {  	[sflag:s0] =	ssyncadd.s32 @!p0 s1  }
0x27b: {  	[bflag:$0x3] =	sbarrier.arrive $0xFFFF  }
0x27c: {  	_ =	shalt  }

</sc_bundles>
